<compile_context>
chip_gen: v7x
topology: tpu7x:2x2x1
jax: 0.10.2.dev20260603
libtpu: 0.0.44.dev20260713+nightly
codegen_flags: <defaults>
</compile_context>

<pallas_src>
import jax
import jax.numpy as jnp
from jax import lax
from jax.experimental import pallas as pl
from jax.experimental.pallas import tpu as pltpu
from jax.experimental.pallas import tpu_sc as plsc

F32 = jnp.float32

NC = 2
NS = 16
NW = NC * NS

CH = 125
DEGW = 16
ZR = 128
NBUF = 4


def _agg_kernel(n_pad, fh, n_ch):
    rows_per_tile = n_pad // NS
    n_zb = rows_per_tile // ZR

    mesh = plsc.VectorSubcoreMesh(
        core_axis_name="c", subcore_axis_name="s",
        num_cores=NC, num_subcores=NS)

    out_type = (jax.ShapeDtypeStruct((NC, n_pad, fh), F32),
                jax.ShapeDtypeStruct((NC, n_pad, fh), F32))
    scratch = (
        [pltpu.VMEM((n_ch, CH), jnp.int32),
         pltpu.VMEM((n_ch, CH), jnp.int32)]
        + [pltpu.VMEM((CH, fh), F32)] * NBUF
        + [pltpu.VMEM((ZR, fh), F32),
           pltpu.VMEM((ZR, fh), F32),
           pltpu.VMEM_SHARED((n_pad, fh), F32)]
        + [pltpu.SemaphoreType.DMA] * NBUF
    )

    def body(ya_hbm, yb_hbm, src_hbm, dst_hbm, outa_hbm, outb_hbm, *rest):
        srcv, dstv = rest[0], rest[1]
        rows = rest[2:2 + NBUF]
        zb, stg, acc_sh = rest[2 + NBUF:5 + NBUF]
        sems = rest[5 + NBUF:5 + 2 * NBUF]
        c = lax.axis_index("c")
        s = lax.axis_index("s")
        wid = c * NS + s

        def zrow(r, _):
            for k in range(fh // 16):
                zb[r, pl.ds(k * 16, 16)] = jnp.zeros((16,), F32)
            return 0
        lax.fori_loop(0, ZR, zrow, 0)
        for j in range(n_zb):
            pltpu.sync_copy(zb, acc_sh.at[pl.ds(s * rows_per_tile + j * ZR, ZR)])

        pltpu.sync_copy(src_hbm.at[wid], srcv)
        pltpu.sync_copy(dst_hbm.at[wid], dstv)

        plsc.subcore_barrier()

        for y_hbm, out_hbm, first in ((ya_hbm, outa_hbm, True),
                                      (yb_hbm, outb_hbm, False)):
            for b in range(NBUF):
                pltpu.async_copy(y_hbm.at[srcv.at[b]], rows[b], sems[b])

            def step(i, _):
                j0 = NBUF * i
                for b in range(NBUF):
                    j = j0 + b
                    pltpu.make_async_copy(
                        y_hbm.at[srcv.at[j]], rows[b], sems[b]).wait()
                    pltpu.sync_copy(rows[b], acc_sh.at[dstv.at[j]],
                                    add=True)

                    @pl.when(j + NBUF < n_ch)
                    def _(b=b, j=j):
                        pltpu.async_copy(
                            y_hbm.at[srcv.at[j + NBUF]], rows[b], sems[b])
                return 0
            lax.fori_loop(0, n_ch // NBUF, step, 0)

            plsc.subcore_barrier()

            for j in range(n_zb):
                r0 = s * rows_per_tile + j * ZR
                pltpu.sync_copy(acc_sh.at[pl.ds(r0, ZR)], stg)
                pltpu.sync_copy(stg, out_hbm.at[c].at[pl.ds(r0, ZR)])
                if first:
                    pltpu.sync_copy(zb, acc_sh.at[pl.ds(r0, ZR)])

            if first:
                plsc.subcore_barrier()

    return pl.kernel(body, out_type=out_type, mesh=mesh,
                     scratch_types=list(scratch),
                     compiler_params=pltpu.CompilerParams(
                         use_tc_tiling_on_sc=False))


def _deg_kernel(n_pad, n_ch):
    rows_per_tile = n_pad // NS

    mesh = plsc.VectorSubcoreMesh(
        core_axis_name="c", subcore_axis_name="s",
        num_cores=NC, num_subcores=NS)

    out_type = jax.ShapeDtypeStruct((NC, n_pad, DEGW), F32)
    scratch = [
        pltpu.VMEM((n_ch, CH), jnp.int32),
        pltpu.VMEM((CH, DEGW), F32),
        pltpu.VMEM((rows_per_tile, DEGW), F32),
        pltpu.VMEM_SHARED((n_pad, DEGW), F32),
    ]

    def body(dst_hbm, deg_hbm, dstv, ones_v, degz, deg_sh):
        c = lax.axis_index("c")
        s = lax.axis_index("s")
        wid = c * NS + s

        def zdrow(r, _):
            degz[r] = jnp.zeros((DEGW,), F32)
            return 0
        lax.fori_loop(0, rows_per_tile, zdrow, 0)
        pltpu.sync_copy(degz, deg_sh.at[pl.ds(s * rows_per_tile, rows_per_tile)])

        def orow(r, _):
            ones_v[r] = jnp.ones((DEGW,), F32)
            return 0
        lax.fori_loop(0, CH, orow, 0)

        pltpu.sync_copy(dst_hbm.at[wid], dstv)

        plsc.subcore_barrier()

        def chunk(j, _):
            pltpu.sync_copy(ones_v, deg_sh.at[dstv.at[j]], add=True)
            return 0
        lax.fori_loop(0, n_ch, chunk, 0)

        plsc.subcore_barrier()

        r0 = s * rows_per_tile
        pltpu.sync_copy(deg_sh.at[pl.ds(r0, rows_per_tile)], degz)
        pltpu.sync_copy(degz, deg_hbm.at[c].at[pl.ds(r0, rows_per_tile)])

    return pl.kernel(body, out_type=out_type, mesh=mesh,
                     scratch_types=scratch,
                     compiler_params=pltpu.CompilerParams(
                         use_tc_tiling_on_sc=False))



def _mm1_body(x_ref, w_ref, oa_ref, ob_ref):
    fh = oa_ref.shape[1]
    y = jnp.dot(x_ref[...], w_ref[...], preferred_element_type=F32)
    oa_ref[...] = y[:, :fh]
    ob_ref[...] = y[:, fh:]


def _mean(pa, pb, d):
    deg = d[0][:, :1] + d[1][:, :1]
    rd = 1.0 / jnp.maximum(deg, 1.0)
    return jnp.concatenate([(pa[0] + pa[1]) * rd, (pb[0] + pb[1]) * rd],
                           axis=1)


def _mid_body(x_ref, pa_ref, pb_ref, d_ref, ws_ref, wn_ref, b_ref,
              h_ref, ya_ref, yb_ref):
    fh = ya_ref.shape[1]
    mean = _mean(pa_ref[...], pb_ref[...], d_ref[...])
    h = jnp.maximum(
        jnp.dot(x_ref[...], ws_ref[...], preferred_element_type=F32)
        + mean + b_ref[...], 0.0)
    h_ref[...] = h
    y = jnp.dot(h, wn_ref[...], preferred_element_type=F32)
    ya_ref[...] = y[:, :fh]
    yb_ref[...] = y[:, fh:]


def _fin_body(h_ref, pa_ref, pb_ref, d_ref, ws_ref, b_ref,
              wfc_ref, bfc_ref, o_ref):
    mean = _mean(pa_ref[...], pb_ref[...], d_ref[...])
    h2 = (jnp.dot(h_ref[...], ws_ref[...], preferred_element_type=F32)
          + mean + b_ref[...])
    o_ref[...] = (jnp.dot(h2, wfc_ref[...], preferred_element_type=F32)
                  + bfc_ref[...])


def kernel(x, edge_index, W_self1, W_neigh1, b1, W_self2, W_neigh2, b2,
           Wfc, bfc):
    n_nodes, feat = x.shape
    n_edges = edge_index.shape[1]
    nclass = Wfc.shape[1]
    fh = feat // 2
    n_pad = -(-n_nodes // (NS * 128)) * (NS * 128)

    e_per_tile = n_edges // NW
    n_ch = e_per_tile // CH
    src3d = edge_index[0].reshape(NW, n_ch, CH)
    dst3d = edge_index[1].reshape(NW, n_ch, CH)

    agg = _agg_kernel(n_pad, fh, n_ch)
    deg_k = _deg_kernel(n_pad, n_ch)

    BR = 1000
    grid = (n_nodes // BR,)
    row_blk = pl.BlockSpec((BR, feat), lambda i: (i, 0))
    half_blk = pl.BlockSpec((BR, fh), lambda i: (i, 0))
    part_blk = pl.BlockSpec((NC, BR, fh), lambda i: (0, i, 0))
    deg_blk = pl.BlockSpec((NC, BR, DEGW), lambda i: (0, i, 0))
    w_blk = pl.BlockSpec((feat, feat), lambda i: (0, 0))
    b_blk = pl.BlockSpec((1, feat), lambda i: (0, 0))
    half_shape = jax.ShapeDtypeStruct((n_nodes, fh), F32)

    y1a, y1b = pl.pallas_call(
        _mm1_body, grid=grid,
        in_specs=[row_blk, w_blk],
        out_specs=(half_blk, half_blk),
        out_shape=(half_shape, half_shape),
    )(x, W_neigh1)

    degp = deg_k(dst3d)
    pa, pb = agg(y1a, y1b, src3d, dst3d)

    h1, y2a, y2b = pl.pallas_call(
        _mid_body, grid=grid,
        in_specs=[row_blk, part_blk, part_blk, deg_blk,
                  w_blk, w_blk, b_blk],
        out_specs=(row_blk, half_blk, half_blk),
        out_shape=(jax.ShapeDtypeStruct((n_nodes, feat), F32),
                   half_shape, half_shape),
    )(x, pa, pb, degp, W_self1, W_neigh2, b1.reshape(1, feat))

    qa, qb = agg(y2a, y2b, src3d, dst3d)

    out = pl.pallas_call(
        _fin_body, grid=grid,
        in_specs=[row_blk, part_blk, part_blk, deg_blk,
                  w_blk, b_blk,
                  pl.BlockSpec((feat, nclass), lambda i: (0, 0)),
                  pl.BlockSpec((1, nclass), lambda i: (0, 0))],
        out_specs=pl.BlockSpec((BR, nclass), lambda i: (i, 0)),
        out_shape=jax.ShapeDtypeStruct((n_nodes, nclass), F32),
    )(h1, qa, qb, degp, W_self2, b2.reshape(1, feat),
      Wfc, bfc.reshape(1, nclass))

    return out

# --- scband reference (transcript-rebuilt; emitter-appended) ---
"""Pipeline reference for scband-sage-22505628631097 (READ-ONLY COPY).

The authoritative reference and input builder live on the scoring server;
editing this copy changes nothing except your own understanding.
"""

import jax, jax.numpy as jnp
import numpy as np

N_NODES = 10000
N_EDGES = 320000
NFEAT = 128
NHID = 128
NCLASS = 16


def setup_inputs(seed: int = 0) -> dict:
    key = jax.random.key(seed)
    ks = jax.random.split(key, 10)
    x = jax.random.normal(ks[0], (N_NODES, NFEAT), dtype=jnp.float32)
    edge_index = jax.random.randint(ks[1], (2, N_EDGES), 0, N_NODES, dtype=jnp.int64 if jax.config.jax_enable_x64 else jnp.int32)
    # SAGEConv layer 1 (mean aggregator): fc_self (no bias), fc_neigh (bias)
    s1 = 1.0 / np.sqrt(NFEAT)
    W_self1 = jax.random.uniform(ks[2], (NFEAT, NHID), dtype=jnp.float32, minval=-s1, maxval=s1)
    W_neigh1 = jax.random.uniform(ks[3], (NFEAT, NHID), dtype=jnp.float32, minval=-s1, maxval=s1)
    b1 = jnp.zeros((NHID,), dtype=jnp.float32)
    # SAGEConv layer 2
    s2 = 1.0 / np.sqrt(NHID)
    W_self2 = jax.random.uniform(ks[4], (NHID, NHID), dtype=jnp.float32, minval=-s2, maxval=s2)
    W_neigh2 = jax.random.uniform(ks[5], (NHID, NHID), dtype=jnp.float32, minval=-s2, maxval=s2)
    b2 = jnp.zeros((NHID,), dtype=jnp.float32)
    # final fc
    Wfc = jax.random.uniform(ks[6], (NHID, NCLASS), dtype=jnp.float32, minval=-s2, maxval=s2)
    bfc = jax.random.uniform(ks[7], (NCLASS,), dtype=jnp.float32, minval=-s2, maxval=s2)
    return {"x": x, "edge_index": edge_index, "W_self1": W_self1, "W_neigh1": W_neigh1, "b1": b1,
            "W_self2": W_self2, "W_neigh2": W_neigh2, "b2": b2, "Wfc": Wfc, "bfc": bfc}


def _sage_conv(x, edge_index, W_self, W_neigh, b):
    # DGL SAGEConv with 'mean' aggregator:
    # h_neigh = mean_{j in N(i)} x_j ; out = x @ W_self + h_neigh @ W_neigh + b
    src = edge_index[0]
    dst = edge_index[1]
    msg = jnp.take(x, src, axis=0)
    agg = jax.ops.segment_sum(msg, dst, num_segments=N_NODES)
    deg = jax.ops.segment_sum(jnp.ones((msg.shape[0],), dtype=x.dtype), dst, num_segments=N_NODES)
    mean_neigh = agg / jnp.clip(deg, 1.0, None)[:, None]
    return x @ W_self + mean_neigh @ W_neigh + b


def reference(x, edge_index, W_self1, W_neigh1, b1, W_self2, W_neigh2, b2, Wfc, bfc):
    # SAGE_Body (dropout in eval mode -> identity)
    h = _sage_conv(x, edge_index, W_self1, W_neigh1, b1)
    h = jax.nn.relu(h)
    h = _sage_conv(h, edge_index, W_self2, W_neigh2, b2)
    # final classifier
    out = h @ Wfc + bfc
    return out

if __name__ == "__main__":
    import jax
    _d = setup_inputs()
    print(jax.jit(kernel)(*tuple(_d.values())))

</pallas_src>

<mosaic_0001>
#map = affine_map<(d0, d1) -> (0, 0, 0)>
module attributes {stable_mosaic.version = 14 : i64} {
  func.func @body(%arg0: i32, %arg1: i32, %arg2: memref<32x80x125xi32, #tpu.memory_space<hbm>>, %arg3: memref<2x10240x16xf32, #tpu.memory_space<hbm>>, %arg4: memref<80x125xi32, #tpu.memory_space<vmem>>, %arg5: memref<125x16xf32, #tpu.memory_space<vmem>>, %arg6: memref<640x16xf32, #tpu.memory_space<vmem>>, %arg7: memref<10240x16xf32, #tpu.memory_space<vmem_shared>>) attributes {dimension_semantics = [#tpu.dimension_semantics<core_parallel>, #tpu.dimension_semantics<subcore_parallel>], iteration_bounds = array<i64: 2, 16>, scalar_prefetch = 0 : i64, scratch_operands = 4 : i64, tpu.core_type = #tpu.core_type<sc_vector_subcore>, window_params = [{transform_indices = #map}, {transform_indices = #map}]} {
    %mul3A = arith.constant 16 : i32
    %mul3A_0 = arith.muli %arg0, %mul3A : i32
    %add3A = arith.addi %mul3A_0, %arg1 : i32
    %scan3A = arith.constant 0 : i32
    %scan3A_1 = arith.constant 0 : i32
    %scan3A_2 = arith.constant 640 : i32
    %scan3A_3 = arith.addi %scan3A_1, %scan3A_2 : i32
    %scan3A_4 = arith.constant 1 : i32
    %scan3A_5 = scf.for %scan3A_26 = %scan3A_1 to %scan3A_3 step %scan3A_4 iter_args(%scan3A_27 = %scan3A) -> (i32)  : i32 {
      %broadcast_in_dim3A = arith.constant 0.000000e+00 : f32
      %broadcast_in_dim3A_28 = vector.broadcast %broadcast_in_dim3A : f32 to vector<16xf32>
      %swap3A = arith.index_cast %scan3A_26 : i32 to index
      %swap3A_29 = arith.constant 0 : index
      %swap3A_30 = tpu.vector_load %arg6[%swap3A, %swap3A_29] {strides = array<i32>} : memref<640x16xf32, #tpu.memory_space<vmem>>, vector<1x16xf32>,
      %swap3A_31 = vector.shape_cast %swap3A_30 : vector<1x16xf32> to vector<16xf32>
      %swap3A_32 = vector.shape_cast %broadcast_in_dim3A_28 : vector<16xf32> to vector<1x16xf32>
      tpu.vector_store %arg6[%swap3A, %swap3A_29], %swap3A_32 {strides = array<i32>} : memref<640x16xf32, #tpu.memory_space<vmem>>, vector<1x16xf32>,
      %scan3A_33 = arith.constant 0 : i32
      scf.yield %scan3A_33 : i32
    }
    %scan3A_6 = arith.constant 640 : i32
    %mul3A_7 = arith.constant 640 : i32
    %mul3A_8 = arith.muli %arg1, %mul3A_7 : i32
    "tpu.region"() ({
      %run_scoped3A = tpu.sem_alloc : memref<!tpu.dma_semaphore, #tpu.memory_space<semaphore_mem>>
      %dma_start3A = arith.constant 0 : i32
      %dma_start3A_26 = tpu.memref_slice %arg7[%mul3A_8, %dma_start3A] : memref<10240x16xf32, #tpu.memory_space<vmem_shared>> -> memref<640x16xf32, #tpu.memory_space<vmem_shared>>
      %dma_start3A_27 = arith.constant 0 : i32
      %dma_start3A_28 = tpu.memref_slice %arg7[%mul3A_8, %dma_start3A_27] : memref<10240x16xf32, #tpu.memory_space<vmem_shared>> -> memref<640x16xf32, #tpu.memory_space<vmem_shared>>
      tpu.enqueue_dma source(%arg6 : memref<640x16xf32, #tpu.memory_space<vmem>>) target(%dma_start3A_28 : memref<640x16xf32, #tpu.memory_space<vmem_shared>>) target_semaphore(%run_scoped3A : memref<!tpu.dma_semaphore, #tpu.memory_space<semaphore_mem>>)
      %dma_wait3A = arith.constant 0 : i32
      %dma_wait3A_29 = tpu.memref_slice %arg7[%mul3A_8, %dma_wait3A] : memref<10240x16xf32, #tpu.memory_space<vmem_shared>> -> memref<640x16xf32, #tpu.memory_space<vmem_shared>>
      %dma_wait3A_30 = arith.constant 0 : i32
      %dma_wait3A_31 = tpu.memref_slice %arg7[%mul3A_8, %dma_wait3A_30] : memref<10240x16xf32, #tpu.memory_space<vmem_shared>> -> memref<640x16xf32, #tpu.memory_space<vmem_shared>>
      tpu.wait_dma2 semaphore(%run_scoped3A : memref<!tpu.dma_semaphore, #tpu.memory_space<semaphore_mem>>) src(%arg6 : memref<640x16xf32, #tpu.memory_space<vmem>>) dst(%dma_wait3A_31 : memref<640x16xf32, #tpu.memory_space<vmem_shared>>)
      tpu.yield
    }) : () -> ()
    %scan3A_9 = arith.constant 0 : i32
    %scan3A_10 = arith.constant 0 : i32
    %scan3A_11 = arith.constant 125 : i32
    %scan3A_12 = arith.addi %scan3A_10, %scan3A_11 : i32
    %scan3A_13 = arith.constant 1 : i32
    %scan3A_14 = scf.for %scan3A_26 = %scan3A_10 to %scan3A_12 step %scan3A_13 iter_args(%scan3A_27 = %scan3A_9) -> (i32)  : i32 {
      %broadcast_in_dim3A = arith.constant 1.000000e+00 : f32
      %broadcast_in_dim3A_28 = vector.broadcast %broadcast_in_dim3A : f32 to vector<16xf32>
      %swap3A = arith.index_cast %scan3A_26 : i32 to index
      %swap3A_29 = arith.constant 0 : index
      %swap3A_30 = tpu.vector_load %arg5[%swap3A, %swap3A_29] {strides = array<i32>} : memref<125x16xf32, #tpu.memory_space<vmem>>, vector<1x16xf32>,
      %swap3A_31 = vector.shape_cast %swap3A_30 : vector<1x16xf32> to vector<16xf32>
      %swap3A_32 = vector.shape_cast %broadcast_in_dim3A_28 : vector<16xf32> to vector<1x16xf32>
      tpu.vector_store %arg5[%swap3A, %swap3A_29], %swap3A_32 {strides = array<i32>} : memref<125x16xf32, #tpu.memory_space<vmem>>, vector<1x16xf32>,
      %scan3A_33 = arith.constant 0 : i32
      scf.yield %scan3A_33 : i32
    }
    %scan3A_15 = arith.constant 125 : i32
    "tpu.region"() ({
      %run_scoped3A = tpu.sem_alloc : memref<!tpu.dma_semaphore, #tpu.memory_space<semaphore_mem>>
      %dma_start3A = arith.constant 0 : i32
      %dma_start3A_26 = arith.constant 0 : i32
      %dma_start3A_27 = tpu.memref_slice %arg2[%add3A, %dma_start3A, %dma_start3A_26] : memref<32x80x125xi32, #tpu.memory_space<hbm>> -> memref<1x80x125xi32, #tpu.memory_space<hbm>>
      %dma_start3A_28 = tpu.memref_squeeze %dma_start3A_27 : memref<1x80x125xi32, #tpu.memory_space<hbm>> -> memref<80x125xi32, #tpu.memory_space<hbm>>
      %dma_start3A_29 = arith.constant 0 : i32
      %dma_start3A_30 = arith.constant 0 : i32
      %dma_start3A_31 = tpu.memref_slice %arg2[%add3A, %dma_start3A_29, %dma_start3A_30] : memref<32x80x125xi32, #tpu.memory_space<hbm>> -> memref<1x80x125xi32, #tpu.memory_space<hbm>>
      %dma_start3A_32 = tpu.memref_squeeze %dma_start3A_31 : memref<1x80x125xi32, #tpu.memory_space<hbm>> -> memref<80x125xi32, #tpu.memory_space<hbm>>
      tpu.enqueue_dma source(%dma_start3A_32 : memref<80x125xi32, #tpu.memory_space<hbm>>) target(%arg4 : memref<80x125xi32, #tpu.memory_space<vmem>>) target_semaphore(%run_scoped3A : memref<!tpu.dma_semaphore, #tpu.memory_space<semaphore_mem>>)
      %dma_wait3A = arith.constant 0 : i32
      %dma_wait3A_33 = arith.constant 0 : i32
      %dma_wait3A_34 = tpu.memref_slice %arg2[%add3A, %dma_wait3A, %dma_wait3A_33] : memref<32x80x125xi32, #tpu.memory_space<hbm>> -> memref<1x80x125xi32, #tpu.memory_space<hbm>>
      %dma_wait3A_35 = tpu.memref_squeeze %dma_wait3A_34 : memref<1x80x125xi32, #tpu.memory_space<hbm>> -> memref<80x125xi32, #tpu.memory_space<hbm>>
      %dma_wait3A_36 = arith.constant 0 : i32
      %dma_wait3A_37 = arith.constant 0 : i32
      %dma_wait3A_38 = tpu.memref_slice %arg2[%add3A, %dma_wait3A_36, %dma_wait3A_37] : memref<32x80x125xi32, #tpu.memory_space<hbm>> -> memref<1x80x125xi32, #tpu.memory_space<hbm>>
      %dma_wait3A_39 = tpu.memref_squeeze %dma_wait3A_38 : memref<1x80x125xi32, #tpu.memory_space<hbm>> -> memref<80x125xi32, #tpu.memory_space<hbm>>
      tpu.wait_dma2 semaphore(%run_scoped3A : memref<!tpu.dma_semaphore, #tpu.memory_space<semaphore_mem>>) src(%dma_wait3A_39 : memref<80x125xi32, #tpu.memory_space<hbm>>) dst(%arg4 : memref<80x125xi32, #tpu.memory_space<vmem>>)
      tpu.yield
    }) : () -> ()
    %barrier3A = arith.constant 0 : index
    tpu.barrier barrier_id(%barrier3A)
    %scan3A_16 = arith.constant 0 : i32
    %scan3A_17 = arith.constant 0 : i32
    %scan3A_18 = arith.constant 80 : i32
    %scan3A_19 = arith.addi %scan3A_17, %scan3A_18 : i32
    %scan3A_20 = arith.constant 1 : i32
    %scan3A_21 = scf.for %scan3A_26 = %scan3A_17 to %scan3A_19 step %scan3A_20 iter_args(%scan3A_27 = %scan3A_16) -> (i32)  : i32 {
      "tpu.region"() ({
        %run_scoped3A = tpu.sem_alloc : memref<!tpu.dma_semaphore, #tpu.memory_space<semaphore_mem>>
        %dma_start3A = arith.constant 0 : i32
        %dma_start3A_29 = tpu.memref_slice %arg4[%scan3A_26, %dma_start3A] : memref<80x125xi32, #tpu.memory_space<vmem>> -> memref<1x125xi32, #tpu.memory_space<vmem>>
        %dma_start3A_30 = tpu.memref_squeeze %dma_start3A_29 : memref<1x125xi32, #tpu.memory_space<vmem>> -> memref<125xi32, #tpu.memory_space<vmem>>
        %dma_start3A_31 = arith.constant 0 : i32
        %dma_start3A_32 = arith.constant 0 : i32
        %dma_start3A_33 = tpu.memref_slice %arg7[%dma_start3A_31, %dma_start3A_32] : memref<10240x16xf32, #tpu.memory_space<vmem_shared>> -> memref<10240x16xf32, #tpu.memory_space<vmem_shared>>
        tpu.enqueue_indirect_dma source(%arg5 : memref<125x16xf32, #tpu.memory_space<vmem>>) target(%dma_start3A_33 : memref<10240x16xf32, #tpu.memory_space<vmem_shared>>) offsets(%dma_start3A_30 : memref<125xi32, #tpu.memory_space<vmem>>) semaphore(%run_scoped3A : memref<!tpu.dma_semaphore, #tpu.memory_space<semaphore_mem>>) {add = true}
        %dma_wait3A = arith.constant 0 : i32
        %dma_wait3A_34 = tpu.memref_slice %arg4[%scan3A_26, %dma_wait3A] : memref<80x125xi32, #tpu.memory_space<vmem>> -> memref<1x125xi32, #tpu.memory_space<vmem>>
        %dma_wait3A_35 = tpu.memref_squeeze %dma_wait3A_34 : memref<1x125xi32, #tpu.memory_space<vmem>> -> memref<125xi32, #tpu.memory_space<vmem>>
        %dma_wait3A_36 = arith.constant 0 : i32
        %dma_wait3A_37 = arith.constant 0 : i32
        %dma_wait3A_38 = tpu.memref_slice %arg7[%dma_wait3A_36, %dma_wait3A_37] : memref<10240x16xf32, #tpu.memory_space<vmem_shared>> -> memref<10240x16xf32, #tpu.memory_space<vmem_shared>>
        tpu.wait_indirect_dma semaphore(%run_scoped3A : memref<!tpu.dma_semaphore, #tpu.memory_space<semaphore_mem>>) src(%arg5 : memref<125x16xf32, #tpu.memory_space<vmem>>) dst(%dma_wait3A_38 : memref<10240x16xf32, #tpu.memory_space<vmem_shared>>)
        tpu.yield
      }) : () -> ()
      %scan3A_28 = arith.constant 0 : i32
      scf.yield %scan3A_28 : i32
    }
    %scan3A_22 = arith.constant 80 : i32
    %barrier3A_23 = arith.constant 0 : index
    tpu.barrier barrier_id(%barrier3A_23)
    %mul3A_24 = arith.constant 640 : i32
    %mul3A_25 = arith.muli %arg1, %mul3A_24 : i32
    "tpu.region"() ({
      %run_scoped3A = tpu.sem_alloc : memref<!tpu.dma_semaphore, #tpu.memory_space<semaphore_mem>>
      %dma_start3A = arith.constant 0 : i32
      %dma_start3A_26 = tpu.memref_slice %arg7[%mul3A_25, %dma_start3A] : memref<10240x16xf32, #tpu.memory_space<vmem_shared>> -> memref<640x16xf32, #tpu.memory_space<vmem_shared>>
      %dma_start3A_27 = arith.constant 0 : i32
      %dma_start3A_28 = tpu.memref_slice %arg7[%mul3A_25, %dma_start3A_27] : memref<10240x16xf32, #tpu.memory_space<vmem_shared>> -> memref<640x16xf32, #tpu.memory_space<vmem_shared>>
      tpu.enqueue_dma source(%dma_start3A_28 : memref<640x16xf32, #tpu.memory_space<vmem_shared>>) target(%arg6 : memref<640x16xf32, #tpu.memory_space<vmem>>) target_semaphore(%run_scoped3A : memref<!tpu.dma_semaphore, #tpu.memory_space<semaphore_mem>>)
      %dma_wait3A = arith.constant 0 : i32
      %dma_wait3A_29 = tpu.memref_slice %arg7[%mul3A_25, %dma_wait3A] : memref<10240x16xf32, #tpu.memory_space<vmem_shared>> -> memref<640x16xf32, #tpu.memory_space<vmem_shared>>
      %dma_wait3A_30 = arith.constant 0 : i32
      %dma_wait3A_31 = tpu.memref_slice %arg7[%mul3A_25, %dma_wait3A_30] : memref<10240x16xf32, #tpu.memory_space<vmem_shared>> -> memref<640x16xf32, #tpu.memory_space<vmem_shared>>
      tpu.wait_dma2 semaphore(%run_scoped3A : memref<!tpu.dma_semaphore, #tpu.memory_space<semaphore_mem>>) src(%dma_wait3A_31 : memref<640x16xf32, #tpu.memory_space<vmem_shared>>) dst(%arg6 : memref<640x16xf32, #tpu.memory_space<vmem>>)
      tpu.yield
    }) : () -> ()
    "tpu.region"() ({
      %run_scoped3A = tpu.sem_alloc : memref<!tpu.dma_semaphore, #tpu.memory_space<semaphore_mem>>
      %dma_start3A = arith.constant 0 : i32
      %dma_start3A_26 = arith.constant 0 : i32
      %dma_start3A_27 = tpu.memref_slice %arg3[%arg0, %dma_start3A, %dma_start3A_26] : memref<2x10240x16xf32, #tpu.memory_space<hbm>> -> memref<1x10240x16xf32, #tpu.memory_space<hbm>>
      %dma_start3A_28 = tpu.memref_squeeze %dma_start3A_27 : memref<1x10240x16xf32, #tpu.memory_space<hbm>> -> memref<10240x16xf32, #tpu.memory_space<hbm>>
      %dma_start3A_29 = arith.constant 0 : i32
      %dma_start3A_30 = tpu.memref_slice %dma_start3A_28[%mul3A_25, %dma_start3A_29] : memref<10240x16xf32, #tpu.memory_space<hbm>> -> memref<640x16xf32, #tpu.memory_space<hbm>>
      %dma_start3A_31 = arith.constant 0 : i32
      %dma_start3A_32 = arith.constant 0 : i32
      %dma_start3A_33 = tpu.memref_slice %arg3[%arg0, %dma_start3A_31, %dma_start3A_32] : memref<2x10240x16xf32, #tpu.memory_space<hbm>> -> memref<1x10240x16xf32, #tpu.memory_space<hbm>>
      %dma_start3A_34 = tpu.memref_squeeze %dma_start3A_33 : memref<1x10240x16xf32, #tpu.memory_space<hbm>> -> memref<10240x16xf32, #tpu.memory_space<hbm>>
      %dma_start3A_35 = arith.constant 0 : i32
      %dma_start3A_36 = tpu.memref_slice %dma_start3A_34[%mul3A_25, %dma_start3A_35] : memref<10240x16xf32, #tpu.memory_space<hbm>> -> memref<640x16xf32, #tpu.memory_space<hbm>>
      tpu.enqueue_dma source(%arg6 : memref<640x16xf32, #tpu.memory_space<vmem>>) target(%dma_start3A_36 : memref<640x16xf32, #tpu.memory_space<hbm>>) target_semaphore(%run_scoped3A : memref<!tpu.dma_semaphore, #tpu.memory_space<semaphore_mem>>)
      %dma_wait3A = arith.constant 0 : i32
      %dma_wait3A_37 = arith.constant 0 : i32
      %dma_wait3A_38 = tpu.memref_slice %arg3[%arg0, %dma_wait3A, %dma_wait3A_37] : memref<2x10240x16xf32, #tpu.memory_space<hbm>> -> memref<1x10240x16xf32, #tpu.memory_space<hbm>>
      %dma_wait3A_39 = tpu.memref_squeeze %dma_wait3A_38 : memref<1x10240x16xf32, #tpu.memory_space<hbm>> -> memref<10240x16xf32, #tpu.memory_space<hbm>>
      %dma_wait3A_40 = arith.constant 0 : i32
      %dma_wait3A_41 = tpu.memref_slice %dma_wait3A_39[%mul3A_25, %dma_wait3A_40] : memref<10240x16xf32, #tpu.memory_space<hbm>> -> memref<640x16xf32, #tpu.memory_space<hbm>>
      %dma_wait3A_42 = arith.constant 0 : i32
      %dma_wait3A_43 = arith.constant 0 : i32
      %dma_wait3A_44 = tpu.memref_slice %arg3[%arg0, %dma_wait3A_42, %dma_wait3A_43] : memref<2x10240x16xf32, #tpu.memory_space<hbm>> -> memref<1x10240x16xf32, #tpu.memory_space<hbm>>
      %dma_wait3A_45 = tpu.memref_squeeze %dma_wait3A_44 : memref<1x10240x16xf32, #tpu.memory_space<hbm>> -> memref<10240x16xf32, #tpu.memory_space<hbm>>
      %dma_wait3A_46 = arith.constant 0 : i32
      %dma_wait3A_47 = tpu.memref_slice %dma_wait3A_45[%mul3A_25, %dma_wait3A_46] : memref<10240x16xf32, #tpu.memory_space<hbm>> -> memref<640x16xf32, #tpu.memory_space<hbm>>
      tpu.wait_dma2 semaphore(%run_scoped3A : memref<!tpu.dma_semaphore, #tpu.memory_space<semaphore_mem>>) src(%arg6 : memref<640x16xf32, #tpu.memory_space<vmem>>) dst(%dma_wait3A_47 : memref<640x16xf32, #tpu.memory_space<hbm>>)
      tpu.yield
    }) : () -> ()
    return
  }
}

#map = affine_map<(d0, d1) -> (0, 0)>
#map1 = affine_map<(d0, d1) -> (0, 0, 0)>
module attributes {stable_mosaic.version = 14 : i64} {
  func.func @body(%arg0: i32, %arg1: i32, %arg2: memref<10000x64xf32, #tpu.memory_space<hbm>>, %arg3: memref<10000x64xf32, #tpu.memory_space<hbm>>, %arg4: memref<32x80x125xi32, #tpu.memory_space<hbm>>, %arg5: memref<32x80x125xi32, #tpu.memory_space<hbm>>, %arg6: memref<2x10240x64xf32, #tpu.memory_space<hbm>>, %arg7: memref<2x10240x64xf32, #tpu.memory_space<hbm>>, %arg8: memref<80x125xi32, #tpu.memory_space<vmem>>, %arg9: memref<80x125xi32, #tpu.memory_space<vmem>>, %arg10: memref<125x64xf32, #tpu.memory_space<vmem>>, %arg11: memref<125x64xf32, #tpu.memory_space<vmem>>, %arg12: memref<125x64xf32, #tpu.memory_space<vmem>>, %arg13: memref<125x64xf32, #tpu.memory_space<vmem>>, %arg14: memref<128x64xf32, #tpu.memory_space<vmem>>, %arg15: memref<128x64xf32, #tpu.memory_space<vmem>>, %arg16: memref<10240x64xf32, #tpu.memory_space<vmem_shared>>, %arg17: memref<!tpu.dma_semaphore, #tpu.memory_space<semaphore_mem>>, %arg18: memref<!tpu.dma_semaphore, #tpu.memory_space<semaphore_mem>>, %arg19: memref<!tpu.dma_semaphore, #tpu.memory_space<semaphore_mem>>, %arg20: memref<!tpu.dma_semaphore, #tpu.memory_space<semaphore_mem>>) attributes {dimension_semantics = [#tpu.dimension_semantics<core_parallel>, #tpu.dimension_semantics<subcore_parallel>], iteration_bounds = array<i64: 2, 16>, scalar_prefetch = 0 : i64, scratch_operands = 13 : i64, tpu.core_type = #tpu.core_type<sc_vector_subcore>, window_params = [{transform_indices = #map}, {transform_indices = #map}, {transform_indices = #map1}, {transform_indices = #map1}, {transform_indices = #map1}, {transform_indices = #map1}]} {
    %mul3A = arith.constant 16 : i32
    %mul3A_0 = arith.muli %arg0, %mul3A : i32
    %add3A = arith.addi %mul3A_0, %arg1 : i32
    %scan3A = arith.constant 0 : i32
    %scan3A_1 = arith.constant 0 : i32
    %scan3A_2 = arith.constant 128 : i32
    %scan3A_3 = arith.addi %scan3A_1, %scan3A_2 : i32
    %scan3A_4 = arith.constant 1 : i32
    %scan3A_5 = scf.for %scan3A_139 = %scan3A_1 to %scan3A_3 step %scan3A_4 iter_args(%scan3A_140 = %scan3A) -> (i32)  : i32 {
      %broadcast_in_dim3A = arith.constant 0.000000e+00 : f32
      %broadcast_in_dim3A_141 = vector.broadcast %broadcast_in_dim3A : f32 to vector<16xf32>
      %swap3A = arith.index_cast %scan3A_139 : i32 to index
      %swap3A_142 = arith.constant 0 : index
      %swap3A_143 = tpu.vector_load %arg14[%swap3A, %swap3A_142] {strides = array<i32>} : memref<128x64xf32, #tpu.memory_space<vmem>>, vector<1x16xf32>,
      %swap3A_144 = vector.shape_cast %swap3A_143 : vector<1x16xf32> to vector<16xf32>
      %swap3A_145 = vector.shape_cast %broadcast_in_dim3A_141 : vector<16xf32> to vector<1x16xf32>
      tpu.vector_store %arg14[%swap3A, %swap3A_142], %swap3A_145 {strides = array<i32>} : memref<128x64xf32, #tpu.memory_space<vmem>>, vector<1x16xf32>,
      %broadcast_in_dim3A_146 = arith.constant 0.000000e+00 : f32
      %broadcast_in_dim3A_147 = vector.broadcast %broadcast_in_dim3A_146 : f32 to vector<16xf32>
      %swap3A_148 = arith.index_cast %scan3A_139 : i32 to index
      %swap3A_149 = arith.constant 16 : index
      %swap3A_150 = tpu.vector_load %arg14[%swap3A_148, %swap3A_149] {strides = array<i32>} : memref<128x64xf32, #tpu.memory_space<vmem>>, vector<1x16xf32>,
      %swap3A_151 = vector.shape_cast %swap3A_150 : vector<1x16xf32> to vector<16xf32>
      %swap3A_152 = vector.shape_cast %broadcast_in_dim3A_147 : vector<16xf32> to vector<1x16xf32>
      tpu.vector_store %arg14[%swap3A_148, %swap3A_149], %swap3A_152 {strides = array<i32>} : memref<128x64xf32, #tpu.memory_space<vmem>>, vector<1x16xf32>,
      %broadcast_in_dim3A_153 = arith.constant 0.000000e+00 : f32
      %broadcast_in_dim3A_154 = vector.broadcast %broadcast_in_dim3A_153 : f32 to vector<16xf32>
      %swap3A_155 = arith.index_cast %scan3A_139 : i32 to index
      %swap3A_156 = arith.constant 32 : index
      %swap3A_157 = tpu.vector_load %arg14[%swap3A_155, %swap3A_156] {strides = array<i32>} : memref<128x64xf32, #tpu.memory_space<vmem>>, vector<1x16xf32>,
      %swap3A_158 = vector.shape_cast %swap3A_157 : vector<1x16xf32> to vector<16xf32>
      %swap3A_159 = vector.shape_cast %broadcast_in_dim3A_154 : vector<16xf32> to vector<1x16xf32>
      tpu.vector_store %arg14[%swap3A_155, %swap3A_156], %swap3A_159 {strides = array<i32>} : memref<128x64xf32, #tpu.memory_space<vmem>>, vector<1x16xf32>,
      %broadcast_in_dim3A_160 = arith.constant 0.000000e+00 : f32
      %broadcast_in_dim3A_161 = vector.broadcast %broadcast_in_dim3A_160 : f32 to vector<16xf32>
      %swap3A_162 = arith.index_cast %scan3A_139 : i32 to index
      %swap3A_163 = arith.constant 48 : index
      %swap3A_164 = tpu.vector_load %arg14[%swap3A_162, %swap3A_163] {strides = array<i32>} : memref<128x64xf32, #tpu.memory_space<vmem>>, vector<1x16xf32>,
      %swap3A_165 = vector.shape_cast %swap3A_164 : vector<1x16xf32> to vector<16xf32>
      %swap3A_166 = vector.shape_cast %broadcast_in_dim3A_161 : vector<16xf32> to vector<1x16xf32>
      tpu.vector_store %arg14[%swap3A_162, %swap3A_163], %swap3A_166 {strides = array<i32>} : memref<128x64xf32, #tpu.memory_space<vmem>>, vector<1x16xf32>,
      %scan3A_167 = arith.constant 0 : i32
      scf.yield %scan3A_167 : i32
    }
    %scan3A_6 = arith.constant 128 : i32
    %mul3A_7 = arith.constant 640 : i32
    %mul3A_8 = arith.muli %arg1, %mul3A_7 : i32
    %add3A_9 = arith.constant 0 : i32
    %add3A_10 = arith.addi %mul3A_8, %add3A_9 : i32
    "tpu.region"() ({
      %run_scoped3A = tpu.sem_alloc : memref<!tpu.dma_semaphore, #tpu.memory_space<semaphore_mem>>
      %dma_start3A_139 = arith.constant 0 : i32
      %dma_start3A_140 = tpu.memref_slice %arg16[%add3A_10, %dma_start3A_139] : memref<10240x64xf32, #tpu.memory_space<vmem_shared>> -> memref<128x64xf32, #tpu.memory_space<vmem_shared>>
      %dma_start3A_141 = arith.constant 0 : i32
      %dma_start3A_142 = tpu.memref_slice %arg16[%add3A_10, %dma_start3A_141] : memref<10240x64xf32, #tpu.memory_space<vmem_shared>> -> memref<128x64xf32, #tpu.memory_space<vmem_shared>>
      tpu.enqueue_dma source(%arg14 : memref<128x64xf32, #tpu.memory_space<vmem>>) target(%dma_start3A_142 : memref<128x64xf32, #tpu.memory_space<vmem_shared>>) target_semaphore(%run_scoped3A : memref<!tpu.dma_semaphore, #tpu.memory_space<semaphore_mem>>)
      %dma_wait3A = arith.constant 0 : i32
      %dma_wait3A_143 = tpu.memref_slice %arg16[%add3A_10, %dma_wait3A] : memref<10240x64xf32, #tpu.memory_space<vmem_shared>> -> memref<128x64xf32, #tpu.memory_space<vmem_shared>>
      %dma_wait3A_144 = arith.constant 0 : i32
      %dma_wait3A_145 = tpu.memref_slice %arg16[%add3A_10, %dma_wait3A_144] : memref<10240x64xf32, #tpu.memory_space<vmem_shared>> -> memref<128x64xf32, #tpu.memory_space<vmem_shared>>
      tpu.wait_dma2 semaphore(%run_scoped3A : memref<!tpu.dma_semaphore, #tpu.memory_space<semaphore_mem>>) src(%arg14 : memref<128x64xf32, #tpu.memory_space<vmem>>) dst(%dma_wait3A_145 : memref<128x64xf32, #tpu.memory_space<vmem_shared>>)
      tpu.yield
    }) : () -> ()
    %mul3A_11 = arith.constant 640 : i32
    %mul3A_12 = arith.muli %arg1, %mul3A_11 : i32
    %add3A_13 = arith.constant 128 : i32
    %add3A_14 = arith.addi %mul3A_12, %add3A_13 : i32
    "tpu.region"() ({
      %run_scoped3A = tpu.sem_alloc : memref<!tpu.dma_semaphore, #tpu.memory_space<semaphore_mem>>
      %dma_start3A_139 = arith.constant 0 : i32
      %dma_start3A_140 = tpu.memref_slice %arg16[%add3A_14, %dma_start3A_139] : memref<10240x64xf32, #tpu.memory_space<vmem_shared>> -> memref<128x64xf32, #tpu.memory_space<vmem_shared>>
      %dma_start3A_141 = arith.constant 0 : i32
      %dma_start3A_142 = tpu.memref_slice %arg16[%add3A_14, %dma_start3A_141] : memref<10240x64xf32, #tpu.memory_space<vmem_shared>> -> memref<128x64xf32, #tpu.memory_space<vmem_shared>>
      tpu.enqueue_dma source(%arg14 : memref<128x64xf32, #tpu.memory_space<vmem>>) target(%dma_start3A_142 : memref<128x64xf32, #tpu.memory_space<vmem_shared>>) target_semaphore(%run_scoped3A : memref<!tpu.dma_semaphore, #tpu.memory_space<semaphore_mem>>)
      %dma_wait3A = arith.constant 0 : i32
      %dma_wait3A_143 = tpu.memref_slice %arg16[%add3A_14, %dma_wait3A] : memref<10240x64xf32, #tpu.memory_space<vmem_shared>> -> memref<128x64xf32, #tpu.memory_space<vmem_shared>>
      %dma_wait3A_144 = arith.constant 0 : i32
      %dma_wait3A_145 = tpu.memref_slice %arg16[%add3A_14, %dma_wait3A_144] : memref<10240x64xf32, #tpu.memory_space<vmem_shared>> -> memref<128x64xf32, #tpu.memory_space<vmem_shared>>
      tpu.wait_dma2 semaphore(%run_scoped3A : memref<!tpu.dma_semaphore, #tpu.memory_space<semaphore_mem>>) src(%arg14 : memref<128x64xf32, #tpu.memory_space<vmem>>) dst(%dma_wait3A_145 : memref<128x64xf32, #tpu.memory_space<vmem_shared>>)
      tpu.yield
    }) : () -> ()
    %mul3A_15 = arith.constant 640 : i32
    %mul3A_16 = arith.muli %arg1, %mul3A_15 : i32
    %add3A_17 = arith.constant 256 : i32
    %add3A_18 = arith.addi %mul3A_16, %add3A_17 : i32
    "tpu.region"() ({
      %run_scoped3A = tpu.sem_alloc : memref<!tpu.dma_semaphore, #tpu.memory_space<semaphore_mem>>
      %dma_start3A_139 = arith.constant 0 : i32
      %dma_start3A_140 = tpu.memref_slice %arg16[%add3A_18, %dma_start3A_139] : memref<10240x64xf32, #tpu.memory_space<vmem_shared>> -> memref<128x64xf32, #tpu.memory_space<vmem_shared>>
      %dma_start3A_141 = arith.constant 0 : i32
      %dma_start3A_142 = tpu.memref_slice %arg16[%add3A_18, %dma_start3A_141] : memref<10240x64xf32, #tpu.memory_space<vmem_shared>> -> memref<128x64xf32, #tpu.memory_space<vmem_shared>>
      tpu.enqueue_dma source(%arg14 : memref<128x64xf32, #tpu.memory_space<vmem>>) target(%dma_start3A_142 : memref<128x64xf32, #tpu.memory_space<vmem_shared>>) target_semaphore(%run_scoped3A : memref<!tpu.dma_semaphore, #tpu.memory_space<semaphore_mem>>)
      %dma_wait3A = arith.constant 0 : i32
      %dma_wait3A_143 = tpu.memref_slice %arg16[%add3A_18, %dma_wait3A] : memref<10240x64xf32, #tpu.memory_space<vmem_shared>> -> memref<128x64xf32, #tpu.memory_space<vmem_shared>>
      %dma_wait3A_144 = arith.constant 0 : i32
      %dma_wait3A_145 = tpu.memref_slice %arg16[%add3A_18, %dma_wait3A_144] : memref<10240x64xf32, #tpu.memory_space<vmem_shared>> -> memref<128x64xf32, #tpu.memory_space<vmem_shared>>
      tpu.wait_dma2 semaphore(%run_scoped3A : memref<!tpu.dma_semaphore, #tpu.memory_space<semaphore_mem>>) src(%arg14 : memref<128x64xf32, #tpu.memory_space<vmem>>) dst(%dma_wait3A_145 : memref<128x64xf32, #tpu.memory_space<vmem_shared>>)
      tpu.yield
    }) : () -> ()
    %mul3A_19 = arith.constant 640 : i32
    %mul3A_20 = arith.muli %arg1, %mul3A_19 : i32
    %add3A_21 = arith.constant 384 : i32
    %add3A_22 = arith.addi %mul3A_20, %add3A_21 : i32
    "tpu.region"() ({
      %run_scoped3A = tpu.sem_alloc : memref<!tpu.dma_semaphore, #tpu.memory_space<semaphore_mem>>
      %dma_start3A_139 = arith.constant 0 : i32
      %dma_start3A_140 = tpu.memref_slice %arg16[%add3A_22, %dma_start3A_139] : memref<10240x64xf32, #tpu.memory_space<vmem_shared>> -> memref<128x64xf32, #tpu.memory_space<vmem_shared>>
      %dma_start3A_141 = arith.constant 0 : i32
      %dma_start3A_142 = tpu.memref_slice %arg16[%add3A_22, %dma_start3A_141] : memref<10240x64xf32, #tpu.memory_space<vmem_shared>> -> memref<128x64xf32, #tpu.memory_space<vmem_shared>>
      tpu.enqueue_dma source(%arg14 : memref<128x64xf32, #tpu.memory_space<vmem>>) target(%dma_start3A_142 : memref<128x64xf32, #tpu.memory_space<vmem_shared>>) target_semaphore(%run_scoped3A : memref<!tpu.dma_semaphore, #tpu.memory_space<semaphore_mem>>)
      %dma_wait3A = arith.constant 0 : i32
      %dma_wait3A_143 = tpu.memref_slice %arg16[%add3A_22, %dma_wait3A] : memref<10240x64xf32, #tpu.memory_space<vmem_shared>> -> memref<128x64xf32, #tpu.memory_space<vmem_shared>>
      %dma_wait3A_144 = arith.constant 0 : i32
      %dma_wait3A_145 = tpu.memref_slice %arg16[%add3A_22, %dma_wait3A_144] : memref<10240x64xf32, #tpu.memory_space<vmem_shared>> -> memref<128x64xf32, #tpu.memory_space<vmem_shared>>
      tpu.wait_dma2 semaphore(%run_scoped3A : memref<!tpu.dma_semaphore, #tpu.memory_space<semaphore_mem>>) src(%arg14 : memref<128x64xf32, #tpu.memory_space<vmem>>) dst(%dma_wait3A_145 : memref<128x64xf32, #tpu.memory_space<vmem_shared>>)
      tpu.yield
    }) : () -> ()
    %mul3A_23 = arith.constant 640 : i32
    %mul3A_24 = arith.muli %arg1, %mul3A_23 : i32
    %add3A_25 = arith.constant 512 : i32
    %add3A_26 = arith.addi %mul3A_24, %add3A_25 : i32
    "tpu.region"() ({
      %run_scoped3A = tpu.sem_alloc : memref<!tpu.dma_semaphore, #tpu.memory_space<semaphore_mem>>
      %dma_start3A_139 = arith.constant 0 : i32
      %dma_start3A_140 = tpu.memref_slice %arg16[%add3A_26, %dma_start3A_139] : memref<10240x64xf32, #tpu.memory_space<vmem_shared>> -> memref<128x64xf32, #tpu.memory_space<vmem_shared>>
      %dma_start3A_141 = arith.constant 0 : i32
      %dma_start3A_142 = tpu.memref_slice %arg16[%add3A_26, %dma_start3A_141] : memref<10240x64xf32, #tpu.memory_space<vmem_shared>> -> memref<128x64xf32, #tpu.memory_space<vmem_shared>>
      tpu.enqueue_dma source(%arg14 : memref<128x64xf32, #tpu.memory_space<vmem>>) target(%dma_start3A_142 : memref<128x64xf32, #tpu.memory_space<vmem_shared>>) target_semaphore(%run_scoped3A : memref<!tpu.dma_semaphore, #tpu.memory_space<semaphore_mem>>)
      %dma_wait3A = arith.constant 0 : i32
      %dma_wait3A_143 = tpu.memref_slice %arg16[%add3A_26, %dma_wait3A] : memref<10240x64xf32, #tpu.memory_space<vmem_shared>> -> memref<128x64xf32, #tpu.memory_space<vmem_shared>>
      %dma_wait3A_144 = arith.constant 0 : i32
      %dma_wait3A_145 = tpu.memref_slice %arg16[%add3A_26, %dma_wait3A_144] : memref<10240x64xf32, #tpu.memory_space<vmem_shared>> -> memref<128x64xf32, #tpu.memory_space<vmem_shared>>
      tpu.wait_dma2 semaphore(%run_scoped3A : memref<!tpu.dma_semaphore, #tpu.memory_space<semaphore_mem>>) src(%arg14 : memref<128x64xf32, #tpu.memory_space<vmem>>) dst(%dma_wait3A_145 : memref<128x64xf32, #tpu.memory_space<vmem_shared>>)
      tpu.yield
    }) : () -> ()
    "tpu.region"() ({
      %run_scoped3A = tpu.sem_alloc : memref<!tpu.dma_semaphore, #tpu.memory_space<semaphore_mem>>
      %dma_start3A_139 = arith.constant 0 : i32
      %dma_start3A_140 = arith.constant 0 : i32
      %dma_start3A_141 = tpu.memref_slice %arg4[%add3A, %dma_start3A_139, %dma_start3A_140] : memref<32x80x125xi32, #tpu.memory_space<hbm>> -> memref<1x80x125xi32, #tpu.memory_space<hbm>>
      %dma_start3A_142 = tpu.memref_squeeze %dma_start3A_141 : memref<1x80x125xi32, #tpu.memory_space<hbm>> -> memref<80x125xi32, #tpu.memory_space<hbm>>
      %dma_start3A_143 = arith.constant 0 : i32
      %dma_start3A_144 = arith.constant 0 : i32
      %dma_start3A_145 = tpu.memref_slice %arg4[%add3A, %dma_start3A_143, %dma_start3A_144] : memref<32x80x125xi32, #tpu.memory_space<hbm>> -> memref<1x80x125xi32, #tpu.memory_space<hbm>>
      %dma_start3A_146 = tpu.memref_squeeze %dma_start3A_145 : memref<1x80x125xi32, #tpu.memory_space<hbm>> -> memref<80x125xi32, #tpu.memory_space<hbm>>
      tpu.enqueue_dma source(%dma_start3A_146 : memref<80x125xi32, #tpu.memory_space<hbm>>) target(%arg8 : memref<80x125xi32, #tpu.memory_space<vmem>>) target_semaphore(%run_scoped3A : memref<!tpu.dma_semaphore, #tpu.memory_space<semaphore_mem>>)
      %dma_wait3A = arith.constant 0 : i32
      %dma_wait3A_147 = arith.constant 0 : i32
      %dma_wait3A_148 = tpu.memref_slice %arg4[%add3A, %dma_wait3A, %dma_wait3A_147] : memref<32x80x125xi32, #tpu.memory_space<hbm>> -> memref<1x80x125xi32, #tpu.memory_space<hbm>>
      %dma_wait3A_149 = tpu.memref_squeeze %dma_wait3A_148 : memref<1x80x125xi32, #tpu.memory_space<hbm>> -> memref<80x125xi32, #tpu.memory_space<hbm>>
      %dma_wait3A_150 = arith.constant 0 : i32
      %dma_wait3A_151 = arith.constant 0 : i32
      %dma_wait3A_152 = tpu.memref_slice %arg4[%add3A, %dma_wait3A_150, %dma_wait3A_151] : memref<32x80x125xi32, #tpu.memory_space<hbm>> -> memref<1x80x125xi32, #tpu.memory_space<hbm>>
      %dma_wait3A_153 = tpu.memref_squeeze %dma_wait3A_152 : memref<1x80x125xi32, #tpu.memory_space<hbm>> -> memref<80x125xi32, #tpu.memory_space<hbm>>
      tpu.wait_dma2 semaphore(%run_scoped3A : memref<!tpu.dma_semaphore, #tpu.memory_space<semaphore_mem>>) src(%dma_wait3A_153 : memref<80x125xi32, #tpu.memory_space<hbm>>) dst(%arg8 : memref<80x125xi32, #tpu.memory_space<vmem>>)
      tpu.yield
    }) : () -> ()
    "tpu.region"() ({
      %run_scoped3A = tpu.sem_alloc : memref<!tpu.dma_semaphore, #tpu.memory_space<semaphore_mem>>
      %dma_start3A_139 = arith.constant 0 : i32
      %dma_start3A_140 = arith.constant 0 : i32
      %dma_start3A_141 = tpu.memref_slice %arg5[%add3A, %dma_start3A_139, %dma_start3A_140] : memref<32x80x125xi32, #tpu.memory_space<hbm>> -> memref<1x80x125xi32, #tpu.memory_space<hbm>>
      %dma_start3A_142 = tpu.memref_squeeze %dma_start3A_141 : memref<1x80x125xi32, #tpu.memory_space<hbm>> -> memref<80x125xi32, #tpu.memory_space<hbm>>
      %dma_start3A_143 = arith.constant 0 : i32
      %dma_start3A_144 = arith.constant 0 : i32
      %dma_start3A_145 = tpu.memref_slice %arg5[%add3A, %dma_start3A_143, %dma_start3A_144] : memref<32x80x125xi32, #tpu.memory_space<hbm>> -> memref<1x80x125xi32, #tpu.memory_space<hbm>>
      %dma_start3A_146 = tpu.memref_squeeze %dma_start3A_145 : memref<1x80x125xi32, #tpu.memory_space<hbm>> -> memref<80x125xi32, #tpu.memory_space<hbm>>
      tpu.enqueue_dma source(%dma_start3A_146 : memref<80x125xi32, #tpu.memory_space<hbm>>) target(%arg9 : memref<80x125xi32, #tpu.memory_space<vmem>>) target_semaphore(%run_scoped3A : memref<!tpu.dma_semaphore, #tpu.memory_space<semaphore_mem>>)
      %dma_wait3A = arith.constant 0 : i32
      %dma_wait3A_147 = arith.constant 0 : i32
      %dma_wait3A_148 = tpu.memref_slice %arg5[%add3A, %dma_wait3A, %dma_wait3A_147] : memref<32x80x125xi32, #tpu.memory_space<hbm>> -> memref<1x80x125xi32, #tpu.memory_space<hbm>>
      %dma_wait3A_149 = tpu.memref_squeeze %dma_wait3A_148 : memref<1x80x125xi32, #tpu.memory_space<hbm>> -> memref<80x125xi32, #tpu.memory_space<hbm>>
      %dma_wait3A_150 = arith.constant 0 : i32
      %dma_wait3A_151 = arith.constant 0 : i32
      %dma_wait3A_152 = tpu.memref_slice %arg5[%add3A, %dma_wait3A_150, %dma_wait3A_151] : memref<32x80x125xi32, #tpu.memory_space<hbm>> -> memref<1x80x125xi32, #tpu.memory_space<hbm>>
      %dma_wait3A_153 = tpu.memref_squeeze %dma_wait3A_152 : memref<1x80x125xi32, #tpu.memory_space<hbm>> -> memref<80x125xi32, #tpu.memory_space<hbm>>
      tpu.wait_dma2 semaphore(%run_scoped3A : memref<!tpu.dma_semaphore, #tpu.memory_space<semaphore_mem>>) src(%dma_wait3A_153 : memref<80x125xi32, #tpu.memory_space<hbm>>) dst(%arg9 : memref<80x125xi32, #tpu.memory_space<vmem>>)
      tpu.yield
    }) : () -> ()
    %barrier3A = arith.constant 0 : index
    tpu.barrier barrier_id(%barrier3A)
    %dma_start3A = arith.constant 0 : i32
    %dma_start3A_27 = arith.constant 0 : i32
    %dma_start3A_28 = tpu.memref_slice %arg8[%dma_start3A, %dma_start3A_27] : memref<80x125xi32, #tpu.memory_space<vmem>> -> memref<1x125xi32, #tpu.memory_space<vmem>>
    %dma_start3A_29 = tpu.memref_squeeze %dma_start3A_28 : memref<1x125xi32, #tpu.memory_space<vmem>> -> memref<125xi32, #tpu.memory_space<vmem>>
    %dma_start3A_30 = arith.constant 0 : i32
    %dma_start3A_31 = arith.constant 0 : i32
    %dma_start3A_32 = tpu.memref_slice %arg2[%dma_start3A_30, %dma_start3A_31] : memref<10000x64xf32, #tpu.memory_space<hbm>> -> memref<10000x64xf32, #tpu.memory_space<hbm>>
    tpu.enqueue_indirect_dma source(%dma_start3A_32 : memref<10000x64xf32, #tpu.memory_space<hbm>>) target(%arg10 : memref<125x64xf32, #tpu.memory_space<vmem>>) offsets(%dma_start3A_29 : memref<125xi32, #tpu.memory_space<vmem>>) semaphore(%arg17 : memref<!tpu.dma_semaphore, #tpu.memory_space<semaphore_mem>>)
    %dma_start3A_33 = arith.constant 1 : i32
    %dma_start3A_34 = arith.constant 0 : i32
    %dma_start3A_35 = tpu.memref_slice %arg8[%dma_start3A_33, %dma_start3A_34] : memref<80x125xi32, #tpu.memory_space<vmem>> -> memref<1x125xi32, #tpu.memory_space<vmem>>
    %dma_start3A_36 = tpu.memref_squeeze %dma_start3A_35 : memref<1x125xi32, #tpu.memory_space<vmem>> -> memref<125xi32, #tpu.memory_space<vmem>>
    %dma_start3A_37 = arith.constant 0 : i32
    %dma_start3A_38 = arith.constant 0 : i32
    %dma_start3A_39 = tpu.memref_slice %arg2[%dma_start3A_37, %dma_start3A_38] : memref<10000x64xf32, #tpu.memory_space<hbm>> -> memref<10000x64xf32, #tpu.memory_space<hbm>>
    tpu.enqueue_indirect_dma source(%dma_start3A_39 : memref<10000x64xf32, #tpu.memory_space<hbm>>) target(%arg11 : memref<125x64xf32, #tpu.memory_space<vmem>>) offsets(%dma_start3A_36 : memref<125xi32, #tpu.memory_space<vmem>>) semaphore(%arg18 : memref<!tpu.dma_semaphore, #tpu.memory_space<semaphore_mem>>)
    %dma_start3A_40 = arith.constant 2 : i32
    %dma_start3A_41 = arith.constant 0 : i32
    %dma_start3A_42 = tpu.memref_slice %arg8[%dma_start3A_40, %dma_start3A_41] : memref<80x125xi32, #tpu.memory_space<vmem>> -> memref<1x125xi32, #tpu.memory_space<vmem>>
    %dma_start3A_43 = tpu.memref_squeeze %dma_start3A_42 : memref<1x125xi32, #tpu.memory_space<vmem>> -> memref<125xi32, #tpu.memory_space<vmem>>
    %dma_start3A_44 = arith.constant 0 : i32
    %dma_start3A_45 = arith.constant 0 : i32
    %dma_start3A_46 = tpu.memref_slice %arg2[%dma_start3A_44, %dma_start3A_45] : memref<10000x64xf32, #tpu.memory_space<hbm>> -> memref<10000x64xf32, #tpu.memory_space<hbm>>
    tpu.enqueue_indirect_dma source(%dma_start3A_46 : memref<10000x64xf32, #tpu.memory_space<hbm>>) target(%arg12 : memref<125x64xf32, #tpu.memory_space<vmem>>) offsets(%dma_start3A_43 : memref<125xi32, #tpu.memory_space<vmem>>) semaphore(%arg19 : memref<!tpu.dma_semaphore, #tpu.memory_space<semaphore_mem>>)
    %dma_start3A_47 = arith.constant 3 : i32
    %dma_start3A_48 = arith.constant 0 : i32
    %dma_start3A_49 = tpu.memref_slice %arg8[%dma_start3A_47, %dma_start3A_48] : memref<80x125xi32, #tpu.memory_space<vmem>> -> memref<1x125xi32, #tpu.memory_space<vmem>>
    %dma_start3A_50 = tpu.memref_squeeze %dma_start3A_49 : memref<1x125xi32, #tpu.memory_space<vmem>> -> memref<125xi32, #tpu.memory_space<vmem>>
    %dma_start3A_51 = arith.constant 0 : i32
    %dma_start3A_52 = arith.constant 0 : i32
    %dma_start3A_53 = tpu.memref_slice %arg2[%dma_start3A_51, %dma_start3A_52] : memref<10000x64xf32, #tpu.memory_space<hbm>> -> memref<10000x64xf32, #tpu.memory_space<hbm>>
    tpu.enqueue_indirect_dma source(%dma_start3A_53 : memref<10000x64xf32, #tpu.memory_space<hbm>>) target(%arg13 : memref<125x64xf32, #tpu.memory_space<vmem>>) offsets(%dma_start3A_50 : memref<125xi32, #tpu.memory_space<vmem>>) semaphore(%arg20 : memref<!tpu.dma_semaphore, #tpu.memory_space<semaphore_mem>>)
    %scan3A_54 = arith.constant 0 : i32
    %scan3A_55 = arith.constant 0 : i32
    %scan3A_56 = arith.constant 20 : i32
    %scan3A_57 = arith.addi %scan3A_55, %scan3A_56 : i32
    %scan3A_58 = arith.constant 1 : i32
    %scan3A_59 = scf.for %scan3A_139 = %scan3A_55 to %scan3A_57 step %scan3A_58 iter_args(%scan3A_140 = %scan3A_54) -> (i32)  : i32 {
      %mul3A_141 = arith.constant 4 : i32
      %mul3A_142 = arith.muli %mul3A_141, %scan3A_139 : i32
      %add3A_143 = arith.constant 0 : i32
      %add3A_144 = arith.addi %mul3A_142, %add3A_143 : i32
      %dma_wait3A = arith.constant 0 : i32
      %dma_wait3A_145 = tpu.memref_slice %arg8[%add3A_144, %dma_wait3A] : memref<80x125xi32, #tpu.memory_space<vmem>> -> memref<1x125xi32, #tpu.memory_space<vmem>>
      %dma_wait3A_146 = tpu.memref_squeeze %dma_wait3A_145 : memref<1x125xi32, #tpu.memory_space<vmem>> -> memref<125xi32, #tpu.memory_space<vmem>>
      %dma_wait3A_147 = arith.constant 0 : i32
      %dma_wait3A_148 = arith.constant 0 : i32
      %dma_wait3A_149 = tpu.memref_slice %arg2[%dma_wait3A_147, %dma_wait3A_148] : memref<10000x64xf32, #tpu.memory_space<hbm>> -> memref<10000x64xf32, #tpu.memory_space<hbm>>
      tpu.wait_indirect_dma semaphore(%arg17 : memref<!tpu.dma_semaphore, #tpu.memory_space<semaphore_mem>>) src(%dma_wait3A_149 : memref<10000x64xf32, #tpu.memory_space<hbm>>) dst(%arg10 : memref<125x64xf32, #tpu.memory_space<vmem>>)
      "tpu.region"() ({
        %run_scoped3A = tpu.sem_alloc : memref<!tpu.dma_semaphore, #tpu.memory_space<semaphore_mem>>
        %dma_start3A_200 = arith.constant 0 : i32
        %dma_start3A_201 = tpu.memref_slice %arg9[%add3A_144, %dma_start3A_200] : memref<80x125xi32, #tpu.memory_space<vmem>> -> memref<1x125xi32, #tpu.memory_space<vmem>>
        %dma_start3A_202 = tpu.memref_squeeze %dma_start3A_201 : memref<1x125xi32, #tpu.memory_space<vmem>> -> memref<125xi32, #tpu.memory_space<vmem>>
        %dma_start3A_203 = arith.constant 0 : i32
        %dma_start3A_204 = arith.constant 0 : i32
        %dma_start3A_205 = tpu.memref_slice %arg16[%dma_start3A_203, %dma_start3A_204] : memref<10240x64xf32, #tpu.memory_space<vmem_shared>> -> memref<10240x64xf32, #tpu.memory_space<vmem_shared>>
        tpu.enqueue_indirect_dma source(%arg10 : memref<125x64xf32, #tpu.memory_space<vmem>>) target(%dma_start3A_205 : memref<10240x64xf32, #tpu.memory_space<vmem_shared>>) offsets(%dma_start3A_202 : memref<125xi32, #tpu.memory_space<vmem>>) semaphore(%run_scoped3A : memref<!tpu.dma_semaphore, #tpu.memory_space<semaphore_mem>>) {add = true}
        %dma_wait3A_206 = arith.constant 0 : i32
        %dma_wait3A_207 = tpu.memref_slice %arg9[%add3A_144, %dma_wait3A_206] : memref<80x125xi32, #tpu.memory_space<vmem>> -> memref<1x125xi32, #tpu.memory_space<vmem>>
        %dma_wait3A_208 = tpu.memref_squeeze %dma_wait3A_207 : memref<1x125xi32, #tpu.memory_space<vmem>> -> memref<125xi32, #tpu.memory_space<vmem>>
        %dma_wait3A_209 = arith.constant 0 : i32
        %dma_wait3A_210 = arith.constant 0 : i32
        %dma_wait3A_211 = tpu.memref_slice %arg16[%dma_wait3A_209, %dma_wait3A_210] : memref<10240x64xf32, #tpu.memory_space<vmem_shared>> -> memref<10240x64xf32, #tpu.memory_space<vmem_shared>>
        tpu.wait_indirect_dma semaphore(%run_scoped3A : memref<!tpu.dma_semaphore, #tpu.memory_space<semaphore_mem>>) src(%arg10 : memref<125x64xf32, #tpu.memory_space<vmem>>) dst(%dma_wait3A_211 : memref<10240x64xf32, #tpu.memory_space<vmem_shared>>)
        tpu.yield
      }) : () -> ()
      %add3A_150 = arith.constant 4 : i32
      %add3A_151 = arith.addi %add3A_144, %add3A_150 : i32
      %lt3A = arith.constant 80 : i32
      %lt3A_152 = arith.cmpi slt, %add3A_151, %lt3A : i32
      %convert_element_type3A = arith.extui %lt3A_152 : i1 to i32
      %cond3A = arith.constant 0 : i32
      %cond3A_153 = arith.cmpi ne, %convert_element_type3A, %cond3A : i32
      scf.if %cond3A_153 {
        %add3A_200 = arith.constant 4 : i32
        %add3A_201 = arith.addi %add3A_144, %add3A_200 : i32
        %dma_start3A_202 = arith.constant 0 : i32
        %dma_start3A_203 = tpu.memref_slice %arg8[%add3A_201, %dma_start3A_202] : memref<80x125xi32, #tpu.memory_space<vmem>> -> memref<1x125xi32, #tpu.memory_space<vmem>>
        %dma_start3A_204 = tpu.memref_squeeze %dma_start3A_203 : memref<1x125xi32, #tpu.memory_space<vmem>> -> memref<125xi32, #tpu.memory_space<vmem>>
        %dma_start3A_205 = arith.constant 0 : i32
        %dma_start3A_206 = arith.constant 0 : i32
        %dma_start3A_207 = tpu.memref_slice %arg2[%dma_start3A_205, %dma_start3A_206] : memref<10000x64xf32, #tpu.memory_space<hbm>> -> memref<10000x64xf32, #tpu.memory_space<hbm>>
        tpu.enqueue_indirect_dma source(%dma_start3A_207 : memref<10000x64xf32, #tpu.memory_space<hbm>>) target(%arg10 : memref<125x64xf32, #tpu.memory_space<vmem>>) offsets(%dma_start3A_204 : memref<125xi32, #tpu.memory_space<vmem>>) semaphore(%arg17 : memref<!tpu.dma_semaphore, #tpu.memory_space<semaphore_mem>>)
      } else {
      }
      %add3A_154 = arith.constant 1 : i32
      %add3A_155 = arith.addi %mul3A_142, %add3A_154 : i32
      %dma_wait3A_156 = arith.constant 0 : i32
      %dma_wait3A_157 = tpu.memref_slice %arg8[%add3A_155, %dma_wait3A_156] : memref<80x125xi32, #tpu.memory_space<vmem>> -> memref<1x125xi32, #tpu.memory_space<vmem>>
      %dma_wait3A_158 = tpu.memref_squeeze %dma_wait3A_157 : memref<1x125xi32, #tpu.memory_space<vmem>> -> memref<125xi32, #tpu.memory_space<vmem>>
      %dma_wait3A_159 = arith.constant 0 : i32
      %dma_wait3A_160 = arith.constant 0 : i32
      %dma_wait3A_161 = tpu.memref_slice %arg2[%dma_wait3A_159, %dma_wait3A_160] : memref<10000x64xf32, #tpu.memory_space<hbm>> -> memref<10000x64xf32, #tpu.memory_space<hbm>>
      tpu.wait_indirect_dma semaphore(%arg18 : memref<!tpu.dma_semaphore, #tpu.memory_space<semaphore_mem>>) src(%dma_wait3A_161 : memref<10000x64xf32, #tpu.memory_space<hbm>>) dst(%arg11 : memref<125x64xf32, #tpu.memory_space<vmem>>)
      "tpu.region"() ({
        %run_scoped3A = tpu.sem_alloc : memref<!tpu.dma_semaphore, #tpu.memory_space<semaphore_mem>>
        %dma_start3A_200 = arith.constant 0 : i32
        %dma_start3A_201 = tpu.memref_slice %arg9[%add3A_155, %dma_start3A_200] : memref<80x125xi32, #tpu.memory_space<vmem>> -> memref<1x125xi32, #tpu.memory_space<vmem>>
        %dma_start3A_202 = tpu.memref_squeeze %dma_start3A_201 : memref<1x125xi32, #tpu.memory_space<vmem>> -> memref<125xi32, #tpu.memory_space<vmem>>
        %dma_start3A_203 = arith.constant 0 : i32
        %dma_start3A_204 = arith.constant 0 : i32
        %dma_start3A_205 = tpu.memref_slice %arg16[%dma_start3A_203, %dma_start3A_204] : memref<10240x64xf32, #tpu.memory_space<vmem_shared>> -> memref<10240x64xf32, #tpu.memory_space<vmem_shared>>
        tpu.enqueue_indirect_dma source(%arg11 : memref<125x64xf32, #tpu.memory_space<vmem>>) target(%dma_start3A_205 : memref<10240x64xf32, #tpu.memory_space<vmem_shared>>) offsets(%dma_start3A_202 : memref<125xi32, #tpu.memory_space<vmem>>) semaphore(%run_scoped3A : memref<!tpu.dma_semaphore, #tpu.memory_space<semaphore_mem>>) {add = true}
        %dma_wait3A_206 = arith.constant 0 : i32
        %dma_wait3A_207 = tpu.memref_slice %arg9[%add3A_155, %dma_wait3A_206] : memref<80x125xi32, #tpu.memory_space<vmem>> -> memref<1x125xi32, #tpu.memory_space<vmem>>
        %dma_wait3A_208 = tpu.memref_squeeze %dma_wait3A_207 : memref<1x125xi32, #tpu.memory_space<vmem>> -> memref<125xi32, #tpu.memory_space<vmem>>
        %dma_wait3A_209 = arith.constant 0 : i32
        %dma_wait3A_210 = arith.constant 0 : i32
        %dma_wait3A_211 = tpu.memref_slice %arg16[%dma_wait3A_209, %dma_wait3A_210] : memref<10240x64xf32, #tpu.memory_space<vmem_shared>> -> memref<10240x64xf32, #tpu.memory_space<vmem_shared>>
        tpu.wait_indirect_dma semaphore(%run_scoped3A : memref<!tpu.dma_semaphore, #tpu.memory_space<semaphore_mem>>) src(%arg11 : memref<125x64xf32, #tpu.memory_space<vmem>>) dst(%dma_wait3A_211 : memref<10240x64xf32, #tpu.memory_space<vmem_shared>>)
        tpu.yield
      }) : () -> ()
      %add3A_162 = arith.constant 4 : i32
      %add3A_163 = arith.addi %add3A_155, %add3A_162 : i32
      %lt3A_164 = arith.constant 80 : i32
      %lt3A_165 = arith.cmpi slt, %add3A_163, %lt3A_164 : i32
      %convert_element_type3A_166 = arith.extui %lt3A_165 : i1 to i32
      %cond3A_167 = arith.constant 0 : i32
      %cond3A_168 = arith.cmpi ne, %convert_element_type3A_166, %cond3A_167 : i32
      scf.if %cond3A_168 {
        %add3A_200 = arith.constant 4 : i32
        %add3A_201 = arith.addi %add3A_155, %add3A_200 : i32
        %dma_start3A_202 = arith.constant 0 : i32
        %dma_start3A_203 = tpu.memref_slice %arg8[%add3A_201, %dma_start3A_202] : memref<80x125xi32, #tpu.memory_space<vmem>> -> memref<1x125xi32, #tpu.memory_space<vmem>>
        %dma_start3A_204 = tpu.memref_squeeze %dma_start3A_203 : memref<1x125xi32, #tpu.memory_space<vmem>> -> memref<125xi32, #tpu.memory_space<vmem>>
        %dma_start3A_205 = arith.constant 0 : i32
        %dma_start3A_206 = arith.constant 0 : i32
        %dma_start3A_207 = tpu.memref_slice %arg2[%dma_start3A_205, %dma_start3A_206] : memref<10000x64xf32, #tpu.memory_space<hbm>> -> memref<10000x64xf32, #tpu.memory_space<hbm>>
        tpu.enqueue_indirect_dma source(%dma_start3A_207 : memref<10000x64xf32, #tpu.memory_space<hbm>>) target(%arg11 : memref<125x64xf32, #tpu.memory_space<vmem>>) offsets(%dma_start3A_204 : memref<125xi32, #tpu.memory_space<vmem>>) semaphore(%arg18 : memref<!tpu.dma_semaphore, #tpu.memory_space<semaphore_mem>>)
      } else {
      }
      %add3A_169 = arith.constant 2 : i32
      %add3A_170 = arith.addi %mul3A_142, %add3A_169 : i32
      %dma_wait3A_171 = arith.constant 0 : i32
      %dma_wait3A_172 = tpu.memref_slice %arg8[%add3A_170, %dma_wait3A_171] : memref<80x125xi32, #tpu.memory_space<vmem>> -> memref<1x125xi32, #tpu.memory_space<vmem>>
      %dma_wait3A_173 = tpu.memref_squeeze %dma_wait3A_172 : memref<1x125xi32, #tpu.memory_space<vmem>> -> memref<125xi32, #tpu.memory_space<vmem>>
      %dma_wait3A_174 = arith.constant 0 : i32
      %dma_wait3A_175 = arith.constant 0 : i32
      %dma_wait3A_176 = tpu.memref_slice %arg2[%dma_wait3A_174, %dma_wait3A_175] : memref<10000x64xf32, #tpu.memory_space<hbm>> -> memref<10000x64xf32, #tpu.memory_space<hbm>>
      tpu.wait_indirect_dma semaphore(%arg19 : memref<!tpu.dma_semaphore, #tpu.memory_space<semaphore_mem>>) src(%dma_wait3A_176 : memref<10000x64xf32, #tpu.memory_space<hbm>>) dst(%arg12 : memref<125x64xf32, #tpu.memory_space<vmem>>)
      "tpu.region"() ({
        %run_scoped3A = tpu.sem_alloc : memref<!tpu.dma_semaphore, #tpu.memory_space<semaphore_mem>>
        %dma_start3A_200 = arith.constant 0 : i32
        %dma_start3A_201 = tpu.memref_slice %arg9[%add3A_170, %dma_start3A_200] : memref<80x125xi32, #tpu.memory_space<vmem>> -> memref<1x125xi32, #tpu.memory_space<vmem>>
        %dma_start3A_202 = tpu.memref_squeeze %dma_start3A_201 : memref<1x125xi32, #tpu.memory_space<vmem>> -> memref<125xi32, #tpu.memory_space<vmem>>
        %dma_start3A_203 = arith.constant 0 : i32
        %dma_start3A_204 = arith.constant 0 : i32
        %dma_start3A_205 = tpu.memref_slice %arg16[%dma_start3A_203, %dma_start3A_204] : memref<10240x64xf32, #tpu.memory_space<vmem_shared>> -> memref<10240x64xf32, #tpu.memory_space<vmem_shared>>
        tpu.enqueue_indirect_dma source(%arg12 : memref<125x64xf32, #tpu.memory_space<vmem>>) target(%dma_start3A_205 : memref<10240x64xf32, #tpu.memory_space<vmem_shared>>) offsets(%dma_start3A_202 : memref<125xi32, #tpu.memory_space<vmem>>) semaphore(%run_scoped3A : memref<!tpu.dma_semaphore, #tpu.memory_space<semaphore_mem>>) {add = true}
        %dma_wait3A_206 = arith.constant 0 : i32
        %dma_wait3A_207 = tpu.memref_slice %arg9[%add3A_170, %dma_wait3A_206] : memref<80x125xi32, #tpu.memory_space<vmem>> -> memref<1x125xi32, #tpu.memory_space<vmem>>
        %dma_wait3A_208 = tpu.memref_squeeze %dma_wait3A_207 : memref<1x125xi32, #tpu.memory_space<vmem>> -> memref<125xi32, #tpu.memory_space<vmem>>
        %dma_wait3A_209 = arith.constant 0 : i32
        %dma_wait3A_210 = arith.constant 0 : i32
        %dma_wait3A_211 = tpu.memref_slice %arg16[%dma_wait3A_209, %dma_wait3A_210] : memref<10240x64xf32, #tpu.memory_space<vmem_shared>> -> memref<10240x64xf32, #tpu.memory_space<vmem_shared>>
        tpu.wait_indirect_dma semaphore(%run_scoped3A : memref<!tpu.dma_semaphore, #tpu.memory_space<semaphore_mem>>) src(%arg12 : memref<125x64xf32, #tpu.memory_space<vmem>>) dst(%dma_wait3A_211 : memref<10240x64xf32, #tpu.memory_space<vmem_shared>>)
        tpu.yield
      }) : () -> ()
      %add3A_177 = arith.constant 4 : i32
      %add3A_178 = arith.addi %add3A_170, %add3A_177 : i32
      %lt3A_179 = arith.constant 80 : i32
      %lt3A_180 = arith.cmpi slt, %add3A_178, %lt3A_179 : i32
      %convert_element_type3A_181 = arith.extui %lt3A_180 : i1 to i32
      %cond3A_182 = arith.constant 0 : i32
      %cond3A_183 = arith.cmpi ne, %convert_element_type3A_181, %cond3A_182 : i32
      scf.if %cond3A_183 {
        %add3A_200 = arith.constant 4 : i32
        %add3A_201 = arith.addi %add3A_170, %add3A_200 : i32
        %dma_start3A_202 = arith.constant 0 : i32
        %dma_start3A_203 = tpu.memref_slice %arg8[%add3A_201, %dma_start3A_202] : memref<80x125xi32, #tpu.memory_space<vmem>> -> memref<1x125xi32, #tpu.memory_space<vmem>>
        %dma_start3A_204 = tpu.memref_squeeze %dma_start3A_203 : memref<1x125xi32, #tpu.memory_space<vmem>> -> memref<125xi32, #tpu.memory_space<vmem>>
        %dma_start3A_205 = arith.constant 0 : i32
        %dma_start3A_206 = arith.constant 0 : i32
        %dma_start3A_207 = tpu.memref_slice %arg2[%dma_start3A_205, %dma_start3A_206] : memref<10000x64xf32, #tpu.memory_space<hbm>> -> memref<10000x64xf32, #tpu.memory_space<hbm>>
        tpu.enqueue_indirect_dma source(%dma_start3A_207 : memref<10000x64xf32, #tpu.memory_space<hbm>>) target(%arg12 : memref<125x64xf32, #tpu.memory_space<vmem>>) offsets(%dma_start3A_204 : memref<125xi32, #tpu.memory_space<vmem>>) semaphore(%arg19 : memref<!tpu.dma_semaphore, #tpu.memory_space<semaphore_mem>>)
      } else {
      }
      %add3A_184 = arith.constant 3 : i32
      %add3A_185 = arith.addi %mul3A_142, %add3A_184 : i32
      %dma_wait3A_186 = arith.constant 0 : i32
      %dma_wait3A_187 = tpu.memref_slice %arg8[%add3A_185, %dma_wait3A_186] : memref<80x125xi32, #tpu.memory_space<vmem>> -> memref<1x125xi32, #tpu.memory_space<vmem>>
      %dma_wait3A_188 = tpu.memref_squeeze %dma_wait3A_187 : memref<1x125xi32, #tpu.memory_space<vmem>> -> memref<125xi32, #tpu.memory_space<vmem>>
      %dma_wait3A_189 = arith.constant 0 : i32
      %dma_wait3A_190 = arith.constant 0 : i32
      %dma_wait3A_191 = tpu.memref_slice %arg2[%dma_wait3A_189, %dma_wait3A_190] : memref<10000x64xf32, #tpu.memory_space<hbm>> -> memref<10000x64xf32, #tpu.memory_space<hbm>>
      tpu.wait_indirect_dma semaphore(%arg20 : memref<!tpu.dma_semaphore, #tpu.memory_space<semaphore_mem>>) src(%dma_wait3A_191 : memref<10000x64xf32, #tpu.memory_space<hbm>>) dst(%arg13 : memref<125x64xf32, #tpu.memory_space<vmem>>)
      "tpu.region"() ({
        %run_scoped3A = tpu.sem_alloc : memref<!tpu.dma_semaphore, #tpu.memory_space<semaphore_mem>>
        %dma_start3A_200 = arith.constant 0 : i32
        %dma_start3A_201 = tpu.memref_slice %arg9[%add3A_185, %dma_start3A_200] : memref<80x125xi32, #tpu.memory_space<vmem>> -> memref<1x125xi32, #tpu.memory_space<vmem>>
        %dma_start3A_202 = tpu.memref_squeeze %dma_start3A_201 : memref<1x125xi32, #tpu.memory_space<vmem>> -> memref<125xi32, #tpu.memory_space<vmem>>
        %dma_start3A_203 = arith.constant 0 : i32
        %dma_start3A_204 = arith.constant 0 : i32
        %dma_start3A_205 = tpu.memref_slice %arg16[%dma_start3A_203, %dma_start3A_204] : memref<10240x64xf32, #tpu.memory_space<vmem_shared>> -> memref<10240x64xf32, #tpu.memory_space<vmem_shared>>
        tpu.enqueue_indirect_dma source(%arg13 : memref<125x64xf32, #tpu.memory_space<vmem>>) target(%dma_start3A_205 : memref<10240x64xf32, #tpu.memory_space<vmem_shared>>) offsets(%dma_start3A_202 : memref<125xi32, #tpu.memory_space<vmem>>) semaphore(%run_scoped3A : memref<!tpu.dma_semaphore, #tpu.memory_space<semaphore_mem>>) {add = true}
        %dma_wait3A_206 = arith.constant 0 : i32
        %dma_wait3A_207 = tpu.memref_slice %arg9[%add3A_185, %dma_wait3A_206] : memref<80x125xi32, #tpu.memory_space<vmem>> -> memref<1x125xi32, #tpu.memory_space<vmem>>
        %dma_wait3A_208 = tpu.memref_squeeze %dma_wait3A_207 : memref<1x125xi32, #tpu.memory_space<vmem>> -> memref<125xi32, #tpu.memory_space<vmem>>
        %dma_wait3A_209 = arith.constant 0 : i32
        %dma_wait3A_210 = arith.constant 0 : i32
        %dma_wait3A_211 = tpu.memref_slice %arg16[%dma_wait3A_209, %dma_wait3A_210] : memref<10240x64xf32, #tpu.memory_space<vmem_shared>> -> memref<10240x64xf32, #tpu.memory_space<vmem_shared>>
        tpu.wait_indirect_dma semaphore(%run_scoped3A : memref<!tpu.dma_semaphore, #tpu.memory_space<semaphore_mem>>) src(%arg13 : memref<125x64xf32, #tpu.memory_space<vmem>>) dst(%dma_wait3A_211 : memref<10240x64xf32, #tpu.memory_space<vmem_shared>>)
        tpu.yield
      }) : () -> ()
      %add3A_192 = arith.constant 4 : i32
      %add3A_193 = arith.addi %add3A_185, %add3A_192 : i32
      %lt3A_194 = arith.constant 80 : i32
      %lt3A_195 = arith.cmpi slt, %add3A_193, %lt3A_194 : i32
      %convert_element_type3A_196 = arith.extui %lt3A_195 : i1 to i32
      %cond3A_197 = arith.constant 0 : i32
      %cond3A_198 = arith.cmpi ne, %convert_element_type3A_196, %cond3A_197 : i32
      scf.if %cond3A_198 {
        %add3A_200 = arith.constant 4 : i32
        %add3A_201 = arith.addi %add3A_185, %add3A_200 : i32
        %dma_start3A_202 = arith.constant 0 : i32
        %dma_start3A_203 = tpu.memref_slice %arg8[%add3A_201, %dma_start3A_202] : memref<80x125xi32, #tpu.memory_space<vmem>> -> memref<1x125xi32, #tpu.memory_space<vmem>>
        %dma_start3A_204 = tpu.memref_squeeze %dma_start3A_203 : memref<1x125xi32, #tpu.memory_space<vmem>> -> memref<125xi32, #tpu.memory_space<vmem>>
        %dma_start3A_205 = arith.constant 0 : i32
        %dma_start3A_206 = arith.constant 0 : i32
        %dma_start3A_207 = tpu.memref_slice %arg2[%dma_start3A_205, %dma_start3A_206] : memref<10000x64xf32, #tpu.memory_space<hbm>> -> memref<10000x64xf32, #tpu.memory_space<hbm>>
        tpu.enqueue_indirect_dma source(%dma_start3A_207 : memref<10000x64xf32, #tpu.memory_space<hbm>>) target(%arg13 : memref<125x64xf32, #tpu.memory_space<vmem>>) offsets(%dma_start3A_204 : memref<125xi32, #tpu.memory_space<vmem>>) semaphore(%arg20 : memref<!tpu.dma_semaphore, #tpu.memory_space<semaphore_mem>>)
      } else {
      }
      %scan3A_199 = arith.constant 0 : i32
      scf.yield %scan3A_199 : i32
    }
    %scan3A_60 = arith.constant 20 : i32
    %barrier3A_61 = arith.constant 0 : index
    tpu.barrier barrier_id(%barrier3A_61)
    %mul3A_62 = arith.constant 640 : i32
    %mul3A_63 = arith.muli %arg1, %mul3A_62 : i32
    %add3A_64 = arith.constant 0 : i32
    %add3A_65 = arith.addi %mul3A_63, %add3A_64 : i32
    "tpu.region"() ({
      %run_scoped3A = tpu.sem_alloc : memref<!tpu.dma_semaphore, #tpu.memory_space<semaphore_mem>>
      %dma_start3A_139 = arith.constant 0 : i32
      %dma_start3A_140 = tpu.memref_slice %arg16[%add3A_65, %dma_start3A_139] : memref<10240x64xf32, #tpu.memory_space<vmem_shared>> -> memref<128x64xf32, #tpu.memory_space<vmem_shared>>
      %dma_start3A_141 = arith.constant 0 : i32
      %dma_start3A_142 = tpu.memref_slice %arg16[%add3A_65, %dma_start3A_141] : memref<10240x64xf32, #tpu.memory_space<vmem_shared>> -> memref<128x64xf32, #tpu.memory_space<vmem_shared>>
      tpu.enqueue_dma source(%dma_start3A_142 : memref<128x64xf32, #tpu.memory_space<vmem_shared>>) target(%arg15 : memref<128x64xf32, #tpu.memory_space<vmem>>) target_semaphore(%run_scoped3A : memref<!tpu.dma_semaphore, #tpu.memory_space<semaphore_mem>>)
      %dma_wait3A = arith.constant 0 : i32
      %dma_wait3A_143 = tpu.memref_slice %arg16[%add3A_65, %dma_wait3A] : memref<10240x64xf32, #tpu.memory_space<vmem_shared>> -> memref<128x64xf32, #tpu.memory_space<vmem_shared>>
      %dma_wait3A_144 = arith.constant 0 : i32
      %dma_wait3A_145 = tpu.memref_slice %arg16[%add3A_65, %dma_wait3A_144] : memref<10240x64xf32, #tpu.memory_space<vmem_shared>> -> memref<128x64xf32, #tpu.memory_space<vmem_shared>>
      tpu.wait_dma2 semaphore(%run_scoped3A : memref<!tpu.dma_semaphore, #tpu.memory_space<semaphore_mem>>) src(%dma_wait3A_145 : memref<128x64xf32, #tpu.memory_space<vmem_shared>>) dst(%arg15 : memref<128x64xf32, #tpu.memory_space<vmem>>)
      tpu.yield
    }) : () -> ()
    "tpu.region"() ({
      %run_scoped3A = tpu.sem_alloc : memref<!tpu.dma_semaphore, #tpu.memory_space<semaphore_mem>>
      %dma_start3A_139 = arith.constant 0 : i32
      %dma_start3A_140 = arith.constant 0 : i32
      %dma_start3A_141 = tpu.memref_slice %arg6[%arg0, %dma_start3A_139, %dma_start3A_140] : memref<2x10240x64xf32, #tpu.memory_space<hbm>> -> memref<1x10240x64xf32, #tpu.memory_space<hbm>>
      %dma_start3A_142 = tpu.memref_squeeze %dma_start3A_141 : memref<1x10240x64xf32, #tpu.memory_space<hbm>> -> memref<10240x64xf32, #tpu.memory_space<hbm>>
      %dma_start3A_143 = arith.constant 0 : i32
      %dma_start3A_144 = tpu.memref_slice %dma_start3A_142[%add3A_65, %dma_start3A_143] : memref<10240x64xf32, #tpu.memory_space<hbm>> -> memref<128x64xf32, #tpu.memory_space<hbm>>
      %dma_start3A_145 = arith.constant 0 : i32
      %dma_start3A_146 = arith.constant 0 : i32
      %dma_start3A_147 = tpu.memref_slice %arg6[%arg0, %dma_start3A_145, %dma_start3A_146] : memref<2x10240x64xf32, #tpu.memory_space<hbm>> -> memref<1x10240x64xf32, #tpu.memory_space<hbm>>
      %dma_start3A_148 = tpu.memref_squeeze %dma_start3A_147 : memref<1x10240x64xf32, #tpu.memory_space<hbm>> -> memref<10240x64xf32, #tpu.memory_space<hbm>>
      %dma_start3A_149 = arith.constant 0 : i32
      %dma_start3A_150 = tpu.memref_slice %dma_start3A_148[%add3A_65, %dma_start3A_149] : memref<10240x64xf32, #tpu.memory_space<hbm>> -> memref<128x64xf32, #tpu.memory_space<hbm>>
      tpu.enqueue_dma source(%arg15 : memref<128x64xf32, #tpu.memory_space<vmem>>) target(%dma_start3A_150 : memref<128x64xf32, #tpu.memory_space<hbm>>) target_semaphore(%run_scoped3A : memref<!tpu.dma_semaphore, #tpu.memory_space<semaphore_mem>>)
      %dma_wait3A = arith.constant 0 : i32
      %dma_wait3A_151 = arith.constant 0 : i32
      %dma_wait3A_152 = tpu.memref_slice %arg6[%arg0, %dma_wait3A, %dma_wait3A_151] : memref<2x10240x64xf32, #tpu.memory_space<hbm>> -> memref<1x10240x64xf32, #tpu.memory_space<hbm>>
      %dma_wait3A_153 = tpu.memref_squeeze %dma_wait3A_152 : memref<1x10240x64xf32, #tpu.memory_space<hbm>> -> memref<10240x64xf32, #tpu.memory_space<hbm>>
      %dma_wait3A_154 = arith.constant 0 : i32
      %dma_wait3A_155 = tpu.memref_slice %dma_wait3A_153[%add3A_65, %dma_wait3A_154] : memref<10240x64xf32, #tpu.memory_space<hbm>> -> memref<128x64xf32, #tpu.memory_space<hbm>>
      %dma_wait3A_156 = arith.constant 0 : i32
      %dma_wait3A_157 = arith.constant 0 : i32
      %dma_wait3A_158 = tpu.memref_slice %arg6[%arg0, %dma_wait3A_156, %dma_wait3A_157] : memref<2x10240x64xf32, #tpu.memory_space<hbm>> -> memref<1x10240x64xf32, #tpu.memory_space<hbm>>
      %dma_wait3A_159 = tpu.memref_squeeze %dma_wait3A_158 : memref<1x10240x64xf32, #tpu.memory_space<hbm>> -> memref<10240x64xf32, #tpu.memory_space<hbm>>
      %dma_wait3A_160 = arith.constant 0 : i32
      %dma_wait3A_161 = tpu.memref_slice %dma_wait3A_159[%add3A_65, %dma_wait3A_160] : memref<10240x64xf32, #tpu.memory_space<hbm>> -> memref<128x64xf32, #tpu.memory_space<hbm>>
      tpu.wait_dma2 semaphore(%run_scoped3A : memref<!tpu.dma_semaphore, #tpu.memory_space<semaphore_mem>>) src(%arg15 : memref<128x64xf32, #tpu.memory_space<vmem>>) dst(%dma_wait3A_161 : memref<128x64xf32, #tpu.memory_space<hbm>>)
      tpu.yield
    }) : () -> ()
    "tpu.region"() ({
      %run_scoped3A = tpu.sem_alloc : memref<!tpu.dma_semaphore, #tpu.memory_space<semaphore_mem>>
      %dma_start3A_139 = arith.constant 0 : i32
      %dma_start3A_140 = tpu.memref_slice %arg16[%add3A_65, %dma_start3A_139] : memref<10240x64xf32, #tpu.memory_space<vmem_shared>> -> memref<128x64xf32, #tpu.memory_space<vmem_shared>>
      %dma_start3A_141 = arith.constant 0 : i32
      %dma_start3A_142 = tpu.memref_slice %arg16[%add3A_65, %dma_start3A_141] : memref<10240x64xf32, #tpu.memory_space<vmem_shared>> -> memref<128x64xf32, #tpu.memory_space<vmem_shared>>
      tpu.enqueue_dma source(%arg14 : memref<128x64xf32, #tpu.memory_space<vmem>>) target(%dma_start3A_142 : memref<128x64xf32, #tpu.memory_space<vmem_shared>>) target_semaphore(%run_scoped3A : memref<!tpu.dma_semaphore, #tpu.memory_space<semaphore_mem>>)
      %dma_wait3A = arith.constant 0 : i32
      %dma_wait3A_143 = tpu.memref_slice %arg16[%add3A_65, %dma_wait3A] : memref<10240x64xf32, #tpu.memory_space<vmem_shared>> -> memref<128x64xf32, #tpu.memory_space<vmem_shared>>
      %dma_wait3A_144 = arith.constant 0 : i32
      %dma_wait3A_145 = tpu.memref_slice %arg16[%add3A_65, %dma_wait3A_144] : memref<10240x64xf32, #tpu.memory_space<vmem_shared>> -> memref<128x64xf32, #tpu.memory_space<vmem_shared>>
      tpu.wait_dma2 semaphore(%run_scoped3A : memref<!tpu.dma_semaphore, #tpu.memory_space<semaphore_mem>>) src(%arg14 : memref<128x64xf32, #tpu.memory_space<vmem>>) dst(%dma_wait3A_145 : memref<128x64xf32, #tpu.memory_space<vmem_shared>>)
      tpu.yield
    }) : () -> ()
    %mul3A_66 = arith.constant 640 : i32
    %mul3A_67 = arith.muli %arg1, %mul3A_66 : i32
    %add3A_68 = arith.constant 128 : i32
    %add3A_69 = arith.addi %mul3A_67, %add3A_68 : i32
    "tpu.region"() ({
      %run_scoped3A = tpu.sem_alloc : memref<!tpu.dma_semaphore, #tpu.memory_space<semaphore_mem>>
      %dma_start3A_139 = arith.constant 0 : i32
      %dma_start3A_140 = tpu.memref_slice %arg16[%add3A_69, %dma_start3A_139] : memref<10240x64xf32, #tpu.memory_space<vmem_shared>> -> memref<128x64xf32, #tpu.memory_space<vmem_shared>>
      %dma_start3A_141 = arith.constant 0 : i32
      %dma_start3A_142 = tpu.memref_slice %arg16[%add3A_69, %dma_start3A_141] : memref<10240x64xf32, #tpu.memory_space<vmem_shared>> -> memref<128x64xf32, #tpu.memory_space<vmem_shared>>
      tpu.enqueue_dma source(%dma_start3A_142 : memref<128x64xf32, #tpu.memory_space<vmem_shared>>) target(%arg15 : memref<128x64xf32, #tpu.memory_space<vmem>>) target_semaphore(%run_scoped3A : memref<!tpu.dma_semaphore, #tpu.memory_space<semaphore_mem>>)
      %dma_wait3A = arith.constant 0 : i32
      %dma_wait3A_143 = tpu.memref_slice %arg16[%add3A_69, %dma_wait3A] : memref<10240x64xf32, #tpu.memory_space<vmem_shared>> -> memref<128x64xf32, #tpu.memory_space<vmem_shared>>
      %dma_wait3A_144 = arith.constant 0 : i32
      %dma_wait3A_145 = tpu.memref_slice %arg16[%add3A_69, %dma_wait3A_144] : memref<10240x64xf32, #tpu.memory_space<vmem_shared>> -> memref<128x64xf32, #tpu.memory_space<vmem_shared>>
      tpu.wait_dma2 semaphore(%run_scoped3A : memref<!tpu.dma_semaphore, #tpu.memory_space<semaphore_mem>>) src(%dma_wait3A_145 : memref<128x64xf32, #tpu.memory_space<vmem_shared>>) dst(%arg15 : memref<128x64xf32, #tpu.memory_space<vmem>>)
      tpu.yield
    }) : () -> ()
    "tpu.region"() ({
      %run_scoped3A = tpu.sem_alloc : memref<!tpu.dma_semaphore, #tpu.memory_space<semaphore_mem>>
      %dma_start3A_139 = arith.constant 0 : i32
      %dma_start3A_140 = arith.constant 0 : i32
      %dma_start3A_141 = tpu.memref_slice %arg6[%arg0, %dma_start3A_139, %dma_start3A_140] : memref<2x10240x64xf32, #tpu.memory_space<hbm>> -> memref<1x10240x64xf32, #tpu.memory_space<hbm>>
      %dma_start3A_142 = tpu.memref_squeeze %dma_start3A_141 : memref<1x10240x64xf32, #tpu.memory_space<hbm>> -> memref<10240x64xf32, #tpu.memory_space<hbm>>
      %dma_start3A_143 = arith.constant 0 : i32
      %dma_start3A_144 = tpu.memref_slice %dma_start3A_142[%add3A_69, %dma_start3A_143] : memref<10240x64xf32, #tpu.memory_space<hbm>> -> memref<128x64xf32, #tpu.memory_space<hbm>>
      %dma_start3A_145 = arith.constant 0 : i32
      %dma_start3A_146 = arith.constant 0 : i32
      %dma_start3A_147 = tpu.memref_slice %arg6[%arg0, %dma_start3A_145, %dma_start3A_146] : memref<2x10240x64xf32, #tpu.memory_space<hbm>> -> memref<1x10240x64xf32, #tpu.memory_space<hbm>>
      %dma_start3A_148 = tpu.memref_squeeze %dma_start3A_147 : memref<1x10240x64xf32, #tpu.memory_space<hbm>> -> memref<10240x64xf32, #tpu.memory_space<hbm>>
      %dma_start3A_149 = arith.constant 0 : i32
      %dma_start3A_150 = tpu.memref_slice %dma_start3A_148[%add3A_69, %dma_start3A_149] : memref<10240x64xf32, #tpu.memory_space<hbm>> -> memref<128x64xf32, #tpu.memory_space<hbm>>
      tpu.enqueue_dma source(%arg15 : memref<128x64xf32, #tpu.memory_space<vmem>>) target(%dma_start3A_150 : memref<128x64xf32, #tpu.memory_space<hbm>>) target_semaphore(%run_scoped3A : memref<!tpu.dma_semaphore, #tpu.memory_space<semaphore_mem>>)
      %dma_wait3A = arith.constant 0 : i32
      %dma_wait3A_151 = arith.constant 0 : i32
      %dma_wait3A_152 = tpu.memref_slice %arg6[%arg0, %dma_wait3A, %dma_wait3A_151] : memref<2x10240x64xf32, #tpu.memory_space<hbm>> -> memref<1x10240x64xf32, #tpu.memory_space<hbm>>
      %dma_wait3A_153 = tpu.memref_squeeze %dma_wait3A_152 : memref<1x10240x64xf32, #tpu.memory_space<hbm>> -> memref<10240x64xf32, #tpu.memory_space<hbm>>
      %dma_wait3A_154 = arith.constant 0 : i32
      %dma_wait3A_155 = tpu.memref_slice %dma_wait3A_153[%add3A_69, %dma_wait3A_154] : memref<10240x64xf32, #tpu.memory_space<hbm>> -> memref<128x64xf32, #tpu.memory_space<hbm>>
      %dma_wait3A_156 = arith.constant 0 : i32
      %dma_wait3A_157 = arith.constant 0 : i32
      %dma_wait3A_158 = tpu.memref_slice %arg6[%arg0, %dma_wait3A_156, %dma_wait3A_157] : memref<2x10240x64xf32, #tpu.memory_space<hbm>> -> memref<1x10240x64xf32, #tpu.memory_space<hbm>>
      %dma_wait3A_159 = tpu.memref_squeeze %dma_wait3A_158 : memref<1x10240x64xf32, #tpu.memory_space<hbm>> -> memref<10240x64xf32, #tpu.memory_space<hbm>>
      %dma_wait3A_160 = arith.constant 0 : i32
      %dma_wait3A_161 = tpu.memref_slice %dma_wait3A_159[%add3A_69, %dma_wait3A_160] : memref<10240x64xf32, #tpu.memory_space<hbm>> -> memref<128x64xf32, #tpu.memory_space<hbm>>
      tpu.wait_dma2 semaphore(%run_scoped3A : memref<!tpu.dma_semaphore, #tpu.memory_space<semaphore_mem>>) src(%arg15 : memref<128x64xf32, #tpu.memory_space<vmem>>) dst(%dma_wait3A_161 : memref<128x64xf32, #tpu.memory_space<hbm>>)
      tpu.yield
    }) : () -> ()
    "tpu.region"() ({
      %run_scoped3A = tpu.sem_alloc : memref<!tpu.dma_semaphore, #tpu.memory_space<semaphore_mem>>
      %dma_start3A_139 = arith.constant 0 : i32
      %dma_start3A_140 = tpu.memref_slice %arg16[%add3A_69, %dma_start3A_139] : memref<10240x64xf32, #tpu.memory_space<vmem_shared>> -> memref<128x64xf32, #tpu.memory_space<vmem_shared>>
      %dma_start3A_141 = arith.constant 0 : i32
      %dma_start3A_142 = tpu.memref_slice %arg16[%add3A_69, %dma_start3A_141] : memref<10240x64xf32, #tpu.memory_space<vmem_shared>> -> memref<128x64xf32, #tpu.memory_space<vmem_shared>>
      tpu.enqueue_dma source(%arg14 : memref<128x64xf32, #tpu.memory_space<vmem>>) target(%dma_start3A_142 : memref<128x64xf32, #tpu.memory_space<vmem_shared>>) target_semaphore(%run_scoped3A : memref<!tpu.dma_semaphore, #tpu.memory_space<semaphore_mem>>)
      %dma_wait3A = arith.constant 0 : i32
      %dma_wait3A_143 = tpu.memref_slice %arg16[%add3A_69, %dma_wait3A] : memref<10240x64xf32, #tpu.memory_space<vmem_shared>> -> memref<128x64xf32, #tpu.memory_space<vmem_shared>>
      %dma_wait3A_144 = arith.constant 0 : i32
      %dma_wait3A_145 = tpu.memref_slice %arg16[%add3A_69, %dma_wait3A_144] : memref<10240x64xf32, #tpu.memory_space<vmem_shared>> -> memref<128x64xf32, #tpu.memory_space<vmem_shared>>
      tpu.wait_dma2 semaphore(%run_scoped3A : memref<!tpu.dma_semaphore, #tpu.memory_space<semaphore_mem>>) src(%arg14 : memref<128x64xf32, #tpu.memory_space<vmem>>) dst(%dma_wait3A_145 : memref<128x64xf32, #tpu.memory_space<vmem_shared>>)
      tpu.yield
    }) : () -> ()
    %mul3A_70 = arith.constant 640 : i32
    %mul3A_71 = arith.muli %arg1, %mul3A_70 : i32
    %add3A_72 = arith.constant 256 : i32
    %add3A_73 = arith.addi %mul3A_71, %add3A_72 : i32
    "tpu.region"() ({
      %run_scoped3A = tpu.sem_alloc : memref<!tpu.dma_semaphore, #tpu.memory_space<semaphore_mem>>
      %dma_start3A_139 = arith.constant 0 : i32
      %dma_start3A_140 = tpu.memref_slice %arg16[%add3A_73, %dma_start3A_139] : memref<10240x64xf32, #tpu.memory_space<vmem_shared>> -> memref<128x64xf32, #tpu.memory_space<vmem_shared>>
      %dma_start3A_141 = arith.constant 0 : i32
      %dma_start3A_142 = tpu.memref_slice %arg16[%add3A_73, %dma_start3A_141] : memref<10240x64xf32, #tpu.memory_space<vmem_shared>> -> memref<128x64xf32, #tpu.memory_space<vmem_shared>>
      tpu.enqueue_dma source(%dma_start3A_142 : memref<128x64xf32, #tpu.memory_space<vmem_shared>>) target(%arg15 : memref<128x64xf32, #tpu.memory_space<vmem>>) target_semaphore(%run_scoped3A : memref<!tpu.dma_semaphore, #tpu.memory_space<semaphore_mem>>)
      %dma_wait3A = arith.constant 0 : i32
      %dma_wait3A_143 = tpu.memref_slice %arg16[%add3A_73, %dma_wait3A] : memref<10240x64xf32, #tpu.memory_space<vmem_shared>> -> memref<128x64xf32, #tpu.memory_space<vmem_shared>>
      %dma_wait3A_144 = arith.constant 0 : i32
      %dma_wait3A_145 = tpu.memref_slice %arg16[%add3A_73, %dma_wait3A_144] : memref<10240x64xf32, #tpu.memory_space<vmem_shared>> -> memref<128x64xf32, #tpu.memory_space<vmem_shared>>
      tpu.wait_dma2 semaphore(%run_scoped3A : memref<!tpu.dma_semaphore, #tpu.memory_space<semaphore_mem>>) src(%dma_wait3A_145 : memref<128x64xf32, #tpu.memory_space<vmem_shared>>) dst(%arg15 : memref<128x64xf32, #tpu.memory_space<vmem>>)
      tpu.yield
    }) : () -> ()
    "tpu.region"() ({
      %run_scoped3A = tpu.sem_alloc : memref<!tpu.dma_semaphore, #tpu.memory_space<semaphore_mem>>
      %dma_start3A_139 = arith.constant 0 : i32
      %dma_start3A_140 = arith.constant 0 : i32
      %dma_start3A_141 = tpu.memref_slice %arg6[%arg0, %dma_start3A_139, %dma_start3A_140] : memref<2x10240x64xf32, #tpu.memory_space<hbm>> -> memref<1x10240x64xf32, #tpu.memory_space<hbm>>
      %dma_start3A_142 = tpu.memref_squeeze %dma_start3A_141 : memref<1x10240x64xf32, #tpu.memory_space<hbm>> -> memref<10240x64xf32, #tpu.memory_space<hbm>>
      %dma_start3A_143 = arith.constant 0 : i32
      %dma_start3A_144 = tpu.memref_slice %dma_start3A_142[%add3A_73, %dma_start3A_143] : memref<10240x64xf32, #tpu.memory_space<hbm>> -> memref<128x64xf32, #tpu.memory_space<hbm>>
      %dma_start3A_145 = arith.constant 0 : i32
      %dma_start3A_146 = arith.constant 0 : i32
      %dma_start3A_147 = tpu.memref_slice %arg6[%arg0, %dma_start3A_145, %dma_start3A_146] : memref<2x10240x64xf32, #tpu.memory_space<hbm>> -> memref<1x10240x64xf32, #tpu.memory_space<hbm>>
      %dma_start3A_148 = tpu.memref_squeeze %dma_start3A_147 : memref<1x10240x64xf32, #tpu.memory_space<hbm>> -> memref<10240x64xf32, #tpu.memory_space<hbm>>
      %dma_start3A_149 = arith.constant 0 : i32
      %dma_start3A_150 = tpu.memref_slice %dma_start3A_148[%add3A_73, %dma_start3A_149] : memref<10240x64xf32, #tpu.memory_space<hbm>> -> memref<128x64xf32, #tpu.memory_space<hbm>>
      tpu.enqueue_dma source(%arg15 : memref<128x64xf32, #tpu.memory_space<vmem>>) target(%dma_start3A_150 : memref<128x64xf32, #tpu.memory_space<hbm>>) target_semaphore(%run_scoped3A : memref<!tpu.dma_semaphore, #tpu.memory_space<semaphore_mem>>)
      %dma_wait3A = arith.constant 0 : i32
      %dma_wait3A_151 = arith.constant 0 : i32
      %dma_wait3A_152 = tpu.memref_slice %arg6[%arg0, %dma_wait3A, %dma_wait3A_151] : memref<2x10240x64xf32, #tpu.memory_space<hbm>> -> memref<1x10240x64xf32, #tpu.memory_space<hbm>>
      %dma_wait3A_153 = tpu.memref_squeeze %dma_wait3A_152 : memref<1x10240x64xf32, #tpu.memory_space<hbm>> -> memref<10240x64xf32, #tpu.memory_space<hbm>>
      %dma_wait3A_154 = arith.constant 0 : i32
      %dma_wait3A_155 = tpu.memref_slice %dma_wait3A_153[%add3A_73, %dma_wait3A_154] : memref<10240x64xf32, #tpu.memory_space<hbm>> -> memref<128x64xf32, #tpu.memory_space<hbm>>
      %dma_wait3A_156 = arith.constant 0 : i32
      %dma_wait3A_157 = arith.constant 0 : i32
      %dma_wait3A_158 = tpu.memref_slice %arg6[%arg0, %dma_wait3A_156, %dma_wait3A_157] : memref<2x10240x64xf32, #tpu.memory_space<hbm>> -> memref<1x10240x64xf32, #tpu.memory_space<hbm>>
      %dma_wait3A_159 = tpu.memref_squeeze %dma_wait3A_158 : memref<1x10240x64xf32, #tpu.memory_space<hbm>> -> memref<10240x64xf32, #tpu.memory_space<hbm>>
      %dma_wait3A_160 = arith.constant 0 : i32
      %dma_wait3A_161 = tpu.memref_slice %dma_wait3A_159[%add3A_73, %dma_wait3A_160] : memref<10240x64xf32, #tpu.memory_space<hbm>> -> memref<128x64xf32, #tpu.memory_space<hbm>>
      tpu.wait_dma2 semaphore(%run_scoped3A : memref<!tpu.dma_semaphore, #tpu.memory_space<semaphore_mem>>) src(%arg15 : memref<128x64xf32, #tpu.memory_space<vmem>>) dst(%dma_wait3A_161 : memref<128x64xf32, #tpu.memory_space<hbm>>)
      tpu.yield
    }) : () -> ()
    "tpu.region"() ({
      %run_scoped3A = tpu.sem_alloc : memref<!tpu.dma_semaphore, #tpu.memory_space<semaphore_mem>>
      %dma_start3A_139 = arith.constant 0 : i32
      %dma_start3A_140 = tpu.memref_slice %arg16[%add3A_73, %dma_start3A_139] : memref<10240x64xf32, #tpu.memory_space<vmem_shared>> -> memref<128x64xf32, #tpu.memory_space<vmem_shared>>
      %dma_start3A_141 = arith.constant 0 : i32
      %dma_start3A_142 = tpu.memref_slice %arg16[%add3A_73, %dma_start3A_141] : memref<10240x64xf32, #tpu.memory_space<vmem_shared>> -> memref<128x64xf32, #tpu.memory_space<vmem_shared>>
      tpu.enqueue_dma source(%arg14 : memref<128x64xf32, #tpu.memory_space<vmem>>) target(%dma_start3A_142 : memref<128x64xf32, #tpu.memory_space<vmem_shared>>) target_semaphore(%run_scoped3A : memref<!tpu.dma_semaphore, #tpu.memory_space<semaphore_mem>>)
      %dma_wait3A = arith.constant 0 : i32
      %dma_wait3A_143 = tpu.memref_slice %arg16[%add3A_73, %dma_wait3A] : memref<10240x64xf32, #tpu.memory_space<vmem_shared>> -> memref<128x64xf32, #tpu.memory_space<vmem_shared>>
      %dma_wait3A_144 = arith.constant 0 : i32
      %dma_wait3A_145 = tpu.memref_slice %arg16[%add3A_73, %dma_wait3A_144] : memref<10240x64xf32, #tpu.memory_space<vmem_shared>> -> memref<128x64xf32, #tpu.memory_space<vmem_shared>>
      tpu.wait_dma2 semaphore(%run_scoped3A : memref<!tpu.dma_semaphore, #tpu.memory_space<semaphore_mem>>) src(%arg14 : memref<128x64xf32, #tpu.memory_space<vmem>>) dst(%dma_wait3A_145 : memref<128x64xf32, #tpu.memory_space<vmem_shared>>)
      tpu.yield
    }) : () -> ()
    %mul3A_74 = arith.constant 640 : i32
    %mul3A_75 = arith.muli %arg1, %mul3A_74 : i32
    %add3A_76 = arith.constant 384 : i32
    %add3A_77 = arith.addi %mul3A_75, %add3A_76 : i32
    "tpu.region"() ({
      %run_scoped3A = tpu.sem_alloc : memref<!tpu.dma_semaphore, #tpu.memory_space<semaphore_mem>>
      %dma_start3A_139 = arith.constant 0 : i32
      %dma_start3A_140 = tpu.memref_slice %arg16[%add3A_77, %dma_start3A_139] : memref<10240x64xf32, #tpu.memory_space<vmem_shared>> -> memref<128x64xf32, #tpu.memory_space<vmem_shared>>
      %dma_start3A_141 = arith.constant 0 : i32
      %dma_start3A_142 = tpu.memref_slice %arg16[%add3A_77, %dma_start3A_141] : memref<10240x64xf32, #tpu.memory_space<vmem_shared>> -> memref<128x64xf32, #tpu.memory_space<vmem_shared>>
      tpu.enqueue_dma source(%dma_start3A_142 : memref<128x64xf32, #tpu.memory_space<vmem_shared>>) target(%arg15 : memref<128x64xf32, #tpu.memory_space<vmem>>) target_semaphore(%run_scoped3A : memref<!tpu.dma_semaphore, #tpu.memory_space<semaphore_mem>>)
      %dma_wait3A = arith.constant 0 : i32
      %dma_wait3A_143 = tpu.memref_slice %arg16[%add3A_77, %dma_wait3A] : memref<10240x64xf32, #tpu.memory_space<vmem_shared>> -> memref<128x64xf32, #tpu.memory_space<vmem_shared>>
      %dma_wait3A_144 = arith.constant 0 : i32
      %dma_wait3A_145 = tpu.memref_slice %arg16[%add3A_77, %dma_wait3A_144] : memref<10240x64xf32, #tpu.memory_space<vmem_shared>> -> memref<128x64xf32, #tpu.memory_space<vmem_shared>>
      tpu.wait_dma2 semaphore(%run_scoped3A : memref<!tpu.dma_semaphore, #tpu.memory_space<semaphore_mem>>) src(%dma_wait3A_145 : memref<128x64xf32, #tpu.memory_space<vmem_shared>>) dst(%arg15 : memref<128x64xf32, #tpu.memory_space<vmem>>)
      tpu.yield
    }) : () -> ()
    "tpu.region"() ({
      %run_scoped3A = tpu.sem_alloc : memref<!tpu.dma_semaphore, #tpu.memory_space<semaphore_mem>>
      %dma_start3A_139 = arith.constant 0 : i32
      %dma_start3A_140 = arith.constant 0 : i32
      %dma_start3A_141 = tpu.memref_slice %arg6[%arg0, %dma_start3A_139, %dma_start3A_140] : memref<2x10240x64xf32, #tpu.memory_space<hbm>> -> memref<1x10240x64xf32, #tpu.memory_space<hbm>>
      %dma_start3A_142 = tpu.memref_squeeze %dma_start3A_141 : memref<1x10240x64xf32, #tpu.memory_space<hbm>> -> memref<10240x64xf32, #tpu.memory_space<hbm>>
      %dma_start3A_143 = arith.constant 0 : i32
      %dma_start3A_144 = tpu.memref_slice %dma_start3A_142[%add3A_77, %dma_start3A_143] : memref<10240x64xf32, #tpu.memory_space<hbm>> -> memref<128x64xf32, #tpu.memory_space<hbm>>
      %dma_start3A_145 = arith.constant 0 : i32
      %dma_start3A_146 = arith.constant 0 : i32
      %dma_start3A_147 = tpu.memref_slice %arg6[%arg0, %dma_start3A_145, %dma_start3A_146] : memref<2x10240x64xf32, #tpu.memory_space<hbm>> -> memref<1x10240x64xf32, #tpu.memory_space<hbm>>
      %dma_start3A_148 = tpu.memref_squeeze %dma_start3A_147 : memref<1x10240x64xf32, #tpu.memory_space<hbm>> -> memref<10240x64xf32, #tpu.memory_space<hbm>>
      %dma_start3A_149 = arith.constant 0 : i32
      %dma_start3A_150 = tpu.memref_slice %dma_start3A_148[%add3A_77, %dma_start3A_149] : memref<10240x64xf32, #tpu.memory_space<hbm>> -> memref<128x64xf32, #tpu.memory_space<hbm>>
      tpu.enqueue_dma source(%arg15 : memref<128x64xf32, #tpu.memory_space<vmem>>) target(%dma_start3A_150 : memref<128x64xf32, #tpu.memory_space<hbm>>) target_semaphore(%run_scoped3A : memref<!tpu.dma_semaphore, #tpu.memory_space<semaphore_mem>>)
      %dma_wait3A = arith.constant 0 : i32
      %dma_wait3A_151 = arith.constant 0 : i32
      %dma_wait3A_152 = tpu.memref_slice %arg6[%arg0, %dma_wait3A, %dma_wait3A_151] : memref<2x10240x64xf32, #tpu.memory_space<hbm>> -> memref<1x10240x64xf32, #tpu.memory_space<hbm>>
      %dma_wait3A_153 = tpu.memref_squeeze %dma_wait3A_152 : memref<1x10240x64xf32, #tpu.memory_space<hbm>> -> memref<10240x64xf32, #tpu.memory_space<hbm>>
      %dma_wait3A_154 = arith.constant 0 : i32
      %dma_wait3A_155 = tpu.memref_slice %dma_wait3A_153[%add3A_77, %dma_wait3A_154] : memref<10240x64xf32, #tpu.memory_space<hbm>> -> memref<128x64xf32, #tpu.memory_space<hbm>>
      %dma_wait3A_156 = arith.constant 0 : i32
      %dma_wait3A_157 = arith.constant 0 : i32
      %dma_wait3A_158 = tpu.memref_slice %arg6[%arg0, %dma_wait3A_156, %dma_wait3A_157] : memref<2x10240x64xf32, #tpu.memory_space<hbm>> -> memref<1x10240x64xf32, #tpu.memory_space<hbm>>
      %dma_wait3A_159 = tpu.memref_squeeze %dma_wait3A_158 : memref<1x10240x64xf32, #tpu.memory_space<hbm>> -> memref<10240x64xf32, #tpu.memory_space<hbm>>
      %dma_wait3A_160 = arith.constant 0 : i32
      %dma_wait3A_161 = tpu.memref_slice %dma_wait3A_159[%add3A_77, %dma_wait3A_160] : memref<10240x64xf32, #tpu.memory_space<hbm>> -> memref<128x64xf32, #tpu.memory_space<hbm>>
      tpu.wait_dma2 semaphore(%run_scoped3A : memref<!tpu.dma_semaphore, #tpu.memory_space<semaphore_mem>>) src(%arg15 : memref<128x64xf32, #tpu.memory_space<vmem>>) dst(%dma_wait3A_161 : memref<128x64xf32, #tpu.memory_space<hbm>>)
      tpu.yield
    }) : () -> ()
    "tpu.region"() ({
      %run_scoped3A = tpu.sem_alloc : memref<!tpu.dma_semaphore, #tpu.memory_space<semaphore_mem>>
      %dma_start3A_139 = arith.constant 0 : i32
      %dma_start3A_140 = tpu.memref_slice %arg16[%add3A_77, %dma_start3A_139] : memref<10240x64xf32, #tpu.memory_space<vmem_shared>> -> memref<128x64xf32, #tpu.memory_space<vmem_shared>>
      %dma_start3A_141 = arith.constant 0 : i32
      %dma_start3A_142 = tpu.memref_slice %arg16[%add3A_77, %dma_start3A_141] : memref<10240x64xf32, #tpu.memory_space<vmem_shared>> -> memref<128x64xf32, #tpu.memory_space<vmem_shared>>
      tpu.enqueue_dma source(%arg14 : memref<128x64xf32, #tpu.memory_space<vmem>>) target(%dma_start3A_142 : memref<128x64xf32, #tpu.memory_space<vmem_shared>>) target_semaphore(%run_scoped3A : memref<!tpu.dma_semaphore, #tpu.memory_space<semaphore_mem>>)
      %dma_wait3A = arith.constant 0 : i32
      %dma_wait3A_143 = tpu.memref_slice %arg16[%add3A_77, %dma_wait3A] : memref<10240x64xf32, #tpu.memory_space<vmem_shared>> -> memref<128x64xf32, #tpu.memory_space<vmem_shared>>
      %dma_wait3A_144 = arith.constant 0 : i32
      %dma_wait3A_145 = tpu.memref_slice %arg16[%add3A_77, %dma_wait3A_144] : memref<10240x64xf32, #tpu.memory_space<vmem_shared>> -> memref<128x64xf32, #tpu.memory_space<vmem_shared>>
      tpu.wait_dma2 semaphore(%run_scoped3A : memref<!tpu.dma_semaphore, #tpu.memory_space<semaphore_mem>>) src(%arg14 : memref<128x64xf32, #tpu.memory_space<vmem>>) dst(%dma_wait3A_145 : memref<128x64xf32, #tpu.memory_space<vmem_shared>>)
      tpu.yield
    }) : () -> ()
    %mul3A_78 = arith.constant 640 : i32
    %mul3A_79 = arith.muli %arg1, %mul3A_78 : i32
    %add3A_80 = arith.constant 512 : i32
    %add3A_81 = arith.addi %mul3A_79, %add3A_80 : i32
    "tpu.region"() ({
      %run_scoped3A = tpu.sem_alloc : memref<!tpu.dma_semaphore, #tpu.memory_space<semaphore_mem>>
      %dma_start3A_139 = arith.constant 0 : i32
      %dma_start3A_140 = tpu.memref_slice %arg16[%add3A_81, %dma_start3A_139] : memref<10240x64xf32, #tpu.memory_space<vmem_shared>> -> memref<128x64xf32, #tpu.memory_space<vmem_shared>>
      %dma_start3A_141 = arith.constant 0 : i32
      %dma_start3A_142 = tpu.memref_slice %arg16[%add3A_81, %dma_start3A_141] : memref<10240x64xf32, #tpu.memory_space<vmem_shared>> -> memref<128x64xf32, #tpu.memory_space<vmem_shared>>
      tpu.enqueue_dma source(%dma_start3A_142 : memref<128x64xf32, #tpu.memory_space<vmem_shared>>) target(%arg15 : memref<128x64xf32, #tpu.memory_space<vmem>>) target_semaphore(%run_scoped3A : memref<!tpu.dma_semaphore, #tpu.memory_space<semaphore_mem>>)
      %dma_wait3A = arith.constant 0 : i32
      %dma_wait3A_143 = tpu.memref_slice %arg16[%add3A_81, %dma_wait3A] : memref<10240x64xf32, #tpu.memory_space<vmem_shared>> -> memref<128x64xf32, #tpu.memory_space<vmem_shared>>
      %dma_wait3A_144 = arith.constant 0 : i32
      %dma_wait3A_145 = tpu.memref_slice %arg16[%add3A_81, %dma_wait3A_144] : memref<10240x64xf32, #tpu.memory_space<vmem_shared>> -> memref<128x64xf32, #tpu.memory_space<vmem_shared>>
      tpu.wait_dma2 semaphore(%run_scoped3A : memref<!tpu.dma_semaphore, #tpu.memory_space<semaphore_mem>>) src(%dma_wait3A_145 : memref<128x64xf32, #tpu.memory_space<vmem_shared>>) dst(%arg15 : memref<128x64xf32, #tpu.memory_space<vmem>>)
      tpu.yield
    }) : () -> ()
    "tpu.region"() ({
      %run_scoped3A = tpu.sem_alloc : memref<!tpu.dma_semaphore, #tpu.memory_space<semaphore_mem>>
      %dma_start3A_139 = arith.constant 0 : i32
      %dma_start3A_140 = arith.constant 0 : i32
      %dma_start3A_141 = tpu.memref_slice %arg6[%arg0, %dma_start3A_139, %dma_start3A_140] : memref<2x10240x64xf32, #tpu.memory_space<hbm>> -> memref<1x10240x64xf32, #tpu.memory_space<hbm>>
      %dma_start3A_142 = tpu.memref_squeeze %dma_start3A_141 : memref<1x10240x64xf32, #tpu.memory_space<hbm>> -> memref<10240x64xf32, #tpu.memory_space<hbm>>
      %dma_start3A_143 = arith.constant 0 : i32
      %dma_start3A_144 = tpu.memref_slice %dma_start3A_142[%add3A_81, %dma_start3A_143] : memref<10240x64xf32, #tpu.memory_space<hbm>> -> memref<128x64xf32, #tpu.memory_space<hbm>>
      %dma_start3A_145 = arith.constant 0 : i32
      %dma_start3A_146 = arith.constant 0 : i32
      %dma_start3A_147 = tpu.memref_slice %arg6[%arg0, %dma_start3A_145, %dma_start3A_146] : memref<2x10240x64xf32, #tpu.memory_space<hbm>> -> memref<1x10240x64xf32, #tpu.memory_space<hbm>>
      %dma_start3A_148 = tpu.memref_squeeze %dma_start3A_147 : memref<1x10240x64xf32, #tpu.memory_space<hbm>> -> memref<10240x64xf32, #tpu.memory_space<hbm>>
      %dma_start3A_149 = arith.constant 0 : i32
      %dma_start3A_150 = tpu.memref_slice %dma_start3A_148[%add3A_81, %dma_start3A_149] : memref<10240x64xf32, #tpu.memory_space<hbm>> -> memref<128x64xf32, #tpu.memory_space<hbm>>
      tpu.enqueue_dma source(%arg15 : memref<128x64xf32, #tpu.memory_space<vmem>>) target(%dma_start3A_150 : memref<128x64xf32, #tpu.memory_space<hbm>>) target_semaphore(%run_scoped3A : memref<!tpu.dma_semaphore, #tpu.memory_space<semaphore_mem>>)
      %dma_wait3A = arith.constant 0 : i32
      %dma_wait3A_151 = arith.constant 0 : i32
      %dma_wait3A_152 = tpu.memref_slice %arg6[%arg0, %dma_wait3A, %dma_wait3A_151] : memref<2x10240x64xf32, #tpu.memory_space<hbm>> -> memref<1x10240x64xf32, #tpu.memory_space<hbm>>
      %dma_wait3A_153 = tpu.memref_squeeze %dma_wait3A_152 : memref<1x10240x64xf32, #tpu.memory_space<hbm>> -> memref<10240x64xf32, #tpu.memory_space<hbm>>
      %dma_wait3A_154 = arith.constant 0 : i32
      %dma_wait3A_155 = tpu.memref_slice %dma_wait3A_153[%add3A_81, %dma_wait3A_154] : memref<10240x64xf32, #tpu.memory_space<hbm>> -> memref<128x64xf32, #tpu.memory_space<hbm>>
      %dma_wait3A_156 = arith.constant 0 : i32
      %dma_wait3A_157 = arith.constant 0 : i32
      %dma_wait3A_158 = tpu.memref_slice %arg6[%arg0, %dma_wait3A_156, %dma_wait3A_157] : memref<2x10240x64xf32, #tpu.memory_space<hbm>> -> memref<1x10240x64xf32, #tpu.memory_space<hbm>>
      %dma_wait3A_159 = tpu.memref_squeeze %dma_wait3A_158 : memref<1x10240x64xf32, #tpu.memory_space<hbm>> -> memref<10240x64xf32, #tpu.memory_space<hbm>>
      %dma_wait3A_160 = arith.constant 0 : i32
      %dma_wait3A_161 = tpu.memref_slice %dma_wait3A_159[%add3A_81, %dma_wait3A_160] : memref<10240x64xf32, #tpu.memory_space<hbm>> -> memref<128x64xf32, #tpu.memory_space<hbm>>
      tpu.wait_dma2 semaphore(%run_scoped3A : memref<!tpu.dma_semaphore, #tpu.memory_space<semaphore_mem>>) src(%arg15 : memref<128x64xf32, #tpu.memory_space<vmem>>) dst(%dma_wait3A_161 : memref<128x64xf32, #tpu.memory_space<hbm>>)
      tpu.yield
    }) : () -> ()
    "tpu.region"() ({
      %run_scoped3A = tpu.sem_alloc : memref<!tpu.dma_semaphore, #tpu.memory_space<semaphore_mem>>
      %dma_start3A_139 = arith.constant 0 : i32
      %dma_start3A_140 = tpu.memref_slice %arg16[%add3A_81, %dma_start3A_139] : memref<10240x64xf32, #tpu.memory_space<vmem_shared>> -> memref<128x64xf32, #tpu.memory_space<vmem_shared>>
      %dma_start3A_141 = arith.constant 0 : i32
      %dma_start3A_142 = tpu.memref_slice %arg16[%add3A_81, %dma_start3A_141] : memref<10240x64xf32, #tpu.memory_space<vmem_shared>> -> memref<128x64xf32, #tpu.memory_space<vmem_shared>>
      tpu.enqueue_dma source(%arg14 : memref<128x64xf32, #tpu.memory_space<vmem>>) target(%dma_start3A_142 : memref<128x64xf32, #tpu.memory_space<vmem_shared>>) target_semaphore(%run_scoped3A : memref<!tpu.dma_semaphore, #tpu.memory_space<semaphore_mem>>)
      %dma_wait3A = arith.constant 0 : i32
      %dma_wait3A_143 = tpu.memref_slice %arg16[%add3A_81, %dma_wait3A] : memref<10240x64xf32, #tpu.memory_space<vmem_shared>> -> memref<128x64xf32, #tpu.memory_space<vmem_shared>>
      %dma_wait3A_144 = arith.constant 0 : i32
      %dma_wait3A_145 = tpu.memref_slice %arg16[%add3A_81, %dma_wait3A_144] : memref<10240x64xf32, #tpu.memory_space<vmem_shared>> -> memref<128x64xf32, #tpu.memory_space<vmem_shared>>
      tpu.wait_dma2 semaphore(%run_scoped3A : memref<!tpu.dma_semaphore, #tpu.memory_space<semaphore_mem>>) src(%arg14 : memref<128x64xf32, #tpu.memory_space<vmem>>) dst(%dma_wait3A_145 : memref<128x64xf32, #tpu.memory_space<vmem_shared>>)
      tpu.yield
    }) : () -> ()
    %barrier3A_82 = arith.constant 0 : index
    tpu.barrier barrier_id(%barrier3A_82)
    %dma_start3A_83 = arith.constant 0 : i32
    %dma_start3A_84 = arith.constant 0 : i32
    %dma_start3A_85 = tpu.memref_slice %arg8[%dma_start3A_83, %dma_start3A_84] : memref<80x125xi32, #tpu.memory_space<vmem>> -> memref<1x125xi32, #tpu.memory_space<vmem>>
    %dma_start3A_86 = tpu.memref_squeeze %dma_start3A_85 : memref<1x125xi32, #tpu.memory_space<vmem>> -> memref<125xi32, #tpu.memory_space<vmem>>
    %dma_start3A_87 = arith.constant 0 : i32
    %dma_start3A_88 = arith.constant 0 : i32
    %dma_start3A_89 = tpu.memref_slice %arg3[%dma_start3A_87, %dma_start3A_88] : memref<10000x64xf32, #tpu.memory_space<hbm>> -> memref<10000x64xf32, #tpu.memory_space<hbm>>
    tpu.enqueue_indirect_dma source(%dma_start3A_89 : memref<10000x64xf32, #tpu.memory_space<hbm>>) target(%arg10 : memref<125x64xf32, #tpu.memory_space<vmem>>) offsets(%dma_start3A_86 : memref<125xi32, #tpu.memory_space<vmem>>) semaphore(%arg17 : memref<!tpu.dma_semaphore, #tpu.memory_space<semaphore_mem>>)
    %dma_start3A_90 = arith.constant 1 : i32
    %dma_start3A_91 = arith.constant 0 : i32
    %dma_start3A_92 = tpu.memref_slice %arg8[%dma_start3A_90, %dma_start3A_91] : memref<80x125xi32, #tpu.memory_space<vmem>> -> memref<1x125xi32, #tpu.memory_space<vmem>>
    %dma_start3A_93 = tpu.memref_squeeze %dma_start3A_92 : memref<1x125xi32, #tpu.memory_space<vmem>> -> memref<125xi32, #tpu.memory_space<vmem>>
    %dma_start3A_94 = arith.constant 0 : i32
    %dma_start3A_95 = arith.constant 0 : i32
    %dma_start3A_96 = tpu.memref_slice %arg3[%dma_start3A_94, %dma_start3A_95] : memref<10000x64xf32, #tpu.memory_space<hbm>> -> memref<10000x64xf32, #tpu.memory_space<hbm>>
    tpu.enqueue_indirect_dma source(%dma_start3A_96 : memref<10000x64xf32, #tpu.memory_space<hbm>>) target(%arg11 : memref<125x64xf32, #tpu.memory_space<vmem>>) offsets(%dma_start3A_93 : memref<125xi32, #tpu.memory_space<vmem>>) semaphore(%arg18 : memref<!tpu.dma_semaphore, #tpu.memory_space<semaphore_mem>>)
    %dma_start3A_97 = arith.constant 2 : i32
    %dma_start3A_98 = arith.constant 0 : i32
    %dma_start3A_99 = tpu.memref_slice %arg8[%dma_start3A_97, %dma_start3A_98] : memref<80x125xi32, #tpu.memory_space<vmem>> -> memref<1x125xi32, #tpu.memory_space<vmem>>
    %dma_start3A_100 = tpu.memref_squeeze %dma_start3A_99 : memref<1x125xi32, #tpu.memory_space<vmem>> -> memref<125xi32, #tpu.memory_space<vmem>>
    %dma_start3A_101 = arith.constant 0 : i32
    %dma_start3A_102 = arith.constant 0 : i32
    %dma_start3A_103 = tpu.memref_slice %arg3[%dma_start3A_101, %dma_start3A_102] : memref<10000x64xf32, #tpu.memory_space<hbm>> -> memref<10000x64xf32, #tpu.memory_space<hbm>>
    tpu.enqueue_indirect_dma source(%dma_start3A_103 : memref<10000x64xf32, #tpu.memory_space<hbm>>) target(%arg12 : memref<125x64xf32, #tpu.memory_space<vmem>>) offsets(%dma_start3A_100 : memref<125xi32, #tpu.memory_space<vmem>>) semaphore(%arg19 : memref<!tpu.dma_semaphore, #tpu.memory_space<semaphore_mem>>)
    %dma_start3A_104 = arith.constant 3 : i32
    %dma_start3A_105 = arith.constant 0 : i32
    %dma_start3A_106 = tpu.memref_slice %arg8[%dma_start3A_104, %dma_start3A_105] : memref<80x125xi32, #tpu.memory_space<vmem>> -> memref<1x125xi32, #tpu.memory_space<vmem>>
    %dma_start3A_107 = tpu.memref_squeeze %dma_start3A_106 : memref<1x125xi32, #tpu.memory_space<vmem>> -> memref<125xi32, #tpu.memory_space<vmem>>
    %dma_start3A_108 = arith.constant 0 : i32
    %dma_start3A_109 = arith.constant 0 : i32
    %dma_start3A_110 = tpu.memref_slice %arg3[%dma_start3A_108, %dma_start3A_109] : memref<10000x64xf32, #tpu.memory_space<hbm>> -> memref<10000x64xf32, #tpu.memory_space<hbm>>
    tpu.enqueue_indirect_dma source(%dma_start3A_110 : memref<10000x64xf32, #tpu.memory_space<hbm>>) target(%arg13 : memref<125x64xf32, #tpu.memory_space<vmem>>) offsets(%dma_start3A_107 : memref<125xi32, #tpu.memory_space<vmem>>) semaphore(%arg20 : memref<!tpu.dma_semaphore, #tpu.memory_space<semaphore_mem>>)
    %scan3A_111 = arith.constant 0 : i32
    %scan3A_112 = arith.constant 0 : i32
    %scan3A_113 = arith.constant 20 : i32
    %scan3A_114 = arith.addi %scan3A_112, %scan3A_113 : i32
    %scan3A_115 = arith.constant 1 : i32
    %scan3A_116 = scf.for %scan3A_139 = %scan3A_112 to %scan3A_114 step %scan3A_115 iter_args(%scan3A_140 = %scan3A_111) -> (i32)  : i32 {
      %mul3A_141 = arith.constant 4 : i32
      %mul3A_142 = arith.muli %mul3A_141, %scan3A_139 : i32
      %add3A_143 = arith.constant 0 : i32
      %add3A_144 = arith.addi %mul3A_142, %add3A_143 : i32
      %dma_wait3A = arith.constant 0 : i32
      %dma_wait3A_145 = tpu.memref_slice %arg8[%add3A_144, %dma_wait3A] : memref<80x125xi32, #tpu.memory_space<vmem>> -> memref<1x125xi32, #tpu.memory_space<vmem>>
      %dma_wait3A_146 = tpu.memref_squeeze %dma_wait3A_145 : memref<1x125xi32, #tpu.memory_space<vmem>> -> memref<125xi32, #tpu.memory_space<vmem>>
      %dma_wait3A_147 = arith.constant 0 : i32
      %dma_wait3A_148 = arith.constant 0 : i32
      %dma_wait3A_149 = tpu.memref_slice %arg3[%dma_wait3A_147, %dma_wait3A_148] : memref<10000x64xf32, #tpu.memory_space<hbm>> -> memref<10000x64xf32, #tpu.memory_space<hbm>>
      tpu.wait_indirect_dma semaphore(%arg17 : memref<!tpu.dma_semaphore, #tpu.memory_space<semaphore_mem>>) src(%dma_wait3A_149 : memref<10000x64xf32, #tpu.memory_space<hbm>>) dst(%arg10 : memref<125x64xf32, #tpu.memory_space<vmem>>)
      "tpu.region"() ({
        %run_scoped3A = tpu.sem_alloc : memref<!tpu.dma_semaphore, #tpu.memory_space<semaphore_mem>>
        %dma_start3A_200 = arith.constant 0 : i32
        %dma_start3A_201 = tpu.memref_slice %arg9[%add3A_144, %dma_start3A_200] : memref<80x125xi32, #tpu.memory_space<vmem>> -> memref<1x125xi32, #tpu.memory_space<vmem>>
        %dma_start3A_202 = tpu.memref_squeeze %dma_start3A_201 : memref<1x125xi32, #tpu.memory_space<vmem>> -> memref<125xi32, #tpu.memory_space<vmem>>
        %dma_start3A_203 = arith.constant 0 : i32
        %dma_start3A_204 = arith.constant 0 : i32
        %dma_start3A_205 = tpu.memref_slice %arg16[%dma_start3A_203, %dma_start3A_204] : memref<10240x64xf32, #tpu.memory_space<vmem_shared>> -> memref<10240x64xf32, #tpu.memory_space<vmem_shared>>
        tpu.enqueue_indirect_dma source(%arg10 : memref<125x64xf32, #tpu.memory_space<vmem>>) target(%dma_start3A_205 : memref<10240x64xf32, #tpu.memory_space<vmem_shared>>) offsets(%dma_start3A_202 : memref<125xi32, #tpu.memory_space<vmem>>) semaphore(%run_scoped3A : memref<!tpu.dma_semaphore, #tpu.memory_space<semaphore_mem>>) {add = true}
        %dma_wait3A_206 = arith.constant 0 : i32
        %dma_wait3A_207 = tpu.memref_slice %arg9[%add3A_144, %dma_wait3A_206] : memref<80x125xi32, #tpu.memory_space<vmem>> -> memref<1x125xi32, #tpu.memory_space<vmem>>
        %dma_wait3A_208 = tpu.memref_squeeze %dma_wait3A_207 : memref<1x125xi32, #tpu.memory_space<vmem>> -> memref<125xi32, #tpu.memory_space<vmem>>
        %dma_wait3A_209 = arith.constant 0 : i32
        %dma_wait3A_210 = arith.constant 0 : i32
        %dma_wait3A_211 = tpu.memref_slice %arg16[%dma_wait3A_209, %dma_wait3A_210] : memref<10240x64xf32, #tpu.memory_space<vmem_shared>> -> memref<10240x64xf32, #tpu.memory_space<vmem_shared>>
        tpu.wait_indirect_dma semaphore(%run_scoped3A : memref<!tpu.dma_semaphore, #tpu.memory_space<semaphore_mem>>) src(%arg10 : memref<125x64xf32, #tpu.memory_space<vmem>>) dst(%dma_wait3A_211 : memref<10240x64xf32, #tpu.memory_space<vmem_shared>>)
        tpu.yield
      }) : () -> ()
      %add3A_150 = arith.constant 4 : i32
      %add3A_151 = arith.addi %add3A_144, %add3A_150 : i32
      %lt3A = arith.constant 80 : i32
      %lt3A_152 = arith.cmpi slt, %add3A_151, %lt3A : i32
      %convert_element_type3A = arith.extui %lt3A_152 : i1 to i32
      %cond3A = arith.constant 0 : i32
      %cond3A_153 = arith.cmpi ne, %convert_element_type3A, %cond3A : i32
      scf.if %cond3A_153 {
        %add3A_200 = arith.constant 4 : i32
        %add3A_201 = arith.addi %add3A_144, %add3A_200 : i32
        %dma_start3A_202 = arith.constant 0 : i32
        %dma_start3A_203 = tpu.memref_slice %arg8[%add3A_201, %dma_start3A_202] : memref<80x125xi32, #tpu.memory_space<vmem>> -> memref<1x125xi32, #tpu.memory_space<vmem>>
        %dma_start3A_204 = tpu.memref_squeeze %dma_start3A_203 : memref<1x125xi32, #tpu.memory_space<vmem>> -> memref<125xi32, #tpu.memory_space<vmem>>
        %dma_start3A_205 = arith.constant 0 : i32
        %dma_start3A_206 = arith.constant 0 : i32
        %dma_start3A_207 = tpu.memref_slice %arg3[%dma_start3A_205, %dma_start3A_206] : memref<10000x64xf32, #tpu.memory_space<hbm>> -> memref<10000x64xf32, #tpu.memory_space<hbm>>
        tpu.enqueue_indirect_dma source(%dma_start3A_207 : memref<10000x64xf32, #tpu.memory_space<hbm>>) target(%arg10 : memref<125x64xf32, #tpu.memory_space<vmem>>) offsets(%dma_start3A_204 : memref<125xi32, #tpu.memory_space<vmem>>) semaphore(%arg17 : memref<!tpu.dma_semaphore, #tpu.memory_space<semaphore_mem>>)
      } else {
      }
      %add3A_154 = arith.constant 1 : i32
      %add3A_155 = arith.addi %mul3A_142, %add3A_154 : i32
      %dma_wait3A_156 = arith.constant 0 : i32
      %dma_wait3A_157 = tpu.memref_slice %arg8[%add3A_155, %dma_wait3A_156] : memref<80x125xi32, #tpu.memory_space<vmem>> -> memref<1x125xi32, #tpu.memory_space<vmem>>
      %dma_wait3A_158 = tpu.memref_squeeze %dma_wait3A_157 : memref<1x125xi32, #tpu.memory_space<vmem>> -> memref<125xi32, #tpu.memory_space<vmem>>
      %dma_wait3A_159 = arith.constant 0 : i32
      %dma_wait3A_160 = arith.constant 0 : i32
      %dma_wait3A_161 = tpu.memref_slice %arg3[%dma_wait3A_159, %dma_wait3A_160] : memref<10000x64xf32, #tpu.memory_space<hbm>> -> memref<10000x64xf32, #tpu.memory_space<hbm>>
      tpu.wait_indirect_dma semaphore(%arg18 : memref<!tpu.dma_semaphore, #tpu.memory_space<semaphore_mem>>) src(%dma_wait3A_161 : memref<10000x64xf32, #tpu.memory_space<hbm>>) dst(%arg11 : memref<125x64xf32, #tpu.memory_space<vmem>>)
      "tpu.region"() ({
        %run_scoped3A = tpu.sem_alloc : memref<!tpu.dma_semaphore, #tpu.memory_space<semaphore_mem>>
        %dma_start3A_200 = arith.constant 0 : i32
        %dma_start3A_201 = tpu.memref_slice %arg9[%add3A_155, %dma_start3A_200] : memref<80x125xi32, #tpu.memory_space<vmem>> -> memref<1x125xi32, #tpu.memory_space<vmem>>
        %dma_start3A_202 = tpu.memref_squeeze %dma_start3A_201 : memref<1x125xi32, #tpu.memory_space<vmem>> -> memref<125xi32, #tpu.memory_space<vmem>>
        %dma_start3A_203 = arith.constant 0 : i32
        %dma_start3A_204 = arith.constant 0 : i32
        %dma_start3A_205 = tpu.memref_slice %arg16[%dma_start3A_203, %dma_start3A_204] : memref<10240x64xf32, #tpu.memory_space<vmem_shared>> -> memref<10240x64xf32, #tpu.memory_space<vmem_shared>>
        tpu.enqueue_indirect_dma source(%arg11 : memref<125x64xf32, #tpu.memory_space<vmem>>) target(%dma_start3A_205 : memref<10240x64xf32, #tpu.memory_space<vmem_shared>>) offsets(%dma_start3A_202 : memref<125xi32, #tpu.memory_space<vmem>>) semaphore(%run_scoped3A : memref<!tpu.dma_semaphore, #tpu.memory_space<semaphore_mem>>) {add = true}
        %dma_wait3A_206 = arith.constant 0 : i32
        %dma_wait3A_207 = tpu.memref_slice %arg9[%add3A_155, %dma_wait3A_206] : memref<80x125xi32, #tpu.memory_space<vmem>> -> memref<1x125xi32, #tpu.memory_space<vmem>>
        %dma_wait3A_208 = tpu.memref_squeeze %dma_wait3A_207 : memref<1x125xi32, #tpu.memory_space<vmem>> -> memref<125xi32, #tpu.memory_space<vmem>>
        %dma_wait3A_209 = arith.constant 0 : i32
        %dma_wait3A_210 = arith.constant 0 : i32
        %dma_wait3A_211 = tpu.memref_slice %arg16[%dma_wait3A_209, %dma_wait3A_210] : memref<10240x64xf32, #tpu.memory_space<vmem_shared>> -> memref<10240x64xf32, #tpu.memory_space<vmem_shared>>
        tpu.wait_indirect_dma semaphore(%run_scoped3A : memref<!tpu.dma_semaphore, #tpu.memory_space<semaphore_mem>>) src(%arg11 : memref<125x64xf32, #tpu.memory_space<vmem>>) dst(%dma_wait3A_211 : memref<10240x64xf32, #tpu.memory_space<vmem_shared>>)
        tpu.yield
      }) : () -> ()
      %add3A_162 = arith.constant 4 : i32
      %add3A_163 = arith.addi %add3A_155, %add3A_162 : i32
      %lt3A_164 = arith.constant 80 : i32
      %lt3A_165 = arith.cmpi slt, %add3A_163, %lt3A_164 : i32
      %convert_element_type3A_166 = arith.extui %lt3A_165 : i1 to i32
      %cond3A_167 = arith.constant 0 : i32
      %cond3A_168 = arith.cmpi ne, %convert_element_type3A_166, %cond3A_167 : i32
      scf.if %cond3A_168 {
        %add3A_200 = arith.constant 4 : i32
        %add3A_201 = arith.addi %add3A_155, %add3A_200 : i32
        %dma_start3A_202 = arith.constant 0 : i32
        %dma_start3A_203 = tpu.memref_slice %arg8[%add3A_201, %dma_start3A_202] : memref<80x125xi32, #tpu.memory_space<vmem>> -> memref<1x125xi32, #tpu.memory_space<vmem>>
        %dma_start3A_204 = tpu.memref_squeeze %dma_start3A_203 : memref<1x125xi32, #tpu.memory_space<vmem>> -> memref<125xi32, #tpu.memory_space<vmem>>
        %dma_start3A_205 = arith.constant 0 : i32
        %dma_start3A_206 = arith.constant 0 : i32
        %dma_start3A_207 = tpu.memref_slice %arg3[%dma_start3A_205, %dma_start3A_206] : memref<10000x64xf32, #tpu.memory_space<hbm>> -> memref<10000x64xf32, #tpu.memory_space<hbm>>
        tpu.enqueue_indirect_dma source(%dma_start3A_207 : memref<10000x64xf32, #tpu.memory_space<hbm>>) target(%arg11 : memref<125x64xf32, #tpu.memory_space<vmem>>) offsets(%dma_start3A_204 : memref<125xi32, #tpu.memory_space<vmem>>) semaphore(%arg18 : memref<!tpu.dma_semaphore, #tpu.memory_space<semaphore_mem>>)
      } else {
      }
      %add3A_169 = arith.constant 2 : i32
      %add3A_170 = arith.addi %mul3A_142, %add3A_169 : i32
      %dma_wait3A_171 = arith.constant 0 : i32
      %dma_wait3A_172 = tpu.memref_slice %arg8[%add3A_170, %dma_wait3A_171] : memref<80x125xi32, #tpu.memory_space<vmem>> -> memref<1x125xi32, #tpu.memory_space<vmem>>
      %dma_wait3A_173 = tpu.memref_squeeze %dma_wait3A_172 : memref<1x125xi32, #tpu.memory_space<vmem>> -> memref<125xi32, #tpu.memory_space<vmem>>
      %dma_wait3A_174 = arith.constant 0 : i32
      %dma_wait3A_175 = arith.constant 0 : i32
      %dma_wait3A_176 = tpu.memref_slice %arg3[%dma_wait3A_174, %dma_wait3A_175] : memref<10000x64xf32, #tpu.memory_space<hbm>> -> memref<10000x64xf32, #tpu.memory_space<hbm>>
      tpu.wait_indirect_dma semaphore(%arg19 : memref<!tpu.dma_semaphore, #tpu.memory_space<semaphore_mem>>) src(%dma_wait3A_176 : memref<10000x64xf32, #tpu.memory_space<hbm>>) dst(%arg12 : memref<125x64xf32, #tpu.memory_space<vmem>>)
      "tpu.region"() ({
        %run_scoped3A = tpu.sem_alloc : memref<!tpu.dma_semaphore, #tpu.memory_space<semaphore_mem>>
        %dma_start3A_200 = arith.constant 0 : i32
        %dma_start3A_201 = tpu.memref_slice %arg9[%add3A_170, %dma_start3A_200] : memref<80x125xi32, #tpu.memory_space<vmem>> -> memref<1x125xi32, #tpu.memory_space<vmem>>
        %dma_start3A_202 = tpu.memref_squeeze %dma_start3A_201 : memref<1x125xi32, #tpu.memory_space<vmem>> -> memref<125xi32, #tpu.memory_space<vmem>>
        %dma_start3A_203 = arith.constant 0 : i32
        %dma_start3A_204 = arith.constant 0 : i32
        %dma_start3A_205 = tpu.memref_slice %arg16[%dma_start3A_203, %dma_start3A_204] : memref<10240x64xf32, #tpu.memory_space<vmem_shared>> -> memref<10240x64xf32, #tpu.memory_space<vmem_shared>>
        tpu.enqueue_indirect_dma source(%arg12 : memref<125x64xf32, #tpu.memory_space<vmem>>) target(%dma_start3A_205 : memref<10240x64xf32, #tpu.memory_space<vmem_shared>>) offsets(%dma_start3A_202 : memref<125xi32, #tpu.memory_space<vmem>>) semaphore(%run_scoped3A : memref<!tpu.dma_semaphore, #tpu.memory_space<semaphore_mem>>) {add = true}
        %dma_wait3A_206 = arith.constant 0 : i32
        %dma_wait3A_207 = tpu.memref_slice %arg9[%add3A_170, %dma_wait3A_206] : memref<80x125xi32, #tpu.memory_space<vmem>> -> memref<1x125xi32, #tpu.memory_space<vmem>>
        %dma_wait3A_208 = tpu.memref_squeeze %dma_wait3A_207 : memref<1x125xi32, #tpu.memory_space<vmem>> -> memref<125xi32, #tpu.memory_space<vmem>>
        %dma_wait3A_209 = arith.constant 0 : i32
        %dma_wait3A_210 = arith.constant 0 : i32
        %dma_wait3A_211 = tpu.memref_slice %arg16[%dma_wait3A_209, %dma_wait3A_210] : memref<10240x64xf32, #tpu.memory_space<vmem_shared>> -> memref<10240x64xf32, #tpu.memory_space<vmem_shared>>
        tpu.wait_indirect_dma semaphore(%run_scoped3A : memref<!tpu.dma_semaphore, #tpu.memory_space<semaphore_mem>>) src(%arg12 : memref<125x64xf32, #tpu.memory_space<vmem>>) dst(%dma_wait3A_211 : memref<10240x64xf32, #tpu.memory_space<vmem_shared>>)
        tpu.yield
      }) : () -> ()
      %add3A_177 = arith.constant 4 : i32
      %add3A_178 = arith.addi %add3A_170, %add3A_177 : i32
      %lt3A_179 = arith.constant 80 : i32
      %lt3A_180 = arith.cmpi slt, %add3A_178, %lt3A_179 : i32
      %convert_element_type3A_181 = arith.extui %lt3A_180 : i1 to i32
      %cond3A_182 = arith.constant 0 : i32
      %cond3A_183 = arith.cmpi ne, %convert_element_type3A_181, %cond3A_182 : i32
      scf.if %cond3A_183 {
        %add3A_200 = arith.constant 4 : i32
        %add3A_201 = arith.addi %add3A_170, %add3A_200 : i32
        %dma_start3A_202 = arith.constant 0 : i32
        %dma_start3A_203 = tpu.memref_slice %arg8[%add3A_201, %dma_start3A_202] : memref<80x125xi32, #tpu.memory_space<vmem>> -> memref<1x125xi32, #tpu.memory_space<vmem>>
        %dma_start3A_204 = tpu.memref_squeeze %dma_start3A_203 : memref<1x125xi32, #tpu.memory_space<vmem>> -> memref<125xi32, #tpu.memory_space<vmem>>
        %dma_start3A_205 = arith.constant 0 : i32
        %dma_start3A_206 = arith.constant 0 : i32
        %dma_start3A_207 = tpu.memref_slice %arg3[%dma_start3A_205, %dma_start3A_206] : memref<10000x64xf32, #tpu.memory_space<hbm>> -> memref<10000x64xf32, #tpu.memory_space<hbm>>
        tpu.enqueue_indirect_dma source(%dma_start3A_207 : memref<10000x64xf32, #tpu.memory_space<hbm>>) target(%arg12 : memref<125x64xf32, #tpu.memory_space<vmem>>) offsets(%dma_start3A_204 : memref<125xi32, #tpu.memory_space<vmem>>) semaphore(%arg19 : memref<!tpu.dma_semaphore, #tpu.memory_space<semaphore_mem>>)
      } else {
      }
      %add3A_184 = arith.constant 3 : i32
      %add3A_185 = arith.addi %mul3A_142, %add3A_184 : i32
      %dma_wait3A_186 = arith.constant 0 : i32
      %dma_wait3A_187 = tpu.memref_slice %arg8[%add3A_185, %dma_wait3A_186] : memref<80x125xi32, #tpu.memory_space<vmem>> -> memref<1x125xi32, #tpu.memory_space<vmem>>
      %dma_wait3A_188 = tpu.memref_squeeze %dma_wait3A_187 : memref<1x125xi32, #tpu.memory_space<vmem>> -> memref<125xi32, #tpu.memory_space<vmem>>
      %dma_wait3A_189 = arith.constant 0 : i32
      %dma_wait3A_190 = arith.constant 0 : i32
      %dma_wait3A_191 = tpu.memref_slice %arg3[%dma_wait3A_189, %dma_wait3A_190] : memref<10000x64xf32, #tpu.memory_space<hbm>> -> memref<10000x64xf32, #tpu.memory_space<hbm>>
      tpu.wait_indirect_dma semaphore(%arg20 : memref<!tpu.dma_semaphore, #tpu.memory_space<semaphore_mem>>) src(%dma_wait3A_191 : memref<10000x64xf32, #tpu.memory_space<hbm>>) dst(%arg13 : memref<125x64xf32, #tpu.memory_space<vmem>>)
      "tpu.region"() ({
        %run_scoped3A = tpu.sem_alloc : memref<!tpu.dma_semaphore, #tpu.memory_space<semaphore_mem>>
        %dma_start3A_200 = arith.constant 0 : i32
        %dma_start3A_201 = tpu.memref_slice %arg9[%add3A_185, %dma_start3A_200] : memref<80x125xi32, #tpu.memory_space<vmem>> -> memref<1x125xi32, #tpu.memory_space<vmem>>
        %dma_start3A_202 = tpu.memref_squeeze %dma_start3A_201 : memref<1x125xi32, #tpu.memory_space<vmem>> -> memref<125xi32, #tpu.memory_space<vmem>>
        %dma_start3A_203 = arith.constant 0 : i32
        %dma_start3A_204 = arith.constant 0 : i32
        %dma_start3A_205 = tpu.memref_slice %arg16[%dma_start3A_203, %dma_start3A_204] : memref<10240x64xf32, #tpu.memory_space<vmem_shared>> -> memref<10240x64xf32, #tpu.memory_space<vmem_shared>>
        tpu.enqueue_indirect_dma source(%arg13 : memref<125x64xf32, #tpu.memory_space<vmem>>) target(%dma_start3A_205 : memref<10240x64xf32, #tpu.memory_space<vmem_shared>>) offsets(%dma_start3A_202 : memref<125xi32, #tpu.memory_space<vmem>>) semaphore(%run_scoped3A : memref<!tpu.dma_semaphore, #tpu.memory_space<semaphore_mem>>) {add = true}
        %dma_wait3A_206 = arith.constant 0 : i32
        %dma_wait3A_207 = tpu.memref_slice %arg9[%add3A_185, %dma_wait3A_206] : memref<80x125xi32, #tpu.memory_space<vmem>> -> memref<1x125xi32, #tpu.memory_space<vmem>>
        %dma_wait3A_208 = tpu.memref_squeeze %dma_wait3A_207 : memref<1x125xi32, #tpu.memory_space<vmem>> -> memref<125xi32, #tpu.memory_space<vmem>>
        %dma_wait3A_209 = arith.constant 0 : i32
        %dma_wait3A_210 = arith.constant 0 : i32
        %dma_wait3A_211 = tpu.memref_slice %arg16[%dma_wait3A_209, %dma_wait3A_210] : memref<10240x64xf32, #tpu.memory_space<vmem_shared>> -> memref<10240x64xf32, #tpu.memory_space<vmem_shared>>
        tpu.wait_indirect_dma semaphore(%run_scoped3A : memref<!tpu.dma_semaphore, #tpu.memory_space<semaphore_mem>>) src(%arg13 : memref<125x64xf32, #tpu.memory_space<vmem>>) dst(%dma_wait3A_211 : memref<10240x64xf32, #tpu.memory_space<vmem_shared>>)
        tpu.yield
      }) : () -> ()
      %add3A_192 = arith.constant 4 : i32
      %add3A_193 = arith.addi %add3A_185, %add3A_192 : i32
      %lt3A_194 = arith.constant 80 : i32
      %lt3A_195 = arith.cmpi slt, %add3A_193, %lt3A_194 : i32
      %convert_element_type3A_196 = arith.extui %lt3A_195 : i1 to i32
      %cond3A_197 = arith.constant 0 : i32
      %cond3A_198 = arith.cmpi ne, %convert_element_type3A_196, %cond3A_197 : i32
      scf.if %cond3A_198 {
        %add3A_200 = arith.constant 4 : i32
        %add3A_201 = arith.addi %add3A_185, %add3A_200 : i32
        %dma_start3A_202 = arith.constant 0 : i32
        %dma_start3A_203 = tpu.memref_slice %arg8[%add3A_201, %dma_start3A_202] : memref<80x125xi32, #tpu.memory_space<vmem>> -> memref<1x125xi32, #tpu.memory_space<vmem>>
        %dma_start3A_204 = tpu.memref_squeeze %dma_start3A_203 : memref<1x125xi32, #tpu.memory_space<vmem>> -> memref<125xi32, #tpu.memory_space<vmem>>
        %dma_start3A_205 = arith.constant 0 : i32
        %dma_start3A_206 = arith.constant 0 : i32
        %dma_start3A_207 = tpu.memref_slice %arg3[%dma_start3A_205, %dma_start3A_206] : memref<10000x64xf32, #tpu.memory_space<hbm>> -> memref<10000x64xf32, #tpu.memory_space<hbm>>
        tpu.enqueue_indirect_dma source(%dma_start3A_207 : memref<10000x64xf32, #tpu.memory_space<hbm>>) target(%arg13 : memref<125x64xf32, #tpu.memory_space<vmem>>) offsets(%dma_start3A_204 : memref<125xi32, #tpu.memory_space<vmem>>) semaphore(%arg20 : memref<!tpu.dma_semaphore, #tpu.memory_space<semaphore_mem>>)
      } else {
      }
      %scan3A_199 = arith.constant 0 : i32
      scf.yield %scan3A_199 : i32
    }
    %scan3A_117 = arith.constant 20 : i32
    %barrier3A_118 = arith.constant 0 : index
    tpu.barrier barrier_id(%barrier3A_118)
    %mul3A_119 = arith.constant 640 : i32
    %mul3A_120 = arith.muli %arg1, %mul3A_119 : i32
    %add3A_121 = arith.constant 0 : i32
    %add3A_122 = arith.addi %mul3A_120, %add3A_121 : i32
    "tpu.region"() ({
      %run_scoped3A = tpu.sem_alloc : memref<!tpu.dma_semaphore, #tpu.memory_space<semaphore_mem>>
      %dma_start3A_139 = arith.constant 0 : i32
      %dma_start3A_140 = tpu.memref_slice %arg16[%add3A_122, %dma_start3A_139] : memref<10240x64xf32, #tpu.memory_space<vmem_shared>> -> memref<128x64xf32, #tpu.memory_space<vmem_shared>>
      %dma_start3A_141 = arith.constant 0 : i32
      %dma_start3A_142 = tpu.memref_slice %arg16[%add3A_122, %dma_start3A_141] : memref<10240x64xf32, #tpu.memory_space<vmem_shared>> -> memref<128x64xf32, #tpu.memory_space<vmem_shared>>
      tpu.enqueue_dma source(%dma_start3A_142 : memref<128x64xf32, #tpu.memory_space<vmem_shared>>) target(%arg15 : memref<128x64xf32, #tpu.memory_space<vmem>>) target_semaphore(%run_scoped3A : memref<!tpu.dma_semaphore, #tpu.memory_space<semaphore_mem>>)
      %dma_wait3A = arith.constant 0 : i32
      %dma_wait3A_143 = tpu.memref_slice %arg16[%add3A_122, %dma_wait3A] : memref<10240x64xf32, #tpu.memory_space<vmem_shared>> -> memref<128x64xf32, #tpu.memory_space<vmem_shared>>
      %dma_wait3A_144 = arith.constant 0 : i32
      %dma_wait3A_145 = tpu.memref_slice %arg16[%add3A_122, %dma_wait3A_144] : memref<10240x64xf32, #tpu.memory_space<vmem_shared>> -> memref<128x64xf32, #tpu.memory_space<vmem_shared>>
      tpu.wait_dma2 semaphore(%run_scoped3A : memref<!tpu.dma_semaphore, #tpu.memory_space<semaphore_mem>>) src(%dma_wait3A_145 : memref<128x64xf32, #tpu.memory_space<vmem_shared>>) dst(%arg15 : memref<128x64xf32, #tpu.memory_space<vmem>>)
      tpu.yield
    }) : () -> ()
    "tpu.region"() ({
      %run_scoped3A = tpu.sem_alloc : memref<!tpu.dma_semaphore, #tpu.memory_space<semaphore_mem>>
      %dma_start3A_139 = arith.constant 0 : i32
      %dma_start3A_140 = arith.constant 0 : i32
      %dma_start3A_141 = tpu.memref_slice %arg7[%arg0, %dma_start3A_139, %dma_start3A_140] : memref<2x10240x64xf32, #tpu.memory_space<hbm>> -> memref<1x10240x64xf32, #tpu.memory_space<hbm>>
      %dma_start3A_142 = tpu.memref_squeeze %dma_start3A_141 : memref<1x10240x64xf32, #tpu.memory_space<hbm>> -> memref<10240x64xf32, #tpu.memory_space<hbm>>
      %dma_start3A_143 = arith.constant 0 : i32
      %dma_start3A_144 = tpu.memref_slice %dma_start3A_142[%add3A_122, %dma_start3A_143] : memref<10240x64xf32, #tpu.memory_space<hbm>> -> memref<128x64xf32, #tpu.memory_space<hbm>>
      %dma_start3A_145 = arith.constant 0 : i32
      %dma_start3A_146 = arith.constant 0 : i32
      %dma_start3A_147 = tpu.memref_slice %arg7[%arg0, %dma_start3A_145, %dma_start3A_146] : memref<2x10240x64xf32, #tpu.memory_space<hbm>> -> memref<1x10240x64xf32, #tpu.memory_space<hbm>>
      %dma_start3A_148 = tpu.memref_squeeze %dma_start3A_147 : memref<1x10240x64xf32, #tpu.memory_space<hbm>> -> memref<10240x64xf32, #tpu.memory_space<hbm>>
      %dma_start3A_149 = arith.constant 0 : i32
      %dma_start3A_150 = tpu.memref_slice %dma_start3A_148[%add3A_122, %dma_start3A_149] : memref<10240x64xf32, #tpu.memory_space<hbm>> -> memref<128x64xf32, #tpu.memory_space<hbm>>
      tpu.enqueue_dma source(%arg15 : memref<128x64xf32, #tpu.memory_space<vmem>>) target(%dma_start3A_150 : memref<128x64xf32, #tpu.memory_space<hbm>>) target_semaphore(%run_scoped3A : memref<!tpu.dma_semaphore, #tpu.memory_space<semaphore_mem>>)
      %dma_wait3A = arith.constant 0 : i32
      %dma_wait3A_151 = arith.constant 0 : i32
      %dma_wait3A_152 = tpu.memref_slice %arg7[%arg0, %dma_wait3A, %dma_wait3A_151] : memref<2x10240x64xf32, #tpu.memory_space<hbm>> -> memref<1x10240x64xf32, #tpu.memory_space<hbm>>
      %dma_wait3A_153 = tpu.memref_squeeze %dma_wait3A_152 : memref<1x10240x64xf32, #tpu.memory_space<hbm>> -> memref<10240x64xf32, #tpu.memory_space<hbm>>
      %dma_wait3A_154 = arith.constant 0 : i32
      %dma_wait3A_155 = tpu.memref_slice %dma_wait3A_153[%add3A_122, %dma_wait3A_154] : memref<10240x64xf32, #tpu.memory_space<hbm>> -> memref<128x64xf32, #tpu.memory_space<hbm>>
      %dma_wait3A_156 = arith.constant 0 : i32
      %dma_wait3A_157 = arith.constant 0 : i32
      %dma_wait3A_158 = tpu.memref_slice %arg7[%arg0, %dma_wait3A_156, %dma_wait3A_157] : memref<2x10240x64xf32, #tpu.memory_space<hbm>> -> memref<1x10240x64xf32, #tpu.memory_space<hbm>>
      %dma_wait3A_159 = tpu.memref_squeeze %dma_wait3A_158 : memref<1x10240x64xf32, #tpu.memory_space<hbm>> -> memref<10240x64xf32, #tpu.memory_space<hbm>>
      %dma_wait3A_160 = arith.constant 0 : i32
      %dma_wait3A_161 = tpu.memref_slice %dma_wait3A_159[%add3A_122, %dma_wait3A_160] : memref<10240x64xf32, #tpu.memory_space<hbm>> -> memref<128x64xf32, #tpu.memory_space<hbm>>
      tpu.wait_dma2 semaphore(%run_scoped3A : memref<!tpu.dma_semaphore, #tpu.memory_space<semaphore_mem>>) src(%arg15 : memref<128x64xf32, #tpu.memory_space<vmem>>) dst(%dma_wait3A_161 : memref<128x64xf32, #tpu.memory_space<hbm>>)
      tpu.yield
    }) : () -> ()
    %mul3A_123 = arith.constant 640 : i32
    %mul3A_124 = arith.muli %arg1, %mul3A_123 : i32
    %add3A_125 = arith.constant 128 : i32
    %add3A_126 = arith.addi %mul3A_124, %add3A_125 : i32
    "tpu.region"() ({
      %run_scoped3A = tpu.sem_alloc : memref<!tpu.dma_semaphore, #tpu.memory_space<semaphore_mem>>
      %dma_start3A_139 = arith.constant 0 : i32
      %dma_start3A_140 = tpu.memref_slice %arg16[%add3A_126, %dma_start3A_139] : memref<10240x64xf32, #tpu.memory_space<vmem_shared>> -> memref<128x64xf32, #tpu.memory_space<vmem_shared>>
      %dma_start3A_141 = arith.constant 0 : i32
      %dma_start3A_142 = tpu.memref_slice %arg16[%add3A_126, %dma_start3A_141] : memref<10240x64xf32, #tpu.memory_space<vmem_shared>> -> memref<128x64xf32, #tpu.memory_space<vmem_shared>>
      tpu.enqueue_dma source(%dma_start3A_142 : memref<128x64xf32, #tpu.memory_space<vmem_shared>>) target(%arg15 : memref<128x64xf32, #tpu.memory_space<vmem>>) target_semaphore(%run_scoped3A : memref<!tpu.dma_semaphore, #tpu.memory_space<semaphore_mem>>)
      %dma_wait3A = arith.constant 0 : i32
      %dma_wait3A_143 = tpu.memref_slice %arg16[%add3A_126, %dma_wait3A] : memref<10240x64xf32, #tpu.memory_space<vmem_shared>> -> memref<128x64xf32, #tpu.memory_space<vmem_shared>>
      %dma_wait3A_144 = arith.constant 0 : i32
      %dma_wait3A_145 = tpu.memref_slice %arg16[%add3A_126, %dma_wait3A_144] : memref<10240x64xf32, #tpu.memory_space<vmem_shared>> -> memref<128x64xf32, #tpu.memory_space<vmem_shared>>
      tpu.wait_dma2 semaphore(%run_scoped3A : memref<!tpu.dma_semaphore, #tpu.memory_space<semaphore_mem>>) src(%dma_wait3A_145 : memref<128x64xf32, #tpu.memory_space<vmem_shared>>) dst(%arg15 : memref<128x64xf32, #tpu.memory_space<vmem>>)
      tpu.yield
    }) : () -> ()
    "tpu.region"() ({
      %run_scoped3A = tpu.sem_alloc : memref<!tpu.dma_semaphore, #tpu.memory_space<semaphore_mem>>
      %dma_start3A_139 = arith.constant 0 : i32
      %dma_start3A_140 = arith.constant 0 : i32
      %dma_start3A_141 = tpu.memref_slice %arg7[%arg0, %dma_start3A_139, %dma_start3A_140] : memref<2x10240x64xf32, #tpu.memory_space<hbm>> -> memref<1x10240x64xf32, #tpu.memory_space<hbm>>
      %dma_start3A_142 = tpu.memref_squeeze %dma_start3A_141 : memref<1x10240x64xf32, #tpu.memory_space<hbm>> -> memref<10240x64xf32, #tpu.memory_space<hbm>>
      %dma_start3A_143 = arith.constant 0 : i32
      %dma_start3A_144 = tpu.memref_slice %dma_start3A_142[%add3A_126, %dma_start3A_143] : memref<10240x64xf32, #tpu.memory_space<hbm>> -> memref<128x64xf32, #tpu.memory_space<hbm>>
      %dma_start3A_145 = arith.constant 0 : i32
      %dma_start3A_146 = arith.constant 0 : i32
      %dma_start3A_147 = tpu.memref_slice %arg7[%arg0, %dma_start3A_145, %dma_start3A_146] : memref<2x10240x64xf32, #tpu.memory_space<hbm>> -> memref<1x10240x64xf32, #tpu.memory_space<hbm>>
      %dma_start3A_148 = tpu.memref_squeeze %dma_start3A_147 : memref<1x10240x64xf32, #tpu.memory_space<hbm>> -> memref<10240x64xf32, #tpu.memory_space<hbm>>
      %dma_start3A_149 = arith.constant 0 : i32
      %dma_start3A_150 = tpu.memref_slice %dma_start3A_148[%add3A_126, %dma_start3A_149] : memref<10240x64xf32, #tpu.memory_space<hbm>> -> memref<128x64xf32, #tpu.memory_space<hbm>>
      tpu.enqueue_dma source(%arg15 : memref<128x64xf32, #tpu.memory_space<vmem>>) target(%dma_start3A_150 : memref<128x64xf32, #tpu.memory_space<hbm>>) target_semaphore(%run_scoped3A : memref<!tpu.dma_semaphore, #tpu.memory_space<semaphore_mem>>)
      %dma_wait3A = arith.constant 0 : i32
      %dma_wait3A_151 = arith.constant 0 : i32
      %dma_wait3A_152 = tpu.memref_slice %arg7[%arg0, %dma_wait3A, %dma_wait3A_151] : memref<2x10240x64xf32, #tpu.memory_space<hbm>> -> memref<1x10240x64xf32, #tpu.memory_space<hbm>>
      %dma_wait3A_153 = tpu.memref_squeeze %dma_wait3A_152 : memref<1x10240x64xf32, #tpu.memory_space<hbm>> -> memref<10240x64xf32, #tpu.memory_space<hbm>>
      %dma_wait3A_154 = arith.constant 0 : i32
      %dma_wait3A_155 = tpu.memref_slice %dma_wait3A_153[%add3A_126, %dma_wait3A_154] : memref<10240x64xf32, #tpu.memory_space<hbm>> -> memref<128x64xf32, #tpu.memory_space<hbm>>
      %dma_wait3A_156 = arith.constant 0 : i32
      %dma_wait3A_157 = arith.constant 0 : i32
      %dma_wait3A_158 = tpu.memref_slice %arg7[%arg0, %dma_wait3A_156, %dma_wait3A_157] : memref<2x10240x64xf32, #tpu.memory_space<hbm>> -> memref<1x10240x64xf32, #tpu.memory_space<hbm>>
      %dma_wait3A_159 = tpu.memref_squeeze %dma_wait3A_158 : memref<1x10240x64xf32, #tpu.memory_space<hbm>> -> memref<10240x64xf32, #tpu.memory_space<hbm>>
      %dma_wait3A_160 = arith.constant 0 : i32
      %dma_wait3A_161 = tpu.memref_slice %dma_wait3A_159[%add3A_126, %dma_wait3A_160] : memref<10240x64xf32, #tpu.memory_space<hbm>> -> memref<128x64xf32, #tpu.memory_space<hbm>>
      tpu.wait_dma2 semaphore(%run_scoped3A : memref<!tpu.dma_semaphore, #tpu.memory_space<semaphore_mem>>) src(%arg15 : memref<128x64xf32, #tpu.memory_space<vmem>>) dst(%dma_wait3A_161 : memref<128x64xf32, #tpu.memory_space<hbm>>)
      tpu.yield
    }) : () -> ()
    %mul3A_127 = arith.constant 640 : i32
    %mul3A_128 = arith.muli %arg1, %mul3A_127 : i32
    %add3A_129 = arith.constant 256 : i32
    %add3A_130 = arith.addi %mul3A_128, %add3A_129 : i32
    "tpu.region"() ({
      %run_scoped3A = tpu.sem_alloc : memref<!tpu.dma_semaphore, #tpu.memory_space<semaphore_mem>>
      %dma_start3A_139 = arith.constant 0 : i32
      %dma_start3A_140 = tpu.memref_slice %arg16[%add3A_130, %dma_start3A_139] : memref<10240x64xf32, #tpu.memory_space<vmem_shared>> -> memref<128x64xf32, #tpu.memory_space<vmem_shared>>
      %dma_start3A_141 = arith.constant 0 : i32
      %dma_start3A_142 = tpu.memref_slice %arg16[%add3A_130, %dma_start3A_141] : memref<10240x64xf32, #tpu.memory_space<vmem_shared>> -> memref<128x64xf32, #tpu.memory_space<vmem_shared>>
      tpu.enqueue_dma source(%dma_start3A_142 : memref<128x64xf32, #tpu.memory_space<vmem_shared>>) target(%arg15 : memref<128x64xf32, #tpu.memory_space<vmem>>) target_semaphore(%run_scoped3A : memref<!tpu.dma_semaphore, #tpu.memory_space<semaphore_mem>>)
      %dma_wait3A = arith.constant 0 : i32
      %dma_wait3A_143 = tpu.memref_slice %arg16[%add3A_130, %dma_wait3A] : memref<10240x64xf32, #tpu.memory_space<vmem_shared>> -> memref<128x64xf32, #tpu.memory_space<vmem_shared>>
      %dma_wait3A_144 = arith.constant 0 : i32
      %dma_wait3A_145 = tpu.memref_slice %arg16[%add3A_130, %dma_wait3A_144] : memref<10240x64xf32, #tpu.memory_space<vmem_shared>> -> memref<128x64xf32, #tpu.memory_space<vmem_shared>>
      tpu.wait_dma2 semaphore(%run_scoped3A : memref<!tpu.dma_semaphore, #tpu.memory_space<semaphore_mem>>) src(%dma_wait3A_145 : memref<128x64xf32, #tpu.memory_space<vmem_shared>>) dst(%arg15 : memref<128x64xf32, #tpu.memory_space<vmem>>)
      tpu.yield
    }) : () -> ()
    "tpu.region"() ({
      %run_scoped3A = tpu.sem_alloc : memref<!tpu.dma_semaphore, #tpu.memory_space<semaphore_mem>>
      %dma_start3A_139 = arith.constant 0 : i32
      %dma_start3A_140 = arith.constant 0 : i32
      %dma_start3A_141 = tpu.memref_slice %arg7[%arg0, %dma_start3A_139, %dma_start3A_140] : memref<2x10240x64xf32, #tpu.memory_space<hbm>> -> memref<1x10240x64xf32, #tpu.memory_space<hbm>>
      %dma_start3A_142 = tpu.memref_squeeze %dma_start3A_141 : memref<1x10240x64xf32, #tpu.memory_space<hbm>> -> memref<10240x64xf32, #tpu.memory_space<hbm>>
      %dma_start3A_143 = arith.constant 0 : i32
      %dma_start3A_144 = tpu.memref_slice %dma_start3A_142[%add3A_130, %dma_start3A_143] : memref<10240x64xf32, #tpu.memory_space<hbm>> -> memref<128x64xf32, #tpu.memory_space<hbm>>
      %dma_start3A_145 = arith.constant 0 : i32
      %dma_start3A_146 = arith.constant 0 : i32
      %dma_start3A_147 = tpu.memref_slice %arg7[%arg0, %dma_start3A_145, %dma_start3A_146] : memref<2x10240x64xf32, #tpu.memory_space<hbm>> -> memref<1x10240x64xf32, #tpu.memory_space<hbm>>
      %dma_start3A_148 = tpu.memref_squeeze %dma_start3A_147 : memref<1x10240x64xf32, #tpu.memory_space<hbm>> -> memref<10240x64xf32, #tpu.memory_space<hbm>>
      %dma_start3A_149 = arith.constant 0 : i32
      %dma_start3A_150 = tpu.memref_slice %dma_start3A_148[%add3A_130, %dma_start3A_149] : memref<10240x64xf32, #tpu.memory_space<hbm>> -> memref<128x64xf32, #tpu.memory_space<hbm>>
      tpu.enqueue_dma source(%arg15 : memref<128x64xf32, #tpu.memory_space<vmem>>) target(%dma_start3A_150 : memref<128x64xf32, #tpu.memory_space<hbm>>) target_semaphore(%run_scoped3A : memref<!tpu.dma_semaphore, #tpu.memory_space<semaphore_mem>>)
      %dma_wait3A = arith.constant 0 : i32
      %dma_wait3A_151 = arith.constant 0 : i32
      %dma_wait3A_152 = tpu.memref_slice %arg7[%arg0, %dma_wait3A, %dma_wait3A_151] : memref<2x10240x64xf32, #tpu.memory_space<hbm>> -> memref<1x10240x64xf32, #tpu.memory_space<hbm>>
      %dma_wait3A_153 = tpu.memref_squeeze %dma_wait3A_152 : memref<1x10240x64xf32, #tpu.memory_space<hbm>> -> memref<10240x64xf32, #tpu.memory_space<hbm>>
      %dma_wait3A_154 = arith.constant 0 : i32
      %dma_wait3A_155 = tpu.memref_slice %dma_wait3A_153[%add3A_130, %dma_wait3A_154] : memref<10240x64xf32, #tpu.memory_space<hbm>> -> memref<128x64xf32, #tpu.memory_space<hbm>>
      %dma_wait3A_156 = arith.constant 0 : i32
      %dma_wait3A_157 = arith.constant 0 : i32
      %dma_wait3A_158 = tpu.memref_slice %arg7[%arg0, %dma_wait3A_156, %dma_wait3A_157] : memref<2x10240x64xf32, #tpu.memory_space<hbm>> -> memref<1x10240x64xf32, #tpu.memory_space<hbm>>
      %dma_wait3A_159 = tpu.memref_squeeze %dma_wait3A_158 : memref<1x10240x64xf32, #tpu.memory_space<hbm>> -> memref<10240x64xf32, #tpu.memory_space<hbm>>
      %dma_wait3A_160 = arith.constant 0 : i32
      %dma_wait3A_161 = tpu.memref_slice %dma_wait3A_159[%add3A_130, %dma_wait3A_160] : memref<10240x64xf32, #tpu.memory_space<hbm>> -> memref<128x64xf32, #tpu.memory_space<hbm>>
      tpu.wait_dma2 semaphore(%run_scoped3A : memref<!tpu.dma_semaphore, #tpu.memory_space<semaphore_mem>>) src(%arg15 : memref<128x64xf32, #tpu.memory_space<vmem>>) dst(%dma_wait3A_161 : memref<128x64xf32, #tpu.memory_space<hbm>>)
      tpu.yield
    }) : () -> ()
    %mul3A_131 = arith.constant 640 : i32
    %mul3A_132 = arith.muli %arg1, %mul3A_131 : i32
    %add3A_133 = arith.constant 384 : i32
    %add3A_134 = arith.addi %mul3A_132, %add3A_133 : i32
    "tpu.region"() ({
      %run_scoped3A = tpu.sem_alloc : memref<!tpu.dma_semaphore, #tpu.memory_space<semaphore_mem>>
      %dma_start3A_139 = arith.constant 0 : i32
      %dma_start3A_140 = tpu.memref_slice %arg16[%add3A_134, %dma_start3A_139] : memref<10240x64xf32, #tpu.memory_space<vmem_shared>> -> memref<128x64xf32, #tpu.memory_space<vmem_shared>>
      %dma_start3A_141 = arith.constant 0 : i32
      %dma_start3A_142 = tpu.memref_slice %arg16[%add3A_134, %dma_start3A_141] : memref<10240x64xf32, #tpu.memory_space<vmem_shared>> -> memref<128x64xf32, #tpu.memory_space<vmem_shared>>
      tpu.enqueue_dma source(%dma_start3A_142 : memref<128x64xf32, #tpu.memory_space<vmem_shared>>) target(%arg15 : memref<128x64xf32, #tpu.memory_space<vmem>>) target_semaphore(%run_scoped3A : memref<!tpu.dma_semaphore, #tpu.memory_space<semaphore_mem>>)
      %dma_wait3A = arith.constant 0 : i32
      %dma_wait3A_143 = tpu.memref_slice %arg16[%add3A_134, %dma_wait3A] : memref<10240x64xf32, #tpu.memory_space<vmem_shared>> -> memref<128x64xf32, #tpu.memory_space<vmem_shared>>
      %dma_wait3A_144 = arith.constant 0 : i32
      %dma_wait3A_145 = tpu.memref_slice %arg16[%add3A_134, %dma_wait3A_144] : memref<10240x64xf32, #tpu.memory_space<vmem_shared>> -> memref<128x64xf32, #tpu.memory_space<vmem_shared>>
      tpu.wait_dma2 semaphore(%run_scoped3A : memref<!tpu.dma_semaphore, #tpu.memory_space<semaphore_mem>>) src(%dma_wait3A_145 : memref<128x64xf32, #tpu.memory_space<vmem_shared>>) dst(%arg15 : memref<128x64xf32, #tpu.memory_space<vmem>>)
      tpu.yield
    }) : () -> ()
    "tpu.region"() ({
      %run_scoped3A = tpu.sem_alloc : memref<!tpu.dma_semaphore, #tpu.memory_space<semaphore_mem>>
      %dma_start3A_139 = arith.constant 0 : i32
      %dma_start3A_140 = arith.constant 0 : i32
      %dma_start3A_141 = tpu.memref_slice %arg7[%arg0, %dma_start3A_139, %dma_start3A_140] : memref<2x10240x64xf32, #tpu.memory_space<hbm>> -> memref<1x10240x64xf32, #tpu.memory_space<hbm>>
      %dma_start3A_142 = tpu.memref_squeeze %dma_start3A_141 : memref<1x10240x64xf32, #tpu.memory_space<hbm>> -> memref<10240x64xf32, #tpu.memory_space<hbm>>
      %dma_start3A_143 = arith.constant 0 : i32
      %dma_start3A_144 = tpu.memref_slice %dma_start3A_142[%add3A_134, %dma_start3A_143] : memref<10240x64xf32, #tpu.memory_space<hbm>> -> memref<128x64xf32, #tpu.memory_space<hbm>>
      %dma_start3A_145 = arith.constant 0 : i32
      %dma_start3A_146 = arith.constant 0 : i32
      %dma_start3A_147 = tpu.memref_slice %arg7[%arg0, %dma_start3A_145, %dma_start3A_146] : memref<2x10240x64xf32, #tpu.memory_space<hbm>> -> memref<1x10240x64xf32, #tpu.memory_space<hbm>>
      %dma_start3A_148 = tpu.memref_squeeze %dma_start3A_147 : memref<1x10240x64xf32, #tpu.memory_space<hbm>> -> memref<10240x64xf32, #tpu.memory_space<hbm>>
      %dma_start3A_149 = arith.constant 0 : i32
      %dma_start3A_150 = tpu.memref_slice %dma_start3A_148[%add3A_134, %dma_start3A_149] : memref<10240x64xf32, #tpu.memory_space<hbm>> -> memref<128x64xf32, #tpu.memory_space<hbm>>
      tpu.enqueue_dma source(%arg15 : memref<128x64xf32, #tpu.memory_space<vmem>>) target(%dma_start3A_150 : memref<128x64xf32, #tpu.memory_space<hbm>>) target_semaphore(%run_scoped3A : memref<!tpu.dma_semaphore, #tpu.memory_space<semaphore_mem>>)
      %dma_wait3A = arith.constant 0 : i32
      %dma_wait3A_151 = arith.constant 0 : i32
      %dma_wait3A_152 = tpu.memref_slice %arg7[%arg0, %dma_wait3A, %dma_wait3A_151] : memref<2x10240x64xf32, #tpu.memory_space<hbm>> -> memref<1x10240x64xf32, #tpu.memory_space<hbm>>
      %dma_wait3A_153 = tpu.memref_squeeze %dma_wait3A_152 : memref<1x10240x64xf32, #tpu.memory_space<hbm>> -> memref<10240x64xf32, #tpu.memory_space<hbm>>
      %dma_wait3A_154 = arith.constant 0 : i32
      %dma_wait3A_155 = tpu.memref_slice %dma_wait3A_153[%add3A_134, %dma_wait3A_154] : memref<10240x64xf32, #tpu.memory_space<hbm>> -> memref<128x64xf32, #tpu.memory_space<hbm>>
      %dma_wait3A_156 = arith.constant 0 : i32
      %dma_wait3A_157 = arith.constant 0 : i32
      %dma_wait3A_158 = tpu.memref_slice %arg7[%arg0, %dma_wait3A_156, %dma_wait3A_157] : memref<2x10240x64xf32, #tpu.memory_space<hbm>> -> memref<1x10240x64xf32, #tpu.memory_space<hbm>>
      %dma_wait3A_159 = tpu.memref_squeeze %dma_wait3A_158 : memref<1x10240x64xf32, #tpu.memory_space<hbm>> -> memref<10240x64xf32, #tpu.memory_space<hbm>>
      %dma_wait3A_160 = arith.constant 0 : i32
      %dma_wait3A_161 = tpu.memref_slice %dma_wait3A_159[%add3A_134, %dma_wait3A_160] : memref<10240x64xf32, #tpu.memory_space<hbm>> -> memref<128x64xf32, #tpu.memory_space<hbm>>
      tpu.wait_dma2 semaphore(%run_scoped3A : memref<!tpu.dma_semaphore, #tpu.memory_space<semaphore_mem>>) src(%arg15 : memref<128x64xf32, #tpu.memory_space<vmem>>) dst(%dma_wait3A_161 : memref<128x64xf32, #tpu.memory_space<hbm>>)
      tpu.yield
    }) : () -> ()
    %mul3A_135 = arith.constant 640 : i32
    %mul3A_136 = arith.muli %arg1, %mul3A_135 : i32
    %add3A_137 = arith.constant 512 : i32
    %add3A_138 = arith.addi %mul3A_136, %add3A_137 : i32
    "tpu.region"() ({
      %run_scoped3A = tpu.sem_alloc : memref<!tpu.dma_semaphore, #tpu.memory_space<semaphore_mem>>
      %dma_start3A_139 = arith.constant 0 : i32
      %dma_start3A_140 = tpu.memref_slice %arg16[%add3A_138, %dma_start3A_139] : memref<10240x64xf32, #tpu.memory_space<vmem_shared>> -> memref<128x64xf32, #tpu.memory_space<vmem_shared>>
      %dma_start3A_141 = arith.constant 0 : i32
      %dma_start3A_142 = tpu.memref_slice %arg16[%add3A_138, %dma_start3A_141] : memref<10240x64xf32, #tpu.memory_space<vmem_shared>> -> memref<128x64xf32, #tpu.memory_space<vmem_shared>>
      tpu.enqueue_dma source(%dma_start3A_142 : memref<128x64xf32, #tpu.memory_space<vmem_shared>>) target(%arg15 : memref<128x64xf32, #tpu.memory_space<vmem>>) target_semaphore(%run_scoped3A : memref<!tpu.dma_semaphore, #tpu.memory_space<semaphore_mem>>)
      %dma_wait3A = arith.constant 0 : i32
      %dma_wait3A_143 = tpu.memref_slice %arg16[%add3A_138, %dma_wait3A] : memref<10240x64xf32, #tpu.memory_space<vmem_shared>> -> memref<128x64xf32, #tpu.memory_space<vmem_shared>>
      %dma_wait3A_144 = arith.constant 0 : i32
      %dma_wait3A_145 = tpu.memref_slice %arg16[%add3A_138, %dma_wait3A_144] : memref<10240x64xf32, #tpu.memory_space<vmem_shared>> -> memref<128x64xf32, #tpu.memory_space<vmem_shared>>
      tpu.wait_dma2 semaphore(%run_scoped3A : memref<!tpu.dma_semaphore, #tpu.memory_space<semaphore_mem>>) src(%dma_wait3A_145 : memref<128x64xf32, #tpu.memory_space<vmem_shared>>) dst(%arg15 : memref<128x64xf32, #tpu.memory_space<vmem>>)
      tpu.yield
    }) : () -> ()
    "tpu.region"() ({
      %run_scoped3A = tpu.sem_alloc : memref<!tpu.dma_semaphore, #tpu.memory_space<semaphore_mem>>
      %dma_start3A_139 = arith.constant 0 : i32
      %dma_start3A_140 = arith.constant 0 : i32
      %dma_start3A_141 = tpu.memref_slice %arg7[%arg0, %dma_start3A_139, %dma_start3A_140] : memref<2x10240x64xf32, #tpu.memory_space<hbm>> -> memref<1x10240x64xf32, #tpu.memory_space<hbm>>
      %dma_start3A_142 = tpu.memref_squeeze %dma_start3A_141 : memref<1x10240x64xf32, #tpu.memory_space<hbm>> -> memref<10240x64xf32, #tpu.memory_space<hbm>>
      %dma_start3A_143 = arith.constant 0 : i32
      %dma_start3A_144 = tpu.memref_slice %dma_start3A_142[%add3A_138, %dma_start3A_143] : memref<10240x64xf32, #tpu.memory_space<hbm>> -> memref<128x64xf32, #tpu.memory_space<hbm>>
      %dma_start3A_145 = arith.constant 0 : i32
      %dma_start3A_146 = arith.constant 0 : i32
      %dma_start3A_147 = tpu.memref_slice %arg7[%arg0, %dma_start3A_145, %dma_start3A_146] : memref<2x10240x64xf32, #tpu.memory_space<hbm>> -> memref<1x10240x64xf32, #tpu.memory_space<hbm>>
      %dma_start3A_148 = tpu.memref_squeeze %dma_start3A_147 : memref<1x10240x64xf32, #tpu.memory_space<hbm>> -> memref<10240x64xf32, #tpu.memory_space<hbm>>
      %dma_start3A_149 = arith.constant 0 : i32
      %dma_start3A_150 = tpu.memref_slice %dma_start3A_148[%add3A_138, %dma_start3A_149] : memref<10240x64xf32, #tpu.memory_space<hbm>> -> memref<128x64xf32, #tpu.memory_space<hbm>>
      tpu.enqueue_dma source(%arg15 : memref<128x64xf32, #tpu.memory_space<vmem>>) target(%dma_start3A_150 : memref<128x64xf32, #tpu.memory_space<hbm>>) target_semaphore(%run_scoped3A : memref<!tpu.dma_semaphore, #tpu.memory_space<semaphore_mem>>)
      %dma_wait3A = arith.constant 0 : i32
      %dma_wait3A_151 = arith.constant 0 : i32
      %dma_wait3A_152 = tpu.memref_slice %arg7[%arg0, %dma_wait3A, %dma_wait3A_151] : memref<2x10240x64xf32, #tpu.memory_space<hbm>> -> memref<1x10240x64xf32, #tpu.memory_space<hbm>>
      %dma_wait3A_153 = tpu.memref_squeeze %dma_wait3A_152 : memref<1x10240x64xf32, #tpu.memory_space<hbm>> -> memref<10240x64xf32, #tpu.memory_space<hbm>>
      %dma_wait3A_154 = arith.constant 0 : i32
      %dma_wait3A_155 = tpu.memref_slice %dma_wait3A_153[%add3A_138, %dma_wait3A_154] : memref<10240x64xf32, #tpu.memory_space<hbm>> -> memref<128x64xf32, #tpu.memory_space<hbm>>
      %dma_wait3A_156 = arith.constant 0 : i32
      %dma_wait3A_157 = arith.constant 0 : i32
      %dma_wait3A_158 = tpu.memref_slice %arg7[%arg0, %dma_wait3A_156, %dma_wait3A_157] : memref<2x10240x64xf32, #tpu.memory_space<hbm>> -> memref<1x10240x64xf32, #tpu.memory_space<hbm>>
      %dma_wait3A_159 = tpu.memref_squeeze %dma_wait3A_158 : memref<1x10240x64xf32, #tpu.memory_space<hbm>> -> memref<10240x64xf32, #tpu.memory_space<hbm>>
      %dma_wait3A_160 = arith.constant 0 : i32
      %dma_wait3A_161 = tpu.memref_slice %dma_wait3A_159[%add3A_138, %dma_wait3A_160] : memref<10240x64xf32, #tpu.memory_space<hbm>> -> memref<128x64xf32, #tpu.memory_space<hbm>>
      tpu.wait_dma2 semaphore(%run_scoped3A : memref<!tpu.dma_semaphore, #tpu.memory_space<semaphore_mem>>) src(%arg15 : memref<128x64xf32, #tpu.memory_space<vmem>>) dst(%dma_wait3A_161 : memref<128x64xf32, #tpu.memory_space<hbm>>)
      tpu.yield
    }) : () -> ()
    return
  }
}

#map = affine_map<(d0, d1) -> (0, 0)>
#map1 = affine_map<(d0, d1) -> (0, 0, 0)>
module attributes {stable_mosaic.version = 14 : i64} {
  func.func @body(%arg0: i32, %arg1: i32, %arg2: memref<10000x64xf32, #tpu.memory_space<hbm>>, %arg3: memref<10000x64xf32, #tpu.memory_space<hbm>>, %arg4: memref<32x80x125xi32, #tpu.memory_space<hbm>>, %arg5: memref<32x80x125xi32, #tpu.memory_space<hbm>>, %arg6: memref<2x10240x64xf32, #tpu.memory_space<hbm>>, %arg7: memref<2x10240x64xf32, #tpu.memory_space<hbm>>, %arg8: memref<80x125xi32, #tpu.memory_space<vmem>>, %arg9: memref<80x125xi32, #tpu.memory_space<vmem>>, %arg10: memref<125x64xf32, #tpu.memory_space<vmem>>, %arg11: memref<125x64xf32, #tpu.memory_space<vmem>>, %arg12: memref<125x64xf32, #tpu.memory_space<vmem>>, %arg13: memref<125x64xf32, #tpu.memory_space<vmem>>, %arg14: memref<128x64xf32, #tpu.memory_space<vmem>>, %arg15: memref<128x64xf32, #tpu.memory_space<vmem>>, %arg16: memref<10240x64xf32, #tpu.memory_space<vmem_shared>>, %arg17: memref<!tpu.dma_semaphore, #tpu.memory_space<semaphore_mem>>, %arg18: memref<!tpu.dma_semaphore, #tpu.memory_space<semaphore_mem>>, %arg19: memref<!tpu.dma_semaphore, #tpu.memory_space<semaphore_mem>>, %arg20: memref<!tpu.dma_semaphore, #tpu.memory_space<semaphore_mem>>) attributes {dimension_semantics = [#tpu.dimension_semantics<core_parallel>, #tpu.dimension_semantics<subcore_parallel>], iteration_bounds = array<i64: 2, 16>, scalar_prefetch = 0 : i64, scratch_operands = 13 : i64, tpu.core_type = #tpu.core_type<sc_vector_subcore>, window_params = [{transform_indices = #map}, {transform_indices = #map}, {transform_indices = #map1}, {transform_indices = #map1}, {transform_indices = #map1}, {transform_indices = #map1}]} {
    %mul3A = arith.constant 16 : i32
    %mul3A_0 = arith.muli %arg0, %mul3A : i32
    %add3A = arith.addi %mul3A_0, %arg1 : i32
    %scan3A = arith.constant 0 : i32
    %scan3A_1 = arith.constant 0 : i32
    %scan3A_2 = arith.constant 128 : i32
    %scan3A_3 = arith.addi %scan3A_1, %scan3A_2 : i32
    %scan3A_4 = arith.constant 1 : i32
    %scan3A_5 = scf.for %scan3A_139 = %scan3A_1 to %scan3A_3 step %scan3A_4 iter_args(%scan3A_140 = %scan3A) -> (i32)  : i32 {
      %broadcast_in_dim3A = arith.constant 0.000000e+00 : f32
      %broadcast_in_dim3A_141 = vector.broadcast %broadcast_in_dim3A : f32 to vector<16xf32>
      %swap3A = arith.index_cast %scan3A_139 : i32 to index
      %swap3A_142 = arith.constant 0 : index
      %swap3A_143 = tpu.vector_load %arg14[%swap3A, %swap3A_142] {strides = array<i32>} : memref<128x64xf32, #tpu.memory_space<vmem>>, vector<1x16xf32>,
      %swap3A_144 = vector.shape_cast %swap3A_143 : vector<1x16xf32> to vector<16xf32>
      %swap3A_145 = vector.shape_cast %broadcast_in_dim3A_141 : vector<16xf32> to vector<1x16xf32>
      tpu.vector_store %arg14[%swap3A, %swap3A_142], %swap3A_145 {strides = array<i32>} : memref<128x64xf32, #tpu.memory_space<vmem>>, vector<1x16xf32>,
      %broadcast_in_dim3A_146 = arith.constant 0.000000e+00 : f32
      %broadcast_in_dim3A_147 = vector.broadcast %broadcast_in_dim3A_146 : f32 to vector<16xf32>
      %swap3A_148 = arith.index_cast %scan3A_139 : i32 to index
      %swap3A_149 = arith.constant 16 : index
      %swap3A_150 = tpu.vector_load %arg14[%swap3A_148, %swap3A_149] {strides = array<i32>} : memref<128x64xf32, #tpu.memory_space<vmem>>, vector<1x16xf32>,
      %swap3A_151 = vector.shape_cast %swap3A_150 : vector<1x16xf32> to vector<16xf32>
      %swap3A_152 = vector.shape_cast %broadcast_in_dim3A_147 : vector<16xf32> to vector<1x16xf32>
      tpu.vector_store %arg14[%swap3A_148, %swap3A_149], %swap3A_152 {strides = array<i32>} : memref<128x64xf32, #tpu.memory_space<vmem>>, vector<1x16xf32>,
      %broadcast_in_dim3A_153 = arith.constant 0.000000e+00 : f32
      %broadcast_in_dim3A_154 = vector.broadcast %broadcast_in_dim3A_153 : f32 to vector<16xf32>
      %swap3A_155 = arith.index_cast %scan3A_139 : i32 to index
      %swap3A_156 = arith.constant 32 : index
      %swap3A_157 = tpu.vector_load %arg14[%swap3A_155, %swap3A_156] {strides = array<i32>} : memref<128x64xf32, #tpu.memory_space<vmem>>, vector<1x16xf32>,
      %swap3A_158 = vector.shape_cast %swap3A_157 : vector<1x16xf32> to vector<16xf32>
      %swap3A_159 = vector.shape_cast %broadcast_in_dim3A_154 : vector<16xf32> to vector<1x16xf32>
      tpu.vector_store %arg14[%swap3A_155, %swap3A_156], %swap3A_159 {strides = array<i32>} : memref<128x64xf32, #tpu.memory_space<vmem>>, vector<1x16xf32>,
      %broadcast_in_dim3A_160 = arith.constant 0.000000e+00 : f32
      %broadcast_in_dim3A_161 = vector.broadcast %broadcast_in_dim3A_160 : f32 to vector<16xf32>
      %swap3A_162 = arith.index_cast %scan3A_139 : i32 to index
      %swap3A_163 = arith.constant 48 : index
      %swap3A_164 = tpu.vector_load %arg14[%swap3A_162, %swap3A_163] {strides = array<i32>} : memref<128x64xf32, #tpu.memory_space<vmem>>, vector<1x16xf32>,
      %swap3A_165 = vector.shape_cast %swap3A_164 : vector<1x16xf32> to vector<16xf32>
      %swap3A_166 = vector.shape_cast %broadcast_in_dim3A_161 : vector<16xf32> to vector<1x16xf32>
      tpu.vector_store %arg14[%swap3A_162, %swap3A_163], %swap3A_166 {strides = array<i32>} : memref<128x64xf32, #tpu.memory_space<vmem>>, vector<1x16xf32>,
      %scan3A_167 = arith.constant 0 : i32
      scf.yield %scan3A_167 : i32
    }
    %scan3A_6 = arith.constant 128 : i32
    %mul3A_7 = arith.constant 640 : i32
    %mul3A_8 = arith.muli %arg1, %mul3A_7 : i32
    %add3A_9 = arith.constant 0 : i32
    %add3A_10 = arith.addi %mul3A_8, %add3A_9 : i32
    "tpu.region"() ({
      %run_scoped3A = tpu.sem_alloc : memref<!tpu.dma_semaphore, #tpu.memory_space<semaphore_mem>>
      %dma_start3A_139 = arith.constant 0 : i32
      %dma_start3A_140 = tpu.memref_slice %arg16[%add3A_10, %dma_start3A_139] : memref<10240x64xf32, #tpu.memory_space<vmem_shared>> -> memref<128x64xf32, #tpu.memory_space<vmem_shared>>
      %dma_start3A_141 = arith.constant 0 : i32
      %dma_start3A_142 = tpu.memref_slice %arg16[%add3A_10, %dma_start3A_141] : memref<10240x64xf32, #tpu.memory_space<vmem_shared>> -> memref<128x64xf32, #tpu.memory_space<vmem_shared>>
      tpu.enqueue_dma source(%arg14 : memref<128x64xf32, #tpu.memory_space<vmem>>) target(%dma_start3A_142 : memref<128x64xf32, #tpu.memory_space<vmem_shared>>) target_semaphore(%run_scoped3A : memref<!tpu.dma_semaphore, #tpu.memory_space<semaphore_mem>>)
      %dma_wait3A = arith.constant 0 : i32
      %dma_wait3A_143 = tpu.memref_slice %arg16[%add3A_10, %dma_wait3A] : memref<10240x64xf32, #tpu.memory_space<vmem_shared>> -> memref<128x64xf32, #tpu.memory_space<vmem_shared>>
      %dma_wait3A_144 = arith.constant 0 : i32
      %dma_wait3A_145 = tpu.memref_slice %arg16[%add3A_10, %dma_wait3A_144] : memref<10240x64xf32, #tpu.memory_space<vmem_shared>> -> memref<128x64xf32, #tpu.memory_space<vmem_shared>>
      tpu.wait_dma2 semaphore(%run_scoped3A : memref<!tpu.dma_semaphore, #tpu.memory_space<semaphore_mem>>) src(%arg14 : memref<128x64xf32, #tpu.memory_space<vmem>>) dst(%dma_wait3A_145 : memref<128x64xf32, #tpu.memory_space<vmem_shared>>)
      tpu.yield
    }) : () -> ()
    %mul3A_11 = arith.constant 640 : i32
    %mul3A_12 = arith.muli %arg1, %mul3A_11 : i32
    %add3A_13 = arith.constant 128 : i32
    %add3A_14 = arith.addi %mul3A_12, %add3A_13 : i32
    "tpu.region"() ({
      %run_scoped3A = tpu.sem_alloc : memref<!tpu.dma_semaphore, #tpu.memory_space<semaphore_mem>>
      %dma_start3A_139 = arith.constant 0 : i32
      %dma_start3A_140 = tpu.memref_slice %arg16[%add3A_14, %dma_start3A_139] : memref<10240x64xf32, #tpu.memory_space<vmem_shared>> -> memref<128x64xf32, #tpu.memory_space<vmem_shared>>
      %dma_start3A_141 = arith.constant 0 : i32
      %dma_start3A_142 = tpu.memref_slice %arg16[%add3A_14, %dma_start3A_141] : memref<10240x64xf32, #tpu.memory_space<vmem_shared>> -> memref<128x64xf32, #tpu.memory_space<vmem_shared>>
      tpu.enqueue_dma source(%arg14 : memref<128x64xf32, #tpu.memory_space<vmem>>) target(%dma_start3A_142 : memref<128x64xf32, #tpu.memory_space<vmem_shared>>) target_semaphore(%run_scoped3A : memref<!tpu.dma_semaphore, #tpu.memory_space<semaphore_mem>>)
      %dma_wait3A = arith.constant 0 : i32
      %dma_wait3A_143 = tpu.memref_slice %arg16[%add3A_14, %dma_wait3A] : memref<10240x64xf32, #tpu.memory_space<vmem_shared>> -> memref<128x64xf32, #tpu.memory_space<vmem_shared>>
      %dma_wait3A_144 = arith.constant 0 : i32
      %dma_wait3A_145 = tpu.memref_slice %arg16[%add3A_14, %dma_wait3A_144] : memref<10240x64xf32, #tpu.memory_space<vmem_shared>> -> memref<128x64xf32, #tpu.memory_space<vmem_shared>>
      tpu.wait_dma2 semaphore(%run_scoped3A : memref<!tpu.dma_semaphore, #tpu.memory_space<semaphore_mem>>) src(%arg14 : memref<128x64xf32, #tpu.memory_space<vmem>>) dst(%dma_wait3A_145 : memref<128x64xf32, #tpu.memory_space<vmem_shared>>)
      tpu.yield
    }) : () -> ()
    %mul3A_15 = arith.constant 640 : i32
    %mul3A_16 = arith.muli %arg1, %mul3A_15 : i32
    %add3A_17 = arith.constant 256 : i32
    %add3A_18 = arith.addi %mul3A_16, %add3A_17 : i32
    "tpu.region"() ({
      %run_scoped3A = tpu.sem_alloc : memref<!tpu.dma_semaphore, #tpu.memory_space<semaphore_mem>>
      %dma_start3A_139 = arith.constant 0 : i32
      %dma_start3A_140 = tpu.memref_slice %arg16[%add3A_18, %dma_start3A_139] : memref<10240x64xf32, #tpu.memory_space<vmem_shared>> -> memref<128x64xf32, #tpu.memory_space<vmem_shared>>
      %dma_start3A_141 = arith.constant 0 : i32
      %dma_start3A_142 = tpu.memref_slice %arg16[%add3A_18, %dma_start3A_141] : memref<10240x64xf32, #tpu.memory_space<vmem_shared>> -> memref<128x64xf32, #tpu.memory_space<vmem_shared>>
      tpu.enqueue_dma source(%arg14 : memref<128x64xf32, #tpu.memory_space<vmem>>) target(%dma_start3A_142 : memref<128x64xf32, #tpu.memory_space<vmem_shared>>) target_semaphore(%run_scoped3A : memref<!tpu.dma_semaphore, #tpu.memory_space<semaphore_mem>>)
      %dma_wait3A = arith.constant 0 : i32
      %dma_wait3A_143 = tpu.memref_slice %arg16[%add3A_18, %dma_wait3A] : memref<10240x64xf32, #tpu.memory_space<vmem_shared>> -> memref<128x64xf32, #tpu.memory_space<vmem_shared>>
      %dma_wait3A_144 = arith.constant 0 : i32
      %dma_wait3A_145 = tpu.memref_slice %arg16[%add3A_18, %dma_wait3A_144] : memref<10240x64xf32, #tpu.memory_space<vmem_shared>> -> memref<128x64xf32, #tpu.memory_space<vmem_shared>>
      tpu.wait_dma2 semaphore(%run_scoped3A : memref<!tpu.dma_semaphore, #tpu.memory_space<semaphore_mem>>) src(%arg14 : memref<128x64xf32, #tpu.memory_space<vmem>>) dst(%dma_wait3A_145 : memref<128x64xf32, #tpu.memory_space<vmem_shared>>)
      tpu.yield
    }) : () -> ()
    %mul3A_19 = arith.constant 640 : i32
    %mul3A_20 = arith.muli %arg1, %mul3A_19 : i32
    %add3A_21 = arith.constant 384 : i32
    %add3A_22 = arith.addi %mul3A_20, %add3A_21 : i32
    "tpu.region"() ({
      %run_scoped3A = tpu.sem_alloc : memref<!tpu.dma_semaphore, #tpu.memory_space<semaphore_mem>>
      %dma_start3A_139 = arith.constant 0 : i32
      %dma_start3A_140 = tpu.memref_slice %arg16[%add3A_22, %dma_start3A_139] : memref<10240x64xf32, #tpu.memory_space<vmem_shared>> -> memref<128x64xf32, #tpu.memory_space<vmem_shared>>
      %dma_start3A_141 = arith.constant 0 : i32
      %dma_start3A_142 = tpu.memref_slice %arg16[%add3A_22, %dma_start3A_141] : memref<10240x64xf32, #tpu.memory_space<vmem_shared>> -> memref<128x64xf32, #tpu.memory_space<vmem_shared>>
      tpu.enqueue_dma source(%arg14 : memref<128x64xf32, #tpu.memory_space<vmem>>) target(%dma_start3A_142 : memref<128x64xf32, #tpu.memory_space<vmem_shared>>) target_semaphore(%run_scoped3A : memref<!tpu.dma_semaphore, #tpu.memory_space<semaphore_mem>>)
      %dma_wait3A = arith.constant 0 : i32
      %dma_wait3A_143 = tpu.memref_slice %arg16[%add3A_22, %dma_wait3A] : memref<10240x64xf32, #tpu.memory_space<vmem_shared>> -> memref<128x64xf32, #tpu.memory_space<vmem_shared>>
      %dma_wait3A_144 = arith.constant 0 : i32
      %dma_wait3A_145 = tpu.memref_slice %arg16[%add3A_22, %dma_wait3A_144] : memref<10240x64xf32, #tpu.memory_space<vmem_shared>> -> memref<128x64xf32, #tpu.memory_space<vmem_shared>>
      tpu.wait_dma2 semaphore(%run_scoped3A : memref<!tpu.dma_semaphore, #tpu.memory_space<semaphore_mem>>) src(%arg14 : memref<128x64xf32, #tpu.memory_space<vmem>>) dst(%dma_wait3A_145 : memref<128x64xf32, #tpu.memory_space<vmem_shared>>)
      tpu.yield
    }) : () -> ()
    %mul3A_23 = arith.constant 640 : i32
    %mul3A_24 = arith.muli %arg1, %mul3A_23 : i32
    %add3A_25 = arith.constant 512 : i32
    %add3A_26 = arith.addi %mul3A_24, %add3A_25 : i32
    "tpu.region"() ({
      %run_scoped3A = tpu.sem_alloc : memref<!tpu.dma_semaphore, #tpu.memory_space<semaphore_mem>>
      %dma_start3A_139 = arith.constant 0 : i32
      %dma_start3A_140 = tpu.memref_slice %arg16[%add3A_26, %dma_start3A_139] : memref<10240x64xf32, #tpu.memory_space<vmem_shared>> -> memref<128x64xf32, #tpu.memory_space<vmem_shared>>
      %dma_start3A_141 = arith.constant 0 : i32
      %dma_start3A_142 = tpu.memref_slice %arg16[%add3A_26, %dma_start3A_141] : memref<10240x64xf32, #tpu.memory_space<vmem_shared>> -> memref<128x64xf32, #tpu.memory_space<vmem_shared>>
      tpu.enqueue_dma source(%arg14 : memref<128x64xf32, #tpu.memory_space<vmem>>) target(%dma_start3A_142 : memref<128x64xf32, #tpu.memory_space<vmem_shared>>) target_semaphore(%run_scoped3A : memref<!tpu.dma_semaphore, #tpu.memory_space<semaphore_mem>>)
      %dma_wait3A = arith.constant 0 : i32
      %dma_wait3A_143 = tpu.memref_slice %arg16[%add3A_26, %dma_wait3A] : memref<10240x64xf32, #tpu.memory_space<vmem_shared>> -> memref<128x64xf32, #tpu.memory_space<vmem_shared>>
      %dma_wait3A_144 = arith.constant 0 : i32
      %dma_wait3A_145 = tpu.memref_slice %arg16[%add3A_26, %dma_wait3A_144] : memref<10240x64xf32, #tpu.memory_space<vmem_shared>> -> memref<128x64xf32, #tpu.memory_space<vmem_shared>>
      tpu.wait_dma2 semaphore(%run_scoped3A : memref<!tpu.dma_semaphore, #tpu.memory_space<semaphore_mem>>) src(%arg14 : memref<128x64xf32, #tpu.memory_space<vmem>>) dst(%dma_wait3A_145 : memref<128x64xf32, #tpu.memory_space<vmem_shared>>)
      tpu.yield
    }) : () -> ()
    "tpu.region"() ({
      %run_scoped3A = tpu.sem_alloc : memref<!tpu.dma_semaphore, #tpu.memory_space<semaphore_mem>>
      %dma_start3A_139 = arith.constant 0 : i32
      %dma_start3A_140 = arith.constant 0 : i32
      %dma_start3A_141 = tpu.memref_slice %arg4[%add3A, %dma_start3A_139, %dma_start3A_140] : memref<32x80x125xi32, #tpu.memory_space<hbm>> -> memref<1x80x125xi32, #tpu.memory_space<hbm>>
      %dma_start3A_142 = tpu.memref_squeeze %dma_start3A_141 : memref<1x80x125xi32, #tpu.memory_space<hbm>> -> memref<80x125xi32, #tpu.memory_space<hbm>>
      %dma_start3A_143 = arith.constant 0 : i32
      %dma_start3A_144 = arith.constant 0 : i32
      %dma_start3A_145 = tpu.memref_slice %arg4[%add3A, %dma_start3A_143, %dma_start3A_144] : memref<32x80x125xi32, #tpu.memory_space<hbm>> -> memref<1x80x125xi32, #tpu.memory_space<hbm>>
      %dma_start3A_146 = tpu.memref_squeeze %dma_start3A_145 : memref<1x80x125xi32, #tpu.memory_space<hbm>> -> memref<80x125xi32, #tpu.memory_space<hbm>>
      tpu.enqueue_dma source(%dma_start3A_146 : memref<80x125xi32, #tpu.memory_space<hbm>>) target(%arg8 : memref<80x125xi32, #tpu.memory_space<vmem>>) target_semaphore(%run_scoped3A : memref<!tpu.dma_semaphore, #tpu.memory_space<semaphore_mem>>)
      %dma_wait3A = arith.constant 0 : i32
      %dma_wait3A_147 = arith.constant 0 : i32
      %dma_wait3A_148 = tpu.memref_slice %arg4[%add3A, %dma_wait3A, %dma_wait3A_147] : memref<32x80x125xi32, #tpu.memory_space<hbm>> -> memref<1x80x125xi32, #tpu.memory_space<hbm>>
      %dma_wait3A_149 = tpu.memref_squeeze %dma_wait3A_148 : memref<1x80x125xi32, #tpu.memory_space<hbm>> -> memref<80x125xi32, #tpu.memory_space<hbm>>
      %dma_wait3A_150 = arith.constant 0 : i32
      %dma_wait3A_151 = arith.constant 0 : i32
      %dma_wait3A_152 = tpu.memref_slice %arg4[%add3A, %dma_wait3A_150, %dma_wait3A_151] : memref<32x80x125xi32, #tpu.memory_space<hbm>> -> memref<1x80x125xi32, #tpu.memory_space<hbm>>
      %dma_wait3A_153 = tpu.memref_squeeze %dma_wait3A_152 : memref<1x80x125xi32, #tpu.memory_space<hbm>> -> memref<80x125xi32, #tpu.memory_space<hbm>>
      tpu.wait_dma2 semaphore(%run_scoped3A : memref<!tpu.dma_semaphore, #tpu.memory_space<semaphore_mem>>) src(%dma_wait3A_153 : memref<80x125xi32, #tpu.memory_space<hbm>>) dst(%arg8 : memref<80x125xi32, #tpu.memory_space<vmem>>)
      tpu.yield
    }) : () -> ()
    "tpu.region"() ({
      %run_scoped3A = tpu.sem_alloc : memref<!tpu.dma_semaphore, #tpu.memory_space<semaphore_mem>>
      %dma_start3A_139 = arith.constant 0 : i32
      %dma_start3A_140 = arith.constant 0 : i32
      %dma_start3A_141 = tpu.memref_slice %arg5[%add3A, %dma_start3A_139, %dma_start3A_140] : memref<32x80x125xi32, #tpu.memory_space<hbm>> -> memref<1x80x125xi32, #tpu.memory_space<hbm>>
      %dma_start3A_142 = tpu.memref_squeeze %dma_start3A_141 : memref<1x80x125xi32, #tpu.memory_space<hbm>> -> memref<80x125xi32, #tpu.memory_space<hbm>>
      %dma_start3A_143 = arith.constant 0 : i32
      %dma_start3A_144 = arith.constant 0 : i32
      %dma_start3A_145 = tpu.memref_slice %arg5[%add3A, %dma_start3A_143, %dma_start3A_144] : memref<32x80x125xi32, #tpu.memory_space<hbm>> -> memref<1x80x125xi32, #tpu.memory_space<hbm>>
      %dma_start3A_146 = tpu.memref_squeeze %dma_start3A_145 : memref<1x80x125xi32, #tpu.memory_space<hbm>> -> memref<80x125xi32, #tpu.memory_space<hbm>>
      tpu.enqueue_dma source(%dma_start3A_146 : memref<80x125xi32, #tpu.memory_space<hbm>>) target(%arg9 : memref<80x125xi32, #tpu.memory_space<vmem>>) target_semaphore(%run_scoped3A : memref<!tpu.dma_semaphore, #tpu.memory_space<semaphore_mem>>)
      %dma_wait3A = arith.constant 0 : i32
      %dma_wait3A_147 = arith.constant 0 : i32
      %dma_wait3A_148 = tpu.memref_slice %arg5[%add3A, %dma_wait3A, %dma_wait3A_147] : memref<32x80x125xi32, #tpu.memory_space<hbm>> -> memref<1x80x125xi32, #tpu.memory_space<hbm>>
      %dma_wait3A_149 = tpu.memref_squeeze %dma_wait3A_148 : memref<1x80x125xi32, #tpu.memory_space<hbm>> -> memref<80x125xi32, #tpu.memory_space<hbm>>
      %dma_wait3A_150 = arith.constant 0 : i32
      %dma_wait3A_151 = arith.constant 0 : i32
      %dma_wait3A_152 = tpu.memref_slice %arg5[%add3A, %dma_wait3A_150, %dma_wait3A_151] : memref<32x80x125xi32, #tpu.memory_space<hbm>> -> memref<1x80x125xi32, #tpu.memory_space<hbm>>
      %dma_wait3A_153 = tpu.memref_squeeze %dma_wait3A_152 : memref<1x80x125xi32, #tpu.memory_space<hbm>> -> memref<80x125xi32, #tpu.memory_space<hbm>>
      tpu.wait_dma2 semaphore(%run_scoped3A : memref<!tpu.dma_semaphore, #tpu.memory_space<semaphore_mem>>) src(%dma_wait3A_153 : memref<80x125xi32, #tpu.memory_space<hbm>>) dst(%arg9 : memref<80x125xi32, #tpu.memory_space<vmem>>)
      tpu.yield
    }) : () -> ()
    %barrier3A = arith.constant 0 : index
    tpu.barrier barrier_id(%barrier3A)
    %dma_start3A = arith.constant 0 : i32
    %dma_start3A_27 = arith.constant 0 : i32
    %dma_start3A_28 = tpu.memref_slice %arg8[%dma_start3A, %dma_start3A_27] : memref<80x125xi32, #tpu.memory_space<vmem>> -> memref<1x125xi32, #tpu.memory_space<vmem>>
    %dma_start3A_29 = tpu.memref_squeeze %dma_start3A_28 : memref<1x125xi32, #tpu.memory_space<vmem>> -> memref<125xi32, #tpu.memory_space<vmem>>
    %dma_start3A_30 = arith.constant 0 : i32
    %dma_start3A_31 = arith.constant 0 : i32
    %dma_start3A_32 = tpu.memref_slice %arg2[%dma_start3A_30, %dma_start3A_31] : memref<10000x64xf32, #tpu.memory_space<hbm>> -> memref<10000x64xf32, #tpu.memory_space<hbm>>
    tpu.enqueue_indirect_dma source(%dma_start3A_32 : memref<10000x64xf32, #tpu.memory_space<hbm>>) target(%arg10 : memref<125x64xf32, #tpu.memory_space<vmem>>) offsets(%dma_start3A_29 : memref<125xi32, #tpu.memory_space<vmem>>) semaphore(%arg17 : memref<!tpu.dma_semaphore, #tpu.memory_space<semaphore_mem>>)
    %dma_start3A_33 = arith.constant 1 : i32
    %dma_start3A_34 = arith.constant 0 : i32
    %dma_start3A_35 = tpu.memref_slice %arg8[%dma_start3A_33, %dma_start3A_34] : memref<80x125xi32, #tpu.memory_space<vmem>> -> memref<1x125xi32, #tpu.memory_space<vmem>>
    %dma_start3A_36 = tpu.memref_squeeze %dma_start3A_35 : memref<1x125xi32, #tpu.memory_space<vmem>> -> memref<125xi32, #tpu.memory_space<vmem>>
    %dma_start3A_37 = arith.constant 0 : i32
    %dma_start3A_38 = arith.constant 0 : i32
    %dma_start3A_39 = tpu.memref_slice %arg2[%dma_start3A_37, %dma_start3A_38] : memref<10000x64xf32, #tpu.memory_space<hbm>> -> memref<10000x64xf32, #tpu.memory_space<hbm>>
    tpu.enqueue_indirect_dma source(%dma_start3A_39 : memref<10000x64xf32, #tpu.memory_space<hbm>>) target(%arg11 : memref<125x64xf32, #tpu.memory_space<vmem>>) offsets(%dma_start3A_36 : memref<125xi32, #tpu.memory_space<vmem>>) semaphore(%arg18 : memref<!tpu.dma_semaphore, #tpu.memory_space<semaphore_mem>>)
    %dma_start3A_40 = arith.constant 2 : i32
    %dma_start3A_41 = arith.constant 0 : i32
    %dma_start3A_42 = tpu.memref_slice %arg8[%dma_start3A_40, %dma_start3A_41] : memref<80x125xi32, #tpu.memory_space<vmem>> -> memref<1x125xi32, #tpu.memory_space<vmem>>
    %dma_start3A_43 = tpu.memref_squeeze %dma_start3A_42 : memref<1x125xi32, #tpu.memory_space<vmem>> -> memref<125xi32, #tpu.memory_space<vmem>>
    %dma_start3A_44 = arith.constant 0 : i32
    %dma_start3A_45 = arith.constant 0 : i32
    %dma_start3A_46 = tpu.memref_slice %arg2[%dma_start3A_44, %dma_start3A_45] : memref<10000x64xf32, #tpu.memory_space<hbm>> -> memref<10000x64xf32, #tpu.memory_space<hbm>>
    tpu.enqueue_indirect_dma source(%dma_start3A_46 : memref<10000x64xf32, #tpu.memory_space<hbm>>) target(%arg12 : memref<125x64xf32, #tpu.memory_space<vmem>>) offsets(%dma_start3A_43 : memref<125xi32, #tpu.memory_space<vmem>>) semaphore(%arg19 : memref<!tpu.dma_semaphore, #tpu.memory_space<semaphore_mem>>)
    %dma_start3A_47 = arith.constant 3 : i32
    %dma_start3A_48 = arith.constant 0 : i32
    %dma_start3A_49 = tpu.memref_slice %arg8[%dma_start3A_47, %dma_start3A_48] : memref<80x125xi32, #tpu.memory_space<vmem>> -> memref<1x125xi32, #tpu.memory_space<vmem>>
    %dma_start3A_50 = tpu.memref_squeeze %dma_start3A_49 : memref<1x125xi32, #tpu.memory_space<vmem>> -> memref<125xi32, #tpu.memory_space<vmem>>
    %dma_start3A_51 = arith.constant 0 : i32
    %dma_start3A_52 = arith.constant 0 : i32
    %dma_start3A_53 = tpu.memref_slice %arg2[%dma_start3A_51, %dma_start3A_52] : memref<10000x64xf32, #tpu.memory_space<hbm>> -> memref<10000x64xf32, #tpu.memory_space<hbm>>
    tpu.enqueue_indirect_dma source(%dma_start3A_53 : memref<10000x64xf32, #tpu.memory_space<hbm>>) target(%arg13 : memref<125x64xf32, #tpu.memory_space<vmem>>) offsets(%dma_start3A_50 : memref<125xi32, #tpu.memory_space<vmem>>) semaphore(%arg20 : memref<!tpu.dma_semaphore, #tpu.memory_space<semaphore_mem>>)
    %scan3A_54 = arith.constant 0 : i32
    %scan3A_55 = arith.constant 0 : i32
    %scan3A_56 = arith.constant 20 : i32
    %scan3A_57 = arith.addi %scan3A_55, %scan3A_56 : i32
    %scan3A_58 = arith.constant 1 : i32
    %scan3A_59 = scf.for %scan3A_139 = %scan3A_55 to %scan3A_57 step %scan3A_58 iter_args(%scan3A_140 = %scan3A_54) -> (i32)  : i32 {
      %mul3A_141 = arith.constant 4 : i32
      %mul3A_142 = arith.muli %mul3A_141, %scan3A_139 : i32
      %add3A_143 = arith.constant 0 : i32
      %add3A_144 = arith.addi %mul3A_142, %add3A_143 : i32
      %dma_wait3A = arith.constant 0 : i32
      %dma_wait3A_145 = tpu.memref_slice %arg8[%add3A_144, %dma_wait3A] : memref<80x125xi32, #tpu.memory_space<vmem>> -> memref<1x125xi32, #tpu.memory_space<vmem>>
      %dma_wait3A_146 = tpu.memref_squeeze %dma_wait3A_145 : memref<1x125xi32, #tpu.memory_space<vmem>> -> memref<125xi32, #tpu.memory_space<vmem>>
      %dma_wait3A_147 = arith.constant 0 : i32
      %dma_wait3A_148 = arith.constant 0 : i32
      %dma_wait3A_149 = tpu.memref_slice %arg2[%dma_wait3A_147, %dma_wait3A_148] : memref<10000x64xf32, #tpu.memory_space<hbm>> -> memref<10000x64xf32, #tpu.memory_space<hbm>>
      tpu.wait_indirect_dma semaphore(%arg17 : memref<!tpu.dma_semaphore, #tpu.memory_space<semaphore_mem>>) src(%dma_wait3A_149 : memref<10000x64xf32, #tpu.memory_space<hbm>>) dst(%arg10 : memref<125x64xf32, #tpu.memory_space<vmem>>)
      "tpu.region"() ({
        %run_scoped3A = tpu.sem_alloc : memref<!tpu.dma_semaphore, #tpu.memory_space<semaphore_mem>>
        %dma_start3A_200 = arith.constant 0 : i32
        %dma_start3A_201 = tpu.memref_slice %arg9[%add3A_144, %dma_start3A_200] : memref<80x125xi32, #tpu.memory_space<vmem>> -> memref<1x125xi32, #tpu.memory_space<vmem>>
        %dma_start3A_202 = tpu.memref_squeeze %dma_start3A_201 : memref<1x125xi32, #tpu.memory_space<vmem>> -> memref<125xi32, #tpu.memory_space<vmem>>
        %dma_start3A_203 = arith.constant 0 : i32
        %dma_start3A_204 = arith.constant 0 : i32
        %dma_start3A_205 = tpu.memref_slice %arg16[%dma_start3A_203, %dma_start3A_204] : memref<10240x64xf32, #tpu.memory_space<vmem_shared>> -> memref<10240x64xf32, #tpu.memory_space<vmem_shared>>
        tpu.enqueue_indirect_dma source(%arg10 : memref<125x64xf32, #tpu.memory_space<vmem>>) target(%dma_start3A_205 : memref<10240x64xf32, #tpu.memory_space<vmem_shared>>) offsets(%dma_start3A_202 : memref<125xi32, #tpu.memory_space<vmem>>) semaphore(%run_scoped3A : memref<!tpu.dma_semaphore, #tpu.memory_space<semaphore_mem>>) {add = true}
        %dma_wait3A_206 = arith.constant 0 : i32
        %dma_wait3A_207 = tpu.memref_slice %arg9[%add3A_144, %dma_wait3A_206] : memref<80x125xi32, #tpu.memory_space<vmem>> -> memref<1x125xi32, #tpu.memory_space<vmem>>
        %dma_wait3A_208 = tpu.memref_squeeze %dma_wait3A_207 : memref<1x125xi32, #tpu.memory_space<vmem>> -> memref<125xi32, #tpu.memory_space<vmem>>
        %dma_wait3A_209 = arith.constant 0 : i32
        %dma_wait3A_210 = arith.constant 0 : i32
        %dma_wait3A_211 = tpu.memref_slice %arg16[%dma_wait3A_209, %dma_wait3A_210] : memref<10240x64xf32, #tpu.memory_space<vmem_shared>> -> memref<10240x64xf32, #tpu.memory_space<vmem_shared>>
        tpu.wait_indirect_dma semaphore(%run_scoped3A : memref<!tpu.dma_semaphore, #tpu.memory_space<semaphore_mem>>) src(%arg10 : memref<125x64xf32, #tpu.memory_space<vmem>>) dst(%dma_wait3A_211 : memref<10240x64xf32, #tpu.memory_space<vmem_shared>>)
        tpu.yield
      }) : () -> ()
      %add3A_150 = arith.constant 4 : i32
      %add3A_151 = arith.addi %add3A_144, %add3A_150 : i32
      %lt3A = arith.constant 80 : i32
      %lt3A_152 = arith.cmpi slt, %add3A_151, %lt3A : i32
      %convert_element_type3A = arith.extui %lt3A_152 : i1 to i32
      %cond3A = arith.constant 0 : i32
      %cond3A_153 = arith.cmpi ne, %convert_element_type3A, %cond3A : i32
      scf.if %cond3A_153 {
        %add3A_200 = arith.constant 4 : i32
        %add3A_201 = arith.addi %add3A_144, %add3A_200 : i32
        %dma_start3A_202 = arith.constant 0 : i32
        %dma_start3A_203 = tpu.memref_slice %arg8[%add3A_201, %dma_start3A_202] : memref<80x125xi32, #tpu.memory_space<vmem>> -> memref<1x125xi32, #tpu.memory_space<vmem>>
        %dma_start3A_204 = tpu.memref_squeeze %dma_start3A_203 : memref<1x125xi32, #tpu.memory_space<vmem>> -> memref<125xi32, #tpu.memory_space<vmem>>
        %dma_start3A_205 = arith.constant 0 : i32
        %dma_start3A_206 = arith.constant 0 : i32
        %dma_start3A_207 = tpu.memref_slice %arg2[%dma_start3A_205, %dma_start3A_206] : memref<10000x64xf32, #tpu.memory_space<hbm>> -> memref<10000x64xf32, #tpu.memory_space<hbm>>
        tpu.enqueue_indirect_dma source(%dma_start3A_207 : memref<10000x64xf32, #tpu.memory_space<hbm>>) target(%arg10 : memref<125x64xf32, #tpu.memory_space<vmem>>) offsets(%dma_start3A_204 : memref<125xi32, #tpu.memory_space<vmem>>) semaphore(%arg17 : memref<!tpu.dma_semaphore, #tpu.memory_space<semaphore_mem>>)
      } else {
      }
      %add3A_154 = arith.constant 1 : i32
      %add3A_155 = arith.addi %mul3A_142, %add3A_154 : i32
      %dma_wait3A_156 = arith.constant 0 : i32
      %dma_wait3A_157 = tpu.memref_slice %arg8[%add3A_155, %dma_wait3A_156] : memref<80x125xi32, #tpu.memory_space<vmem>> -> memref<1x125xi32, #tpu.memory_space<vmem>>
      %dma_wait3A_158 = tpu.memref_squeeze %dma_wait3A_157 : memref<1x125xi32, #tpu.memory_space<vmem>> -> memref<125xi32, #tpu.memory_space<vmem>>
      %dma_wait3A_159 = arith.constant 0 : i32
      %dma_wait3A_160 = arith.constant 0 : i32
      %dma_wait3A_161 = tpu.memref_slice %arg2[%dma_wait3A_159, %dma_wait3A_160] : memref<10000x64xf32, #tpu.memory_space<hbm>> -> memref<10000x64xf32, #tpu.memory_space<hbm>>
      tpu.wait_indirect_dma semaphore(%arg18 : memref<!tpu.dma_semaphore, #tpu.memory_space<semaphore_mem>>) src(%dma_wait3A_161 : memref<10000x64xf32, #tpu.memory_space<hbm>>) dst(%arg11 : memref<125x64xf32, #tpu.memory_space<vmem>>)
      "tpu.region"() ({
        %run_scoped3A = tpu.sem_alloc : memref<!tpu.dma_semaphore, #tpu.memory_space<semaphore_mem>>
        %dma_start3A_200 = arith.constant 0 : i32
        %dma_start3A_201 = tpu.memref_slice %arg9[%add3A_155, %dma_start3A_200] : memref<80x125xi32, #tpu.memory_space<vmem>> -> memref<1x125xi32, #tpu.memory_space<vmem>>
        %dma_start3A_202 = tpu.memref_squeeze %dma_start3A_201 : memref<1x125xi32, #tpu.memory_space<vmem>> -> memref<125xi32, #tpu.memory_space<vmem>>
        %dma_start3A_203 = arith.constant 0 : i32
        %dma_start3A_204 = arith.constant 0 : i32
        %dma_start3A_205 = tpu.memref_slice %arg16[%dma_start3A_203, %dma_start3A_204] : memref<10240x64xf32, #tpu.memory_space<vmem_shared>> -> memref<10240x64xf32, #tpu.memory_space<vmem_shared>>
        tpu.enqueue_indirect_dma source(%arg11 : memref<125x64xf32, #tpu.memory_space<vmem>>) target(%dma_start3A_205 : memref<10240x64xf32, #tpu.memory_space<vmem_shared>>) offsets(%dma_start3A_202 : memref<125xi32, #tpu.memory_space<vmem>>) semaphore(%run_scoped3A : memref<!tpu.dma_semaphore, #tpu.memory_space<semaphore_mem>>) {add = true}
        %dma_wait3A_206 = arith.constant 0 : i32
        %dma_wait3A_207 = tpu.memref_slice %arg9[%add3A_155, %dma_wait3A_206] : memref<80x125xi32, #tpu.memory_space<vmem>> -> memref<1x125xi32, #tpu.memory_space<vmem>>
        %dma_wait3A_208 = tpu.memref_squeeze %dma_wait3A_207 : memref<1x125xi32, #tpu.memory_space<vmem>> -> memref<125xi32, #tpu.memory_space<vmem>>
        %dma_wait3A_209 = arith.constant 0 : i32
        %dma_wait3A_210 = arith.constant 0 : i32
        %dma_wait3A_211 = tpu.memref_slice %arg16[%dma_wait3A_209, %dma_wait3A_210] : memref<10240x64xf32, #tpu.memory_space<vmem_shared>> -> memref<10240x64xf32, #tpu.memory_space<vmem_shared>>
        tpu.wait_indirect_dma semaphore(%run_scoped3A : memref<!tpu.dma_semaphore, #tpu.memory_space<semaphore_mem>>) src(%arg11 : memref<125x64xf32, #tpu.memory_space<vmem>>) dst(%dma_wait3A_211 : memref<10240x64xf32, #tpu.memory_space<vmem_shared>>)
        tpu.yield
      }) : () -> ()
      %add3A_162 = arith.constant 4 : i32
      %add3A_163 = arith.addi %add3A_155, %add3A_162 : i32
      %lt3A_164 = arith.constant 80 : i32
      %lt3A_165 = arith.cmpi slt, %add3A_163, %lt3A_164 : i32
      %convert_element_type3A_166 = arith.extui %lt3A_165 : i1 to i32
      %cond3A_167 = arith.constant 0 : i32
      %cond3A_168 = arith.cmpi ne, %convert_element_type3A_166, %cond3A_167 : i32
      scf.if %cond3A_168 {
        %add3A_200 = arith.constant 4 : i32
        %add3A_201 = arith.addi %add3A_155, %add3A_200 : i32
        %dma_start3A_202 = arith.constant 0 : i32
        %dma_start3A_203 = tpu.memref_slice %arg8[%add3A_201, %dma_start3A_202] : memref<80x125xi32, #tpu.memory_space<vmem>> -> memref<1x125xi32, #tpu.memory_space<vmem>>
        %dma_start3A_204 = tpu.memref_squeeze %dma_start3A_203 : memref<1x125xi32, #tpu.memory_space<vmem>> -> memref<125xi32, #tpu.memory_space<vmem>>
        %dma_start3A_205 = arith.constant 0 : i32
        %dma_start3A_206 = arith.constant 0 : i32
        %dma_start3A_207 = tpu.memref_slice %arg2[%dma_start3A_205, %dma_start3A_206] : memref<10000x64xf32, #tpu.memory_space<hbm>> -> memref<10000x64xf32, #tpu.memory_space<hbm>>
        tpu.enqueue_indirect_dma source(%dma_start3A_207 : memref<10000x64xf32, #tpu.memory_space<hbm>>) target(%arg11 : memref<125x64xf32, #tpu.memory_space<vmem>>) offsets(%dma_start3A_204 : memref<125xi32, #tpu.memory_space<vmem>>) semaphore(%arg18 : memref<!tpu.dma_semaphore, #tpu.memory_space<semaphore_mem>>)
      } else {
      }
      %add3A_169 = arith.constant 2 : i32
      %add3A_170 = arith.addi %mul3A_142, %add3A_169 : i32
      %dma_wait3A_171 = arith.constant 0 : i32
      %dma_wait3A_172 = tpu.memref_slice %arg8[%add3A_170, %dma_wait3A_171] : memref<80x125xi32, #tpu.memory_space<vmem>> -> memref<1x125xi32, #tpu.memory_space<vmem>>
      %dma_wait3A_173 = tpu.memref_squeeze %dma_wait3A_172 : memref<1x125xi32, #tpu.memory_space<vmem>> -> memref<125xi32, #tpu.memory_space<vmem>>
      %dma_wait3A_174 = arith.constant 0 : i32
      %dma_wait3A_175 = arith.constant 0 : i32
      %dma_wait3A_176 = tpu.memref_slice %arg2[%dma_wait3A_174, %dma_wait3A_175] : memref<10000x64xf32, #tpu.memory_space<hbm>> -> memref<10000x64xf32, #tpu.memory_space<hbm>>
      tpu.wait_indirect_dma semaphore(%arg19 : memref<!tpu.dma_semaphore, #tpu.memory_space<semaphore_mem>>) src(%dma_wait3A_176 : memref<10000x64xf32, #tpu.memory_space<hbm>>) dst(%arg12 : memref<125x64xf32, #tpu.memory_space<vmem>>)
      "tpu.region"() ({
        %run_scoped3A = tpu.sem_alloc : memref<!tpu.dma_semaphore, #tpu.memory_space<semaphore_mem>>
        %dma_start3A_200 = arith.constant 0 : i32
        %dma_start3A_201 = tpu.memref_slice %arg9[%add3A_170, %dma_start3A_200] : memref<80x125xi32, #tpu.memory_space<vmem>> -> memref<1x125xi32, #tpu.memory_space<vmem>>
        %dma_start3A_202 = tpu.memref_squeeze %dma_start3A_201 : memref<1x125xi32, #tpu.memory_space<vmem>> -> memref<125xi32, #tpu.memory_space<vmem>>
        %dma_start3A_203 = arith.constant 0 : i32
        %dma_start3A_204 = arith.constant 0 : i32
        %dma_start3A_205 = tpu.memref_slice %arg16[%dma_start3A_203, %dma_start3A_204] : memref<10240x64xf32, #tpu.memory_space<vmem_shared>> -> memref<10240x64xf32, #tpu.memory_space<vmem_shared>>
        tpu.enqueue_indirect_dma source(%arg12 : memref<125x64xf32, #tpu.memory_space<vmem>>) target(%dma_start3A_205 : memref<10240x64xf32, #tpu.memory_space<vmem_shared>>) offsets(%dma_start3A_202 : memref<125xi32, #tpu.memory_space<vmem>>) semaphore(%run_scoped3A : memref<!tpu.dma_semaphore, #tpu.memory_space<semaphore_mem>>) {add = true}
        %dma_wait3A_206 = arith.constant 0 : i32
        %dma_wait3A_207 = tpu.memref_slice %arg9[%add3A_170, %dma_wait3A_206] : memref<80x125xi32, #tpu.memory_space<vmem>> -> memref<1x125xi32, #tpu.memory_space<vmem>>
        %dma_wait3A_208 = tpu.memref_squeeze %dma_wait3A_207 : memref<1x125xi32, #tpu.memory_space<vmem>> -> memref<125xi32, #tpu.memory_space<vmem>>
        %dma_wait3A_209 = arith.constant 0 : i32
        %dma_wait3A_210 = arith.constant 0 : i32
        %dma_wait3A_211 = tpu.memref_slice %arg16[%dma_wait3A_209, %dma_wait3A_210] : memref<10240x64xf32, #tpu.memory_space<vmem_shared>> -> memref<10240x64xf32, #tpu.memory_space<vmem_shared>>
        tpu.wait_indirect_dma semaphore(%run_scoped3A : memref<!tpu.dma_semaphore, #tpu.memory_space<semaphore_mem>>) src(%arg12 : memref<125x64xf32, #tpu.memory_space<vmem>>) dst(%dma_wait3A_211 : memref<10240x64xf32, #tpu.memory_space<vmem_shared>>)
        tpu.yield
      }) : () -> ()
      %add3A_177 = arith.constant 4 : i32
      %add3A_178 = arith.addi %add3A_170, %add3A_177 : i32
      %lt3A_179 = arith.constant 80 : i32
      %lt3A_180 = arith.cmpi slt, %add3A_178, %lt3A_179 : i32
      %convert_element_type3A_181 = arith.extui %lt3A_180 : i1 to i32
      %cond3A_182 = arith.constant 0 : i32
      %cond3A_183 = arith.cmpi ne, %convert_element_type3A_181, %cond3A_182 : i32
      scf.if %cond3A_183 {
        %add3A_200 = arith.constant 4 : i32
        %add3A_201 = arith.addi %add3A_170, %add3A_200 : i32
        %dma_start3A_202 = arith.constant 0 : i32
        %dma_start3A_203 = tpu.memref_slice %arg8[%add3A_201, %dma_start3A_202] : memref<80x125xi32, #tpu.memory_space<vmem>> -> memref<1x125xi32, #tpu.memory_space<vmem>>
        %dma_start3A_204 = tpu.memref_squeeze %dma_start3A_203 : memref<1x125xi32, #tpu.memory_space<vmem>> -> memref<125xi32, #tpu.memory_space<vmem>>
        %dma_start3A_205 = arith.constant 0 : i32
        %dma_start3A_206 = arith.constant 0 : i32
        %dma_start3A_207 = tpu.memref_slice %arg2[%dma_start3A_205, %dma_start3A_206] : memref<10000x64xf32, #tpu.memory_space<hbm>> -> memref<10000x64xf32, #tpu.memory_space<hbm>>
        tpu.enqueue_indirect_dma source(%dma_start3A_207 : memref<10000x64xf32, #tpu.memory_space<hbm>>) target(%arg12 : memref<125x64xf32, #tpu.memory_space<vmem>>) offsets(%dma_start3A_204 : memref<125xi32, #tpu.memory_space<vmem>>) semaphore(%arg19 : memref<!tpu.dma_semaphore, #tpu.memory_space<semaphore_mem>>)
      } else {
      }
      %add3A_184 = arith.constant 3 : i32
      %add3A_185 = arith.addi %mul3A_142, %add3A_184 : i32
      %dma_wait3A_186 = arith.constant 0 : i32
      %dma_wait3A_187 = tpu.memref_slice %arg8[%add3A_185, %dma_wait3A_186] : memref<80x125xi32, #tpu.memory_space<vmem>> -> memref<1x125xi32, #tpu.memory_space<vmem>>
      %dma_wait3A_188 = tpu.memref_squeeze %dma_wait3A_187 : memref<1x125xi32, #tpu.memory_space<vmem>> -> memref<125xi32, #tpu.memory_space<vmem>>
      %dma_wait3A_189 = arith.constant 0 : i32
      %dma_wait3A_190 = arith.constant 0 : i32
      %dma_wait3A_191 = tpu.memref_slice %arg2[%dma_wait3A_189, %dma_wait3A_190] : memref<10000x64xf32, #tpu.memory_space<hbm>> -> memref<10000x64xf32, #tpu.memory_space<hbm>>
      tpu.wait_indirect_dma semaphore(%arg20 : memref<!tpu.dma_semaphore, #tpu.memory_space<semaphore_mem>>) src(%dma_wait3A_191 : memref<10000x64xf32, #tpu.memory_space<hbm>>) dst(%arg13 : memref<125x64xf32, #tpu.memory_space<vmem>>)
      "tpu.region"() ({
        %run_scoped3A = tpu.sem_alloc : memref<!tpu.dma_semaphore, #tpu.memory_space<semaphore_mem>>
        %dma_start3A_200 = arith.constant 0 : i32
        %dma_start3A_201 = tpu.memref_slice %arg9[%add3A_185, %dma_start3A_200] : memref<80x125xi32, #tpu.memory_space<vmem>> -> memref<1x125xi32, #tpu.memory_space<vmem>>
        %dma_start3A_202 = tpu.memref_squeeze %dma_start3A_201 : memref<1x125xi32, #tpu.memory_space<vmem>> -> memref<125xi32, #tpu.memory_space<vmem>>
        %dma_start3A_203 = arith.constant 0 : i32
        %dma_start3A_204 = arith.constant 0 : i32
        %dma_start3A_205 = tpu.memref_slice %arg16[%dma_start3A_203, %dma_start3A_204] : memref<10240x64xf32, #tpu.memory_space<vmem_shared>> -> memref<10240x64xf32, #tpu.memory_space<vmem_shared>>
        tpu.enqueue_indirect_dma source(%arg13 : memref<125x64xf32, #tpu.memory_space<vmem>>) target(%dma_start3A_205 : memref<10240x64xf32, #tpu.memory_space<vmem_shared>>) offsets(%dma_start3A_202 : memref<125xi32, #tpu.memory_space<vmem>>) semaphore(%run_scoped3A : memref<!tpu.dma_semaphore, #tpu.memory_space<semaphore_mem>>) {add = true}
        %dma_wait3A_206 = arith.constant 0 : i32
        %dma_wait3A_207 = tpu.memref_slice %arg9[%add3A_185, %dma_wait3A_206] : memref<80x125xi32, #tpu.memory_space<vmem>> -> memref<1x125xi32, #tpu.memory_space<vmem>>
        %dma_wait3A_208 = tpu.memref_squeeze %dma_wait3A_207 : memref<1x125xi32, #tpu.memory_space<vmem>> -> memref<125xi32, #tpu.memory_space<vmem>>
        %dma_wait3A_209 = arith.constant 0 : i32
        %dma_wait3A_210 = arith.constant 0 : i32
        %dma_wait3A_211 = tpu.memref_slice %arg16[%dma_wait3A_209, %dma_wait3A_210] : memref<10240x64xf32, #tpu.memory_space<vmem_shared>> -> memref<10240x64xf32, #tpu.memory_space<vmem_shared>>
        tpu.wait_indirect_dma semaphore(%run_scoped3A : memref<!tpu.dma_semaphore, #tpu.memory_space<semaphore_mem>>) src(%arg13 : memref<125x64xf32, #tpu.memory_space<vmem>>) dst(%dma_wait3A_211 : memref<10240x64xf32, #tpu.memory_space<vmem_shared>>)
        tpu.yield
      }) : () -> ()
      %add3A_192 = arith.constant 4 : i32
      %add3A_193 = arith.addi %add3A_185, %add3A_192 : i32
      %lt3A_194 = arith.constant 80 : i32
      %lt3A_195 = arith.cmpi slt, %add3A_193, %lt3A_194 : i32
      %convert_element_type3A_196 = arith.extui %lt3A_195 : i1 to i32
      %cond3A_197 = arith.constant 0 : i32
      %cond3A_198 = arith.cmpi ne, %convert_element_type3A_196, %cond3A_197 : i32
      scf.if %cond3A_198 {
        %add3A_200 = arith.constant 4 : i32
        %add3A_201 = arith.addi %add3A_185, %add3A_200 : i32
        %dma_start3A_202 = arith.constant 0 : i32
        %dma_start3A_203 = tpu.memref_slice %arg8[%add3A_201, %dma_start3A_202] : memref<80x125xi32, #tpu.memory_space<vmem>> -> memref<1x125xi32, #tpu.memory_space<vmem>>
        %dma_start3A_204 = tpu.memref_squeeze %dma_start3A_203 : memref<1x125xi32, #tpu.memory_space<vmem>> -> memref<125xi32, #tpu.memory_space<vmem>>
        %dma_start3A_205 = arith.constant 0 : i32
        %dma_start3A_206 = arith.constant 0 : i32
        %dma_start3A_207 = tpu.memref_slice %arg2[%dma_start3A_205, %dma_start3A_206] : memref<10000x64xf32, #tpu.memory_space<hbm>> -> memref<10000x64xf32, #tpu.memory_space<hbm>>
        tpu.enqueue_indirect_dma source(%dma_start3A_207 : memref<10000x64xf32, #tpu.memory_space<hbm>>) target(%arg13 : memref<125x64xf32, #tpu.memory_space<vmem>>) offsets(%dma_start3A_204 : memref<125xi32, #tpu.memory_space<vmem>>) semaphore(%arg20 : memref<!tpu.dma_semaphore, #tpu.memory_space<semaphore_mem>>)
      } else {
      }
      %scan3A_199 = arith.constant 0 : i32
      scf.yield %scan3A_199 : i32
    }
    %scan3A_60 = arith.constant 20 : i32
    %barrier3A_61 = arith.constant 0 : index
    tpu.barrier barrier_id(%barrier3A_61)
    %mul3A_62 = arith.constant 640 : i32
    %mul3A_63 = arith.muli %arg1, %mul3A_62 : i32
    %add3A_64 = arith.constant 0 : i32
    %add3A_65 = arith.addi %mul3A_63, %add3A_64 : i32
    "tpu.region"() ({
      %run_scoped3A = tpu.sem_alloc : memref<!tpu.dma_semaphore, #tpu.memory_space<semaphore_mem>>
      %dma_start3A_139 = arith.constant 0 : i32
      %dma_start3A_140 = tpu.memref_slice %arg16[%add3A_65, %dma_start3A_139] : memref<10240x64xf32, #tpu.memory_space<vmem_shared>> -> memref<128x64xf32, #tpu.memory_space<vmem_shared>>
      %dma_start3A_141 = arith.constant 0 : i32
      %dma_start3A_142 = tpu.memref_slice %arg16[%add3A_65, %dma_start3A_141] : memref<10240x64xf32, #tpu.memory_space<vmem_shared>> -> memref<128x64xf32, #tpu.memory_space<vmem_shared>>
      tpu.enqueue_dma source(%dma_start3A_142 : memref<128x64xf32, #tpu.memory_space<vmem_shared>>) target(%arg15 : memref<128x64xf32, #tpu.memory_space<vmem>>) target_semaphore(%run_scoped3A : memref<!tpu.dma_semaphore, #tpu.memory_space<semaphore_mem>>)
      %dma_wait3A = arith.constant 0 : i32
      %dma_wait3A_143 = tpu.memref_slice %arg16[%add3A_65, %dma_wait3A] : memref<10240x64xf32, #tpu.memory_space<vmem_shared>> -> memref<128x64xf32, #tpu.memory_space<vmem_shared>>
      %dma_wait3A_144 = arith.constant 0 : i32
      %dma_wait3A_145 = tpu.memref_slice %arg16[%add3A_65, %dma_wait3A_144] : memref<10240x64xf32, #tpu.memory_space<vmem_shared>> -> memref<128x64xf32, #tpu.memory_space<vmem_shared>>
      tpu.wait_dma2 semaphore(%run_scoped3A : memref<!tpu.dma_semaphore, #tpu.memory_space<semaphore_mem>>) src(%dma_wait3A_145 : memref<128x64xf32, #tpu.memory_space<vmem_shared>>) dst(%arg15 : memref<128x64xf32, #tpu.memory_space<vmem>>)
      tpu.yield
    }) : () -> ()
    "tpu.region"() ({
      %run_scoped3A = tpu.sem_alloc : memref<!tpu.dma_semaphore, #tpu.memory_space<semaphore_mem>>
      %dma_start3A_139 = arith.constant 0 : i32
      %dma_start3A_140 = arith.constant 0 : i32
      %dma_start3A_141 = tpu.memref_slice %arg6[%arg0, %dma_start3A_139, %dma_start3A_140] : memref<2x10240x64xf32, #tpu.memory_space<hbm>> -> memref<1x10240x64xf32, #tpu.memory_space<hbm>>
      %dma_start3A_142 = tpu.memref_squeeze %dma_start3A_141 : memref<1x10240x64xf32, #tpu.memory_space<hbm>> -> memref<10240x64xf32, #tpu.memory_space<hbm>>
      %dma_start3A_143 = arith.constant 0 : i32
      %dma_start3A_144 = tpu.memref_slice %dma_start3A_142[%add3A_65, %dma_start3A_143] : memref<10240x64xf32, #tpu.memory_space<hbm>> -> memref<128x64xf32, #tpu.memory_space<hbm>>
      %dma_start3A_145 = arith.constant 0 : i32
      %dma_start3A_146 = arith.constant 0 : i32
      %dma_start3A_147 = tpu.memref_slice %arg6[%arg0, %dma_start3A_145, %dma_start3A_146] : memref<2x10240x64xf32, #tpu.memory_space<hbm>> -> memref<1x10240x64xf32, #tpu.memory_space<hbm>>
      %dma_start3A_148 = tpu.memref_squeeze %dma_start3A_147 : memref<1x10240x64xf32, #tpu.memory_space<hbm>> -> memref<10240x64xf32, #tpu.memory_space<hbm>>
      %dma_start3A_149 = arith.constant 0 : i32
      %dma_start3A_150 = tpu.memref_slice %dma_start3A_148[%add3A_65, %dma_start3A_149] : memref<10240x64xf32, #tpu.memory_space<hbm>> -> memref<128x64xf32, #tpu.memory_space<hbm>>
      tpu.enqueue_dma source(%arg15 : memref<128x64xf32, #tpu.memory_space<vmem>>) target(%dma_start3A_150 : memref<128x64xf32, #tpu.memory_space<hbm>>) target_semaphore(%run_scoped3A : memref<!tpu.dma_semaphore, #tpu.memory_space<semaphore_mem>>)
      %dma_wait3A = arith.constant 0 : i32
      %dma_wait3A_151 = arith.constant 0 : i32
      %dma_wait3A_152 = tpu.memref_slice %arg6[%arg0, %dma_wait3A, %dma_wait3A_151] : memref<2x10240x64xf32, #tpu.memory_space<hbm>> -> memref<1x10240x64xf32, #tpu.memory_space<hbm>>
      %dma_wait3A_153 = tpu.memref_squeeze %dma_wait3A_152 : memref<1x10240x64xf32, #tpu.memory_space<hbm>> -> memref<10240x64xf32, #tpu.memory_space<hbm>>
      %dma_wait3A_154 = arith.constant 0 : i32
      %dma_wait3A_155 = tpu.memref_slice %dma_wait3A_153[%add3A_65, %dma_wait3A_154] : memref<10240x64xf32, #tpu.memory_space<hbm>> -> memref<128x64xf32, #tpu.memory_space<hbm>>
      %dma_wait3A_156 = arith.constant 0 : i32
      %dma_wait3A_157 = arith.constant 0 : i32
      %dma_wait3A_158 = tpu.memref_slice %arg6[%arg0, %dma_wait3A_156, %dma_wait3A_157] : memref<2x10240x64xf32, #tpu.memory_space<hbm>> -> memref<1x10240x64xf32, #tpu.memory_space<hbm>>
      %dma_wait3A_159 = tpu.memref_squeeze %dma_wait3A_158 : memref<1x10240x64xf32, #tpu.memory_space<hbm>> -> memref<10240x64xf32, #tpu.memory_space<hbm>>
      %dma_wait3A_160 = arith.constant 0 : i32
      %dma_wait3A_161 = tpu.memref_slice %dma_wait3A_159[%add3A_65, %dma_wait3A_160] : memref<10240x64xf32, #tpu.memory_space<hbm>> -> memref<128x64xf32, #tpu.memory_space<hbm>>
      tpu.wait_dma2 semaphore(%run_scoped3A : memref<!tpu.dma_semaphore, #tpu.memory_space<semaphore_mem>>) src(%arg15 : memref<128x64xf32, #tpu.memory_space<vmem>>) dst(%dma_wait3A_161 : memref<128x64xf32, #tpu.memory_space<hbm>>)
      tpu.yield
    }) : () -> ()
    "tpu.region"() ({
      %run_scoped3A = tpu.sem_alloc : memref<!tpu.dma_semaphore, #tpu.memory_space<semaphore_mem>>
      %dma_start3A_139 = arith.constant 0 : i32
      %dma_start3A_140 = tpu.memref_slice %arg16[%add3A_65, %dma_start3A_139] : memref<10240x64xf32, #tpu.memory_space<vmem_shared>> -> memref<128x64xf32, #tpu.memory_space<vmem_shared>>
      %dma_start3A_141 = arith.constant 0 : i32
      %dma_start3A_142 = tpu.memref_slice %arg16[%add3A_65, %dma_start3A_141] : memref<10240x64xf32, #tpu.memory_space<vmem_shared>> -> memref<128x64xf32, #tpu.memory_space<vmem_shared>>
      tpu.enqueue_dma source(%arg14 : memref<128x64xf32, #tpu.memory_space<vmem>>) target(%dma_start3A_142 : memref<128x64xf32, #tpu.memory_space<vmem_shared>>) target_semaphore(%run_scoped3A : memref<!tpu.dma_semaphore, #tpu.memory_space<semaphore_mem>>)
      %dma_wait3A = arith.constant 0 : i32
      %dma_wait3A_143 = tpu.memref_slice %arg16[%add3A_65, %dma_wait3A] : memref<10240x64xf32, #tpu.memory_space<vmem_shared>> -> memref<128x64xf32, #tpu.memory_space<vmem_shared>>
      %dma_wait3A_144 = arith.constant 0 : i32
      %dma_wait3A_145 = tpu.memref_slice %arg16[%add3A_65, %dma_wait3A_144] : memref<10240x64xf32, #tpu.memory_space<vmem_shared>> -> memref<128x64xf32, #tpu.memory_space<vmem_shared>>
      tpu.wait_dma2 semaphore(%run_scoped3A : memref<!tpu.dma_semaphore, #tpu.memory_space<semaphore_mem>>) src(%arg14 : memref<128x64xf32, #tpu.memory_space<vmem>>) dst(%dma_wait3A_145 : memref<128x64xf32, #tpu.memory_space<vmem_shared>>)
      tpu.yield
    }) : () -> ()
    %mul3A_66 = arith.constant 640 : i32
    %mul3A_67 = arith.muli %arg1, %mul3A_66 : i32
    %add3A_68 = arith.constant 128 : i32
    %add3A_69 = arith.addi %mul3A_67, %add3A_68 : i32
    "tpu.region"() ({
      %run_scoped3A = tpu.sem_alloc : memref<!tpu.dma_semaphore, #tpu.memory_space<semaphore_mem>>
      %dma_start3A_139 = arith.constant 0 : i32
      %dma_start3A_140 = tpu.memref_slice %arg16[%add3A_69, %dma_start3A_139] : memref<10240x64xf32, #tpu.memory_space<vmem_shared>> -> memref<128x64xf32, #tpu.memory_space<vmem_shared>>
      %dma_start3A_141 = arith.constant 0 : i32
      %dma_start3A_142 = tpu.memref_slice %arg16[%add3A_69, %dma_start3A_141] : memref<10240x64xf32, #tpu.memory_space<vmem_shared>> -> memref<128x64xf32, #tpu.memory_space<vmem_shared>>
      tpu.enqueue_dma source(%dma_start3A_142 : memref<128x64xf32, #tpu.memory_space<vmem_shared>>) target(%arg15 : memref<128x64xf32, #tpu.memory_space<vmem>>) target_semaphore(%run_scoped3A : memref<!tpu.dma_semaphore, #tpu.memory_space<semaphore_mem>>)
      %dma_wait3A = arith.constant 0 : i32
      %dma_wait3A_143 = tpu.memref_slice %arg16[%add3A_69, %dma_wait3A] : memref<10240x64xf32, #tpu.memory_space<vmem_shared>> -> memref<128x64xf32, #tpu.memory_space<vmem_shared>>
      %dma_wait3A_144 = arith.constant 0 : i32
      %dma_wait3A_145 = tpu.memref_slice %arg16[%add3A_69, %dma_wait3A_144] : memref<10240x64xf32, #tpu.memory_space<vmem_shared>> -> memref<128x64xf32, #tpu.memory_space<vmem_shared>>
      tpu.wait_dma2 semaphore(%run_scoped3A : memref<!tpu.dma_semaphore, #tpu.memory_space<semaphore_mem>>) src(%dma_wait3A_145 : memref<128x64xf32, #tpu.memory_space<vmem_shared>>) dst(%arg15 : memref<128x64xf32, #tpu.memory_space<vmem>>)
      tpu.yield
    }) : () -> ()
    "tpu.region"() ({
      %run_scoped3A = tpu.sem_alloc : memref<!tpu.dma_semaphore, #tpu.memory_space<semaphore_mem>>
      %dma_start3A_139 = arith.constant 0 : i32
      %dma_start3A_140 = arith.constant 0 : i32
      %dma_start3A_141 = tpu.memref_slice %arg6[%arg0, %dma_start3A_139, %dma_start3A_140] : memref<2x10240x64xf32, #tpu.memory_space<hbm>> -> memref<1x10240x64xf32, #tpu.memory_space<hbm>>
      %dma_start3A_142 = tpu.memref_squeeze %dma_start3A_141 : memref<1x10240x64xf32, #tpu.memory_space<hbm>> -> memref<10240x64xf32, #tpu.memory_space<hbm>>
      %dma_start3A_143 = arith.constant 0 : i32
      %dma_start3A_144 = tpu.memref_slice %dma_start3A_142[%add3A_69, %dma_start3A_143] : memref<10240x64xf32, #tpu.memory_space<hbm>> -> memref<128x64xf32, #tpu.memory_space<hbm>>
      %dma_start3A_145 = arith.constant 0 : i32
      %dma_start3A_146 = arith.constant 0 : i32
      %dma_start3A_147 = tpu.memref_slice %arg6[%arg0, %dma_start3A_145, %dma_start3A_146] : memref<2x10240x64xf32, #tpu.memory_space<hbm>> -> memref<1x10240x64xf32, #tpu.memory_space<hbm>>
      %dma_start3A_148 = tpu.memref_squeeze %dma_start3A_147 : memref<1x10240x64xf32, #tpu.memory_space<hbm>> -> memref<10240x64xf32, #tpu.memory_space<hbm>>
      %dma_start3A_149 = arith.constant 0 : i32
      %dma_start3A_150 = tpu.memref_slice %dma_start3A_148[%add3A_69, %dma_start3A_149] : memref<10240x64xf32, #tpu.memory_space<hbm>> -> memref<128x64xf32, #tpu.memory_space<hbm>>
      tpu.enqueue_dma source(%arg15 : memref<128x64xf32, #tpu.memory_space<vmem>>) target(%dma_start3A_150 : memref<128x64xf32, #tpu.memory_space<hbm>>) target_semaphore(%run_scoped3A : memref<!tpu.dma_semaphore, #tpu.memory_space<semaphore_mem>>)
      %dma_wait3A = arith.constant 0 : i32
      %dma_wait3A_151 = arith.constant 0 : i32
      %dma_wait3A_152 = tpu.memref_slice %arg6[%arg0, %dma_wait3A, %dma_wait3A_151] : memref<2x10240x64xf32, #tpu.memory_space<hbm>> -> memref<1x10240x64xf32, #tpu.memory_space<hbm>>
      %dma_wait3A_153 = tpu.memref_squeeze %dma_wait3A_152 : memref<1x10240x64xf32, #tpu.memory_space<hbm>> -> memref<10240x64xf32, #tpu.memory_space<hbm>>
      %dma_wait3A_154 = arith.constant 0 : i32
      %dma_wait3A_155 = tpu.memref_slice %dma_wait3A_153[%add3A_69, %dma_wait3A_154] : memref<10240x64xf32, #tpu.memory_space<hbm>> -> memref<128x64xf32, #tpu.memory_space<hbm>>
      %dma_wait3A_156 = arith.constant 0 : i32
      %dma_wait3A_157 = arith.constant 0 : i32
      %dma_wait3A_158 = tpu.memref_slice %arg6[%arg0, %dma_wait3A_156, %dma_wait3A_157] : memref<2x10240x64xf32, #tpu.memory_space<hbm>> -> memref<1x10240x64xf32, #tpu.memory_space<hbm>>
      %dma_wait3A_159 = tpu.memref_squeeze %dma_wait3A_158 : memref<1x10240x64xf32, #tpu.memory_space<hbm>> -> memref<10240x64xf32, #tpu.memory_space<hbm>>
      %dma_wait3A_160 = arith.constant 0 : i32
      %dma_wait3A_161 = tpu.memref_slice %dma_wait3A_159[%add3A_69, %dma_wait3A_160] : memref<10240x64xf32, #tpu.memory_space<hbm>> -> memref<128x64xf32, #tpu.memory_space<hbm>>
      tpu.wait_dma2 semaphore(%run_scoped3A : memref<!tpu.dma_semaphore, #tpu.memory_space<semaphore_mem>>) src(%arg15 : memref<128x64xf32, #tpu.memory_space<vmem>>) dst(%dma_wait3A_161 : memref<128x64xf32, #tpu.memory_space<hbm>>)
      tpu.yield
    }) : () -> ()
    "tpu.region"() ({
      %run_scoped3A = tpu.sem_alloc : memref<!tpu.dma_semaphore, #tpu.memory_space<semaphore_mem>>
      %dma_start3A_139 = arith.constant 0 : i32
      %dma_start3A_140 = tpu.memref_slice %arg16[%add3A_69, %dma_start3A_139] : memref<10240x64xf32, #tpu.memory_space<vmem_shared>> -> memref<128x64xf32, #tpu.memory_space<vmem_shared>>
      %dma_start3A_141 = arith.constant 0 : i32
      %dma_start3A_142 = tpu.memref_slice %arg16[%add3A_69, %dma_start3A_141] : memref<10240x64xf32, #tpu.memory_space<vmem_shared>> -> memref<128x64xf32, #tpu.memory_space<vmem_shared>>
      tpu.enqueue_dma source(%arg14 : memref<128x64xf32, #tpu.memory_space<vmem>>) target(%dma_start3A_142 : memref<128x64xf32, #tpu.memory_space<vmem_shared>>) target_semaphore(%run_scoped3A : memref<!tpu.dma_semaphore, #tpu.memory_space<semaphore_mem>>)
      %dma_wait3A = arith.constant 0 : i32
      %dma_wait3A_143 = tpu.memref_slice %arg16[%add3A_69, %dma_wait3A] : memref<10240x64xf32, #tpu.memory_space<vmem_shared>> -> memref<128x64xf32, #tpu.memory_space<vmem_shared>>
      %dma_wait3A_144 = arith.constant 0 : i32
      %dma_wait3A_145 = tpu.memref_slice %arg16[%add3A_69, %dma_wait3A_144] : memref<10240x64xf32, #tpu.memory_space<vmem_shared>> -> memref<128x64xf32, #tpu.memory_space<vmem_shared>>
      tpu.wait_dma2 semaphore(%run_scoped3A : memref<!tpu.dma_semaphore, #tpu.memory_space<semaphore_mem>>) src(%arg14 : memref<128x64xf32, #tpu.memory_space<vmem>>) dst(%dma_wait3A_145 : memref<128x64xf32, #tpu.memory_space<vmem_shared>>)
      tpu.yield
    }) : () -> ()
    %mul3A_70 = arith.constant 640 : i32
    %mul3A_71 = arith.muli %arg1, %mul3A_70 : i32
    %add3A_72 = arith.constant 256 : i32
    %add3A_73 = arith.addi %mul3A_71, %add3A_72 : i32
    "tpu.region"() ({
      %run_scoped3A = tpu.sem_alloc : memref<!tpu.dma_semaphore, #tpu.memory_space<semaphore_mem>>
      %dma_start3A_139 = arith.constant 0 : i32
      %dma_start3A_140 = tpu.memref_slice %arg16[%add3A_73, %dma_start3A_139] : memref<10240x64xf32, #tpu.memory_space<vmem_shared>> -> memref<128x64xf32, #tpu.memory_space<vmem_shared>>
      %dma_start3A_141 = arith.constant 0 : i32
      %dma_start3A_142 = tpu.memref_slice %arg16[%add3A_73, %dma_start3A_141] : memref<10240x64xf32, #tpu.memory_space<vmem_shared>> -> memref<128x64xf32, #tpu.memory_space<vmem_shared>>
      tpu.enqueue_dma source(%dma_start3A_142 : memref<128x64xf32, #tpu.memory_space<vmem_shared>>) target(%arg15 : memref<128x64xf32, #tpu.memory_space<vmem>>) target_semaphore(%run_scoped3A : memref<!tpu.dma_semaphore, #tpu.memory_space<semaphore_mem>>)
      %dma_wait3A = arith.constant 0 : i32
      %dma_wait3A_143 = tpu.memref_slice %arg16[%add3A_73, %dma_wait3A] : memref<10240x64xf32, #tpu.memory_space<vmem_shared>> -> memref<128x64xf32, #tpu.memory_space<vmem_shared>>
      %dma_wait3A_144 = arith.constant 0 : i32
      %dma_wait3A_145 = tpu.memref_slice %arg16[%add3A_73, %dma_wait3A_144] : memref<10240x64xf32, #tpu.memory_space<vmem_shared>> -> memref<128x64xf32, #tpu.memory_space<vmem_shared>>
      tpu.wait_dma2 semaphore(%run_scoped3A : memref<!tpu.dma_semaphore, #tpu.memory_space<semaphore_mem>>) src(%dma_wait3A_145 : memref<128x64xf32, #tpu.memory_space<vmem_shared>>) dst(%arg15 : memref<128x64xf32, #tpu.memory_space<vmem>>)
      tpu.yield
    }) : () -> ()
    "tpu.region"() ({
      %run_scoped3A = tpu.sem_alloc : memref<!tpu.dma_semaphore, #tpu.memory_space<semaphore_mem>>
      %dma_start3A_139 = arith.constant 0 : i32
      %dma_start3A_140 = arith.constant 0 : i32
      %dma_start3A_141 = tpu.memref_slice %arg6[%arg0, %dma_start3A_139, %dma_start3A_140] : memref<2x10240x64xf32, #tpu.memory_space<hbm>> -> memref<1x10240x64xf32, #tpu.memory_space<hbm>>
      %dma_start3A_142 = tpu.memref_squeeze %dma_start3A_141 : memref<1x10240x64xf32, #tpu.memory_space<hbm>> -> memref<10240x64xf32, #tpu.memory_space<hbm>>
      %dma_start3A_143 = arith.constant 0 : i32
      %dma_start3A_144 = tpu.memref_slice %dma_start3A_142[%add3A_73, %dma_start3A_143] : memref<10240x64xf32, #tpu.memory_space<hbm>> -> memref<128x64xf32, #tpu.memory_space<hbm>>
      %dma_start3A_145 = arith.constant 0 : i32
      %dma_start3A_146 = arith.constant 0 : i32
      %dma_start3A_147 = tpu.memref_slice %arg6[%arg0, %dma_start3A_145, %dma_start3A_146] : memref<2x10240x64xf32, #tpu.memory_space<hbm>> -> memref<1x10240x64xf32, #tpu.memory_space<hbm>>
      %dma_start3A_148 = tpu.memref_squeeze %dma_start3A_147 : memref<1x10240x64xf32, #tpu.memory_space<hbm>> -> memref<10240x64xf32, #tpu.memory_space<hbm>>
      %dma_start3A_149 = arith.constant 0 : i32
      %dma_start3A_150 = tpu.memref_slice %dma_start3A_148[%add3A_73, %dma_start3A_149] : memref<10240x64xf32, #tpu.memory_space<hbm>> -> memref<128x64xf32, #tpu.memory_space<hbm>>
      tpu.enqueue_dma source(%arg15 : memref<128x64xf32, #tpu.memory_space<vmem>>) target(%dma_start3A_150 : memref<128x64xf32, #tpu.memory_space<hbm>>) target_semaphore(%run_scoped3A : memref<!tpu.dma_semaphore, #tpu.memory_space<semaphore_mem>>)
      %dma_wait3A = arith.constant 0 : i32
      %dma_wait3A_151 = arith.constant 0 : i32
      %dma_wait3A_152 = tpu.memref_slice %arg6[%arg0, %dma_wait3A, %dma_wait3A_151] : memref<2x10240x64xf32, #tpu.memory_space<hbm>> -> memref<1x10240x64xf32, #tpu.memory_space<hbm>>
      %dma_wait3A_153 = tpu.memref_squeeze %dma_wait3A_152 : memref<1x10240x64xf32, #tpu.memory_space<hbm>> -> memref<10240x64xf32, #tpu.memory_space<hbm>>
      %dma_wait3A_154 = arith.constant 0 : i32
      %dma_wait3A_155 = tpu.memref_slice %dma_wait3A_153[%add3A_73, %dma_wait3A_154] : memref<10240x64xf32, #tpu.memory_space<hbm>> -> memref<128x64xf32, #tpu.memory_space<hbm>>
      %dma_wait3A_156 = arith.constant 0 : i32
      %dma_wait3A_157 = arith.constant 0 : i32
      %dma_wait3A_158 = tpu.memref_slice %arg6[%arg0, %dma_wait3A_156, %dma_wait3A_157] : memref<2x10240x64xf32, #tpu.memory_space<hbm>> -> memref<1x10240x64xf32, #tpu.memory_space<hbm>>
      %dma_wait3A_159 = tpu.memref_squeeze %dma_wait3A_158 : memref<1x10240x64xf32, #tpu.memory_space<hbm>> -> memref<10240x64xf32, #tpu.memory_space<hbm>>
      %dma_wait3A_160 = arith.constant 0 : i32
      %dma_wait3A_161 = tpu.memref_slice %dma_wait3A_159[%add3A_73, %dma_wait3A_160] : memref<10240x64xf32, #tpu.memory_space<hbm>> -> memref<128x64xf32, #tpu.memory_space<hbm>>
      tpu.wait_dma2 semaphore(%run_scoped3A : memref<!tpu.dma_semaphore, #tpu.memory_space<semaphore_mem>>) src(%arg15 : memref<128x64xf32, #tpu.memory_space<vmem>>) dst(%dma_wait3A_161 : memref<128x64xf32, #tpu.memory_space<hbm>>)
      tpu.yield
    }) : () -> ()
    "tpu.region"() ({
      %run_scoped3A = tpu.sem_alloc : memref<!tpu.dma_semaphore, #tpu.memory_space<semaphore_mem>>
      %dma_start3A_139 = arith.constant 0 : i32
      %dma_start3A_140 = tpu.memref_slice %arg16[%add3A_73, %dma_start3A_139] : memref<10240x64xf32, #tpu.memory_space<vmem_shared>> -> memref<128x64xf32, #tpu.memory_space<vmem_shared>>
      %dma_start3A_141 = arith.constant 0 : i32
      %dma_start3A_142 = tpu.memref_slice %arg16[%add3A_73, %dma_start3A_141] : memref<10240x64xf32, #tpu.memory_space<vmem_shared>> -> memref<128x64xf32, #tpu.memory_space<vmem_shared>>
      tpu.enqueue_dma source(%arg14 : memref<128x64xf32, #tpu.memory_space<vmem>>) target(%dma_start3A_142 : memref<128x64xf32, #tpu.memory_space<vmem_shared>>) target_semaphore(%run_scoped3A : memref<!tpu.dma_semaphore, #tpu.memory_space<semaphore_mem>>)
      %dma_wait3A = arith.constant 0 : i32
      %dma_wait3A_143 = tpu.memref_slice %arg16[%add3A_73, %dma_wait3A] : memref<10240x64xf32, #tpu.memory_space<vmem_shared>> -> memref<128x64xf32, #tpu.memory_space<vmem_shared>>
      %dma_wait3A_144 = arith.constant 0 : i32
      %dma_wait3A_145 = tpu.memref_slice %arg16[%add3A_73, %dma_wait3A_144] : memref<10240x64xf32, #tpu.memory_space<vmem_shared>> -> memref<128x64xf32, #tpu.memory_space<vmem_shared>>
      tpu.wait_dma2 semaphore(%run_scoped3A : memref<!tpu.dma_semaphore, #tpu.memory_space<semaphore_mem>>) src(%arg14 : memref<128x64xf32, #tpu.memory_space<vmem>>) dst(%dma_wait3A_145 : memref<128x64xf32, #tpu.memory_space<vmem_shared>>)
      tpu.yield
    }) : () -> ()
    %mul3A_74 = arith.constant 640 : i32
    %mul3A_75 = arith.muli %arg1, %mul3A_74 : i32
    %add3A_76 = arith.constant 384 : i32
    %add3A_77 = arith.addi %mul3A_75, %add3A_76 : i32
    "tpu.region"() ({
      %run_scoped3A = tpu.sem_alloc : memref<!tpu.dma_semaphore, #tpu.memory_space<semaphore_mem>>
      %dma_start3A_139 = arith.constant 0 : i32
      %dma_start3A_140 = tpu.memref_slice %arg16[%add3A_77, %dma_start3A_139] : memref<10240x64xf32, #tpu.memory_space<vmem_shared>> -> memref<128x64xf32, #tpu.memory_space<vmem_shared>>
      %dma_start3A_141 = arith.constant 0 : i32
      %dma_start3A_142 = tpu.memref_slice %arg16[%add3A_77, %dma_start3A_141] : memref<10240x64xf32, #tpu.memory_space<vmem_shared>> -> memref<128x64xf32, #tpu.memory_space<vmem_shared>>
      tpu.enqueue_dma source(%dma_start3A_142 : memref<128x64xf32, #tpu.memory_space<vmem_shared>>) target(%arg15 : memref<128x64xf32, #tpu.memory_space<vmem>>) target_semaphore(%run_scoped3A : memref<!tpu.dma_semaphore, #tpu.memory_space<semaphore_mem>>)
      %dma_wait3A = arith.constant 0 : i32
      %dma_wait3A_143 = tpu.memref_slice %arg16[%add3A_77, %dma_wait3A] : memref<10240x64xf32, #tpu.memory_space<vmem_shared>> -> memref<128x64xf32, #tpu.memory_space<vmem_shared>>
      %dma_wait3A_144 = arith.constant 0 : i32
      %dma_wait3A_145 = tpu.memref_slice %arg16[%add3A_77, %dma_wait3A_144] : memref<10240x64xf32, #tpu.memory_space<vmem_shared>> -> memref<128x64xf32, #tpu.memory_space<vmem_shared>>
      tpu.wait_dma2 semaphore(%run_scoped3A : memref<!tpu.dma_semaphore, #tpu.memory_space<semaphore_mem>>) src(%dma_wait3A_145 : memref<128x64xf32, #tpu.memory_space<vmem_shared>>) dst(%arg15 : memref<128x64xf32, #tpu.memory_space<vmem>>)
      tpu.yield
    }) : () -> ()
    "tpu.region"() ({
      %run_scoped3A = tpu.sem_alloc : memref<!tpu.dma_semaphore, #tpu.memory_space<semaphore_mem>>
      %dma_start3A_139 = arith.constant 0 : i32
      %dma_start3A_140 = arith.constant 0 : i32
      %dma_start3A_141 = tpu.memref_slice %arg6[%arg0, %dma_start3A_139, %dma_start3A_140] : memref<2x10240x64xf32, #tpu.memory_space<hbm>> -> memref<1x10240x64xf32, #tpu.memory_space<hbm>>
      %dma_start3A_142 = tpu.memref_squeeze %dma_start3A_141 : memref<1x10240x64xf32, #tpu.memory_space<hbm>> -> memref<10240x64xf32, #tpu.memory_space<hbm>>
      %dma_start3A_143 = arith.constant 0 : i32
      %dma_start3A_144 = tpu.memref_slice %dma_start3A_142[%add3A_77, %dma_start3A_143] : memref<10240x64xf32, #tpu.memory_space<hbm>> -> memref<128x64xf32, #tpu.memory_space<hbm>>
      %dma_start3A_145 = arith.constant 0 : i32
      %dma_start3A_146 = arith.constant 0 : i32
      %dma_start3A_147 = tpu.memref_slice %arg6[%arg0, %dma_start3A_145, %dma_start3A_146] : memref<2x10240x64xf32, #tpu.memory_space<hbm>> -> memref<1x10240x64xf32, #tpu.memory_space<hbm>>
      %dma_start3A_148 = tpu.memref_squeeze %dma_start3A_147 : memref<1x10240x64xf32, #tpu.memory_space<hbm>> -> memref<10240x64xf32, #tpu.memory_space<hbm>>
      %dma_start3A_149 = arith.constant 0 : i32
      %dma_start3A_150 = tpu.memref_slice %dma_start3A_148[%add3A_77, %dma_start3A_149] : memref<10240x64xf32, #tpu.memory_space<hbm>> -> memref<128x64xf32, #tpu.memory_space<hbm>>
      tpu.enqueue_dma source(%arg15 : memref<128x64xf32, #tpu.memory_space<vmem>>) target(%dma_start3A_150 : memref<128x64xf32, #tpu.memory_space<hbm>>) target_semaphore(%run_scoped3A : memref<!tpu.dma_semaphore, #tpu.memory_space<semaphore_mem>>)
      %dma_wait3A = arith.constant 0 : i32
      %dma_wait3A_151 = arith.constant 0 : i32
      %dma_wait3A_152 = tpu.memref_slice %arg6[%arg0, %dma_wait3A, %dma_wait3A_151] : memref<2x10240x64xf32, #tpu.memory_space<hbm>> -> memref<1x10240x64xf32, #tpu.memory_space<hbm>>
      %dma_wait3A_153 = tpu.memref_squeeze %dma_wait3A_152 : memref<1x10240x64xf32, #tpu.memory_space<hbm>> -> memref<10240x64xf32, #tpu.memory_space<hbm>>
      %dma_wait3A_154 = arith.constant 0 : i32
      %dma_wait3A_155 = tpu.memref_slice %dma_wait3A_153[%add3A_77, %dma_wait3A_154] : memref<10240x64xf32, #tpu.memory_space<hbm>> -> memref<128x64xf32, #tpu.memory_space<hbm>>
      %dma_wait3A_156 = arith.constant 0 : i32
      %dma_wait3A_157 = arith.constant 0 : i32
      %dma_wait3A_158 = tpu.memref_slice %arg6[%arg0, %dma_wait3A_156, %dma_wait3A_157] : memref<2x10240x64xf32, #tpu.memory_space<hbm>> -> memref<1x10240x64xf32, #tpu.memory_space<hbm>>
      %dma_wait3A_159 = tpu.memref_squeeze %dma_wait3A_158 : memref<1x10240x64xf32, #tpu.memory_space<hbm>> -> memref<10240x64xf32, #tpu.memory_space<hbm>>
      %dma_wait3A_160 = arith.constant 0 : i32
      %dma_wait3A_161 = tpu.memref_slice %dma_wait3A_159[%add3A_77, %dma_wait3A_160] : memref<10240x64xf32, #tpu.memory_space<hbm>> -> memref<128x64xf32, #tpu.memory_space<hbm>>
      tpu.wait_dma2 semaphore(%run_scoped3A : memref<!tpu.dma_semaphore, #tpu.memory_space<semaphore_mem>>) src(%arg15 : memref<128x64xf32, #tpu.memory_space<vmem>>) dst(%dma_wait3A_161 : memref<128x64xf32, #tpu.memory_space<hbm>>)
      tpu.yield
    }) : () -> ()
    "tpu.region"() ({
      %run_scoped3A = tpu.sem_alloc : memref<!tpu.dma_semaphore, #tpu.memory_space<semaphore_mem>>
      %dma_start3A_139 = arith.constant 0 : i32
      %dma_start3A_140 = tpu.memref_slice %arg16[%add3A_77, %dma_start3A_139] : memref<10240x64xf32, #tpu.memory_space<vmem_shared>> -> memref<128x64xf32, #tpu.memory_space<vmem_shared>>
      %dma_start3A_141 = arith.constant 0 : i32
      %dma_start3A_142 = tpu.memref_slice %arg16[%add3A_77, %dma_start3A_141] : memref<10240x64xf32, #tpu.memory_space<vmem_shared>> -> memref<128x64xf32, #tpu.memory_space<vmem_shared>>
      tpu.enqueue_dma source(%arg14 : memref<128x64xf32, #tpu.memory_space<vmem>>) target(%dma_start3A_142 : memref<128x64xf32, #tpu.memory_space<vmem_shared>>) target_semaphore(%run_scoped3A : memref<!tpu.dma_semaphore, #tpu.memory_space<semaphore_mem>>)
      %dma_wait3A = arith.constant 0 : i32
      %dma_wait3A_143 = tpu.memref_slice %arg16[%add3A_77, %dma_wait3A] : memref<10240x64xf32, #tpu.memory_space<vmem_shared>> -> memref<128x64xf32, #tpu.memory_space<vmem_shared>>
      %dma_wait3A_144 = arith.constant 0 : i32
      %dma_wait3A_145 = tpu.memref_slice %arg16[%add3A_77, %dma_wait3A_144] : memref<10240x64xf32, #tpu.memory_space<vmem_shared>> -> memref<128x64xf32, #tpu.memory_space<vmem_shared>>
      tpu.wait_dma2 semaphore(%run_scoped3A : memref<!tpu.dma_semaphore, #tpu.memory_space<semaphore_mem>>) src(%arg14 : memref<128x64xf32, #tpu.memory_space<vmem>>) dst(%dma_wait3A_145 : memref<128x64xf32, #tpu.memory_space<vmem_shared>>)
      tpu.yield
    }) : () -> ()
    %mul3A_78 = arith.constant 640 : i32
    %mul3A_79 = arith.muli %arg1, %mul3A_78 : i32
    %add3A_80 = arith.constant 512 : i32
    %add3A_81 = arith.addi %mul3A_79, %add3A_80 : i32
    "tpu.region"() ({
      %run_scoped3A = tpu.sem_alloc : memref<!tpu.dma_semaphore, #tpu.memory_space<semaphore_mem>>
      %dma_start3A_139 = arith.constant 0 : i32
      %dma_start3A_140 = tpu.memref_slice %arg16[%add3A_81, %dma_start3A_139] : memref<10240x64xf32, #tpu.memory_space<vmem_shared>> -> memref<128x64xf32, #tpu.memory_space<vmem_shared>>
      %dma_start3A_141 = arith.constant 0 : i32
      %dma_start3A_142 = tpu.memref_slice %arg16[%add3A_81, %dma_start3A_141] : memref<10240x64xf32, #tpu.memory_space<vmem_shared>> -> memref<128x64xf32, #tpu.memory_space<vmem_shared>>
      tpu.enqueue_dma source(%dma_start3A_142 : memref<128x64xf32, #tpu.memory_space<vmem_shared>>) target(%arg15 : memref<128x64xf32, #tpu.memory_space<vmem>>) target_semaphore(%run_scoped3A : memref<!tpu.dma_semaphore, #tpu.memory_space<semaphore_mem>>)
      %dma_wait3A = arith.constant 0 : i32
      %dma_wait3A_143 = tpu.memref_slice %arg16[%add3A_81, %dma_wait3A] : memref<10240x64xf32, #tpu.memory_space<vmem_shared>> -> memref<128x64xf32, #tpu.memory_space<vmem_shared>>
      %dma_wait3A_144 = arith.constant 0 : i32
      %dma_wait3A_145 = tpu.memref_slice %arg16[%add3A_81, %dma_wait3A_144] : memref<10240x64xf32, #tpu.memory_space<vmem_shared>> -> memref<128x64xf32, #tpu.memory_space<vmem_shared>>
      tpu.wait_dma2 semaphore(%run_scoped3A : memref<!tpu.dma_semaphore, #tpu.memory_space<semaphore_mem>>) src(%dma_wait3A_145 : memref<128x64xf32, #tpu.memory_space<vmem_shared>>) dst(%arg15 : memref<128x64xf32, #tpu.memory_space<vmem>>)
      tpu.yield
    }) : () -> ()
    "tpu.region"() ({
      %run_scoped3A = tpu.sem_alloc : memref<!tpu.dma_semaphore, #tpu.memory_space<semaphore_mem>>
      %dma_start3A_139 = arith.constant 0 : i32
      %dma_start3A_140 = arith.constant 0 : i32
      %dma_start3A_141 = tpu.memref_slice %arg6[%arg0, %dma_start3A_139, %dma_start3A_140] : memref<2x10240x64xf32, #tpu.memory_space<hbm>> -> memref<1x10240x64xf32, #tpu.memory_space<hbm>>
      %dma_start3A_142 = tpu.memref_squeeze %dma_start3A_141 : memref<1x10240x64xf32, #tpu.memory_space<hbm>> -> memref<10240x64xf32, #tpu.memory_space<hbm>>
      %dma_start3A_143 = arith.constant 0 : i32
      %dma_start3A_144 = tpu.memref_slice %dma_start3A_142[%add3A_81, %dma_start3A_143] : memref<10240x64xf32, #tpu.memory_space<hbm>> -> memref<128x64xf32, #tpu.memory_space<hbm>>
      %dma_start3A_145 = arith.constant 0 : i32
      %dma_start3A_146 = arith.constant 0 : i32
      %dma_start3A_147 = tpu.memref_slice %arg6[%arg0, %dma_start3A_145, %dma_start3A_146] : memref<2x10240x64xf32, #tpu.memory_space<hbm>> -> memref<1x10240x64xf32, #tpu.memory_space<hbm>>
      %dma_start3A_148 = tpu.memref_squeeze %dma_start3A_147 : memref<1x10240x64xf32, #tpu.memory_space<hbm>> -> memref<10240x64xf32, #tpu.memory_space<hbm>>
      %dma_start3A_149 = arith.constant 0 : i32
      %dma_start3A_150 = tpu.memref_slice %dma_start3A_148[%add3A_81, %dma_start3A_149] : memref<10240x64xf32, #tpu.memory_space<hbm>> -> memref<128x64xf32, #tpu.memory_space<hbm>>
      tpu.enqueue_dma source(%arg15 : memref<128x64xf32, #tpu.memory_space<vmem>>) target(%dma_start3A_150 : memref<128x64xf32, #tpu.memory_space<hbm>>) target_semaphore(%run_scoped3A : memref<!tpu.dma_semaphore, #tpu.memory_space<semaphore_mem>>)
      %dma_wait3A = arith.constant 0 : i32
      %dma_wait3A_151 = arith.constant 0 : i32
      %dma_wait3A_152 = tpu.memref_slice %arg6[%arg0, %dma_wait3A, %dma_wait3A_151] : memref<2x10240x64xf32, #tpu.memory_space<hbm>> -> memref<1x10240x64xf32, #tpu.memory_space<hbm>>
      %dma_wait3A_153 = tpu.memref_squeeze %dma_wait3A_152 : memref<1x10240x64xf32, #tpu.memory_space<hbm>> -> memref<10240x64xf32, #tpu.memory_space<hbm>>
      %dma_wait3A_154 = arith.constant 0 : i32
      %dma_wait3A_155 = tpu.memref_slice %dma_wait3A_153[%add3A_81, %dma_wait3A_154] : memref<10240x64xf32, #tpu.memory_space<hbm>> -> memref<128x64xf32, #tpu.memory_space<hbm>>
      %dma_wait3A_156 = arith.constant 0 : i32
      %dma_wait3A_157 = arith.constant 0 : i32
      %dma_wait3A_158 = tpu.memref_slice %arg6[%arg0, %dma_wait3A_156, %dma_wait3A_157] : memref<2x10240x64xf32, #tpu.memory_space<hbm>> -> memref<1x10240x64xf32, #tpu.memory_space<hbm>>
      %dma_wait3A_159 = tpu.memref_squeeze %dma_wait3A_158 : memref<1x10240x64xf32, #tpu.memory_space<hbm>> -> memref<10240x64xf32, #tpu.memory_space<hbm>>
      %dma_wait3A_160 = arith.constant 0 : i32
      %dma_wait3A_161 = tpu.memref_slice %dma_wait3A_159[%add3A_81, %dma_wait3A_160] : memref<10240x64xf32, #tpu.memory_space<hbm>> -> memref<128x64xf32, #tpu.memory_space<hbm>>
      tpu.wait_dma2 semaphore(%run_scoped3A : memref<!tpu.dma_semaphore, #tpu.memory_space<semaphore_mem>>) src(%arg15 : memref<128x64xf32, #tpu.memory_space<vmem>>) dst(%dma_wait3A_161 : memref<128x64xf32, #tpu.memory_space<hbm>>)
      tpu.yield
    }) : () -> ()
    "tpu.region"() ({
      %run_scoped3A = tpu.sem_alloc : memref<!tpu.dma_semaphore, #tpu.memory_space<semaphore_mem>>
      %dma_start3A_139 = arith.constant 0 : i32
      %dma_start3A_140 = tpu.memref_slice %arg16[%add3A_81, %dma_start3A_139] : memref<10240x64xf32, #tpu.memory_space<vmem_shared>> -> memref<128x64xf32, #tpu.memory_space<vmem_shared>>
      %dma_start3A_141 = arith.constant 0 : i32
      %dma_start3A_142 = tpu.memref_slice %arg16[%add3A_81, %dma_start3A_141] : memref<10240x64xf32, #tpu.memory_space<vmem_shared>> -> memref<128x64xf32, #tpu.memory_space<vmem_shared>>
      tpu.enqueue_dma source(%arg14 : memref<128x64xf32, #tpu.memory_space<vmem>>) target(%dma_start3A_142 : memref<128x64xf32, #tpu.memory_space<vmem_shared>>) target_semaphore(%run_scoped3A : memref<!tpu.dma_semaphore, #tpu.memory_space<semaphore_mem>>)
      %dma_wait3A = arith.constant 0 : i32
      %dma_wait3A_143 = tpu.memref_slice %arg16[%add3A_81, %dma_wait3A] : memref<10240x64xf32, #tpu.memory_space<vmem_shared>> -> memref<128x64xf32, #tpu.memory_space<vmem_shared>>
      %dma_wait3A_144 = arith.constant 0 : i32
      %dma_wait3A_145 = tpu.memref_slice %arg16[%add3A_81, %dma_wait3A_144] : memref<10240x64xf32, #tpu.memory_space<vmem_shared>> -> memref<128x64xf32, #tpu.memory_space<vmem_shared>>
      tpu.wait_dma2 semaphore(%run_scoped3A : memref<!tpu.dma_semaphore, #tpu.memory_space<semaphore_mem>>) src(%arg14 : memref<128x64xf32, #tpu.memory_space<vmem>>) dst(%dma_wait3A_145 : memref<128x64xf32, #tpu.memory_space<vmem_shared>>)
      tpu.yield
    }) : () -> ()
    %barrier3A_82 = arith.constant 0 : index
    tpu.barrier barrier_id(%barrier3A_82)
    %dma_start3A_83 = arith.constant 0 : i32
    %dma_start3A_84 = arith.constant 0 : i32
    %dma_start3A_85 = tpu.memref_slice %arg8[%dma_start3A_83, %dma_start3A_84] : memref<80x125xi32, #tpu.memory_space<vmem>> -> memref<1x125xi32, #tpu.memory_space<vmem>>
    %dma_start3A_86 = tpu.memref_squeeze %dma_start3A_85 : memref<1x125xi32, #tpu.memory_space<vmem>> -> memref<125xi32, #tpu.memory_space<vmem>>
    %dma_start3A_87 = arith.constant 0 : i32
    %dma_start3A_88 = arith.constant 0 : i32
    %dma_start3A_89 = tpu.memref_slice %arg3[%dma_start3A_87, %dma_start3A_88] : memref<10000x64xf32, #tpu.memory_space<hbm>> -> memref<10000x64xf32, #tpu.memory_space<hbm>>
    tpu.enqueue_indirect_dma source(%dma_start3A_89 : memref<10000x64xf32, #tpu.memory_space<hbm>>) target(%arg10 : memref<125x64xf32, #tpu.memory_space<vmem>>) offsets(%dma_start3A_86 : memref<125xi32, #tpu.memory_space<vmem>>) semaphore(%arg17 : memref<!tpu.dma_semaphore, #tpu.memory_space<semaphore_mem>>)
    %dma_start3A_90 = arith.constant 1 : i32
    %dma_start3A_91 = arith.constant 0 : i32
    %dma_start3A_92 = tpu.memref_slice %arg8[%dma_start3A_90, %dma_start3A_91] : memref<80x125xi32, #tpu.memory_space<vmem>> -> memref<1x125xi32, #tpu.memory_space<vmem>>
    %dma_start3A_93 = tpu.memref_squeeze %dma_start3A_92 : memref<1x125xi32, #tpu.memory_space<vmem>> -> memref<125xi32, #tpu.memory_space<vmem>>
    %dma_start3A_94 = arith.constant 0 : i32
    %dma_start3A_95 = arith.constant 0 : i32
    %dma_start3A_96 = tpu.memref_slice %arg3[%dma_start3A_94, %dma_start3A_95] : memref<10000x64xf32, #tpu.memory_space<hbm>> -> memref<10000x64xf32, #tpu.memory_space<hbm>>
    tpu.enqueue_indirect_dma source(%dma_start3A_96 : memref<10000x64xf32, #tpu.memory_space<hbm>>) target(%arg11 : memref<125x64xf32, #tpu.memory_space<vmem>>) offsets(%dma_start3A_93 : memref<125xi32, #tpu.memory_space<vmem>>) semaphore(%arg18 : memref<!tpu.dma_semaphore, #tpu.memory_space<semaphore_mem>>)
    %dma_start3A_97 = arith.constant 2 : i32
    %dma_start3A_98 = arith.constant 0 : i32
    %dma_start3A_99 = tpu.memref_slice %arg8[%dma_start3A_97, %dma_start3A_98] : memref<80x125xi32, #tpu.memory_space<vmem>> -> memref<1x125xi32, #tpu.memory_space<vmem>>
    %dma_start3A_100 = tpu.memref_squeeze %dma_start3A_99 : memref<1x125xi32, #tpu.memory_space<vmem>> -> memref<125xi32, #tpu.memory_space<vmem>>
    %dma_start3A_101 = arith.constant 0 : i32
    %dma_start3A_102 = arith.constant 0 : i32
    %dma_start3A_103 = tpu.memref_slice %arg3[%dma_start3A_101, %dma_start3A_102] : memref<10000x64xf32, #tpu.memory_space<hbm>> -> memref<10000x64xf32, #tpu.memory_space<hbm>>
    tpu.enqueue_indirect_dma source(%dma_start3A_103 : memref<10000x64xf32, #tpu.memory_space<hbm>>) target(%arg12 : memref<125x64xf32, #tpu.memory_space<vmem>>) offsets(%dma_start3A_100 : memref<125xi32, #tpu.memory_space<vmem>>) semaphore(%arg19 : memref<!tpu.dma_semaphore, #tpu.memory_space<semaphore_mem>>)
    %dma_start3A_104 = arith.constant 3 : i32
    %dma_start3A_105 = arith.constant 0 : i32
    %dma_start3A_106 = tpu.memref_slice %arg8[%dma_start3A_104, %dma_start3A_105] : memref<80x125xi32, #tpu.memory_space<vmem>> -> memref<1x125xi32, #tpu.memory_space<vmem>>
    %dma_start3A_107 = tpu.memref_squeeze %dma_start3A_106 : memref<1x125xi32, #tpu.memory_space<vmem>> -> memref<125xi32, #tpu.memory_space<vmem>>
    %dma_start3A_108 = arith.constant 0 : i32
    %dma_start3A_109 = arith.constant 0 : i32
    %dma_start3A_110 = tpu.memref_slice %arg3[%dma_start3A_108, %dma_start3A_109] : memref<10000x64xf32, #tpu.memory_space<hbm>> -> memref<10000x64xf32, #tpu.memory_space<hbm>>
    tpu.enqueue_indirect_dma source(%dma_start3A_110 : memref<10000x64xf32, #tpu.memory_space<hbm>>) target(%arg13 : memref<125x64xf32, #tpu.memory_space<vmem>>) offsets(%dma_start3A_107 : memref<125xi32, #tpu.memory_space<vmem>>) semaphore(%arg20 : memref<!tpu.dma_semaphore, #tpu.memory_space<semaphore_mem>>)
    %scan3A_111 = arith.constant 0 : i32
    %scan3A_112 = arith.constant 0 : i32
    %scan3A_113 = arith.constant 20 : i32
    %scan3A_114 = arith.addi %scan3A_112, %scan3A_113 : i32
    %scan3A_115 = arith.constant 1 : i32
    %scan3A_116 = scf.for %scan3A_139 = %scan3A_112 to %scan3A_114 step %scan3A_115 iter_args(%scan3A_140 = %scan3A_111) -> (i32)  : i32 {
      %mul3A_141 = arith.constant 4 : i32
      %mul3A_142 = arith.muli %mul3A_141, %scan3A_139 : i32
      %add3A_143 = arith.constant 0 : i32
      %add3A_144 = arith.addi %mul3A_142, %add3A_143 : i32
      %dma_wait3A = arith.constant 0 : i32
      %dma_wait3A_145 = tpu.memref_slice %arg8[%add3A_144, %dma_wait3A] : memref<80x125xi32, #tpu.memory_space<vmem>> -> memref<1x125xi32, #tpu.memory_space<vmem>>
      %dma_wait3A_146 = tpu.memref_squeeze %dma_wait3A_145 : memref<1x125xi32, #tpu.memory_space<vmem>> -> memref<125xi32, #tpu.memory_space<vmem>>
      %dma_wait3A_147 = arith.constant 0 : i32
      %dma_wait3A_148 = arith.constant 0 : i32
      %dma_wait3A_149 = tpu.memref_slice %arg3[%dma_wait3A_147, %dma_wait3A_148] : memref<10000x64xf32, #tpu.memory_space<hbm>> -> memref<10000x64xf32, #tpu.memory_space<hbm>>
      tpu.wait_indirect_dma semaphore(%arg17 : memref<!tpu.dma_semaphore, #tpu.memory_space<semaphore_mem>>) src(%dma_wait3A_149 : memref<10000x64xf32, #tpu.memory_space<hbm>>) dst(%arg10 : memref<125x64xf32, #tpu.memory_space<vmem>>)
      "tpu.region"() ({
        %run_scoped3A = tpu.sem_alloc : memref<!tpu.dma_semaphore, #tpu.memory_space<semaphore_mem>>
        %dma_start3A_200 = arith.constant 0 : i32
        %dma_start3A_201 = tpu.memref_slice %arg9[%add3A_144, %dma_start3A_200] : memref<80x125xi32, #tpu.memory_space<vmem>> -> memref<1x125xi32, #tpu.memory_space<vmem>>
        %dma_start3A_202 = tpu.memref_squeeze %dma_start3A_201 : memref<1x125xi32, #tpu.memory_space<vmem>> -> memref<125xi32, #tpu.memory_space<vmem>>
        %dma_start3A_203 = arith.constant 0 : i32
        %dma_start3A_204 = arith.constant 0 : i32
        %dma_start3A_205 = tpu.memref_slice %arg16[%dma_start3A_203, %dma_start3A_204] : memref<10240x64xf32, #tpu.memory_space<vmem_shared>> -> memref<10240x64xf32, #tpu.memory_space<vmem_shared>>
        tpu.enqueue_indirect_dma source(%arg10 : memref<125x64xf32, #tpu.memory_space<vmem>>) target(%dma_start3A_205 : memref<10240x64xf32, #tpu.memory_space<vmem_shared>>) offsets(%dma_start3A_202 : memref<125xi32, #tpu.memory_space<vmem>>) semaphore(%run_scoped3A : memref<!tpu.dma_semaphore, #tpu.memory_space<semaphore_mem>>) {add = true}
        %dma_wait3A_206 = arith.constant 0 : i32
        %dma_wait3A_207 = tpu.memref_slice %arg9[%add3A_144, %dma_wait3A_206] : memref<80x125xi32, #tpu.memory_space<vmem>> -> memref<1x125xi32, #tpu.memory_space<vmem>>
        %dma_wait3A_208 = tpu.memref_squeeze %dma_wait3A_207 : memref<1x125xi32, #tpu.memory_space<vmem>> -> memref<125xi32, #tpu.memory_space<vmem>>
        %dma_wait3A_209 = arith.constant 0 : i32
        %dma_wait3A_210 = arith.constant 0 : i32
        %dma_wait3A_211 = tpu.memref_slice %arg16[%dma_wait3A_209, %dma_wait3A_210] : memref<10240x64xf32, #tpu.memory_space<vmem_shared>> -> memref<10240x64xf32, #tpu.memory_space<vmem_shared>>
        tpu.wait_indirect_dma semaphore(%run_scoped3A : memref<!tpu.dma_semaphore, #tpu.memory_space<semaphore_mem>>) src(%arg10 : memref<125x64xf32, #tpu.memory_space<vmem>>) dst(%dma_wait3A_211 : memref<10240x64xf32, #tpu.memory_space<vmem_shared>>)
        tpu.yield
      }) : () -> ()
      %add3A_150 = arith.constant 4 : i32
      %add3A_151 = arith.addi %add3A_144, %add3A_150 : i32
      %lt3A = arith.constant 80 : i32
      %lt3A_152 = arith.cmpi slt, %add3A_151, %lt3A : i32
      %convert_element_type3A = arith.extui %lt3A_152 : i1 to i32
      %cond3A = arith.constant 0 : i32
      %cond3A_153 = arith.cmpi ne, %convert_element_type3A, %cond3A : i32
      scf.if %cond3A_153 {
        %add3A_200 = arith.constant 4 : i32
        %add3A_201 = arith.addi %add3A_144, %add3A_200 : i32
        %dma_start3A_202 = arith.constant 0 : i32
        %dma_start3A_203 = tpu.memref_slice %arg8[%add3A_201, %dma_start3A_202] : memref<80x125xi32, #tpu.memory_space<vmem>> -> memref<1x125xi32, #tpu.memory_space<vmem>>
        %dma_start3A_204 = tpu.memref_squeeze %dma_start3A_203 : memref<1x125xi32, #tpu.memory_space<vmem>> -> memref<125xi32, #tpu.memory_space<vmem>>
        %dma_start3A_205 = arith.constant 0 : i32
        %dma_start3A_206 = arith.constant 0 : i32
        %dma_start3A_207 = tpu.memref_slice %arg3[%dma_start3A_205, %dma_start3A_206] : memref<10000x64xf32, #tpu.memory_space<hbm>> -> memref<10000x64xf32, #tpu.memory_space<hbm>>
        tpu.enqueue_indirect_dma source(%dma_start3A_207 : memref<10000x64xf32, #tpu.memory_space<hbm>>) target(%arg10 : memref<125x64xf32, #tpu.memory_space<vmem>>) offsets(%dma_start3A_204 : memref<125xi32, #tpu.memory_space<vmem>>) semaphore(%arg17 : memref<!tpu.dma_semaphore, #tpu.memory_space<semaphore_mem>>)
      } else {
      }
      %add3A_154 = arith.constant 1 : i32
      %add3A_155 = arith.addi %mul3A_142, %add3A_154 : i32
      %dma_wait3A_156 = arith.constant 0 : i32
      %dma_wait3A_157 = tpu.memref_slice %arg8[%add3A_155, %dma_wait3A_156] : memref<80x125xi32, #tpu.memory_space<vmem>> -> memref<1x125xi32, #tpu.memory_space<vmem>>
      %dma_wait3A_158 = tpu.memref_squeeze %dma_wait3A_157 : memref<1x125xi32, #tpu.memory_space<vmem>> -> memref<125xi32, #tpu.memory_space<vmem>>
      %dma_wait3A_159 = arith.constant 0 : i32
      %dma_wait3A_160 = arith.constant 0 : i32
      %dma_wait3A_161 = tpu.memref_slice %arg3[%dma_wait3A_159, %dma_wait3A_160] : memref<10000x64xf32, #tpu.memory_space<hbm>> -> memref<10000x64xf32, #tpu.memory_space<hbm>>
      tpu.wait_indirect_dma semaphore(%arg18 : memref<!tpu.dma_semaphore, #tpu.memory_space<semaphore_mem>>) src(%dma_wait3A_161 : memref<10000x64xf32, #tpu.memory_space<hbm>>) dst(%arg11 : memref<125x64xf32, #tpu.memory_space<vmem>>)
      "tpu.region"() ({
        %run_scoped3A = tpu.sem_alloc : memref<!tpu.dma_semaphore, #tpu.memory_space<semaphore_mem>>
        %dma_start3A_200 = arith.constant 0 : i32
        %dma_start3A_201 = tpu.memref_slice %arg9[%add3A_155, %dma_start3A_200] : memref<80x125xi32, #tpu.memory_space<vmem>> -> memref<1x125xi32, #tpu.memory_space<vmem>>
        %dma_start3A_202 = tpu.memref_squeeze %dma_start3A_201 : memref<1x125xi32, #tpu.memory_space<vmem>> -> memref<125xi32, #tpu.memory_space<vmem>>
        %dma_start3A_203 = arith.constant 0 : i32
        %dma_start3A_204 = arith.constant 0 : i32
        %dma_start3A_205 = tpu.memref_slice %arg16[%dma_start3A_203, %dma_start3A_204] : memref<10240x64xf32, #tpu.memory_space<vmem_shared>> -> memref<10240x64xf32, #tpu.memory_space<vmem_shared>>
        tpu.enqueue_indirect_dma source(%arg11 : memref<125x64xf32, #tpu.memory_space<vmem>>) target(%dma_start3A_205 : memref<10240x64xf32, #tpu.memory_space<vmem_shared>>) offsets(%dma_start3A_202 : memref<125xi32, #tpu.memory_space<vmem>>) semaphore(%run_scoped3A : memref<!tpu.dma_semaphore, #tpu.memory_space<semaphore_mem>>) {add = true}
        %dma_wait3A_206 = arith.constant 0 : i32
        %dma_wait3A_207 = tpu.memref_slice %arg9[%add3A_155, %dma_wait3A_206] : memref<80x125xi32, #tpu.memory_space<vmem>> -> memref<1x125xi32, #tpu.memory_space<vmem>>
        %dma_wait3A_208 = tpu.memref_squeeze %dma_wait3A_207 : memref<1x125xi32, #tpu.memory_space<vmem>> -> memref<125xi32, #tpu.memory_space<vmem>>
        %dma_wait3A_209 = arith.constant 0 : i32
        %dma_wait3A_210 = arith.constant 0 : i32
        %dma_wait3A_211 = tpu.memref_slice %arg16[%dma_wait3A_209, %dma_wait3A_210] : memref<10240x64xf32, #tpu.memory_space<vmem_shared>> -> memref<10240x64xf32, #tpu.memory_space<vmem_shared>>
        tpu.wait_indirect_dma semaphore(%run_scoped3A : memref<!tpu.dma_semaphore, #tpu.memory_space<semaphore_mem>>) src(%arg11 : memref<125x64xf32, #tpu.memory_space<vmem>>) dst(%dma_wait3A_211 : memref<10240x64xf32, #tpu.memory_space<vmem_shared>>)
        tpu.yield
      }) : () -> ()
      %add3A_162 = arith.constant 4 : i32
      %add3A_163 = arith.addi %add3A_155, %add3A_162 : i32
      %lt3A_164 = arith.constant 80 : i32
      %lt3A_165 = arith.cmpi slt, %add3A_163, %lt3A_164 : i32
      %convert_element_type3A_166 = arith.extui %lt3A_165 : i1 to i32
      %cond3A_167 = arith.constant 0 : i32
      %cond3A_168 = arith.cmpi ne, %convert_element_type3A_166, %cond3A_167 : i32
      scf.if %cond3A_168 {
        %add3A_200 = arith.constant 4 : i32
        %add3A_201 = arith.addi %add3A_155, %add3A_200 : i32
        %dma_start3A_202 = arith.constant 0 : i32
        %dma_start3A_203 = tpu.memref_slice %arg8[%add3A_201, %dma_start3A_202] : memref<80x125xi32, #tpu.memory_space<vmem>> -> memref<1x125xi32, #tpu.memory_space<vmem>>
        %dma_start3A_204 = tpu.memref_squeeze %dma_start3A_203 : memref<1x125xi32, #tpu.memory_space<vmem>> -> memref<125xi32, #tpu.memory_space<vmem>>
        %dma_start3A_205 = arith.constant 0 : i32
        %dma_start3A_206 = arith.constant 0 : i32
        %dma_start3A_207 = tpu.memref_slice %arg3[%dma_start3A_205, %dma_start3A_206] : memref<10000x64xf32, #tpu.memory_space<hbm>> -> memref<10000x64xf32, #tpu.memory_space<hbm>>
        tpu.enqueue_indirect_dma source(%dma_start3A_207 : memref<10000x64xf32, #tpu.memory_space<hbm>>) target(%arg11 : memref<125x64xf32, #tpu.memory_space<vmem>>) offsets(%dma_start3A_204 : memref<125xi32, #tpu.memory_space<vmem>>) semaphore(%arg18 : memref<!tpu.dma_semaphore, #tpu.memory_space<semaphore_mem>>)
      } else {
      }
      %add3A_169 = arith.constant 2 : i32
      %add3A_170 = arith.addi %mul3A_142, %add3A_169 : i32
      %dma_wait3A_171 = arith.constant 0 : i32
      %dma_wait3A_172 = tpu.memref_slice %arg8[%add3A_170, %dma_wait3A_171] : memref<80x125xi32, #tpu.memory_space<vmem>> -> memref<1x125xi32, #tpu.memory_space<vmem>>
      %dma_wait3A_173 = tpu.memref_squeeze %dma_wait3A_172 : memref<1x125xi32, #tpu.memory_space<vmem>> -> memref<125xi32, #tpu.memory_space<vmem>>
      %dma_wait3A_174 = arith.constant 0 : i32
      %dma_wait3A_175 = arith.constant 0 : i32
      %dma_wait3A_176 = tpu.memref_slice %arg3[%dma_wait3A_174, %dma_wait3A_175] : memref<10000x64xf32, #tpu.memory_space<hbm>> -> memref<10000x64xf32, #tpu.memory_space<hbm>>
      tpu.wait_indirect_dma semaphore(%arg19 : memref<!tpu.dma_semaphore, #tpu.memory_space<semaphore_mem>>) src(%dma_wait3A_176 : memref<10000x64xf32, #tpu.memory_space<hbm>>) dst(%arg12 : memref<125x64xf32, #tpu.memory_space<vmem>>)
      "tpu.region"() ({
        %run_scoped3A = tpu.sem_alloc : memref<!tpu.dma_semaphore, #tpu.memory_space<semaphore_mem>>
        %dma_start3A_200 = arith.constant 0 : i32
        %dma_start3A_201 = tpu.memref_slice %arg9[%add3A_170, %dma_start3A_200] : memref<80x125xi32, #tpu.memory_space<vmem>> -> memref<1x125xi32, #tpu.memory_space<vmem>>
        %dma_start3A_202 = tpu.memref_squeeze %dma_start3A_201 : memref<1x125xi32, #tpu.memory_space<vmem>> -> memref<125xi32, #tpu.memory_space<vmem>>
        %dma_start3A_203 = arith.constant 0 : i32
        %dma_start3A_204 = arith.constant 0 : i32
        %dma_start3A_205 = tpu.memref_slice %arg16[%dma_start3A_203, %dma_start3A_204] : memref<10240x64xf32, #tpu.memory_space<vmem_shared>> -> memref<10240x64xf32, #tpu.memory_space<vmem_shared>>
        tpu.enqueue_indirect_dma source(%arg12 : memref<125x64xf32, #tpu.memory_space<vmem>>) target(%dma_start3A_205 : memref<10240x64xf32, #tpu.memory_space<vmem_shared>>) offsets(%dma_start3A_202 : memref<125xi32, #tpu.memory_space<vmem>>) semaphore(%run_scoped3A : memref<!tpu.dma_semaphore, #tpu.memory_space<semaphore_mem>>) {add = true}
        %dma_wait3A_206 = arith.constant 0 : i32
        %dma_wait3A_207 = tpu.memref_slice %arg9[%add3A_170, %dma_wait3A_206] : memref<80x125xi32, #tpu.memory_space<vmem>> -> memref<1x125xi32, #tpu.memory_space<vmem>>
        %dma_wait3A_208 = tpu.memref_squeeze %dma_wait3A_207 : memref<1x125xi32, #tpu.memory_space<vmem>> -> memref<125xi32, #tpu.memory_space<vmem>>
        %dma_wait3A_209 = arith.constant 0 : i32
        %dma_wait3A_210 = arith.constant 0 : i32
        %dma_wait3A_211 = tpu.memref_slice %arg16[%dma_wait3A_209, %dma_wait3A_210] : memref<10240x64xf32, #tpu.memory_space<vmem_shared>> -> memref<10240x64xf32, #tpu.memory_space<vmem_shared>>
        tpu.wait_indirect_dma semaphore(%run_scoped3A : memref<!tpu.dma_semaphore, #tpu.memory_space<semaphore_mem>>) src(%arg12 : memref<125x64xf32, #tpu.memory_space<vmem>>) dst(%dma_wait3A_211 : memref<10240x64xf32, #tpu.memory_space<vmem_shared>>)
        tpu.yield
      }) : () -> ()
      %add3A_177 = arith.constant 4 : i32
      %add3A_178 = arith.addi %add3A_170, %add3A_177 : i32
      %lt3A_179 = arith.constant 80 : i32
      %lt3A_180 = arith.cmpi slt, %add3A_178, %lt3A_179 : i32
      %convert_element_type3A_181 = arith.extui %lt3A_180 : i1 to i32
      %cond3A_182 = arith.constant 0 : i32
      %cond3A_183 = arith.cmpi ne, %convert_element_type3A_181, %cond3A_182 : i32
      scf.if %cond3A_183 {
        %add3A_200 = arith.constant 4 : i32
        %add3A_201 = arith.addi %add3A_170, %add3A_200 : i32
        %dma_start3A_202 = arith.constant 0 : i32
        %dma_start3A_203 = tpu.memref_slice %arg8[%add3A_201, %dma_start3A_202] : memref<80x125xi32, #tpu.memory_space<vmem>> -> memref<1x125xi32, #tpu.memory_space<vmem>>
        %dma_start3A_204 = tpu.memref_squeeze %dma_start3A_203 : memref<1x125xi32, #tpu.memory_space<vmem>> -> memref<125xi32, #tpu.memory_space<vmem>>
        %dma_start3A_205 = arith.constant 0 : i32
        %dma_start3A_206 = arith.constant 0 : i32
        %dma_start3A_207 = tpu.memref_slice %arg3[%dma_start3A_205, %dma_start3A_206] : memref<10000x64xf32, #tpu.memory_space<hbm>> -> memref<10000x64xf32, #tpu.memory_space<hbm>>
        tpu.enqueue_indirect_dma source(%dma_start3A_207 : memref<10000x64xf32, #tpu.memory_space<hbm>>) target(%arg12 : memref<125x64xf32, #tpu.memory_space<vmem>>) offsets(%dma_start3A_204 : memref<125xi32, #tpu.memory_space<vmem>>) semaphore(%arg19 : memref<!tpu.dma_semaphore, #tpu.memory_space<semaphore_mem>>)
      } else {
      }
      %add3A_184 = arith.constant 3 : i32
      %add3A_185 = arith.addi %mul3A_142, %add3A_184 : i32
      %dma_wait3A_186 = arith.constant 0 : i32
      %dma_wait3A_187 = tpu.memref_slice %arg8[%add3A_185, %dma_wait3A_186] : memref<80x125xi32, #tpu.memory_space<vmem>> -> memref<1x125xi32, #tpu.memory_space<vmem>>
      %dma_wait3A_188 = tpu.memref_squeeze %dma_wait3A_187 : memref<1x125xi32, #tpu.memory_space<vmem>> -> memref<125xi32, #tpu.memory_space<vmem>>
      %dma_wait3A_189 = arith.constant 0 : i32
      %dma_wait3A_190 = arith.constant 0 : i32
      %dma_wait3A_191 = tpu.memref_slice %arg3[%dma_wait3A_189, %dma_wait3A_190] : memref<10000x64xf32, #tpu.memory_space<hbm>> -> memref<10000x64xf32, #tpu.memory_space<hbm>>
      tpu.wait_indirect_dma semaphore(%arg20 : memref<!tpu.dma_semaphore, #tpu.memory_space<semaphore_mem>>) src(%dma_wait3A_191 : memref<10000x64xf32, #tpu.memory_space<hbm>>) dst(%arg13 : memref<125x64xf32, #tpu.memory_space<vmem>>)
      "tpu.region"() ({
        %run_scoped3A = tpu.sem_alloc : memref<!tpu.dma_semaphore, #tpu.memory_space<semaphore_mem>>
        %dma_start3A_200 = arith.constant 0 : i32
        %dma_start3A_201 = tpu.memref_slice %arg9[%add3A_185, %dma_start3A_200] : memref<80x125xi32, #tpu.memory_space<vmem>> -> memref<1x125xi32, #tpu.memory_space<vmem>>
        %dma_start3A_202 = tpu.memref_squeeze %dma_start3A_201 : memref<1x125xi32, #tpu.memory_space<vmem>> -> memref<125xi32, #tpu.memory_space<vmem>>
        %dma_start3A_203 = arith.constant 0 : i32
        %dma_start3A_204 = arith.constant 0 : i32
        %dma_start3A_205 = tpu.memref_slice %arg16[%dma_start3A_203, %dma_start3A_204] : memref<10240x64xf32, #tpu.memory_space<vmem_shared>> -> memref<10240x64xf32, #tpu.memory_space<vmem_shared>>
        tpu.enqueue_indirect_dma source(%arg13 : memref<125x64xf32, #tpu.memory_space<vmem>>) target(%dma_start3A_205 : memref<10240x64xf32, #tpu.memory_space<vmem_shared>>) offsets(%dma_start3A_202 : memref<125xi32, #tpu.memory_space<vmem>>) semaphore(%run_scoped3A : memref<!tpu.dma_semaphore, #tpu.memory_space<semaphore_mem>>) {add = true}
        %dma_wait3A_206 = arith.constant 0 : i32
        %dma_wait3A_207 = tpu.memref_slice %arg9[%add3A_185, %dma_wait3A_206] : memref<80x125xi32, #tpu.memory_space<vmem>> -> memref<1x125xi32, #tpu.memory_space<vmem>>
        %dma_wait3A_208 = tpu.memref_squeeze %dma_wait3A_207 : memref<1x125xi32, #tpu.memory_space<vmem>> -> memref<125xi32, #tpu.memory_space<vmem>>
        %dma_wait3A_209 = arith.constant 0 : i32
        %dma_wait3A_210 = arith.constant 0 : i32
        %dma_wait3A_211 = tpu.memref_slice %arg16[%dma_wait3A_209, %dma_wait3A_210] : memref<10240x64xf32, #tpu.memory_space<vmem_shared>> -> memref<10240x64xf32, #tpu.memory_space<vmem_shared>>
        tpu.wait_indirect_dma semaphore(%run_scoped3A : memref<!tpu.dma_semaphore, #tpu.memory_space<semaphore_mem>>) src(%arg13 : memref<125x64xf32, #tpu.memory_space<vmem>>) dst(%dma_wait3A_211 : memref<10240x64xf32, #tpu.memory_space<vmem_shared>>)
        tpu.yield
      }) : () -> ()
      %add3A_192 = arith.constant 4 : i32
      %add3A_193 = arith.addi %add3A_185, %add3A_192 : i32
      %lt3A_194 = arith.constant 80 : i32
      %lt3A_195 = arith.cmpi slt, %add3A_193, %lt3A_194 : i32
      %convert_element_type3A_196 = arith.extui %lt3A_195 : i1 to i32
      %cond3A_197 = arith.constant 0 : i32
      %cond3A_198 = arith.cmpi ne, %convert_element_type3A_196, %cond3A_197 : i32
      scf.if %cond3A_198 {
        %add3A_200 = arith.constant 4 : i32
        %add3A_201 = arith.addi %add3A_185, %add3A_200 : i32
        %dma_start3A_202 = arith.constant 0 : i32
        %dma_start3A_203 = tpu.memref_slice %arg8[%add3A_201, %dma_start3A_202] : memref<80x125xi32, #tpu.memory_space<vmem>> -> memref<1x125xi32, #tpu.memory_space<vmem>>
        %dma_start3A_204 = tpu.memref_squeeze %dma_start3A_203 : memref<1x125xi32, #tpu.memory_space<vmem>> -> memref<125xi32, #tpu.memory_space<vmem>>
        %dma_start3A_205 = arith.constant 0 : i32
        %dma_start3A_206 = arith.constant 0 : i32
        %dma_start3A_207 = tpu.memref_slice %arg3[%dma_start3A_205, %dma_start3A_206] : memref<10000x64xf32, #tpu.memory_space<hbm>> -> memref<10000x64xf32, #tpu.memory_space<hbm>>
        tpu.enqueue_indirect_dma source(%dma_start3A_207 : memref<10000x64xf32, #tpu.memory_space<hbm>>) target(%arg13 : memref<125x64xf32, #tpu.memory_space<vmem>>) offsets(%dma_start3A_204 : memref<125xi32, #tpu.memory_space<vmem>>) semaphore(%arg20 : memref<!tpu.dma_semaphore, #tpu.memory_space<semaphore_mem>>)
      } else {
      }
      %scan3A_199 = arith.constant 0 : i32
      scf.yield %scan3A_199 : i32
    }
    %scan3A_117 = arith.constant 20 : i32
    %barrier3A_118 = arith.constant 0 : index
    tpu.barrier barrier_id(%barrier3A_118)
    %mul3A_119 = arith.constant 640 : i32
    %mul3A_120 = arith.muli %arg1, %mul3A_119 : i32
    %add3A_121 = arith.constant 0 : i32
    %add3A_122 = arith.addi %mul3A_120, %add3A_121 : i32
    "tpu.region"() ({
      %run_scoped3A = tpu.sem_alloc : memref<!tpu.dma_semaphore, #tpu.memory_space<semaphore_mem>>
      %dma_start3A_139 = arith.constant 0 : i32
      %dma_start3A_140 = tpu.memref_slice %arg16[%add3A_122, %dma_start3A_139] : memref<10240x64xf32, #tpu.memory_space<vmem_shared>> -> memref<128x64xf32, #tpu.memory_space<vmem_shared>>
      %dma_start3A_141 = arith.constant 0 : i32
      %dma_start3A_142 = tpu.memref_slice %arg16[%add3A_122, %dma_start3A_141] : memref<10240x64xf32, #tpu.memory_space<vmem_shared>> -> memref<128x64xf32, #tpu.memory_space<vmem_shared>>
      tpu.enqueue_dma source(%dma_start3A_142 : memref<128x64xf32, #tpu.memory_space<vmem_shared>>) target(%arg15 : memref<128x64xf32, #tpu.memory_space<vmem>>) target_semaphore(%run_scoped3A : memref<!tpu.dma_semaphore, #tpu.memory_space<semaphore_mem>>)
      %dma_wait3A = arith.constant 0 : i32
      %dma_wait3A_143 = tpu.memref_slice %arg16[%add3A_122, %dma_wait3A] : memref<10240x64xf32, #tpu.memory_space<vmem_shared>> -> memref<128x64xf32, #tpu.memory_space<vmem_shared>>
      %dma_wait3A_144 = arith.constant 0 : i32
      %dma_wait3A_145 = tpu.memref_slice %arg16[%add3A_122, %dma_wait3A_144] : memref<10240x64xf32, #tpu.memory_space<vmem_shared>> -> memref<128x64xf32, #tpu.memory_space<vmem_shared>>
      tpu.wait_dma2 semaphore(%run_scoped3A : memref<!tpu.dma_semaphore, #tpu.memory_space<semaphore_mem>>) src(%dma_wait3A_145 : memref<128x64xf32, #tpu.memory_space<vmem_shared>>) dst(%arg15 : memref<128x64xf32, #tpu.memory_space<vmem>>)
      tpu.yield
    }) : () -> ()
    "tpu.region"() ({
      %run_scoped3A = tpu.sem_alloc : memref<!tpu.dma_semaphore, #tpu.memory_space<semaphore_mem>>
      %dma_start3A_139 = arith.constant 0 : i32
      %dma_start3A_140 = arith.constant 0 : i32
      %dma_start3A_141 = tpu.memref_slice %arg7[%arg0, %dma_start3A_139, %dma_start3A_140] : memref<2x10240x64xf32, #tpu.memory_space<hbm>> -> memref<1x10240x64xf32, #tpu.memory_space<hbm>>
      %dma_start3A_142 = tpu.memref_squeeze %dma_start3A_141 : memref<1x10240x64xf32, #tpu.memory_space<hbm>> -> memref<10240x64xf32, #tpu.memory_space<hbm>>
      %dma_start3A_143 = arith.constant 0 : i32
      %dma_start3A_144 = tpu.memref_slice %dma_start3A_142[%add3A_122, %dma_start3A_143] : memref<10240x64xf32, #tpu.memory_space<hbm>> -> memref<128x64xf32, #tpu.memory_space<hbm>>
      %dma_start3A_145 = arith.constant 0 : i32
      %dma_start3A_146 = arith.constant 0 : i32
      %dma_start3A_147 = tpu.memref_slice %arg7[%arg0, %dma_start3A_145, %dma_start3A_146] : memref<2x10240x64xf32, #tpu.memory_space<hbm>> -> memref<1x10240x64xf32, #tpu.memory_space<hbm>>
      %dma_start3A_148 = tpu.memref_squeeze %dma_start3A_147 : memref<1x10240x64xf32, #tpu.memory_space<hbm>> -> memref<10240x64xf32, #tpu.memory_space<hbm>>
      %dma_start3A_149 = arith.constant 0 : i32
      %dma_start3A_150 = tpu.memref_slice %dma_start3A_148[%add3A_122, %dma_start3A_149] : memref<10240x64xf32, #tpu.memory_space<hbm>> -> memref<128x64xf32, #tpu.memory_space<hbm>>
      tpu.enqueue_dma source(%arg15 : memref<128x64xf32, #tpu.memory_space<vmem>>) target(%dma_start3A_150 : memref<128x64xf32, #tpu.memory_space<hbm>>) target_semaphore(%run_scoped3A : memref<!tpu.dma_semaphore, #tpu.memory_space<semaphore_mem>>)
      %dma_wait3A = arith.constant 0 : i32
      %dma_wait3A_151 = arith.constant 0 : i32
      %dma_wait3A_152 = tpu.memref_slice %arg7[%arg0, %dma_wait3A, %dma_wait3A_151] : memref<2x10240x64xf32, #tpu.memory_space<hbm>> -> memref<1x10240x64xf32, #tpu.memory_space<hbm>>
      %dma_wait3A_153 = tpu.memref_squeeze %dma_wait3A_152 : memref<1x10240x64xf32, #tpu.memory_space<hbm>> -> memref<10240x64xf32, #tpu.memory_space<hbm>>
      %dma_wait3A_154 = arith.constant 0 : i32
      %dma_wait3A_155 = tpu.memref_slice %dma_wait3A_153[%add3A_122, %dma_wait3A_154] : memref<10240x64xf32, #tpu.memory_space<hbm>> -> memref<128x64xf32, #tpu.memory_space<hbm>>
      %dma_wait3A_156 = arith.constant 0 : i32
      %dma_wait3A_157 = arith.constant 0 : i32
      %dma_wait3A_158 = tpu.memref_slice %arg7[%arg0, %dma_wait3A_156, %dma_wait3A_157] : memref<2x10240x64xf32, #tpu.memory_space<hbm>> -> memref<1x10240x64xf32, #tpu.memory_space<hbm>>
      %dma_wait3A_159 = tpu.memref_squeeze %dma_wait3A_158 : memref<1x10240x64xf32, #tpu.memory_space<hbm>> -> memref<10240x64xf32, #tpu.memory_space<hbm>>
      %dma_wait3A_160 = arith.constant 0 : i32
      %dma_wait3A_161 = tpu.memref_slice %dma_wait3A_159[%add3A_122, %dma_wait3A_160] : memref<10240x64xf32, #tpu.memory_space<hbm>> -> memref<128x64xf32, #tpu.memory_space<hbm>>
      tpu.wait_dma2 semaphore(%run_scoped3A : memref<!tpu.dma_semaphore, #tpu.memory_space<semaphore_mem>>) src(%arg15 : memref<128x64xf32, #tpu.memory_space<vmem>>) dst(%dma_wait3A_161 : memref<128x64xf32, #tpu.memory_space<hbm>>)
      tpu.yield
    }) : () -> ()
    %mul3A_123 = arith.constant 640 : i32
    %mul3A_124 = arith.muli %arg1, %mul3A_123 : i32
    %add3A_125 = arith.constant 128 : i32
    %add3A_126 = arith.addi %mul3A_124, %add3A_125 : i32
    "tpu.region"() ({
      %run_scoped3A = tpu.sem_alloc : memref<!tpu.dma_semaphore, #tpu.memory_space<semaphore_mem>>
      %dma_start3A_139 = arith.constant 0 : i32
      %dma_start3A_140 = tpu.memref_slice %arg16[%add3A_126, %dma_start3A_139] : memref<10240x64xf32, #tpu.memory_space<vmem_shared>> -> memref<128x64xf32, #tpu.memory_space<vmem_shared>>
      %dma_start3A_141 = arith.constant 0 : i32
      %dma_start3A_142 = tpu.memref_slice %arg16[%add3A_126, %dma_start3A_141] : memref<10240x64xf32, #tpu.memory_space<vmem_shared>> -> memref<128x64xf32, #tpu.memory_space<vmem_shared>>
      tpu.enqueue_dma source(%dma_start3A_142 : memref<128x64xf32, #tpu.memory_space<vmem_shared>>) target(%arg15 : memref<128x64xf32, #tpu.memory_space<vmem>>) target_semaphore(%run_scoped3A : memref<!tpu.dma_semaphore, #tpu.memory_space<semaphore_mem>>)
      %dma_wait3A = arith.constant 0 : i32
      %dma_wait3A_143 = tpu.memref_slice %arg16[%add3A_126, %dma_wait3A] : memref<10240x64xf32, #tpu.memory_space<vmem_shared>> -> memref<128x64xf32, #tpu.memory_space<vmem_shared>>
      %dma_wait3A_144 = arith.constant 0 : i32
      %dma_wait3A_145 = tpu.memref_slice %arg16[%add3A_126, %dma_wait3A_144] : memref<10240x64xf32, #tpu.memory_space<vmem_shared>> -> memref<128x64xf32, #tpu.memory_space<vmem_shared>>
      tpu.wait_dma2 semaphore(%run_scoped3A : memref<!tpu.dma_semaphore, #tpu.memory_space<semaphore_mem>>) src(%dma_wait3A_145 : memref<128x64xf32, #tpu.memory_space<vmem_shared>>) dst(%arg15 : memref<128x64xf32, #tpu.memory_space<vmem>>)
      tpu.yield
    }) : () -> ()
    "tpu.region"() ({
      %run_scoped3A = tpu.sem_alloc : memref<!tpu.dma_semaphore, #tpu.memory_space<semaphore_mem>>
      %dma_start3A_139 = arith.constant 0 : i32
      %dma_start3A_140 = arith.constant 0 : i32
      %dma_start3A_141 = tpu.memref_slice %arg7[%arg0, %dma_start3A_139, %dma_start3A_140] : memref<2x10240x64xf32, #tpu.memory_space<hbm>> -> memref<1x10240x64xf32, #tpu.memory_space<hbm>>
      %dma_start3A_142 = tpu.memref_squeeze %dma_start3A_141 : memref<1x10240x64xf32, #tpu.memory_space<hbm>> -> memref<10240x64xf32, #tpu.memory_space<hbm>>
      %dma_start3A_143 = arith.constant 0 : i32
      %dma_start3A_144 = tpu.memref_slice %dma_start3A_142[%add3A_126, %dma_start3A_143] : memref<10240x64xf32, #tpu.memory_space<hbm>> -> memref<128x64xf32, #tpu.memory_space<hbm>>
      %dma_start3A_145 = arith.constant 0 : i32
      %dma_start3A_146 = arith.constant 0 : i32
      %dma_start3A_147 = tpu.memref_slice %arg7[%arg0, %dma_start3A_145, %dma_start3A_146] : memref<2x10240x64xf32, #tpu.memory_space<hbm>> -> memref<1x10240x64xf32, #tpu.memory_space<hbm>>
      %dma_start3A_148 = tpu.memref_squeeze %dma_start3A_147 : memref<1x10240x64xf32, #tpu.memory_space<hbm>> -> memref<10240x64xf32, #tpu.memory_space<hbm>>
      %dma_start3A_149 = arith.constant 0 : i32
      %dma_start3A_150 = tpu.memref_slice %dma_start3A_148[%add3A_126, %dma_start3A_149] : memref<10240x64xf32, #tpu.memory_space<hbm>> -> memref<128x64xf32, #tpu.memory_space<hbm>>
      tpu.enqueue_dma source(%arg15 : memref<128x64xf32, #tpu.memory_space<vmem>>) target(%dma_start3A_150 : memref<128x64xf32, #tpu.memory_space<hbm>>) target_semaphore(%run_scoped3A : memref<!tpu.dma_semaphore, #tpu.memory_space<semaphore_mem>>)
      %dma_wait3A = arith.constant 0 : i32
      %dma_wait3A_151 = arith.constant 0 : i32
      %dma_wait3A_152 = tpu.memref_slice %arg7[%arg0, %dma_wait3A, %dma_wait3A_151] : memref<2x10240x64xf32, #tpu.memory_space<hbm>> -> memref<1x10240x64xf32, #tpu.memory_space<hbm>>
      %dma_wait3A_153 = tpu.memref_squeeze %dma_wait3A_152 : memref<1x10240x64xf32, #tpu.memory_space<hbm>> -> memref<10240x64xf32, #tpu.memory_space<hbm>>
      %dma_wait3A_154 = arith.constant 0 : i32
      %dma_wait3A_155 = tpu.memref_slice %dma_wait3A_153[%add3A_126, %dma_wait3A_154] : memref<10240x64xf32, #tpu.memory_space<hbm>> -> memref<128x64xf32, #tpu.memory_space<hbm>>
      %dma_wait3A_156 = arith.constant 0 : i32
      %dma_wait3A_157 = arith.constant 0 : i32
      %dma_wait3A_158 = tpu.memref_slice %arg7[%arg0, %dma_wait3A_156, %dma_wait3A_157] : memref<2x10240x64xf32, #tpu.memory_space<hbm>> -> memref<1x10240x64xf32, #tpu.memory_space<hbm>>
      %dma_wait3A_159 = tpu.memref_squeeze %dma_wait3A_158 : memref<1x10240x64xf32, #tpu.memory_space<hbm>> -> memref<10240x64xf32, #tpu.memory_space<hbm>>
      %dma_wait3A_160 = arith.constant 0 : i32
      %dma_wait3A_161 = tpu.memref_slice %dma_wait3A_159[%add3A_126, %dma_wait3A_160] : memref<10240x64xf32, #tpu.memory_space<hbm>> -> memref<128x64xf32, #tpu.memory_space<hbm>>
      tpu.wait_dma2 semaphore(%run_scoped3A : memref<!tpu.dma_semaphore, #tpu.memory_space<semaphore_mem>>) src(%arg15 : memref<128x64xf32, #tpu.memory_space<vmem>>) dst(%dma_wait3A_161 : memref<128x64xf32, #tpu.memory_space<hbm>>)
      tpu.yield
    }) : () -> ()
    %mul3A_127 = arith.constant 640 : i32
    %mul3A_128 = arith.muli %arg1, %mul3A_127 : i32
    %add3A_129 = arith.constant 256 : i32
    %add3A_130 = arith.addi %mul3A_128, %add3A_129 : i32
    "tpu.region"() ({
      %run_scoped3A = tpu.sem_alloc : memref<!tpu.dma_semaphore, #tpu.memory_space<semaphore_mem>>
      %dma_start3A_139 = arith.constant 0 : i32
      %dma_start3A_140 = tpu.memref_slice %arg16[%add3A_130, %dma_start3A_139] : memref<10240x64xf32, #tpu.memory_space<vmem_shared>> -> memref<128x64xf32, #tpu.memory_space<vmem_shared>>
      %dma_start3A_141 = arith.constant 0 : i32
      %dma_start3A_142 = tpu.memref_slice %arg16[%add3A_130, %dma_start3A_141] : memref<10240x64xf32, #tpu.memory_space<vmem_shared>> -> memref<128x64xf32, #tpu.memory_space<vmem_shared>>
      tpu.enqueue_dma source(%dma_start3A_142 : memref<128x64xf32, #tpu.memory_space<vmem_shared>>) target(%arg15 : memref<128x64xf32, #tpu.memory_space<vmem>>) target_semaphore(%run_scoped3A : memref<!tpu.dma_semaphore, #tpu.memory_space<semaphore_mem>>)
      %dma_wait3A = arith.constant 0 : i32
      %dma_wait3A_143 = tpu.memref_slice %arg16[%add3A_130, %dma_wait3A] : memref<10240x64xf32, #tpu.memory_space<vmem_shared>> -> memref<128x64xf32, #tpu.memory_space<vmem_shared>>
      %dma_wait3A_144 = arith.constant 0 : i32
      %dma_wait3A_145 = tpu.memref_slice %arg16[%add3A_130, %dma_wait3A_144] : memref<10240x64xf32, #tpu.memory_space<vmem_shared>> -> memref<128x64xf32, #tpu.memory_space<vmem_shared>>
      tpu.wait_dma2 semaphore(%run_scoped3A : memref<!tpu.dma_semaphore, #tpu.memory_space<semaphore_mem>>) src(%dma_wait3A_145 : memref<128x64xf32, #tpu.memory_space<vmem_shared>>) dst(%arg15 : memref<128x64xf32, #tpu.memory_space<vmem>>)
      tpu.yield
    }) : () -> ()
    "tpu.region"() ({
      %run_scoped3A = tpu.sem_alloc : memref<!tpu.dma_semaphore, #tpu.memory_space<semaphore_mem>>
      %dma_start3A_139 = arith.constant 0 : i32
      %dma_start3A_140 = arith.constant 0 : i32
      %dma_start3A_141 = tpu.memref_slice %arg7[%arg0, %dma_start3A_139, %dma_start3A_140] : memref<2x10240x64xf32, #tpu.memory_space<hbm>> -> memref<1x10240x64xf32, #tpu.memory_space<hbm>>
      %dma_start3A_142 = tpu.memref_squeeze %dma_start3A_141 : memref<1x10240x64xf32, #tpu.memory_space<hbm>> -> memref<10240x64xf32, #tpu.memory_space<hbm>>
      %dma_start3A_143 = arith.constant 0 : i32
      %dma_start3A_144 = tpu.memref_slice %dma_start3A_142[%add3A_130, %dma_start3A_143] : memref<10240x64xf32, #tpu.memory_space<hbm>> -> memref<128x64xf32, #tpu.memory_space<hbm>>
      %dma_start3A_145 = arith.constant 0 : i32
      %dma_start3A_146 = arith.constant 0 : i32
      %dma_start3A_147 = tpu.memref_slice %arg7[%arg0, %dma_start3A_145, %dma_start3A_146] : memref<2x10240x64xf32, #tpu.memory_space<hbm>> -> memref<1x10240x64xf32, #tpu.memory_space<hbm>>
      %dma_start3A_148 = tpu.memref_squeeze %dma_start3A_147 : memref<1x10240x64xf32, #tpu.memory_space<hbm>> -> memref<10240x64xf32, #tpu.memory_space<hbm>>
      %dma_start3A_149 = arith.constant 0 : i32
      %dma_start3A_150 = tpu.memref_slice %dma_start3A_148[%add3A_130, %dma_start3A_149] : memref<10240x64xf32, #tpu.memory_space<hbm>> -> memref<128x64xf32, #tpu.memory_space<hbm>>
      tpu.enqueue_dma source(%arg15 : memref<128x64xf32, #tpu.memory_space<vmem>>) target(%dma_start3A_150 : memref<128x64xf32, #tpu.memory_space<hbm>>) target_semaphore(%run_scoped3A : memref<!tpu.dma_semaphore, #tpu.memory_space<semaphore_mem>>)
      %dma_wait3A = arith.constant 0 : i32
      %dma_wait3A_151 = arith.constant 0 : i32
      %dma_wait3A_152 = tpu.memref_slice %arg7[%arg0, %dma_wait3A, %dma_wait3A_151] : memref<2x10240x64xf32, #tpu.memory_space<hbm>> -> memref<1x10240x64xf32, #tpu.memory_space<hbm>>
      %dma_wait3A_153 = tpu.memref_squeeze %dma_wait3A_152 : memref<1x10240x64xf32, #tpu.memory_space<hbm>> -> memref<10240x64xf32, #tpu.memory_space<hbm>>
      %dma_wait3A_154 = arith.constant 0 : i32
      %dma_wait3A_155 = tpu.memref_slice %dma_wait3A_153[%add3A_130, %dma_wait3A_154] : memref<10240x64xf32, #tpu.memory_space<hbm>> -> memref<128x64xf32, #tpu.memory_space<hbm>>
      %dma_wait3A_156 = arith.constant 0 : i32
      %dma_wait3A_157 = arith.constant 0 : i32
      %dma_wait3A_158 = tpu.memref_slice %arg7[%arg0, %dma_wait3A_156, %dma_wait3A_157] : memref<2x10240x64xf32, #tpu.memory_space<hbm>> -> memref<1x10240x64xf32, #tpu.memory_space<hbm>>
      %dma_wait3A_159 = tpu.memref_squeeze %dma_wait3A_158 : memref<1x10240x64xf32, #tpu.memory_space<hbm>> -> memref<10240x64xf32, #tpu.memory_space<hbm>>
      %dma_wait3A_160 = arith.constant 0 : i32
      %dma_wait3A_161 = tpu.memref_slice %dma_wait3A_159[%add3A_130, %dma_wait3A_160] : memref<10240x64xf32, #tpu.memory_space<hbm>> -> memref<128x64xf32, #tpu.memory_space<hbm>>
      tpu.wait_dma2 semaphore(%run_scoped3A : memref<!tpu.dma_semaphore, #tpu.memory_space<semaphore_mem>>) src(%arg15 : memref<128x64xf32, #tpu.memory_space<vmem>>) dst(%dma_wait3A_161 : memref<128x64xf32, #tpu.memory_space<hbm>>)
      tpu.yield
    }) : () -> ()
    %mul3A_131 = arith.constant 640 : i32
    %mul3A_132 = arith.muli %arg1, %mul3A_131 : i32
    %add3A_133 = arith.constant 384 : i32
    %add3A_134 = arith.addi %mul3A_132, %add3A_133 : i32
    "tpu.region"() ({
      %run_scoped3A = tpu.sem_alloc : memref<!tpu.dma_semaphore, #tpu.memory_space<semaphore_mem>>
      %dma_start3A_139 = arith.constant 0 : i32
      %dma_start3A_140 = tpu.memref_slice %arg16[%add3A_134, %dma_start3A_139] : memref<10240x64xf32, #tpu.memory_space<vmem_shared>> -> memref<128x64xf32, #tpu.memory_space<vmem_shared>>
      %dma_start3A_141 = arith.constant 0 : i32
      %dma_start3A_142 = tpu.memref_slice %arg16[%add3A_134, %dma_start3A_141] : memref<10240x64xf32, #tpu.memory_space<vmem_shared>> -> memref<128x64xf32, #tpu.memory_space<vmem_shared>>
      tpu.enqueue_dma source(%dma_start3A_142 : memref<128x64xf32, #tpu.memory_space<vmem_shared>>) target(%arg15 : memref<128x64xf32, #tpu.memory_space<vmem>>) target_semaphore(%run_scoped3A : memref<!tpu.dma_semaphore, #tpu.memory_space<semaphore_mem>>)
      %dma_wait3A = arith.constant 0 : i32
      %dma_wait3A_143 = tpu.memref_slice %arg16[%add3A_134, %dma_wait3A] : memref<10240x64xf32, #tpu.memory_space<vmem_shared>> -> memref<128x64xf32, #tpu.memory_space<vmem_shared>>
      %dma_wait3A_144 = arith.constant 0 : i32
      %dma_wait3A_145 = tpu.memref_slice %arg16[%add3A_134, %dma_wait3A_144] : memref<10240x64xf32, #tpu.memory_space<vmem_shared>> -> memref<128x64xf32, #tpu.memory_space<vmem_shared>>
      tpu.wait_dma2 semaphore(%run_scoped3A : memref<!tpu.dma_semaphore, #tpu.memory_space<semaphore_mem>>) src(%dma_wait3A_145 : memref<128x64xf32, #tpu.memory_space<vmem_shared>>) dst(%arg15 : memref<128x64xf32, #tpu.memory_space<vmem>>)
      tpu.yield
    }) : () -> ()
    "tpu.region"() ({
      %run_scoped3A = tpu.sem_alloc : memref<!tpu.dma_semaphore, #tpu.memory_space<semaphore_mem>>
      %dma_start3A_139 = arith.constant 0 : i32
      %dma_start3A_140 = arith.constant 0 : i32
      %dma_start3A_141 = tpu.memref_slice %arg7[%arg0, %dma_start3A_139, %dma_start3A_140] : memref<2x10240x64xf32, #tpu.memory_space<hbm>> -> memref<1x10240x64xf32, #tpu.memory_space<hbm>>
      %dma_start3A_142 = tpu.memref_squeeze %dma_start3A_141 : memref<1x10240x64xf32, #tpu.memory_space<hbm>> -> memref<10240x64xf32, #tpu.memory_space<hbm>>
      %dma_start3A_143 = arith.constant 0 : i32
      %dma_start3A_144 = tpu.memref_slice %dma_start3A_142[%add3A_134, %dma_start3A_143] : memref<10240x64xf32, #tpu.memory_space<hbm>> -> memref<128x64xf32, #tpu.memory_space<hbm>>
      %dma_start3A_145 = arith.constant 0 : i32
      %dma_start3A_146 = arith.constant 0 : i32
      %dma_start3A_147 = tpu.memref_slice %arg7[%arg0, %dma_start3A_145, %dma_start3A_146] : memref<2x10240x64xf32, #tpu.memory_space<hbm>> -> memref<1x10240x64xf32, #tpu.memory_space<hbm>>
      %dma_start3A_148 = tpu.memref_squeeze %dma_start3A_147 : memref<1x10240x64xf32, #tpu.memory_space<hbm>> -> memref<10240x64xf32, #tpu.memory_space<hbm>>
      %dma_start3A_149 = arith.constant 0 : i32
      %dma_start3A_150 = tpu.memref_slice %dma_start3A_148[%add3A_134, %dma_start3A_149] : memref<10240x64xf32, #tpu.memory_space<hbm>> -> memref<128x64xf32, #tpu.memory_space<hbm>>
      tpu.enqueue_dma source(%arg15 : memref<128x64xf32, #tpu.memory_space<vmem>>) target(%dma_start3A_150 : memref<128x64xf32, #tpu.memory_space<hbm>>) target_semaphore(%run_scoped3A : memref<!tpu.dma_semaphore, #tpu.memory_space<semaphore_mem>>)
      %dma_wait3A = arith.constant 0 : i32
      %dma_wait3A_151 = arith.constant 0 : i32
      %dma_wait3A_152 = tpu.memref_slice %arg7[%arg0, %dma_wait3A, %dma_wait3A_151] : memref<2x10240x64xf32, #tpu.memory_space<hbm>> -> memref<1x10240x64xf32, #tpu.memory_space<hbm>>
      %dma_wait3A_153 = tpu.memref_squeeze %dma_wait3A_152 : memref<1x10240x64xf32, #tpu.memory_space<hbm>> -> memref<10240x64xf32, #tpu.memory_space<hbm>>
      %dma_wait3A_154 = arith.constant 0 : i32
      %dma_wait3A_155 = tpu.memref_slice %dma_wait3A_153[%add3A_134, %dma_wait3A_154] : memref<10240x64xf32, #tpu.memory_space<hbm>> -> memref<128x64xf32, #tpu.memory_space<hbm>>
      %dma_wait3A_156 = arith.constant 0 : i32
      %dma_wait3A_157 = arith.constant 0 : i32
      %dma_wait3A_158 = tpu.memref_slice %arg7[%arg0, %dma_wait3A_156, %dma_wait3A_157] : memref<2x10240x64xf32, #tpu.memory_space<hbm>> -> memref<1x10240x64xf32, #tpu.memory_space<hbm>>
      %dma_wait3A_159 = tpu.memref_squeeze %dma_wait3A_158 : memref<1x10240x64xf32, #tpu.memory_space<hbm>> -> memref<10240x64xf32, #tpu.memory_space<hbm>>
      %dma_wait3A_160 = arith.constant 0 : i32
      %dma_wait3A_161 = tpu.memref_slice %dma_wait3A_159[%add3A_134, %dma_wait3A_160] : memref<10240x64xf32, #tpu.memory_space<hbm>> -> memref<128x64xf32, #tpu.memory_space<hbm>>
      tpu.wait_dma2 semaphore(%run_scoped3A : memref<!tpu.dma_semaphore, #tpu.memory_space<semaphore_mem>>) src(%arg15 : memref<128x64xf32, #tpu.memory_space<vmem>>) dst(%dma_wait3A_161 : memref<128x64xf32, #tpu.memory_space<hbm>>)
      tpu.yield
    }) : () -> ()
    %mul3A_135 = arith.constant 640 : i32
    %mul3A_136 = arith.muli %arg1, %mul3A_135 : i32
    %add3A_137 = arith.constant 512 : i32
    %add3A_138 = arith.addi %mul3A_136, %add3A_137 : i32
    "tpu.region"() ({
      %run_scoped3A = tpu.sem_alloc : memref<!tpu.dma_semaphore, #tpu.memory_space<semaphore_mem>>
      %dma_start3A_139 = arith.constant 0 : i32
      %dma_start3A_140 = tpu.memref_slice %arg16[%add3A_138, %dma_start3A_139] : memref<10240x64xf32, #tpu.memory_space<vmem_shared>> -> memref<128x64xf32, #tpu.memory_space<vmem_shared>>
      %dma_start3A_141 = arith.constant 0 : i32
      %dma_start3A_142 = tpu.memref_slice %arg16[%add3A_138, %dma_start3A_141] : memref<10240x64xf32, #tpu.memory_space<vmem_shared>> -> memref<128x64xf32, #tpu.memory_space<vmem_shared>>
      tpu.enqueue_dma source(%dma_start3A_142 : memref<128x64xf32, #tpu.memory_space<vmem_shared>>) target(%arg15 : memref<128x64xf32, #tpu.memory_space<vmem>>) target_semaphore(%run_scoped3A : memref<!tpu.dma_semaphore, #tpu.memory_space<semaphore_mem>>)
      %dma_wait3A = arith.constant 0 : i32
      %dma_wait3A_143 = tpu.memref_slice %arg16[%add3A_138, %dma_wait3A] : memref<10240x64xf32, #tpu.memory_space<vmem_shared>> -> memref<128x64xf32, #tpu.memory_space<vmem_shared>>
      %dma_wait3A_144 = arith.constant 0 : i32
      %dma_wait3A_145 = tpu.memref_slice %arg16[%add3A_138, %dma_wait3A_144] : memref<10240x64xf32, #tpu.memory_space<vmem_shared>> -> memref<128x64xf32, #tpu.memory_space<vmem_shared>>
      tpu.wait_dma2 semaphore(%run_scoped3A : memref<!tpu.dma_semaphore, #tpu.memory_space<semaphore_mem>>) src(%dma_wait3A_145 : memref<128x64xf32, #tpu.memory_space<vmem_shared>>) dst(%arg15 : memref<128x64xf32, #tpu.memory_space<vmem>>)
      tpu.yield
    }) : () -> ()
    "tpu.region"() ({
      %run_scoped3A = tpu.sem_alloc : memref<!tpu.dma_semaphore, #tpu.memory_space<semaphore_mem>>
      %dma_start3A_139 = arith.constant 0 : i32
      %dma_start3A_140 = arith.constant 0 : i32
      %dma_start3A_141 = tpu.memref_slice %arg7[%arg0, %dma_start3A_139, %dma_start3A_140] : memref<2x10240x64xf32, #tpu.memory_space<hbm>> -> memref<1x10240x64xf32, #tpu.memory_space<hbm>>
      %dma_start3A_142 = tpu.memref_squeeze %dma_start3A_141 : memref<1x10240x64xf32, #tpu.memory_space<hbm>> -> memref<10240x64xf32, #tpu.memory_space<hbm>>
      %dma_start3A_143 = arith.constant 0 : i32
      %dma_start3A_144 = tpu.memref_slice %dma_start3A_142[%add3A_138, %dma_start3A_143] : memref<10240x64xf32, #tpu.memory_space<hbm>> -> memref<128x64xf32, #tpu.memory_space<hbm>>
      %dma_start3A_145 = arith.constant 0 : i32
      %dma_start3A_146 = arith.constant 0 : i32
      %dma_start3A_147 = tpu.memref_slice %arg7[%arg0, %dma_start3A_145, %dma_start3A_146] : memref<2x10240x64xf32, #tpu.memory_space<hbm>> -> memref<1x10240x64xf32, #tpu.memory_space<hbm>>
      %dma_start3A_148 = tpu.memref_squeeze %dma_start3A_147 : memref<1x10240x64xf32, #tpu.memory_space<hbm>> -> memref<10240x64xf32, #tpu.memory_space<hbm>>
      %dma_start3A_149 = arith.constant 0 : i32
      %dma_start3A_150 = tpu.memref_slice %dma_start3A_148[%add3A_138, %dma_start3A_149] : memref<10240x64xf32, #tpu.memory_space<hbm>> -> memref<128x64xf32, #tpu.memory_space<hbm>>
      tpu.enqueue_dma source(%arg15 : memref<128x64xf32, #tpu.memory_space<vmem>>) target(%dma_start3A_150 : memref<128x64xf32, #tpu.memory_space<hbm>>) target_semaphore(%run_scoped3A : memref<!tpu.dma_semaphore, #tpu.memory_space<semaphore_mem>>)
      %dma_wait3A = arith.constant 0 : i32
      %dma_wait3A_151 = arith.constant 0 : i32
      %dma_wait3A_152 = tpu.memref_slice %arg7[%arg0, %dma_wait3A, %dma_wait3A_151] : memref<2x10240x64xf32, #tpu.memory_space<hbm>> -> memref<1x10240x64xf32, #tpu.memory_space<hbm>>
      %dma_wait3A_153 = tpu.memref_squeeze %dma_wait3A_152 : memref<1x10240x64xf32, #tpu.memory_space<hbm>> -> memref<10240x64xf32, #tpu.memory_space<hbm>>
      %dma_wait3A_154 = arith.constant 0 : i32
      %dma_wait3A_155 = tpu.memref_slice %dma_wait3A_153[%add3A_138, %dma_wait3A_154] : memref<10240x64xf32, #tpu.memory_space<hbm>> -> memref<128x64xf32, #tpu.memory_space<hbm>>
      %dma_wait3A_156 = arith.constant 0 : i32
      %dma_wait3A_157 = arith.constant 0 : i32
      %dma_wait3A_158 = tpu.memref_slice %arg7[%arg0, %dma_wait3A_156, %dma_wait3A_157] : memref<2x10240x64xf32, #tpu.memory_space<hbm>> -> memref<1x10240x64xf32, #tpu.memory_space<hbm>>
      %dma_wait3A_159 = tpu.memref_squeeze %dma_wait3A_158 : memref<1x10240x64xf32, #tpu.memory_space<hbm>> -> memref<10240x64xf32, #tpu.memory_space<hbm>>
      %dma_wait3A_160 = arith.constant 0 : i32
      %dma_wait3A_161 = tpu.memref_slice %dma_wait3A_159[%add3A_138, %dma_wait3A_160] : memref<10240x64xf32, #tpu.memory_space<hbm>> -> memref<128x64xf32, #tpu.memory_space<hbm>>
      tpu.wait_dma2 semaphore(%run_scoped3A : memref<!tpu.dma_semaphore, #tpu.memory_space<semaphore_mem>>) src(%arg15 : memref<128x64xf32, #tpu.memory_space<vmem>>) dst(%dma_wait3A_161 : memref<128x64xf32, #tpu.memory_space<hbm>>)
      tpu.yield
    }) : () -> ()
    return
  }
}

module attributes {stable_mosaic.version = 14 : i64} {
  func.func @_mm1_body(%arg0: i32, %arg1: memref<1000x128xf32, #tpu.memory_space<vmem>>, %arg2: memref<128x128xf32, #tpu.memory_space<vmem>>, %arg3: memref<1000x64xf32, #tpu.memory_space<vmem>>, %arg4: memref<1000x64xf32, #tpu.memory_space<vmem>>) attributes {dimension_semantics = [#tpu.dimension_semantics<arbitrary>], iteration_bounds = array<i64: 10>, scalar_prefetch = 0 : i64, scratch_operands = 0 : i64, tpu.core_type = #tpu.core_type<tc>, window_params = [{transform_indices = @transform_0, window_bounds = array<i64: 1000, 128>}, {pipeline_mode = #tpu.pipeline_mode<synchronous>, transform_indices = @transform_1, window_bounds = array<i64: 128, 128>}, {transform_indices = @transform_2, window_bounds = array<i64: 1000, 64>}, {transform_indices = @transform_3, window_bounds = array<i64: 1000, 64>}]} {
    %get3A = arith.constant 0 : index
    %get3A_0 = arith.constant 0 : index
    %get3A_1 = vector.load %arg1[%get3A, %get3A_0] : memref<1000x128xf32, #tpu.memory_space<vmem>>, vector<1000x128xf32>
    %get3A_2 = arith.constant 0 : index
    %get3A_3 = arith.constant 0 : index
    %get3A_4 = vector.load %arg2[%get3A_2, %get3A_3] : memref<128x128xf32, #tpu.memory_space<vmem>>, vector<128x128xf32>
    %dot_general3A = arith.constant dense<0.000000e+00> : vector<1000x128xf32>
    %dot_general3A_5 = tpu.matmul %get3A_1, %get3A_4, %dot_general3A {dimension_numbers = #tpu.dot_dimension_numbers<[1], [0], [0], [1], [0, 0, 1, 1], [], []>, transpose_lhs_hint = false} : vector<1000x128xf32>, vector<128x128xf32>, vector<1000x128xf32> -> vector<1000x128xf32>
    %slice3A = vector.extract_strided_slice %dot_general3A_5 {offsets = [0, 0], sizes = [1000, 64], strides = [1, 1]} : vector<1000x128xf32> to vector<1000x64xf32>
    %swap3A = arith.constant 0 : index
    %swap3A_6 = arith.constant 0 : index
    %swap3A_7 = vector.load %arg3[%swap3A, %swap3A_6] : memref<1000x64xf32, #tpu.memory_space<vmem>>, vector<1000x64xf32>
    tpu.vector_store %arg3[%swap3A, %swap3A_6], %slice3A {strides = array<i32>} : memref<1000x64xf32, #tpu.memory_space<vmem>>, vector<1000x64xf32>,
    %slice3A_8 = vector.extract_strided_slice %dot_general3A_5 {offsets = [0, 64], sizes = [1000, 64], strides = [1, 1]} : vector<1000x128xf32> to vector<1000x64xf32>
    %swap3A_9 = arith.constant 0 : index
    %swap3A_10 = arith.constant 0 : index
    %swap3A_11 = vector.load %arg4[%swap3A_9, %swap3A_10] : memref<1000x64xf32, #tpu.memory_space<vmem>>, vector<1000x64xf32>
    tpu.vector_store %arg4[%swap3A_9, %swap3A_10], %slice3A_8 {strides = array<i32>} : memref<1000x64xf32, #tpu.memory_space<vmem>>, vector<1000x64xf32>,
    return
  }
  func.func @transform_0(%arg0: i32) -> (i32, i32) {
    %c0_i32 = arith.constant 0 : i32
    %c0_i32_0 = arith.constant 0 : i32
    return %arg0, %c0_i32 : i32, i32
  }
  func.func @transform_1(%arg0: i32) -> (i32, i32) {
    %c0_i32 = arith.constant 0 : i32
    %c0_i32_0 = arith.constant 0 : i32
    %c0_i32_1 = arith.constant 0 : i32
    return %c0_i32, %c0_i32_0 : i32, i32
  }
  func.func @transform_2(%arg0: i32) -> (i32, i32) {
    %c0_i32 = arith.constant 0 : i32
    %c0_i32_0 = arith.constant 0 : i32
    return %arg0, %c0_i32 : i32, i32
  }
  func.func @transform_3(%arg0: i32) -> (i32, i32) {
    %c0_i32 = arith.constant 0 : i32
    %c0_i32_0 = arith.constant 0 : i32
    return %arg0, %c0_i32 : i32, i32
  }
}

module attributes {stable_mosaic.version = 14 : i64} {
  func.func @_mid_body(%arg0: i32, %arg1: memref<1000x128xf32, #tpu.memory_space<vmem>>, %arg2: memref<2x1000x64xf32, #tpu.memory_space<vmem>>, %arg3: memref<2x1000x64xf32, #tpu.memory_space<vmem>>, %arg4: memref<2x1000x16xf32, #tpu.memory_space<vmem>>, %arg5: memref<128x128xf32, #tpu.memory_space<vmem>>, %arg6: memref<128x128xf32, #tpu.memory_space<vmem>>, %arg7: memref<1x128xf32, #tpu.memory_space<vmem>>, %arg8: memref<1000x128xf32, #tpu.memory_space<vmem>>, %arg9: memref<1000x64xf32, #tpu.memory_space<vmem>>, %arg10: memref<1000x64xf32, #tpu.memory_space<vmem>>) attributes {dimension_semantics = [#tpu.dimension_semantics<arbitrary>], iteration_bounds = array<i64: 10>, scalar_prefetch = 0 : i64, scratch_operands = 0 : i64, tpu.core_type = #tpu.core_type<tc>, window_params = [{transform_indices = @transform_0, window_bounds = array<i64: 1000, 128>}, {transform_indices = @transform_1, window_bounds = array<i64: 2, 1000, 64>}, {transform_indices = @transform_2, window_bounds = array<i64: 2, 1000, 64>}, {transform_indices = @transform_3, window_bounds = array<i64: 2, 1000, 16>}, {pipeline_mode = #tpu.pipeline_mode<synchronous>, transform_indices = @transform_4, window_bounds = array<i64: 128, 128>}, {pipeline_mode = #tpu.pipeline_mode<synchronous>, transform_indices = @transform_5, window_bounds = array<i64: 128, 128>}, {pipeline_mode = #tpu.pipeline_mode<synchronous>, transform_indices = @transform_6, window_bounds = array<i64: 1, 128>}, {transform_indices = @transform_7, window_bounds = array<i64: 1000, 128>}, {transform_indices = @transform_8, window_bounds = array<i64: 1000, 64>}, {transform_indices = @transform_9, window_bounds = array<i64: 1000, 64>}]} {
    %get3A = arith.constant 0 : index
    %get3A_0 = arith.constant 0 : index
    %get3A_1 = arith.constant 0 : index
    %get3A_2 = vector.load %arg2[%get3A, %get3A_0, %get3A_1] : memref<2x1000x64xf32, #tpu.memory_space<vmem>>, vector<2x1000x64xf32>
    %get3A_3 = arith.constant 0 : index
    %get3A_4 = arith.constant 0 : index
    %get3A_5 = arith.constant 0 : index
    %get3A_6 = vector.load %arg3[%get3A_3, %get3A_4, %get3A_5] : memref<2x1000x64xf32, #tpu.memory_space<vmem>>, vector<2x1000x64xf32>
    %get3A_7 = arith.constant 0 : index
    %get3A_8 = arith.constant 0 : index
    %get3A_9 = arith.constant 0 : index
    %get3A_10 = vector.load %arg4[%get3A_7, %get3A_8, %get3A_9] : memref<2x1000x16xf32, #tpu.memory_space<vmem>>, vector<2x1000x16xf32>
    %slice3A = vector.extract_strided_slice %get3A_10 {offsets = [0, 0, 0], sizes = [1, 1000, 16], strides = [1, 1, 1]} : vector<2x1000x16xf32> to vector<1x1000x16xf32>
    %squeeze3A = vector.shape_cast %slice3A : vector<1x1000x16xf32> to vector<1000x16xf32>
    %slice3A_11 = vector.extract_strided_slice %squeeze3A {offsets = [0, 0], sizes = [1000, 1], strides = [1, 1]} : vector<1000x16xf32> to vector<1000x1xf32>
    %slice3A_12 = vector.extract_strided_slice %get3A_10 {offsets = [1, 0, 0], sizes = [1, 1000, 16], strides = [1, 1, 1]} : vector<2x1000x16xf32> to vector<1x1000x16xf32>
    %squeeze3A_13 = vector.shape_cast %slice3A_12 : vector<1x1000x16xf32> to vector<1000x16xf32>
    %slice3A_14 = vector.extract_strided_slice %squeeze3A_13 {offsets = [0, 0], sizes = [1000, 1], strides = [1, 1]} : vector<1000x16xf32> to vector<1000x1xf32>
    %add3A = arith.addf %slice3A_11, %slice3A_14 : vector<1000x1xf32>
    %max3A = arith.constant 1.000000e+00 : f32
    %max3A_15 = vector.broadcast %max3A : f32 to vector<1000x1xf32>
    %max3A_16 = arith.maximumf %add3A, %max3A_15 : vector<1000x1xf32>
    %div3A = arith.constant 1.000000e+00 : f32
    %div3A_17 = vector.broadcast %div3A : f32 to vector<1000x1xf32>
    %div3A_18 = arith.divf %div3A_17, %max3A_16 : vector<1000x1xf32>
    %slice3A_19 = vector.extract_strided_slice %get3A_2 {offsets = [0, 0, 0], sizes = [1, 1000, 64], strides = [1, 1, 1]} : vector<2x1000x64xf32> to vector<1x1000x64xf32>
    %squeeze3A_20 = vector.shape_cast %slice3A_19 : vector<1x1000x64xf32> to vector<1000x64xf32>
    %slice3A_21 = vector.extract_strided_slice %get3A_2 {offsets = [1, 0, 0], sizes = [1, 1000, 64], strides = [1, 1, 1]} : vector<2x1000x64xf32> to vector<1x1000x64xf32>
    %squeeze3A_22 = vector.shape_cast %slice3A_21 : vector<1x1000x64xf32> to vector<1000x64xf32>
    %add3A_23 = arith.addf %squeeze3A_20, %squeeze3A_22 : vector<1000x64xf32>
    %mul3A = vector.broadcast %div3A_18 : vector<1000x1xf32> to vector<1000x64xf32>
    %mul3A_24 = arith.mulf %add3A_23, %mul3A : vector<1000x64xf32>
    %slice3A_25 = vector.extract_strided_slice %get3A_6 {offsets = [0, 0, 0], sizes = [1, 1000, 64], strides = [1, 1, 1]} : vector<2x1000x64xf32> to vector<1x1000x64xf32>
    %squeeze3A_26 = vector.shape_cast %slice3A_25 : vector<1x1000x64xf32> to vector<1000x64xf32>
    %slice3A_27 = vector.extract_strided_slice %get3A_6 {offsets = [1, 0, 0], sizes = [1, 1000, 64], strides = [1, 1, 1]} : vector<2x1000x64xf32> to vector<1x1000x64xf32>
    %squeeze3A_28 = vector.shape_cast %slice3A_27 : vector<1x1000x64xf32> to vector<1000x64xf32>
    %add3A_29 = arith.addf %squeeze3A_26, %squeeze3A_28 : vector<1000x64xf32>
    %mul3A_30 = vector.broadcast %div3A_18 : vector<1000x1xf32> to vector<1000x64xf32>
    %mul3A_31 = arith.mulf %add3A_29, %mul3A_30 : vector<1000x64xf32>
    %concatenate3A = tpu.concatenate %mul3A_24, %mul3A_31 in 1 : vector<1000x64xf32>, vector<1000x64xf32> -> vector<1000x128xf32>
    %get3A_32 = arith.constant 0 : index
    %get3A_33 = arith.constant 0 : index
    %get3A_34 = vector.load %arg1[%get3A_32, %get3A_33] : memref<1000x128xf32, #tpu.memory_space<vmem>>, vector<1000x128xf32>
    %get3A_35 = arith.constant 0 : index
    %get3A_36 = arith.constant 0 : index
    %get3A_37 = vector.load %arg5[%get3A_35, %get3A_36] : memref<128x128xf32, #tpu.memory_space<vmem>>, vector<128x128xf32>
    %dot_general3A = arith.constant dense<0.000000e+00> : vector<1000x128xf32>
    %dot_general3A_38 = tpu.matmul %get3A_34, %get3A_37, %dot_general3A {dimension_numbers = #tpu.dot_dimension_numbers<[1], [0], [0], [1], [0, 0, 1, 1], [], []>, transpose_lhs_hint = false} : vector<1000x128xf32>, vector<128x128xf32>, vector<1000x128xf32> -> vector<1000x128xf32>
    %add3A_39 = arith.addf %dot_general3A_38, %concatenate3A : vector<1000x128xf32>
    %get3A_40 = arith.constant 0 : index
    %get3A_41 = arith.constant 0 : index
    %get3A_42 = vector.load %arg7[%get3A_40, %get3A_41] : memref<1x128xf32, #tpu.memory_space<vmem>>, vector<1x128xf32>
    %add3A_43 = vector.broadcast %get3A_42 : vector<1x128xf32> to vector<1000x128xf32>
    %add3A_44 = arith.addf %add3A_39, %add3A_43 : vector<1000x128xf32>
    %max3A_45 = arith.constant 0.000000e+00 : f32
    %max3A_46 = vector.broadcast %max3A_45 : f32 to vector<1000x128xf32>
    %max3A_47 = arith.maximumf %add3A_44, %max3A_46 : vector<1000x128xf32>
    %swap3A = arith.constant 0 : index
    %swap3A_48 = arith.constant 0 : index
    %swap3A_49 = vector.load %arg8[%swap3A, %swap3A_48] : memref<1000x128xf32, #tpu.memory_space<vmem>>, vector<1000x128xf32>
    tpu.vector_store %arg8[%swap3A, %swap3A_48], %max3A_47 {strides = array<i32>} : memref<1000x128xf32, #tpu.memory_space<vmem>>, vector<1000x128xf32>,
    %get3A_50 = arith.constant 0 : index
    %get3A_51 = arith.constant 0 : index
    %get3A_52 = vector.load %arg6[%get3A_50, %get3A_51] : memref<128x128xf32, #tpu.memory_space<vmem>>, vector<128x128xf32>
    %dot_general3A_53 = arith.constant dense<0.000000e+00> : vector<1000x128xf32>
    %dot_general3A_54 = tpu.matmul %max3A_47, %get3A_52, %dot_general3A_53 {dimension_numbers = #tpu.dot_dimension_numbers<[1], [0], [0], [1], [0, 0, 1, 1], [], []>, transpose_lhs_hint = false} : vector<1000x128xf32>, vector<128x128xf32>, vector<1000x128xf32> -> vector<1000x128xf32>
    %slice3A_55 = vector.extract_strided_slice %dot_general3A_54 {offsets = [0, 0], sizes = [1000, 64], strides = [1, 1]} : vector<1000x128xf32> to vector<1000x64xf32>
    %swap3A_56 = arith.constant 0 : index
    %swap3A_57 = arith.constant 0 : index
    %swap3A_58 = vector.load %arg9[%swap3A_56, %swap3A_57] : memref<1000x64xf32, #tpu.memory_space<vmem>>, vector<1000x64xf32>
    tpu.vector_store %arg9[%swap3A_56, %swap3A_57], %slice3A_55 {strides = array<i32>} : memref<1000x64xf32, #tpu.memory_space<vmem>>, vector<1000x64xf32>,
    %slice3A_59 = vector.extract_strided_slice %dot_general3A_54 {offsets = [0, 64], sizes = [1000, 64], strides = [1, 1]} : vector<1000x128xf32> to vector<1000x64xf32>
    %swap3A_60 = arith.constant 0 : index
    %swap3A_61 = arith.constant 0 : index
    %swap3A_62 = vector.load %arg10[%swap3A_60, %swap3A_61] : memref<1000x64xf32, #tpu.memory_space<vmem>>, vector<1000x64xf32>
    tpu.vector_store %arg10[%swap3A_60, %swap3A_61], %slice3A_59 {strides = array<i32>} : memref<1000x64xf32, #tpu.memory_space<vmem>>, vector<1000x64xf32>,
    return
  }
  func.func @transform_0(%arg0: i32) -> (i32, i32) {
    %c0_i32 = arith.constant 0 : i32
    %c0_i32_0 = arith.constant 0 : i32
    return %arg0, %c0_i32 : i32, i32
  }
  func.func @transform_1(%arg0: i32) -> (i32, i32, i32) {
    %c0_i32 = arith.constant 0 : i32
    %c0_i32_0 = arith.constant 0 : i32
    %c0_i32_1 = arith.constant 0 : i32
    return %c0_i32, %arg0, %c0_i32_0 : i32, i32, i32
  }
  func.func @transform_2(%arg0: i32) -> (i32, i32, i32) {
    %c0_i32 = arith.constant 0 : i32
    %c0_i32_0 = arith.constant 0 : i32
    %c0_i32_1 = arith.constant 0 : i32
    return %c0_i32, %arg0, %c0_i32_0 : i32, i32, i32
  }
  func.func @transform_3(%arg0: i32) -> (i32, i32, i32) {
    %c0_i32 = arith.constant 0 : i32
    %c0_i32_0 = arith.constant 0 : i32
    %c0_i32_1 = arith.constant 0 : i32
    return %c0_i32, %arg0, %c0_i32_0 : i32, i32, i32
  }
  func.func @transform_4(%arg0: i32) -> (i32, i32) {
    %c0_i32 = arith.constant 0 : i32
    %c0_i32_0 = arith.constant 0 : i32
    %c0_i32_1 = arith.constant 0 : i32
    return %c0_i32, %c0_i32_0 : i32, i32
  }
  func.func @transform_5(%arg0: i32) -> (i32, i32) {
    %c0_i32 = arith.constant 0 : i32
    %c0_i32_0 = arith.constant 0 : i32
    %c0_i32_1 = arith.constant 0 : i32
    return %c0_i32, %c0_i32_0 : i32, i32
  }
  func.func @transform_6(%arg0: i32) -> (i32, i32) {
    %c0_i32 = arith.constant 0 : i32
    %c0_i32_0 = arith.constant 0 : i32
    %c0_i32_1 = arith.constant 0 : i32
    return %c0_i32, %c0_i32_0 : i32, i32
  }
  func.func @transform_7(%arg0: i32) -> (i32, i32) {
    %c0_i32 = arith.constant 0 : i32
    %c0_i32_0 = arith.constant 0 : i32
    return %arg0, %c0_i32 : i32, i32
  }
  func.func @transform_8(%arg0: i32) -> (i32, i32) {
    %c0_i32 = arith.constant 0 : i32
    %c0_i32_0 = arith.constant 0 : i32
    return %arg0, %c0_i32 : i32, i32
  }
  func.func @transform_9(%arg0: i32) -> (i32, i32) {
    %c0_i32 = arith.constant 0 : i32
    %c0_i32_0 = arith.constant 0 : i32
    return %arg0, %c0_i32 : i32, i32
  }
}

module attributes {stable_mosaic.version = 14 : i64} {
  func.func @_fin_body(%arg0: i32, %arg1: memref<1000x128xf32, #tpu.memory_space<vmem>>, %arg2: memref<2x1000x64xf32, #tpu.memory_space<vmem>>, %arg3: memref<2x1000x64xf32, #tpu.memory_space<vmem>>, %arg4: memref<2x1000x16xf32, #tpu.memory_space<vmem>>, %arg5: memref<128x128xf32, #tpu.memory_space<vmem>>, %arg6: memref<1x128xf32, #tpu.memory_space<vmem>>, %arg7: memref<128x16xf32, #tpu.memory_space<vmem>>, %arg8: memref<1x16xf32, #tpu.memory_space<vmem>>, %arg9: memref<1000x16xf32, #tpu.memory_space<vmem>>) attributes {dimension_semantics = [#tpu.dimension_semantics<arbitrary>], iteration_bounds = array<i64: 10>, scalar_prefetch = 0 : i64, scratch_operands = 0 : i64, tpu.core_type = #tpu.core_type<tc>, window_params = [{transform_indices = @transform_0, window_bounds = array<i64: 1000, 128>}, {transform_indices = @transform_1, window_bounds = array<i64: 2, 1000, 64>}, {transform_indices = @transform_2, window_bounds = array<i64: 2, 1000, 64>}, {transform_indices = @transform_3, window_bounds = array<i64: 2, 1000, 16>}, {pipeline_mode = #tpu.pipeline_mode<synchronous>, transform_indices = @transform_4, window_bounds = array<i64: 128, 128>}, {pipeline_mode = #tpu.pipeline_mode<synchronous>, transform_indices = @transform_5, window_bounds = array<i64: 1, 128>}, {pipeline_mode = #tpu.pipeline_mode<synchronous>, transform_indices = @transform_6, window_bounds = array<i64: 128, 16>}, {pipeline_mode = #tpu.pipeline_mode<synchronous>, transform_indices = @transform_7, window_bounds = array<i64: 1, 16>}, {transform_indices = @transform_8, window_bounds = array<i64: 1000, 16>}]} {
    %get3A = arith.constant 0 : index
    %get3A_0 = arith.constant 0 : index
    %get3A_1 = arith.constant 0 : index
    %get3A_2 = vector.load %arg2[%get3A, %get3A_0, %get3A_1] : memref<2x1000x64xf32, #tpu.memory_space<vmem>>, vector<2x1000x64xf32>
    %get3A_3 = arith.constant 0 : index
    %get3A_4 = arith.constant 0 : index
    %get3A_5 = arith.constant 0 : index
    %get3A_6 = vector.load %arg3[%get3A_3, %get3A_4, %get3A_5] : memref<2x1000x64xf32, #tpu.memory_space<vmem>>, vector<2x1000x64xf32>
    %get3A_7 = arith.constant 0 : index
    %get3A_8 = arith.constant 0 : index
    %get3A_9 = arith.constant 0 : index
    %get3A_10 = vector.load %arg4[%get3A_7, %get3A_8, %get3A_9] : memref<2x1000x16xf32, #tpu.memory_space<vmem>>, vector<2x1000x16xf32>
    %slice3A = vector.extract_strided_slice %get3A_10 {offsets = [0, 0, 0], sizes = [1, 1000, 16], strides = [1, 1, 1]} : vector<2x1000x16xf32> to vector<1x1000x16xf32>
    %squeeze3A = vector.shape_cast %slice3A : vector<1x1000x16xf32> to vector<1000x16xf32>
    %slice3A_11 = vector.extract_strided_slice %squeeze3A {offsets = [0, 0], sizes = [1000, 1], strides = [1, 1]} : vector<1000x16xf32> to vector<1000x1xf32>
    %slice3A_12 = vector.extract_strided_slice %get3A_10 {offsets = [1, 0, 0], sizes = [1, 1000, 16], strides = [1, 1, 1]} : vector<2x1000x16xf32> to vector<1x1000x16xf32>
    %squeeze3A_13 = vector.shape_cast %slice3A_12 : vector<1x1000x16xf32> to vector<1000x16xf32>
    %slice3A_14 = vector.extract_strided_slice %squeeze3A_13 {offsets = [0, 0], sizes = [1000, 1], strides = [1, 1]} : vector<1000x16xf32> to vector<1000x1xf32>
    %add3A = arith.addf %slice3A_11, %slice3A_14 : vector<1000x1xf32>
    %max3A = arith.constant 1.000000e+00 : f32
    %max3A_15 = vector.broadcast %max3A : f32 to vector<1000x1xf32>
    %max3A_16 = arith.maximumf %add3A, %max3A_15 : vector<1000x1xf32>
    %div3A = arith.constant 1.000000e+00 : f32
    %div3A_17 = vector.broadcast %div3A : f32 to vector<1000x1xf32>
    %div3A_18 = arith.divf %div3A_17, %max3A_16 : vector<1000x1xf32>
    %slice3A_19 = vector.extract_strided_slice %get3A_2 {offsets = [0, 0, 0], sizes = [1, 1000, 64], strides = [1, 1, 1]} : vector<2x1000x64xf32> to vector<1x1000x64xf32>
    %squeeze3A_20 = vector.shape_cast %slice3A_19 : vector<1x1000x64xf32> to vector<1000x64xf32>
    %slice3A_21 = vector.extract_strided_slice %get3A_2 {offsets = [1, 0, 0], sizes = [1, 1000, 64], strides = [1, 1, 1]} : vector<2x1000x64xf32> to vector<1x1000x64xf32>
    %squeeze3A_22 = vector.shape_cast %slice3A_21 : vector<1x1000x64xf32> to vector<1000x64xf32>
    %add3A_23 = arith.addf %squeeze3A_20, %squeeze3A_22 : vector<1000x64xf32>
    %mul3A = vector.broadcast %div3A_18 : vector<1000x1xf32> to vector<1000x64xf32>
    %mul3A_24 = arith.mulf %add3A_23, %mul3A : vector<1000x64xf32>
    %slice3A_25 = vector.extract_strided_slice %get3A_6 {offsets = [0, 0, 0], sizes = [1, 1000, 64], strides = [1, 1, 1]} : vector<2x1000x64xf32> to vector<1x1000x64xf32>
    %squeeze3A_26 = vector.shape_cast %slice3A_25 : vector<1x1000x64xf32> to vector<1000x64xf32>
    %slice3A_27 = vector.extract_strided_slice %get3A_6 {offsets = [1, 0, 0], sizes = [1, 1000, 64], strides = [1, 1, 1]} : vector<2x1000x64xf32> to vector<1x1000x64xf32>
    %squeeze3A_28 = vector.shape_cast %slice3A_27 : vector<1x1000x64xf32> to vector<1000x64xf32>
    %add3A_29 = arith.addf %squeeze3A_26, %squeeze3A_28 : vector<1000x64xf32>
    %mul3A_30 = vector.broadcast %div3A_18 : vector<1000x1xf32> to vector<1000x64xf32>
    %mul3A_31 = arith.mulf %add3A_29, %mul3A_30 : vector<1000x64xf32>
    %concatenate3A = tpu.concatenate %mul3A_24, %mul3A_31 in 1 : vector<1000x64xf32>, vector<1000x64xf32> -> vector<1000x128xf32>
    %get3A_32 = arith.constant 0 : index
    %get3A_33 = arith.constant 0 : index
    %get3A_34 = vector.load %arg1[%get3A_32, %get3A_33] : memref<1000x128xf32, #tpu.memory_space<vmem>>, vector<1000x128xf32>
    %get3A_35 = arith.constant 0 : index
    %get3A_36 = arith.constant 0 : index
    %get3A_37 = vector.load %arg5[%get3A_35, %get3A_36] : memref<128x128xf32, #tpu.memory_space<vmem>>, vector<128x128xf32>
    %dot_general3A = arith.constant dense<0.000000e+00> : vector<1000x128xf32>
    %dot_general3A_38 = tpu.matmul %get3A_34, %get3A_37, %dot_general3A {dimension_numbers = #tpu.dot_dimension_numbers<[1], [0], [0], [1], [0, 0, 1, 1], [], []>, transpose_lhs_hint = false} : vector<1000x128xf32>, vector<128x128xf32>, vector<1000x128xf32> -> vector<1000x128xf32>
    %add3A_39 = arith.addf %dot_general3A_38, %concatenate3A : vector<1000x128xf32>
    %get3A_40 = arith.constant 0 : index
    %get3A_41 = arith.constant 0 : index
    %get3A_42 = vector.load %arg6[%get3A_40, %get3A_41] : memref<1x128xf32, #tpu.memory_space<vmem>>, vector<1x128xf32>
    %add3A_43 = vector.broadcast %get3A_42 : vector<1x128xf32> to vector<1000x128xf32>
    %add3A_44 = arith.addf %add3A_39, %add3A_43 : vector<1000x128xf32>
    %get3A_45 = arith.constant 0 : index
    %get3A_46 = arith.constant 0 : index
    %get3A_47 = vector.load %arg7[%get3A_45, %get3A_46] : memref<128x16xf32, #tpu.memory_space<vmem>>, vector<128x16xf32>
    %dot_general3A_48 = arith.constant dense<0.000000e+00> : vector<1000x16xf32>
    %dot_general3A_49 = tpu.matmul %add3A_44, %get3A_47, %dot_general3A_48 {dimension_numbers = #tpu.dot_dimension_numbers<[1], [0], [0], [1], [0, 0, 1, 1], [], []>, transpose_lhs_hint = false} : vector<1000x128xf32>, vector<128x16xf32>, vector<1000x16xf32> -> vector<1000x16xf32>
    %get3A_50 = arith.constant 0 : index
    %get3A_51 = arith.constant 0 : index
    %get3A_52 = vector.load %arg8[%get3A_50, %get3A_51] : memref<1x16xf32, #tpu.memory_space<vmem>>, vector<1x16xf32>
    %add3A_53 = vector.broadcast %get3A_52 : vector<1x16xf32> to vector<1000x16xf32>
    %add3A_54 = arith.addf %dot_general3A_49, %add3A_53 : vector<1000x16xf32>
    %swap3A = arith.constant 0 : index
    %swap3A_55 = arith.constant 0 : index
    %swap3A_56 = vector.load %arg9[%swap3A, %swap3A_55] : memref<1000x16xf32, #tpu.memory_space<vmem>>, vector<1000x16xf32>
    tpu.vector_store %arg9[%swap3A, %swap3A_55], %add3A_54 {strides = array<i32>} : memref<1000x16xf32, #tpu.memory_space<vmem>>, vector<1000x16xf32>,
    return
  }
  func.func @transform_0(%arg0: i32) -> (i32, i32) {
    %c0_i32 = arith.constant 0 : i32
    %c0_i32_0 = arith.constant 0 : i32
    return %arg0, %c0_i32 : i32, i32
  }
  func.func @transform_1(%arg0: i32) -> (i32, i32, i32) {
    %c0_i32 = arith.constant 0 : i32
    %c0_i32_0 = arith.constant 0 : i32
    %c0_i32_1 = arith.constant 0 : i32
    return %c0_i32, %arg0, %c0_i32_0 : i32, i32, i32
  }
  func.func @transform_2(%arg0: i32) -> (i32, i32, i32) {
    %c0_i32 = arith.constant 0 : i32
    %c0_i32_0 = arith.constant 0 : i32
    %c0_i32_1 = arith.constant 0 : i32
    return %c0_i32, %arg0, %c0_i32_0 : i32, i32, i32
  }
  func.func @transform_3(%arg0: i32) -> (i32, i32, i32) {
    %c0_i32 = arith.constant 0 : i32
    %c0_i32_0 = arith.constant 0 : i32
    %c0_i32_1 = arith.constant 0 : i32
    return %c0_i32, %arg0, %c0_i32_0 : i32, i32, i32
  }
  func.func @transform_4(%arg0: i32) -> (i32, i32) {
    %c0_i32 = arith.constant 0 : i32
    %c0_i32_0 = arith.constant 0 : i32
    %c0_i32_1 = arith.constant 0 : i32
    return %c0_i32, %c0_i32_0 : i32, i32
  }
  func.func @transform_5(%arg0: i32) -> (i32, i32) {
    %c0_i32 = arith.constant 0 : i32
    %c0_i32_0 = arith.constant 0 : i32
    %c0_i32_1 = arith.constant 0 : i32
    return %c0_i32, %c0_i32_0 : i32, i32
  }
  func.func @transform_6(%arg0: i32) -> (i32, i32) {
    %c0_i32 = arith.constant 0 : i32
    %c0_i32_0 = arith.constant 0 : i32
    %c0_i32_1 = arith.constant 0 : i32
    return %c0_i32, %c0_i32_0 : i32, i32
  }
  func.func @transform_7(%arg0: i32) -> (i32, i32) {
    %c0_i32 = arith.constant 0 : i32
    %c0_i32_0 = arith.constant 0 : i32
    %c0_i32_1 = arith.constant 0 : i32
    return %c0_i32, %c0_i32_0 : i32, i32
  }
  func.func @transform_8(%arg0: i32) -> (i32, i32) {
    %c0_i32 = arith.constant 0 : i32
    %c0_i32_0 = arith.constant 0 : i32
    return %arg0, %c0_i32 : i32, i32
  }
}

</mosaic_0001>

<sc_bundles>
// kernel: kernel.11.cloned.1.call-start
scs
__scs_entry_jumppad:
0x0: {  	(pc) =	sbr.rel $0x88, $3  }
0x1: {  	(tag) =	ssettag $0x0;
	lr =	simm.s32 $0x1  }
0x2: {  	[smem:$0x3F97] =	sst lr;
	_ =	strace $0xD0000000  }
0x3: {  	_ = 	snop  }
0x4: {  	_ = 	snop  }
0x5: {  	_ = 	snop  }
0x6: {  	_ = 	snop  }
0x7: {  	_ = 	snop  }
__scs_overlays_trampoline_lowered:
0x8: {  	[smem:$0x3FA6] =	sst s0  }
0x9: {  	[smem:$0x3FA7] =	sst s1  }
0xa: {  	[smem:$0x3FA8] =	sst s2  }
0xb: {  	[smem:$0x3FA9] =	sst s3  }
0xc: {  	[smem:$0x3FAA] =	sst s4  }
0xd: {  	[smem:$0x3FAB] =	sst s5  }
0xe: {  	[smem:$0x3FAC] =	sst s6  }
0xf: {  	[smem:$0x3FAD] =	sst s7  }
0x10: {  	[smem:$0x3FAE] =	sst s8  }
0x11: {  	[smem:$0x3FAF] =	sst s9;
	s0 =	simm.s32 @!p0 $0x0  }
0x12: {  	s1 =	sld [smem:$0x3F95];
	s0 =	simm.s32 @p0 $0x1  }
0x13: {  	[smem:$0x3FB0] =	sst s0;
	s0 =	simm.s32 @!p1 $0x0  }
0x14: {  	s2 =	sld [smem:$0x3F94];
	s0 =	simm.s32 @p1 $0x1  }
0x15: {  	[smem:$0x3FB1] =	sst s0;
	s0 =	simm.s32 @!p2 $0x0  }
0x16: {  	s3 =	sld [smem:$0x3FDB];
	s0 =	simm.s32 @p2 $0x1  }
0x17: {  	s4 =	simm.s32 $0x1BF5;
	[smem:$0x3FB3] =	sst s0  }
0x18: {  	s0 =	sld [smem:$0x3F96];
	_ =	swait.ge [sflag:s4], $0x0  }
0x19: {  	s7 =	sld [smem:$0x3F97]  }
0x1a: {  	s8 =	sadd.s32 $0xFFFFE003, lr  }
0x1b: {  	s9 =	sadd.s32 $0xFFFFFEF7, lr;
	s5 =	simm.s32 $0xFFFFFFFF;
	p2 =	slt.u32 s8, $0xFFFFF086  }
0x1c: {  	p1 =	slt.u32 s9, $0xF7A;
	s5 =	simm.s32 @!p2 $0x0  }
0x1d: {  	s5 =	simm.s32 @p1 $0x1;
	p0 =	seq.s32 s7, s2  }
0x1e: {  	s7 =	smul.u32 @!p0 $0xF7A, s2;
	p2 =	seq.s32 @!p0 s5, $0x0  }
0x1f: {  	s9 =	smul.u32 $0xF7A, s1;
	s8 =	simm.s32 @!p0 $0x1BF5;
	p2 =	por !p2, p0  }
0x20: {  	[sflag:s8] =	ssyncset.s32 @!p0 $0xFFFFF086;
	s6 =	sadd.s32 @!p0 s3, s7;
	s7 =	simm.s32 @!p0 $0x108  }
0x21: {  	s3 =	sadd.s32 s3, s9;
	s6 =	sadd.s32 @!p0 $0x88, s6;
	s7 =	simm.s32 @p2 $0x1082  }
0x22: {  	[simem:s7], [sflag:s8] =	dma.local @!p0 [hbm:s6], $0xF7A  }
0x23: {  	s9 =	sor.u32 $0xD0000000, s2;
	s6 =	simm.s32 $0x108;
	_ =	swait.ge @!p0 [sflag:s8], $0x0  }
0x24: {  	s3 =	sadd.s32 $0x88, s3;
	s6 =	simm.s32 @!p1 $0x1082;
	[sflag:s4] =	ssyncset.s32 $0xFFFFF086  }
0x25: {  	[simem:s6], [sflag:s4] =	dma.local [hbm:s3], $0xF7A  }
0x26: {  	[smem:$0x3F97] =	sst s1;
	(tag) =	ssettag s2;
	_ =	strace s9  }
0x27: {  	s1 =	sld [smem:$0x3FA7]  }
0x28: {  	s2 =	sld [smem:$0x3FA8]  }
0x29: {  	s4 =	sld [smem:$0x3FAA]  }
0x2a: {  	p0 =	seq.s32 s5, $0x0;
	s5 =	sld [smem:$0x3FAB]  }
0x2b: {  	s6 =	sld [smem:$0x3FAC]  }
0x2c: {  	s7 =	sld [smem:$0x3FAD]  }
0x2d: {  	s3 =	simm.s32 $0x108;
	s8 =	sld [smem:$0x3FAE]  }
0x2e: {  	s3 =	simm.s32 @!p0 $0x1082;
	s9 =	sld [smem:$0x3FAF]  }
0x2f: {  	lr =	sadd.s32 s0, s3;
	s0 =	sld [smem:$0x3FA6]  }
0x30: {  	s3 =	sld [smem:$0x3FA9]  }
0x31: {  	[smem:$0x3FB2] =	sst s10  }
0x32: {  	s10 =	sld [smem:$0x3FB0];
	_ =	sdelay $0x3  }
0x33: {  	p0 =	seq.s32 s10, $0x1;
	s10 =	sld [smem:$0x3FB2];
	_ =	sdelay $0x3  }
0x34: {  	[smem:$0x3FB2] =	sst s10  }
0x35: {  	s10 =	sld [smem:$0x3FB1];
	_ =	sdelay $0x3  }
0x36: {  	p1 =	seq.s32 s10, $0x1;
	s10 =	sld [smem:$0x3FB2];
	_ =	sdelay $0x3  }
0x37: {  	[smem:$0x3FB2] =	sst s10  }
0x38: {  	s10 =	sld [smem:$0x3FB3]  }
0x39: {  	_ = 	snop;
	(pc) =	sbr.ind lr, $3  }
0x3a: {  	_ = 	snop  }
0x3b: {  	_ = 	snop  }
0x3c: {  	p2 =	seq.s32 s10, $0x1;
	s10 =	sld [smem:$0x3FB2]  }
0x3d: {  	_ =	shalt  }
0x3e: {  	_ =	shalt  }
0x3f: {  	_ =	shalt  }
0x40: {  	_ =	shalt  }
0x41: {  	_ =	shalt  }
0x42: {  	_ =	shalt  }
0x43: {  	_ =	shalt  }
0x44: {  	_ =	shalt  }
0x45: {  	_ =	shalt  }
0x46: {  	_ =	shalt  }
0x47: {  	_ =	shalt  }
0x48: {  	_ =	shalt  }
0x49: {  	_ =	shalt  }
0x4a: {  	_ =	shalt  }
0x4b: {  	_ =	shalt  }
0x4c: {  	_ =	shalt  }
0x4d: {  	_ =	shalt  }
0x4e: {  	_ =	shalt  }
0x4f: {  	_ =	shalt  }
0x50: {  	_ =	shalt  }
0x51: {  	_ =	shalt  }
0x52: {  	_ =	shalt  }
0x53: {  	_ =	shalt  }
0x54: {  	_ =	shalt  }
0x55: {  	_ =	shalt  }
0x56: {  	_ =	shalt  }
0x57: {  	_ =	shalt  }
0x58: {  	_ =	shalt  }
0x59: {  	_ =	shalt  }
0x5a: {  	_ =	shalt  }
0x5b: {  	_ =	shalt  }
0x5c: {  	_ =	shalt  }
0x5d: {  	_ =	shalt  }
0x5e: {  	_ =	shalt  }
0x5f: {  	_ =	shalt  }
0x60: {  	_ =	shalt  }
0x61: {  	_ =	shalt  }
0x62: {  	_ =	shalt  }
0x63: {  	_ =	shalt  }
0x64: {  	_ =	shalt  }
0x65: {  	_ =	shalt  }
0x66: {  	_ =	shalt  }
0x67: {  	_ =	shalt  }
0x68: {  	_ =	shalt  }
0x69: {  	_ =	shalt  }
0x6a: {  	_ =	shalt  }
0x6b: {  	_ =	shalt  }
0x6c: {  	_ =	shalt  }
0x6d: {  	_ =	shalt  }
0x6e: {  	_ =	shalt  }
0x6f: {  	_ =	shalt  }
0x70: {  	_ =	shalt  }
0x71: {  	_ =	shalt  }
0x72: {  	_ =	shalt  }
0x73: {  	_ =	shalt  }
0x74: {  	_ =	shalt  }
0x75: {  	_ =	shalt  }
0x76: {  	_ =	shalt  }
0x77: {  	_ =	shalt  }
0x78: {  	_ =	shalt  }
0x79: {  	_ =	shalt  }
0x7a: {  	_ =	shalt  }
0x7b: {  	_ =	shalt  }
0x7c: {  	_ =	shalt  }
0x7d: {  	_ =	shalt  }
0x7e: {  	_ =	shalt  }
0x7f: {  	_ =	shalt  }
0x80: {  	_ =	shalt  }
0x81: {  	_ =	shalt  }
0x82: {  	_ =	shalt  }
0x83: {  	_ =	shalt  }
0x84: {  	_ =	shalt  }
0x85: {  	_ =	shalt  }
0x86: {  	_ =	shalt  }
0x87: {  	_ =	shalt  }
.Lfunc_end0:
.L_simem_size_0:
called_computation.1_lowered:
.L_overlay_start_0:
0x88: {  	s2 =	sld [smem:$0x3FD9]  }
0x89: {  	s3 =	sld [smem:$0x3FFE];
	_ =	sdelay $0x1  }
0x8a: {  	s1 =	srdreg.scid  }
0x8b: {  	s0 =	sand.u32 $0x1, s1  }
0x8c: {  	s16 =	sshll.u32 s0, $0xA;
	s2 =	sadd.s32 s3, s2  }
0x8d: {  	s2 =	sadd.s32 s2, s16  }
0x8e: {  	[smem:$0x3FBE] =	sst s2  }
0x8f: {  	_ = 	snop  }
0x90: {  	(tm) =	ssettm $0x1  }
0x91: {  	s17 =	sld [smem:$0x3FFB];
	_ =	sdelay $0x3  }
0x92: {  	_ =	strace s17  }
0x93: {  	s2 =	sld [smem:$0x3FFC];
	_ =	sdelay $0x3  }
0x94: {  	_ =	strace s2  }
0x95: {  	s2 =	sld [smem:$0x3FFD];
	_ =	sdelay $0x3  }
0x96: {  	_ =	strace s2  }
0x97: {  	_ =	strace $0x8FFFFFFF  }
0x98: {  	s18 =	sld [smem:$0x3FDB];
	_ =	sdelay $0x1  }
0x99: {  	s19 =	simm.s32 $_scs_section_size  }
0x9a: {  	s4 =	simm.s32 $_size__tile_overlayer_lowered;
	s5 =	simm.s32 $_tile_overlayer_lowered  }
0x9b: {  	s22 =	simm.s32 $0x1BFF;
	s21 =	sshll.u32 s5, $0x1;
	s2 =	sadd.s32 s19, s18  }
0x9c: {  	s6 =	simm.s32 $0x0;
	s20 =	sshll.u32 s4, $0x1;
	s4 =	sadd.s32 s21, s2  }
0x9d: {  	[timem:s6], [sflag:s22] =	dma.local [hbm:s4], s20  }
0x9e: {  	_ =	swait.ge [sflag:s22], s20  }
0x9f: {  	s3 =	ssub.s32 $0x0, s20;
	[sflag:s22] =	ssyncset.done $0x0  }
0xa0: {  	[sflag:s22] =	ssyncadd.s32 s3;
	_ =	sdelay $0x1  }
0xa1: {  	s23 =	simm.s32 $0x1B8B  }
0xa2: {  	_ =	swait.ge [sflag:s23], $0x1  }
0xa3: {  	[sflag:s23] =	ssyncset.done $0x0  }
0xa4: {  	s25 =	simm.s32 $0x1B8E;
	s24 =	sld [smem:$0x3FFE];
	[sflag:s23] =	ssyncadd.s32 $0xFFFFFFFF  }
0xa5: {  	s26 =	simm.s32 $execute0_lowered;
	[smem:$0x3FD2] =	sst s25  }
0xa6: {  	s4 =	sshll.u32 s26, $0x1;
	_ =	strace $0x80000046;
	[dreg:$0x1] =	wrdreg $0xFFFFFFFF  }
0xa7: {  	s28 =	simm.s32 $_size_execute0_lowered;
	s2 =	sadd.s32 s2, s4;
	[dreg:$0x0] =	wrdreg $0x0  }
0xa8: {  	s4 =	sshll.u32 s28, $0x1;
	[dreg:$0x2] =	wrdreg s2  }
0xa9: {  	[dreg:$0x3] =	wrdreg s4  }
0xaa: {  	[dreg:$0x4] =	wrdreg $0xC0  }
0xab: {  	_ =	task [dreg:s6], $0x5FFFF  }
0xac: {  	[dreg:$0x1] =	wrdreg $0xFFFFFFFF  }
0xad: {  	[dreg:$0x0] =	wrdreg $0x60  }
0xae: {  	[dreg:$0x2] =	wrdreg s24  }
0xaf: {  	[dreg:$0x3] =	wrdreg $0x10D000  }
0xb0: {  	[dreg:$0x4] =	wrdreg $0xA  }
0xb1: {  	_ =	task.clear_ibuf [dreg:s6], $0x5FFFF;
	_ =	strace $0x90000046  }
0xb2: {  	s29 =	simm.s32 $0xA;
	_ =	strace $0x80000048  }
0xb3: {  	_ =	swait.ge [sflag:s29], $0x1  }
0xb4: {  	[sflag:s29] =	ssyncadd.s32 $0xFFFFFFFF  }
0xb5: {  	_ =	strace $0x90000048  }
0xb6: {  	_ =	sfence  }
0xb7: {  	s30 =	sld [smem:$0x0];
	_ =	sdelay $0x2  }
0xb8: {  	s31 =	sshll.u32 s1, $0xD;
	s1 =	sshrl.u32 s1, $0x2  }
0xb9: {  	s3 =	sand.u32 $0x4000, s31;
	s1 =	sadd.s32 s1, s30  }
0xba: {  	s0 =	sor.u32 s3, s0;
	s1 =	sshll.u32 s1, $0x11  }
0xbb: {  	s0 =	sor.u32 s1, s0  }
0xbc: {  	s0 =	sadd.s32 $0x8F2B, s0  }
0xbd: {  	[sflag:s0] =	ssyncadd.remote.s32 $0x1  }
0xbe: {  	_ =	sfence.sel $0xFFFF  }
0xbf: {  	[dreg:$0x0] =	wrdreg $0xFFFFFFFF;
	(pc) =	sbr.abs _section_cstart, $3  }
0xc0: {  	[dreg:$0x1] =	wrdreg $0xFFFFFFFF  }
0xc1: {  	_ =	task.clear_ibuf [dreg:s6], $0x2FFFF;
	_ =	strace $0x9FFFFFFF  }
0xc2: {  	(tm) =	ssettm $0x7FFFFFFF  }
0xc3: {  	_ =	shalt  }
tec
execute0_lowered:
.L_overlay_start_1:
0x0: {  	(tag) =	ssettag $0x1  }
0x1: {  	s0 =	srdreg.scid;
	s1 =	rddreg [dreg:$0x0]  }
0x2: {  	s2 =	rddreg [dreg:$0x1];
	s5 =	stileid.u32;
	s3 =	simm.s32 $0x0  }
0x3: {  	s21 =	simm.s32 $0xCD00;
	s22 =	simm.s32 $0x5;
	s24 =	simm.s32 $0x7D  }
0x4: {  	s25 =	simm.s32 $0x5000;
	s28 =	simm.s32 $0x6F40;
	s30 =	simm.s32 $0x8E80  }
0x5: {  	s23 =	simm.s32 $0x2;
	s26 =	simm.s32 $0xED00;
	s20 =	simm.s32 $0x0  }
0x6: {  	s0 =	sand.u32 $0x1, s0;
	[smem:$0x7FF] =	sst s3;
	s11 =	smul.u32 $0xA000, s5  }
0x7: {  	s4 =	sshll.u32 s0, $0x4;
	_ =	strace $0x80000047;
	s7 =	smul.u32 $0x14000, s0  }
0x8: {  	s0 =	ssub.s32 $0x2, s0;
	s4 =	sor.u32 s5, s4;
	s5 =	sadd.s32 $0x16C00, s1  }
0x9: {  	s31 =	sshrl.u32 s0, $0x1;
	s15 =	sadd.s32 $0x2000, s11;
	s16 =	sadd.s32 $0x4000, s11  }
0xa: {  	s17 =	sadd.s32 $0x6000, s11;
	s18 =	sadd.s32 $0x8000, s11;
	s6 =	smul.u32 $0x500, s4  }
0xb: {  	s4 =	sadd.s32 $0x2A600, s1;
	s0 =	ssub.s32 s0, s31;
	s8 =	sadd.s32 s16, s2  }
0xc: {  	s9 =	sadd.s32 s17, s2;
	s10 =	sadd.s32 s18, s2;
	s16 =	sshrl.u32 s16, $0x3  }
0xd: {  	s17 =	sshrl.u32 s17, $0x3;
	s18 =	sshrl.u32 s18, $0x3;
	s0 =	smax.u32 s0, $0x1  }
0xe: {  	s12 =	sadd.s32 s6, s1;
	s1 =	sadd.s32 s7, s1;
	s6 =	sadd.s32 s11, s2  }
0xf: {  	s7 =	sadd.s32 s15, s2;
	s11 =	sshrl.u32 s11, $0x3;
	[dreg:$0x6] =	wrdreg s0  }
0x10: {  	s15 =	sshrl.u32 s15, $0x3;
	s13 =	sadd.s32 $0xCC00, s12;
	[dreg:$0x5] =	wrdreg s11  }
0x11: {  	s0 =	simm.s32 $0xADC0;
	s12 =	sadd.s32 $0x2C00, s12;
	[dreg:$0x3] =	wrdreg s13  }
0x12: {  	s19 =	sadd.s32 $0x3E000, s1;
	s11 =	simm.s32 $0x3;
	[dreg:$0x4] =	wrdreg s12  }
0x13: {  	v0 =	vimm.f32 $0.0e+00;
	s13 =	sadd.s32 $0x66000, s1;
	s1 =	simm.s32 $0x1;
	s12 =	simm.s32 $0x4  }
.LBB2_1:
0x14: {  	s31 =	simm.s32 $0x100;
	s29 =	simm.s32 $0x0  }
.LBB2_2:
0x15: {  	p0 =	sne.s32 s31, $0x7F00;
	[tilespmem:s29+$0xCD30] =	vst v0;
	s14 =	smov.u32 s31;
	s31 =	sadd.s32 $0x100, s31  }
.Ltmp0:
0x16: {  	[tilespmem:s29+$0xCD20] =	vst v0;
	(pc) =	sbr.rel @p0 .LBB2_2-.Ltmp0, $3  }
0x17: {  	[tilespmem:s29+$0xCD00] =	vst v0  }
0x18: {  	[tilespmem:s29+$0xCD10] =	vst v0;
	_ =	sdelay $0x1  }
0x19: {  	s29 =	sshra.s32 s14, $0x2  }
0x1a: {  	[tilespmem:s29+$0xCD30] =	vst v0  }
0x1b: {  	[tilespmem:s29+$0xCD20] =	vst v0  }
0x1c: {  	[tilespmem:s29+$0xCD00] =	vst v0  }
0x1d: {  	[tilespmem:s29+$0xCD10] =	vst v0  }
0x1e: {  	[spmem:s6] =	stream.linear.scatter [tilespmem:s21], [sflag:$0x5], $0x2000, $0x38;
	[tilespmem:$0x1AD00] =	vst v63  }
0x1f: {  	_ =	swait.ge [sflag:s22], $0x2000  }
0x20: {  	[sflag:s22] =	ssyncset.done $0x0  }
0x21: {  	[sflag:s22] =	ssyncadd.s32 $0xFFFFE000  }
0x22: {  	[spmem:s7] =	stream.linear.scatter [tilespmem:s21], [sflag:$0x5], $0x2000, $0x38;
	[tilespmem:$0x1AD00] =	vst v63  }
0x23: {  	_ =	swait.ge [sflag:s22], $0x2000  }
0x24: {  	[sflag:s22] =	ssyncset.done $0x0  }
0x25: {  	[sflag:s22] =	ssyncadd.s32 $0xFFFFE000  }
0x26: {  	[spmem:s8] =	stream.linear.scatter [tilespmem:s21], [sflag:$0x5], $0x2000, $0x38;
	[tilespmem:$0x1AD00] =	vst v63  }
0x27: {  	_ =	swait.ge [sflag:s22], $0x2000  }
0x28: {  	[sflag:s22] =	ssyncset.done $0x0  }
0x29: {  	[sflag:s22] =	ssyncadd.s32 $0xFFFFE000  }
0x2a: {  	[spmem:s9] =	stream.linear.scatter [tilespmem:s21], [sflag:$0x5], $0x2000, $0x38;
	[tilespmem:$0x1AD00] =	vst v63  }
0x2b: {  	_ =	swait.ge [sflag:s22], $0x2000  }
0x2c: {  	[sflag:s22] =	ssyncset.done $0x0  }
0x2d: {  	[sflag:s22] =	ssyncadd.s32 $0xFFFFE000  }
0x2e: {  	[spmem:s10] =	stream.linear.scatter [tilespmem:s21], [sflag:$0x5], $0x2000, $0x38;
	[tilespmem:$0x1AD00] =	vst v63  }
0x2f: {  	_ =	swait.ge [sflag:s22], $0x2000  }
0x30: {  	[sflag:s22] =	ssyncset.done $0x0  }
0x31: {  	s14 =	simm.s32 $0x0;
	s29 =	rddreg [dreg:$0x3];
	[sflag:s22] =	ssyncadd.s32 $0xFFFFE000  }
0x32: {  	[tilespmem:s14], [sflag:$0x5] =	stream.linear.gather [hbm4b:s29+s14], $0x2800, $0x38;
	[tilespmem:$0x1AD00] =	vst v63  }
0x33: {  	_ =	swait.ge [sflag:s22], $0x2800  }
0x34: {  	[sflag:s22] =	ssyncset.done $0x0  }
0x35: {  	s31 =	simm.s32 $0x2800;
	s29 =	rddreg [dreg:$0x4];
	[sflag:s22] =	ssyncadd.s32 $0xFFFFD800  }
0x36: {  	[tilespmem:s31], [sflag:$0x5] =	stream.linear.gather [hbm4b:s29+s14], $0x2800, $0x38;
	[tilespmem:$0x1AD00] =	vst v63  }
0x37: {  	_ =	swait.ge [sflag:s22], $0x2800  }
0x38: {  	[sflag:s22] =	ssyncset.done $0x0  }
0x39: {  	[sflag:s22] =	ssyncadd.s32 $0xFFFFD800  }
0x3a: {  	[bflag:$0x0] =	sbarrier.arrive $0xFFFF  }
0x3b: {  	[tilespmem:s25], [sflag:$0x1] =	stream.indirect.gather [hbm4b:s4+s24], $0x40, s14, s24, $0xb8;
	[tilespmem:$0x1AD00] =	vst v63  }
0x3c: {  	s14 =	simm.s32 $0x80  }
0x3d: {  	[tilespmem:s28], [sflag:$0x2] =	stream.indirect.gather [hbm4b:s4+s24], $0x40, s14, s24, $0xb8;
	[tilespmem:$0x1AD00] =	vst v63  }
0x3e: {  	s14 =	simm.s32 $0x100  }
0x3f: {  	[tilespmem:s30], [sflag:$0x3] =	stream.indirect.gather [hbm4b:s4+s24], $0x40, s14, s24, $0xb8;
	[tilespmem:$0x1AD00] =	vst v63  }
0x40: {  	s14 =	simm.s32 $0x180  }
0x41: {  	[tilespmem:s0], [sflag:$0x4] =	stream.indirect.gather [hbm4b:s4+s24], $0x40, s14, s24, $0xb8;
	[tilespmem:$0x1AD00] =	vst v63  }
0x42: {  	_ =	swait.ge [sflag:s1], $0x1F40  }
0x43: {  	[sflag:s1] =	ssyncset.done $0x0  }
0x44: {  	s14 =	simm.s32 $0x2800;
	[sflag:s1] =	ssyncadd.s32 $0xFFFFE0C0  }
0x45: {  	[spmem:s2] =	stream.indirect.scatter.add.f32 [tilespmem:s25], [sflag:$0x5], $0x40, s14, s24, $0xb8;
	[tilespmem:$0x1AD00] =	vst v63  }
0x46: {  	_ =	swait.ge [sflag:s22], $0x1F40  }
0x47: {  	[sflag:s22] =	ssyncset.done $0x0  }
0x48: {  	s14 =	simm.s32 $0x200;
	[sflag:s22] =	ssyncadd.s32 $0xFFFFE0C0  }
0x49: {  	[tilespmem:s25], [sflag:$0x1] =	stream.indirect.gather [hbm4b:s4+s24], $0x40, s14, s24, $0xb8;
	[tilespmem:$0x1AD00] =	vst v63  }
0x4a: {  	_ =	swait.ge [sflag:s23], $0x1F40  }
0x4b: {  	[sflag:s23] =	ssyncset.done $0x0  }
0x4c: {  	s14 =	simm.s32 $0x2880;
	[sflag:s23] =	ssyncadd.s32 $0xFFFFE0C0  }
0x4d: {  	[spmem:s2] =	stream.indirect.scatter.add.f32 [tilespmem:s28], [sflag:$0x5], $0x40, s14, s24, $0xb8;
	[tilespmem:$0x1AD00] =	vst v63  }
0x4e: {  	_ =	swait.ge [sflag:s22], $0x1F40  }
0x4f: {  	[sflag:s22] =	ssyncset.done $0x0  }
0x50: {  	s14 =	simm.s32 $0x280;
	[sflag:s22] =	ssyncadd.s32 $0xFFFFE0C0  }
0x51: {  	[tilespmem:s28], [sflag:$0x2] =	stream.indirect.gather [hbm4b:s4+s24], $0x40, s14, s24, $0xb8;
	[tilespmem:$0x1AD00] =	vst v63  }
0x52: {  	_ =	swait.ge [sflag:s11], $0x1F40  }
0x53: {  	[sflag:s11] =	ssyncset.done $0x0  }
0x54: {  	s14 =	simm.s32 $0x2900;
	[sflag:s11] =	ssyncadd.s32 $0xFFFFE0C0  }
0x55: {  	[spmem:s2] =	stream.indirect.scatter.add.f32 [tilespmem:s30], [sflag:$0x5], $0x40, s14, s24, $0xb8;
	[tilespmem:$0x1AD00] =	vst v63  }
0x56: {  	_ =	swait.ge [sflag:s22], $0x1F40  }
0x57: {  	[sflag:s22] =	ssyncset.done $0x0  }
0x58: {  	s14 =	simm.s32 $0x300;
	[sflag:s22] =	ssyncadd.s32 $0xFFFFE0C0  }
0x59: {  	[tilespmem:s30], [sflag:$0x3] =	stream.indirect.gather [hbm4b:s4+s24], $0x40, s14, s24, $0xb8;
	[tilespmem:$0x1AD00] =	vst v63  }
0x5a: {  	_ =	swait.ge [sflag:s12], $0x1F40  }
0x5b: {  	[sflag:s12] =	ssyncset.done $0x0  }
0x5c: {  	s14 =	simm.s32 $0x2980;
	[sflag:s12] =	ssyncadd.s32 $0xFFFFE0C0  }
0x5d: {  	[spmem:s2] =	stream.indirect.scatter.add.f32 [tilespmem:s0], [sflag:$0x5], $0x40, s14, s24, $0xb8;
	[tilespmem:$0x1AD00] =	vst v63  }
0x5e: {  	_ =	swait.ge [sflag:s22], $0x1F40  }
0x5f: {  	[sflag:s22] =	ssyncset.done $0x0  }
0x60: {  	s29 =	simm.s32 $0x800;
	s31 =	simm.s32 $0x380;
	[sflag:s22] =	ssyncadd.s32 $0xFFFFE0C0  }
.LBB2_4:
0x61: {  	[tilespmem:s0], [sflag:$0x4] =	stream.indirect.gather [hbm4b:s4+s24], $0x40, s31, s24, $0xb8;
	[tilespmem:$0x1AD00] =	vst v63  }
0x62: {  	s14 =	smov.u32 s29  }
0x63: {  	p0 =	sne.s32 s29, $0x9000;
	s29 =	sadd.s32 $0x800, s29;
	_ =	swait.ge [sflag:s1], $0x1F40  }
0x64: {  	s31 =	sshra.s32 s14, $0x2;
	[sflag:s1] =	ssyncset.done $0x0  }
0x65: {  	s14 =	sadd.s32 $0x2800, s31;
	[sflag:s1] =	ssyncadd.s32 $0xFFFFE0C0  }
0x66: {  	[spmem:s2] =	stream.indirect.scatter.add.f32 [tilespmem:s25], [sflag:$0x5], $0x40, s14, s24, $0xb8;
	[tilespmem:$0x1AD00] =	vst v63  }
0x67: {  	_ =	swait.ge [sflag:s22], $0x1F40  }
0x68: {  	[sflag:s22] =	ssyncset.done $0x0  }
0x69: {  	s14 =	sadd.s32 $0x200, s31;
	[sflag:s22] =	ssyncadd.s32 $0xFFFFE0C0  }
0x6a: {  	[tilespmem:s25], [sflag:$0x1] =	stream.indirect.gather [hbm4b:s4+s24], $0x40, s14, s24, $0xb8;
	[tilespmem:$0x1AD00] =	vst v63  }
0x6b: {  	_ =	swait.ge [sflag:s23], $0x1F40  }
0x6c: {  	[sflag:s23] =	ssyncset.done $0x0  }
0x6d: {  	s14 =	sadd.s32 $0x2880, s31;
	[sflag:s23] =	ssyncadd.s32 $0xFFFFE0C0  }
0x6e: {  	[spmem:s2] =	stream.indirect.scatter.add.f32 [tilespmem:s28], [sflag:$0x5], $0x40, s14, s24, $0xb8;
	[tilespmem:$0x1AD00] =	vst v63  }
0x6f: {  	_ =	swait.ge [sflag:s22], $0x1F40  }
0x70: {  	[sflag:s22] =	ssyncset.done $0x0  }
0x71: {  	s14 =	sadd.s32 $0x280, s31;
	[sflag:s22] =	ssyncadd.s32 $0xFFFFE0C0  }
0x72: {  	[tilespmem:s28], [sflag:$0x2] =	stream.indirect.gather [hbm4b:s4+s24], $0x40, s14, s24, $0xb8;
	[tilespmem:$0x1AD00] =	vst v63  }
0x73: {  	_ =	swait.ge [sflag:s11], $0x1F40  }
0x74: {  	[sflag:s11] =	ssyncset.done $0x0  }
0x75: {  	s14 =	sadd.s32 $0x2900, s31;
	[sflag:s11] =	ssyncadd.s32 $0xFFFFE0C0  }
0x76: {  	[spmem:s2] =	stream.indirect.scatter.add.f32 [tilespmem:s30], [sflag:$0x5], $0x40, s14, s24, $0xb8;
	[tilespmem:$0x1AD00] =	vst v63  }
0x77: {  	_ =	swait.ge [sflag:s22], $0x1F40  }
0x78: {  	[sflag:s22] =	ssyncset.done $0x0  }
0x79: {  	s14 =	sadd.s32 $0x300, s31;
	[sflag:s22] =	ssyncadd.s32 $0xFFFFE0C0  }
0x7a: {  	[tilespmem:s30], [sflag:$0x3] =	stream.indirect.gather [hbm4b:s4+s24], $0x40, s14, s24, $0xb8;
	[tilespmem:$0x1AD00] =	vst v63  }
0x7b: {  	_ =	swait.ge [sflag:s12], $0x1F40  }
0x7c: {  	[sflag:s12] =	ssyncset.done $0x0  }
.Ltmp1:
0x7d: {  	s14 =	sadd.s32 $0x2980, s31;
	[sflag:s12] =	ssyncadd.s32 $0xFFFFE0C0;
	(pc) =	sbr.rel @p0 .LBB2_4-.Ltmp1, $4  }
0x7e: {  	[spmem:s2] =	stream.indirect.scatter.add.f32 [tilespmem:s0], [sflag:$0x5], $0x40, s14, s24, $0xb8;
	[tilespmem:$0x1AD00] =	vst v63  }
0x7f: {  	_ =	swait.ge [sflag:s22], $0x1F40  }
0x80: {  	[sflag:s22] =	ssyncset.done $0x0  }
0x81: {  	s31 =	sadd.s32 $0x380, s31;
	[sflag:s22] =	ssyncadd.s32 $0xFFFFE0C0  }
0x82: {  	[tilespmem:s0], [sflag:$0x4] =	stream.indirect.gather [hbm4b:s4+s24], $0x40, s31, s24, $0xb8;
	[tilespmem:$0x1AD00] =	vst v63  }
0x83: {  	_ =	swait.ge [sflag:s1], $0x1F40  }
0x84: {  	[sflag:s1] =	ssyncset.done $0x0  }
0x85: {  	s14 =	simm.s32 $0x4E00;
	[sflag:s1] =	ssyncadd.s32 $0xFFFFE0C0  }
0x86: {  	[spmem:s2] =	stream.indirect.scatter.add.f32 [tilespmem:s25], [sflag:$0x5], $0x40, s14, s24, $0xb8;
	[tilespmem:$0x1AD00] =	vst v63  }
0x87: {  	_ =	swait.ge [sflag:s22], $0x1F40  }
0x88: {  	[sflag:s22] =	ssyncset.done $0x0  }
0x89: {  	[sflag:s22] =	ssyncadd.s32 $0xFFFFE0C0  }
0x8a: {  	_ =	swait.ge [sflag:s23], $0x1F40  }
0x8b: {  	[sflag:s23] =	ssyncset.done $0x0  }
0x8c: {  	s14 =	simm.s32 $0x4E80;
	[sflag:s23] =	ssyncadd.s32 $0xFFFFE0C0  }
0x8d: {  	[spmem:s2] =	stream.indirect.scatter.add.f32 [tilespmem:s28], [sflag:$0x5], $0x40, s14, s24, $0xb8;
	[tilespmem:$0x1AD00] =	vst v63  }
0x8e: {  	_ =	swait.ge [sflag:s22], $0x1F40  }
0x8f: {  	[sflag:s22] =	ssyncset.done $0x0  }
0x90: {  	[sflag:s22] =	ssyncadd.s32 $0xFFFFE0C0  }
0x91: {  	_ =	swait.ge [sflag:s11], $0x1F40  }
0x92: {  	[sflag:s11] =	ssyncset.done $0x0  }
0x93: {  	s14 =	simm.s32 $0x4F00;
	[sflag:s11] =	ssyncadd.s32 $0xFFFFE0C0  }
0x94: {  	[spmem:s2] =	stream.indirect.scatter.add.f32 [tilespmem:s30], [sflag:$0x5], $0x40, s14, s24, $0xb8;
	[tilespmem:$0x1AD00] =	vst v63  }
0x95: {  	_ =	swait.ge [sflag:s22], $0x1F40  }
0x96: {  	[sflag:s22] =	ssyncset.done $0x0  }
0x97: {  	[sflag:s22] =	ssyncadd.s32 $0xFFFFE0C0  }
0x98: {  	_ =	swait.ge [sflag:s12], $0x1F40  }
0x99: {  	[sflag:s12] =	ssyncset.done $0x0  }
0x9a: {  	s14 =	simm.s32 $0x4F80;
	[sflag:s12] =	ssyncadd.s32 $0xFFFFE0C0  }
0x9b: {  	[spmem:s2] =	stream.indirect.scatter.add.f32 [tilespmem:s0], [sflag:$0x5], $0x40, s14, s24, $0xb8;
	[tilespmem:$0x1AD00] =	vst v63  }
0x9c: {  	_ =	swait.ge [sflag:s22], $0x1F40  }
0x9d: {  	[sflag:s22] =	ssyncset.done $0x0  }
0x9e: {  	[sflag:s22] =	ssyncadd.s32 $0xFFFFE0C0  }
0x9f: {  	[bflag:$0x0] =	sbarrier.arrive $0xFFFF  }
0xa0: {  	[tilespmem:s26], [sflag:$0x5] =	stream.linear.gather [spmem:s6], $0x2000, $0x38;
	[tilespmem:$0x1AD00] =	vst v63  }
0xa1: {  	_ =	swait.ge [sflag:s22], $0x2000  }
0xa2: {  	[sflag:s22] =	ssyncset.done $0x0;
	s14 =	rddreg [dreg:$0x5]  }
0xa3: {  	s29 =	simm.s32 $0x0;
	[sflag:s22] =	ssyncadd.s32 $0xFFFFE000;
	s14 =	sadd.s32 s14, s13  }
0xa4: {  	[hbm4b:s14+s29] =	stream.linear.scatter [tilespmem:s26], [sflag:$0x5], $0x2000, $0x38;
	[tilespmem:$0x1AD00] =	vst v63  }
0xa5: {  	_ =	swait.ge [sflag:s22], $0x2000  }
0xa6: {  	[sflag:s22] =	ssyncset.done $0x0  }
0xa7: {  	[sflag:s22] =	ssyncadd.s32 $0xFFFFE000  }
0xa8: {  	[spmem:s6] =	stream.linear.scatter [tilespmem:s21], [sflag:$0x5], $0x2000, $0x38;
	[tilespmem:$0x1AD00] =	vst v63  }
0xa9: {  	_ =	swait.ge [sflag:s22], $0x2000  }
0xaa: {  	[sflag:s22] =	ssyncset.done $0x0  }
0xab: {  	[sflag:s22] =	ssyncadd.s32 $0xFFFFE000  }
0xac: {  	[tilespmem:s26], [sflag:$0x5] =	stream.linear.gather [spmem:s7], $0x2000, $0x38;
	[tilespmem:$0x1AD00] =	vst v63  }
0xad: {  	_ =	swait.ge [sflag:s22], $0x2000  }
0xae: {  	[sflag:s22] =	ssyncset.done $0x0  }
0xaf: {  	s14 =	sadd.s32 s15, s13;
	[sflag:s22] =	ssyncadd.s32 $0xFFFFE000  }
0xb0: {  	[hbm4b:s14+s29] =	stream.linear.scatter [tilespmem:s26], [sflag:$0x5], $0x2000, $0x38;
	[tilespmem:$0x1AD00] =	vst v63  }
0xb1: {  	_ =	swait.ge [sflag:s22], $0x2000  }
0xb2: {  	[sflag:s22] =	ssyncset.done $0x0  }
0xb3: {  	[sflag:s22] =	ssyncadd.s32 $0xFFFFE000  }
0xb4: {  	[spmem:s7] =	stream.linear.scatter [tilespmem:s21], [sflag:$0x5], $0x2000, $0x38;
	[tilespmem:$0x1AD00] =	vst v63  }
0xb5: {  	_ =	swait.ge [sflag:s22], $0x2000  }
0xb6: {  	[sflag:s22] =	ssyncset.done $0x0  }
0xb7: {  	[sflag:s22] =	ssyncadd.s32 $0xFFFFE000  }
0xb8: {  	[tilespmem:s26], [sflag:$0x5] =	stream.linear.gather [spmem:s8], $0x2000, $0x38;
	[tilespmem:$0x1AD00] =	vst v63  }
0xb9: {  	_ =	swait.ge [sflag:s22], $0x2000  }
0xba: {  	[sflag:s22] =	ssyncset.done $0x0  }
0xbb: {  	s14 =	sadd.s32 s16, s13;
	[sflag:s22] =	ssyncadd.s32 $0xFFFFE000  }
0xbc: {  	[hbm4b:s14+s29] =	stream.linear.scatter [tilespmem:s26], [sflag:$0x5], $0x2000, $0x38;
	[tilespmem:$0x1AD00] =	vst v63  }
0xbd: {  	_ =	swait.ge [sflag:s22], $0x2000  }
0xbe: {  	[sflag:s22] =	ssyncset.done $0x0  }
0xbf: {  	[sflag:s22] =	ssyncadd.s32 $0xFFFFE000  }
0xc0: {  	[spmem:s8] =	stream.linear.scatter [tilespmem:s21], [sflag:$0x5], $0x2000, $0x38;
	[tilespmem:$0x1AD00] =	vst v63  }
0xc1: {  	_ =	swait.ge [sflag:s22], $0x2000  }
0xc2: {  	[sflag:s22] =	ssyncset.done $0x0  }
0xc3: {  	[sflag:s22] =	ssyncadd.s32 $0xFFFFE000  }
0xc4: {  	[tilespmem:s26], [sflag:$0x5] =	stream.linear.gather [spmem:s9], $0x2000, $0x38;
	[tilespmem:$0x1AD00] =	vst v63  }
0xc5: {  	_ =	swait.ge [sflag:s22], $0x2000  }
0xc6: {  	[sflag:s22] =	ssyncset.done $0x0  }
0xc7: {  	s14 =	sadd.s32 s17, s13;
	[sflag:s22] =	ssyncadd.s32 $0xFFFFE000  }
0xc8: {  	[hbm4b:s14+s29] =	stream.linear.scatter [tilespmem:s26], [sflag:$0x5], $0x2000, $0x38;
	[tilespmem:$0x1AD00] =	vst v63  }
0xc9: {  	_ =	swait.ge [sflag:s22], $0x2000  }
0xca: {  	[sflag:s22] =	ssyncset.done $0x0  }
0xcb: {  	[sflag:s22] =	ssyncadd.s32 $0xFFFFE000  }
0xcc: {  	[spmem:s9] =	stream.linear.scatter [tilespmem:s21], [sflag:$0x5], $0x2000, $0x38;
	[tilespmem:$0x1AD00] =	vst v63  }
0xcd: {  	_ =	swait.ge [sflag:s22], $0x2000  }
0xce: {  	[sflag:s22] =	ssyncset.done $0x0  }
0xcf: {  	[sflag:s22] =	ssyncadd.s32 $0xFFFFE000  }
0xd0: {  	[tilespmem:s26], [sflag:$0x5] =	stream.linear.gather [spmem:s10], $0x2000, $0x38;
	[tilespmem:$0x1AD00] =	vst v63  }
0xd1: {  	_ =	swait.ge [sflag:s22], $0x2000  }
0xd2: {  	[sflag:s22] =	ssyncset.done $0x0  }
0xd3: {  	s14 =	sadd.s32 s18, s13;
	[sflag:s22] =	ssyncadd.s32 $0xFFFFE000  }
0xd4: {  	[hbm4b:s14+s29] =	stream.linear.scatter [tilespmem:s26], [sflag:$0x5], $0x2000, $0x38;
	[tilespmem:$0x1AD00] =	vst v63  }
0xd5: {  	_ =	swait.ge [sflag:s22], $0x2000  }
0xd6: {  	[sflag:s22] =	ssyncset.done $0x0  }
0xd7: {  	[sflag:s22] =	ssyncadd.s32 $0xFFFFE000  }
0xd8: {  	[spmem:s10] =	stream.linear.scatter [tilespmem:s21], [sflag:$0x5], $0x2000, $0x38;
	[tilespmem:$0x1AD00] =	vst v63  }
0xd9: {  	_ =	swait.ge [sflag:s22], $0x2000  }
0xda: {  	[sflag:s22] =	ssyncset.done $0x0  }
0xdb: {  	[sflag:s22] =	ssyncadd.s32 $0xFFFFE000  }
0xdc: {  	[bflag:$0x0] =	sbarrier.arrive $0xFFFF  }
0xdd: {  	[tilespmem:s25], [sflag:$0x1] =	stream.indirect.gather [hbm4b:s5+s24], $0x40, s29, s24, $0xb8;
	[tilespmem:$0x1AD00] =	vst v63  }
0xde: {  	s14 =	simm.s32 $0x80  }
0xdf: {  	[tilespmem:s28], [sflag:$0x2] =	stream.indirect.gather [hbm4b:s5+s24], $0x40, s14, s24, $0xb8;
	[tilespmem:$0x1AD00] =	vst v63  }
0xe0: {  	s14 =	simm.s32 $0x100  }
0xe1: {  	[tilespmem:s30], [sflag:$0x3] =	stream.indirect.gather [hbm4b:s5+s24], $0x40, s14, s24, $0xb8;
	[tilespmem:$0x1AD00] =	vst v63  }
0xe2: {  	s14 =	simm.s32 $0x180  }
0xe3: {  	[tilespmem:s0], [sflag:$0x4] =	stream.indirect.gather [hbm4b:s5+s24], $0x40, s14, s24, $0xb8;
	[tilespmem:$0x1AD00] =	vst v63  }
0xe4: {  	_ =	swait.ge [sflag:s1], $0x1F40  }
0xe5: {  	[sflag:s1] =	ssyncset.done $0x0  }
0xe6: {  	s14 =	simm.s32 $0x2800;
	[sflag:s1] =	ssyncadd.s32 $0xFFFFE0C0  }
0xe7: {  	[spmem:s2] =	stream.indirect.scatter.add.f32 [tilespmem:s25], [sflag:$0x5], $0x40, s14, s24, $0xb8;
	[tilespmem:$0x1AD00] =	vst v63  }
0xe8: {  	_ =	swait.ge [sflag:s22], $0x1F40  }
0xe9: {  	[sflag:s22] =	ssyncset.done $0x0  }
0xea: {  	s14 =	simm.s32 $0x200;
	[sflag:s22] =	ssyncadd.s32 $0xFFFFE0C0  }
0xeb: {  	[tilespmem:s25], [sflag:$0x1] =	stream.indirect.gather [hbm4b:s5+s24], $0x40, s14, s24, $0xb8;
	[tilespmem:$0x1AD00] =	vst v63  }
0xec: {  	_ =	swait.ge [sflag:s23], $0x1F40  }
0xed: {  	[sflag:s23] =	ssyncset.done $0x0  }
0xee: {  	s14 =	simm.s32 $0x2880;
	[sflag:s23] =	ssyncadd.s32 $0xFFFFE0C0  }
0xef: {  	[spmem:s2] =	stream.indirect.scatter.add.f32 [tilespmem:s28], [sflag:$0x5], $0x40, s14, s24, $0xb8;
	[tilespmem:$0x1AD00] =	vst v63  }
0xf0: {  	_ =	swait.ge [sflag:s22], $0x1F40  }
0xf1: {  	[sflag:s22] =	ssyncset.done $0x0  }
0xf2: {  	s14 =	simm.s32 $0x280;
	[sflag:s22] =	ssyncadd.s32 $0xFFFFE0C0  }
0xf3: {  	[tilespmem:s28], [sflag:$0x2] =	stream.indirect.gather [hbm4b:s5+s24], $0x40, s14, s24, $0xb8;
	[tilespmem:$0x1AD00] =	vst v63  }
0xf4: {  	_ =	swait.ge [sflag:s11], $0x1F40  }
0xf5: {  	[sflag:s11] =	ssyncset.done $0x0  }
0xf6: {  	s14 =	simm.s32 $0x2900;
	[sflag:s11] =	ssyncadd.s32 $0xFFFFE0C0  }
0xf7: {  	[spmem:s2] =	stream.indirect.scatter.add.f32 [tilespmem:s30], [sflag:$0x5], $0x40, s14, s24, $0xb8;
	[tilespmem:$0x1AD00] =	vst v63  }
0xf8: {  	_ =	swait.ge [sflag:s22], $0x1F40  }
0xf9: {  	[sflag:s22] =	ssyncset.done $0x0  }
0xfa: {  	s14 =	simm.s32 $0x300;
	[sflag:s22] =	ssyncadd.s32 $0xFFFFE0C0  }
0xfb: {  	[tilespmem:s30], [sflag:$0x3] =	stream.indirect.gather [hbm4b:s5+s24], $0x40, s14, s24, $0xb8;
	[tilespmem:$0x1AD00] =	vst v63  }
0xfc: {  	_ =	swait.ge [sflag:s12], $0x1F40  }
0xfd: {  	[sflag:s12] =	ssyncset.done $0x0  }
0xfe: {  	s14 =	simm.s32 $0x2980;
	[sflag:s12] =	ssyncadd.s32 $0xFFFFE0C0  }
0xff: {  	[spmem:s2] =	stream.indirect.scatter.add.f32 [tilespmem:s0], [sflag:$0x5], $0x40, s14, s24, $0xb8;
	[tilespmem:$0x1AD00] =	vst v63  }
0x100: {  	_ =	swait.ge [sflag:s22], $0x1F40  }
0x101: {  	[sflag:s22] =	ssyncset.done $0x0  }
0x102: {  	s31 =	simm.s32 $0x380;
	s29 =	simm.s32 $0x800;
	[sflag:s22] =	ssyncadd.s32 $0xFFFFE0C0  }
.LBB2_6:
0x103: {  	[tilespmem:s0], [sflag:$0x4] =	stream.indirect.gather [hbm4b:s5+s24], $0x40, s31, s24, $0xb8;
	[tilespmem:$0x1AD00] =	vst v63  }
0x104: {  	s14 =	smov.u32 s29  }
0x105: {  	p0 =	sne.s32 s29, $0x9000;
	s29 =	sadd.s32 $0x800, s29;
	_ =	swait.ge [sflag:s1], $0x1F40  }
0x106: {  	s31 =	sshra.s32 s14, $0x2;
	[sflag:s1] =	ssyncset.done $0x0  }
0x107: {  	s14 =	sadd.s32 $0x2800, s31;
	[sflag:s1] =	ssyncadd.s32 $0xFFFFE0C0  }
0x108: {  	[spmem:s2] =	stream.indirect.scatter.add.f32 [tilespmem:s25], [sflag:$0x5], $0x40, s14, s24, $0xb8;
	[tilespmem:$0x1AD00] =	vst v63  }
0x109: {  	_ =	swait.ge [sflag:s22], $0x1F40  }
0x10a: {  	[sflag:s22] =	ssyncset.done $0x0  }
0x10b: {  	s14 =	sadd.s32 $0x200, s31;
	[sflag:s22] =	ssyncadd.s32 $0xFFFFE0C0  }
0x10c: {  	[tilespmem:s25], [sflag:$0x1] =	stream.indirect.gather [hbm4b:s5+s24], $0x40, s14, s24, $0xb8;
	[tilespmem:$0x1AD00] =	vst v63  }
0x10d: {  	_ =	swait.ge [sflag:s23], $0x1F40  }
0x10e: {  	[sflag:s23] =	ssyncset.done $0x0  }
0x10f: {  	s14 =	sadd.s32 $0x2880, s31;
	[sflag:s23] =	ssyncadd.s32 $0xFFFFE0C0  }
0x110: {  	[spmem:s2] =	stream.indirect.scatter.add.f32 [tilespmem:s28], [sflag:$0x5], $0x40, s14, s24, $0xb8;
	[tilespmem:$0x1AD00] =	vst v63  }
0x111: {  	_ =	swait.ge [sflag:s22], $0x1F40  }
0x112: {  	[sflag:s22] =	ssyncset.done $0x0  }
0x113: {  	s14 =	sadd.s32 $0x280, s31;
	[sflag:s22] =	ssyncadd.s32 $0xFFFFE0C0  }
0x114: {  	[tilespmem:s28], [sflag:$0x2] =	stream.indirect.gather [hbm4b:s5+s24], $0x40, s14, s24, $0xb8;
	[tilespmem:$0x1AD00] =	vst v63  }
0x115: {  	_ =	swait.ge [sflag:s11], $0x1F40  }
0x116: {  	[sflag:s11] =	ssyncset.done $0x0  }
0x117: {  	s14 =	sadd.s32 $0x2900, s31;
	[sflag:s11] =	ssyncadd.s32 $0xFFFFE0C0  }
0x118: {  	[spmem:s2] =	stream.indirect.scatter.add.f32 [tilespmem:s30], [sflag:$0x5], $0x40, s14, s24, $0xb8;
	[tilespmem:$0x1AD00] =	vst v63  }
0x119: {  	_ =	swait.ge [sflag:s22], $0x1F40  }
0x11a: {  	[sflag:s22] =	ssyncset.done $0x0  }
0x11b: {  	s14 =	sadd.s32 $0x300, s31;
	[sflag:s22] =	ssyncadd.s32 $0xFFFFE0C0  }
0x11c: {  	[tilespmem:s30], [sflag:$0x3] =	stream.indirect.gather [hbm4b:s5+s24], $0x40, s14, s24, $0xb8;
	[tilespmem:$0x1AD00] =	vst v63  }
0x11d: {  	_ =	swait.ge [sflag:s12], $0x1F40  }
0x11e: {  	[sflag:s12] =	ssyncset.done $0x0  }
.Ltmp2:
0x11f: {  	s14 =	sadd.s32 $0x2980, s31;
	[sflag:s12] =	ssyncadd.s32 $0xFFFFE0C0;
	(pc) =	sbr.rel @p0 .LBB2_6-.Ltmp2, $4  }
0x120: {  	[spmem:s2] =	stream.indirect.scatter.add.f32 [tilespmem:s0], [sflag:$0x5], $0x40, s14, s24, $0xb8;
	[tilespmem:$0x1AD00] =	vst v63  }
0x121: {  	_ =	swait.ge [sflag:s22], $0x1F40  }
0x122: {  	[sflag:s22] =	ssyncset.done $0x0  }
0x123: {  	s31 =	sadd.s32 $0x380, s31;
	[sflag:s22] =	ssyncadd.s32 $0xFFFFE0C0  }
0x124: {  	[tilespmem:s0], [sflag:$0x4] =	stream.indirect.gather [hbm4b:s5+s24], $0x40, s31, s24, $0xb8;
	[tilespmem:$0x1AD00] =	vst v63  }
0x125: {  	_ =	swait.ge [sflag:s1], $0x1F40  }
0x126: {  	[sflag:s1] =	ssyncset.done $0x0  }
0x127: {  	s14 =	simm.s32 $0x4E00;
	[sflag:s1] =	ssyncadd.s32 $0xFFFFE0C0  }
0x128: {  	[spmem:s2] =	stream.indirect.scatter.add.f32 [tilespmem:s25], [sflag:$0x5], $0x40, s14, s24, $0xb8;
	[tilespmem:$0x1AD00] =	vst v63  }
0x129: {  	_ =	swait.ge [sflag:s22], $0x1F40  }
0x12a: {  	[sflag:s22] =	ssyncset.done $0x0  }
0x12b: {  	[sflag:s22] =	ssyncadd.s32 $0xFFFFE0C0  }
0x12c: {  	_ =	swait.ge [sflag:s23], $0x1F40  }
0x12d: {  	[sflag:s23] =	ssyncset.done $0x0  }
0x12e: {  	s31 =	simm.s32 $0x4E80;
	[sflag:s23] =	ssyncadd.s32 $0xFFFFE0C0  }
0x12f: {  	[spmem:s2] =	stream.indirect.scatter.add.f32 [tilespmem:s28], [sflag:$0x5], $0x40, s31, s24, $0xb8;
	[tilespmem:$0x1AD00] =	vst v63  }
0x130: {  	_ =	swait.ge [sflag:s22], $0x1F40  }
0x131: {  	[sflag:s22] =	ssyncset.done $0x0  }
0x132: {  	[sflag:s22] =	ssyncadd.s32 $0xFFFFE0C0  }
0x133: {  	_ =	swait.ge [sflag:s11], $0x1F40  }
0x134: {  	[sflag:s11] =	ssyncset.done $0x0  }
0x135: {  	s29 =	simm.s32 $0x4F00;
	[sflag:s11] =	ssyncadd.s32 $0xFFFFE0C0  }
0x136: {  	[spmem:s2] =	stream.indirect.scatter.add.f32 [tilespmem:s30], [sflag:$0x5], $0x40, s29, s24, $0xb8;
	[tilespmem:$0x1AD00] =	vst v63  }
0x137: {  	_ =	swait.ge [sflag:s22], $0x1F40  }
0x138: {  	[sflag:s22] =	ssyncset.done $0x0  }
0x139: {  	[sflag:s22] =	ssyncadd.s32 $0xFFFFE0C0  }
0x13a: {  	_ =	swait.ge [sflag:s12], $0x1F40  }
0x13b: {  	[sflag:s12] =	ssyncset.done $0x0  }
0x13c: {  	s31 =	simm.s32 $0x4F80;
	[sflag:s12] =	ssyncadd.s32 $0xFFFFE0C0  }
0x13d: {  	[spmem:s2] =	stream.indirect.scatter.add.f32 [tilespmem:s0], [sflag:$0x5], $0x40, s31, s24, $0xb8;
	[tilespmem:$0x1AD00] =	vst v63  }
0x13e: {  	_ =	swait.ge [sflag:s22], $0x1F40  }
0x13f: {  	[sflag:s22] =	ssyncset.done $0x0  }
0x140: {  	[sflag:s22] =	ssyncadd.s32 $0xFFFFE0C0  }
0x141: {  	[bflag:$0x0] =	sbarrier.arrive $0xFFFF  }
0x142: {  	[tilespmem:s26], [sflag:$0x5] =	stream.linear.gather [spmem:s6], $0x2000, $0x38;
	[tilespmem:$0x1AD00] =	vst v63  }
0x143: {  	_ =	swait.ge [sflag:s22], $0x2000  }
0x144: {  	[sflag:s22] =	ssyncset.done $0x0;
	s29 =	rddreg [dreg:$0x5]  }
0x145: {  	[sflag:s22] =	ssyncadd.s32 $0xFFFFE000;
	s14 =	sadd.s32 s29, s19  }
0x146: {  	[hbm4b:s14+s3] =	stream.linear.scatter [tilespmem:s26], [sflag:$0x5], $0x2000, $0x38;
	[tilespmem:$0x1AD00] =	vst v63  }
0x147: {  	_ =	swait.ge [sflag:s22], $0x2000  }
0x148: {  	[sflag:s22] =	ssyncset.done $0x0  }
0x149: {  	[sflag:s22] =	ssyncadd.s32 $0xFFFFE000  }
0x14a: {  	[tilespmem:s26], [sflag:$0x5] =	stream.linear.gather [spmem:s7], $0x2000, $0x38;
	[tilespmem:$0x1AD00] =	vst v63  }
0x14b: {  	_ =	swait.ge [sflag:s22], $0x2000  }
0x14c: {  	[sflag:s22] =	ssyncset.done $0x0  }
0x14d: {  	s31 =	sadd.s32 s15, s19;
	[sflag:s22] =	ssyncadd.s32 $0xFFFFE000  }
0x14e: {  	[hbm4b:s31+s3] =	stream.linear.scatter [tilespmem:s26], [sflag:$0x5], $0x2000, $0x38;
	[tilespmem:$0x1AD00] =	vst v63  }
0x14f: {  	_ =	swait.ge [sflag:s22], $0x2000  }
0x150: {  	[sflag:s22] =	ssyncset.done $0x0  }
0x151: {  	[sflag:s22] =	ssyncadd.s32 $0xFFFFE000  }
0x152: {  	[tilespmem:s26], [sflag:$0x5] =	stream.linear.gather [spmem:s8], $0x2000, $0x38;
	[tilespmem:$0x1AD00] =	vst v63  }
0x153: {  	_ =	swait.ge [sflag:s22], $0x2000  }
0x154: {  	[sflag:s22] =	ssyncset.done $0x0  }
0x155: {  	s29 =	sadd.s32 s16, s19;
	[sflag:s22] =	ssyncadd.s32 $0xFFFFE000  }
0x156: {  	[hbm4b:s29+s3] =	stream.linear.scatter [tilespmem:s26], [sflag:$0x5], $0x2000, $0x38;
	[tilespmem:$0x1AD00] =	vst v63  }
0x157: {  	_ =	swait.ge [sflag:s22], $0x2000  }
0x158: {  	[sflag:s22] =	ssyncset.done $0x0  }
0x159: {  	[sflag:s22] =	ssyncadd.s32 $0xFFFFE000  }
0x15a: {  	[tilespmem:s26], [sflag:$0x5] =	stream.linear.gather [spmem:s9], $0x2000, $0x38;
	[tilespmem:$0x1AD00] =	vst v63  }
0x15b: {  	_ =	swait.ge [sflag:s22], $0x2000  }
0x15c: {  	[sflag:s22] =	ssyncset.done $0x0  }
0x15d: {  	s31 =	sadd.s32 s17, s19;
	[sflag:s22] =	ssyncadd.s32 $0xFFFFE000  }
0x15e: {  	[hbm4b:s31+s3] =	stream.linear.scatter [tilespmem:s26], [sflag:$0x5], $0x2000, $0x38;
	[tilespmem:$0x1AD00] =	vst v63  }
0x15f: {  	_ =	swait.ge [sflag:s22], $0x2000  }
0x160: {  	[sflag:s22] =	ssyncset.done $0x0  }
0x161: {  	[sflag:s22] =	ssyncadd.s32 $0xFFFFE000  }
0x162: {  	[tilespmem:s26], [sflag:$0x5] =	stream.linear.gather [spmem:s10], $0x2000, $0x38;
	[tilespmem:$0x1AD00] =	vst v63  }
0x163: {  	_ =	swait.ge [sflag:s22], $0x2000  }
0x164: {  	[sflag:s22] =	ssyncset.done $0x0  }
0x165: {  	s29 =	sadd.s32 s18, s19;
	[sflag:s22] =	ssyncadd.s32 $0xFFFFE000  }
0x166: {  	[hbm4b:s29+s3] =	stream.linear.scatter [tilespmem:s26], [sflag:$0x5], $0x2000, $0x38;
	[tilespmem:$0x1AD00] =	vst v63  }
0x167: {  	_ =	swait.ge [sflag:s22], $0x2000  }
0x168: {  	s20 =	sadd.s32 $0x1, s20;
	s31 =	rddreg [dreg:$0x6]  }
0x169: {  	p0 =	sne.s32 s20, s31  }
.Ltmp3:
0x16a: {  	_ = 	snop;
	(pc) =	sbr.rel @p0 .LBB2_1-.Ltmp3, $3  }
0x16b: {  	_ =	sdelay $0x1  }
0x16c: {  	[sflag:s22] =	ssyncset.done $0x0  }
0x16d: {  	[sflag:s22] =	ssyncadd.s32 $0xFFFFE000  }
0x16e: {  	_ =	sfence.sel $0x180000  }
0x16f: {  	[bflag:$0x0] =	sbarrier.arrive $0xFFFF  }
0x170: {  	_ =	strace $0x90000047  }
0x171: {  	s0 =	stileid.u32;
	[bflag:$0x2] =	sbarrier.arrive $0xFFFF  }
0x172: {  	p0 =	sne.s32 s0, $0x0;
	s0 =	rddreg [dreg:$0x2]  }
0x173: {  	s0 =	sadd.s32 @!p0 $0x100000, s0  }
0x174: {  	[sflag:s0] =	ssyncadd.tile.s32 @!p0 $0x1;
	_ =	shalt  }
.Lfunc_end2:
_tile_overlayer_lowered:
.L_overlay_start_2:
0x175: {  	(tag) =	ssettag $0x2  }
0x176: {  	s0 =	rddreg [dreg:$0x0];
	s2 =	stileid.u32  }
0x177: {  	s1 =	rddreg [dreg:$0x1];
	p0 =	sne.s32 s2, $0x0  }
0x178: {  	s3 =	rddreg [dreg:$0x2];
	[bflag:$0x3] =	sbarrier.arrive $0xFFFF;
	s2 =	simm.s32 @!p0 $0x1C05  }
0x179: {  	[timem:s3], [sflag:s2] =	dma.local @!p0 [hbm:s0], s1  }
0x17a: {  	s0 =	simm.s32 @!p0 $0x5  }
0x17b: {  	_ =	swait.ge @!p0 [sflag:s0], s1  }
0x17c: {  	s1 =	ssub.s32 @!p0 $0x0, s1;
	[sflag:s0] =	ssyncset.done @!p0 $0x0  }
0x17d: {  	[sflag:s0] =	ssyncadd.s32 @!p0 s1  }
0x17e: {  	[bflag:$0x3] =	sbarrier.arrive $0xFFFF  }
0x17f: {  	_ =	shalt  }

// kernel: kernel.14.cloned.1.call-start
scs
__scs_entry_jumppad:
0x0: {  	(pc) =	sbr.rel $0x88, $3  }
0x1: {  	(tag) =	ssettag $0x0;
	lr =	simm.s32 $0x1  }
0x2: {  	[smem:$0x3F97] =	sst lr;
	_ =	strace $0xD0000000  }
0x3: {  	_ = 	snop  }
0x4: {  	_ = 	snop  }
0x5: {  	_ = 	snop  }
0x6: {  	_ = 	snop  }
0x7: {  	_ = 	snop  }
__scs_overlays_trampoline_lowered:
0x8: {  	[smem:$0x3FA6] =	sst s0  }
0x9: {  	[smem:$0x3FA7] =	sst s1  }
0xa: {  	[smem:$0x3FA8] =	sst s2  }
0xb: {  	[smem:$0x3FA9] =	sst s3  }
0xc: {  	[smem:$0x3FAA] =	sst s4  }
0xd: {  	[smem:$0x3FAB] =	sst s5  }
0xe: {  	[smem:$0x3FAC] =	sst s6  }
0xf: {  	[smem:$0x3FAD] =	sst s7  }
0x10: {  	[smem:$0x3FAE] =	sst s8  }
0x11: {  	[smem:$0x3FAF] =	sst s9;
	s0 =	simm.s32 @!p0 $0x0  }
0x12: {  	s1 =	sld [smem:$0x3F95];
	s0 =	simm.s32 @p0 $0x1  }
0x13: {  	[smem:$0x3FB0] =	sst s0;
	s0 =	simm.s32 @!p1 $0x0  }
0x14: {  	s2 =	sld [smem:$0x3F94];
	s0 =	simm.s32 @p1 $0x1  }
0x15: {  	[smem:$0x3FB1] =	sst s0;
	s0 =	simm.s32 @!p2 $0x0  }
0x16: {  	s3 =	sld [smem:$0x3FDB];
	s0 =	simm.s32 @p2 $0x1  }
0x17: {  	s4 =	simm.s32 $0x1BF5;
	[smem:$0x3FB3] =	sst s0  }
0x18: {  	s0 =	sld [smem:$0x3F96];
	_ =	swait.ge [sflag:s4], $0x0  }
0x19: {  	s7 =	sld [smem:$0x3F97]  }
0x1a: {  	s8 =	sadd.s32 $0xFFFFE003, lr  }
0x1b: {  	s9 =	sadd.s32 $0xFFFFFEF7, lr;
	s5 =	simm.s32 $0xFFFFFFFF;
	p2 =	slt.u32 s8, $0xFFFFF086  }
0x1c: {  	p1 =	slt.u32 s9, $0xF7A;
	s5 =	simm.s32 @!p2 $0x0  }
0x1d: {  	s5 =	simm.s32 @p1 $0x1;
	p0 =	seq.s32 s7, s2  }
0x1e: {  	s7 =	smul.u32 @!p0 $0xF7A, s2;
	p2 =	seq.s32 @!p0 s5, $0x0  }
0x1f: {  	s9 =	smul.u32 $0xF7A, s1;
	s8 =	simm.s32 @!p0 $0x1BF5;
	p2 =	por !p2, p0  }
0x20: {  	[sflag:s8] =	ssyncset.s32 @!p0 $0xFFFFF086;
	s6 =	sadd.s32 @!p0 s3, s7;
	s7 =	simm.s32 @!p0 $0x108  }
0x21: {  	s3 =	sadd.s32 s3, s9;
	s6 =	sadd.s32 @!p0 $0x88, s6;
	s7 =	simm.s32 @p2 $0x1082  }
0x22: {  	[simem:s7], [sflag:s8] =	dma.local @!p0 [hbm:s6], $0xF7A  }
0x23: {  	s9 =	sor.u32 $0xD0000000, s2;
	s6 =	simm.s32 $0x108;
	_ =	swait.ge @!p0 [sflag:s8], $0x0  }
0x24: {  	s3 =	sadd.s32 $0x88, s3;
	s6 =	simm.s32 @!p1 $0x1082;
	[sflag:s4] =	ssyncset.s32 $0xFFFFF086  }
0x25: {  	[simem:s6], [sflag:s4] =	dma.local [hbm:s3], $0xF7A  }
0x26: {  	[smem:$0x3F97] =	sst s1;
	(tag) =	ssettag s2;
	_ =	strace s9  }
0x27: {  	s1 =	sld [smem:$0x3FA7]  }
0x28: {  	s2 =	sld [smem:$0x3FA8]  }
0x29: {  	s4 =	sld [smem:$0x3FAA]  }
0x2a: {  	p0 =	seq.s32 s5, $0x0;
	s5 =	sld [smem:$0x3FAB]  }
0x2b: {  	s6 =	sld [smem:$0x3FAC]  }
0x2c: {  	s7 =	sld [smem:$0x3FAD]  }
0x2d: {  	s3 =	simm.s32 $0x108;
	s8 =	sld [smem:$0x3FAE]  }
0x2e: {  	s3 =	simm.s32 @!p0 $0x1082;
	s9 =	sld [smem:$0x3FAF]  }
0x2f: {  	lr =	sadd.s32 s0, s3;
	s0 =	sld [smem:$0x3FA6]  }
0x30: {  	s3 =	sld [smem:$0x3FA9]  }
0x31: {  	[smem:$0x3FB2] =	sst s10  }
0x32: {  	s10 =	sld [smem:$0x3FB0];
	_ =	sdelay $0x3  }
0x33: {  	p0 =	seq.s32 s10, $0x1;
	s10 =	sld [smem:$0x3FB2];
	_ =	sdelay $0x3  }
0x34: {  	[smem:$0x3FB2] =	sst s10  }
0x35: {  	s10 =	sld [smem:$0x3FB1];
	_ =	sdelay $0x3  }
0x36: {  	p1 =	seq.s32 s10, $0x1;
	s10 =	sld [smem:$0x3FB2];
	_ =	sdelay $0x3  }
0x37: {  	[smem:$0x3FB2] =	sst s10  }
0x38: {  	s10 =	sld [smem:$0x3FB3]  }
0x39: {  	_ = 	snop;
	(pc) =	sbr.ind lr, $3  }
0x3a: {  	_ = 	snop  }
0x3b: {  	_ = 	snop  }
0x3c: {  	p2 =	seq.s32 s10, $0x1;
	s10 =	sld [smem:$0x3FB2]  }
0x3d: {  	_ =	shalt  }
0x3e: {  	_ =	shalt  }
0x3f: {  	_ =	shalt  }
0x40: {  	_ =	shalt  }
0x41: {  	_ =	shalt  }
0x42: {  	_ =	shalt  }
0x43: {  	_ =	shalt  }
0x44: {  	_ =	shalt  }
0x45: {  	_ =	shalt  }
0x46: {  	_ =	shalt  }
0x47: {  	_ =	shalt  }
0x48: {  	_ =	shalt  }
0x49: {  	_ =	shalt  }
0x4a: {  	_ =	shalt  }
0x4b: {  	_ =	shalt  }
0x4c: {  	_ =	shalt  }
0x4d: {  	_ =	shalt  }
0x4e: {  	_ =	shalt  }
0x4f: {  	_ =	shalt  }
0x50: {  	_ =	shalt  }
0x51: {  	_ =	shalt  }
0x52: {  	_ =	shalt  }
0x53: {  	_ =	shalt  }
0x54: {  	_ =	shalt  }
0x55: {  	_ =	shalt  }
0x56: {  	_ =	shalt  }
0x57: {  	_ =	shalt  }
0x58: {  	_ =	shalt  }
0x59: {  	_ =	shalt  }
0x5a: {  	_ =	shalt  }
0x5b: {  	_ =	shalt  }
0x5c: {  	_ =	shalt  }
0x5d: {  	_ =	shalt  }
0x5e: {  	_ =	shalt  }
0x5f: {  	_ =	shalt  }
0x60: {  	_ =	shalt  }
0x61: {  	_ =	shalt  }
0x62: {  	_ =	shalt  }
0x63: {  	_ =	shalt  }
0x64: {  	_ =	shalt  }
0x65: {  	_ =	shalt  }
0x66: {  	_ =	shalt  }
0x67: {  	_ =	shalt  }
0x68: {  	_ =	shalt  }
0x69: {  	_ =	shalt  }
0x6a: {  	_ =	shalt  }
0x6b: {  	_ =	shalt  }
0x6c: {  	_ =	shalt  }
0x6d: {  	_ =	shalt  }
0x6e: {  	_ =	shalt  }
0x6f: {  	_ =	shalt  }
0x70: {  	_ =	shalt  }
0x71: {  	_ =	shalt  }
0x72: {  	_ =	shalt  }
0x73: {  	_ =	shalt  }
0x74: {  	_ =	shalt  }
0x75: {  	_ =	shalt  }
0x76: {  	_ =	shalt  }
0x77: {  	_ =	shalt  }
0x78: {  	_ =	shalt  }
0x79: {  	_ =	shalt  }
0x7a: {  	_ =	shalt  }
0x7b: {  	_ =	shalt  }
0x7c: {  	_ =	shalt  }
0x7d: {  	_ =	shalt  }
0x7e: {  	_ =	shalt  }
0x7f: {  	_ =	shalt  }
0x80: {  	_ =	shalt  }
0x81: {  	_ =	shalt  }
0x82: {  	_ =	shalt  }
0x83: {  	_ =	shalt  }
0x84: {  	_ =	shalt  }
0x85: {  	_ =	shalt  }
0x86: {  	_ =	shalt  }
0x87: {  	_ =	shalt  }
.Lfunc_end0:
.L_simem_size_0:
called_computation.2_lowered:
.L_overlay_start_0:
0x88: {  	s2 =	sld [smem:$0x3FD9]  }
0x89: {  	s3 =	sld [smem:$0x3FFE];
	_ =	sdelay $0x1  }
0x8a: {  	s1 =	srdreg.scid  }
0x8b: {  	s0 =	sand.u32 $0x1, s1  }
0x8c: {  	s16 =	sshll.u32 s0, $0xA;
	s2 =	sadd.s32 s3, s2  }
0x8d: {  	s2 =	sadd.s32 s2, s16  }
0x8e: {  	[smem:$0x3FBE] =	sst s2  }
0x8f: {  	_ = 	snop  }
0x90: {  	(tm) =	ssettm $0x1  }
0x91: {  	s17 =	sld [smem:$0x3FFB];
	_ =	sdelay $0x3  }
0x92: {  	_ =	strace s17  }
0x93: {  	s2 =	sld [smem:$0x3FFC];
	_ =	sdelay $0x3  }
0x94: {  	_ =	strace s2  }
0x95: {  	s2 =	sld [smem:$0x3FFD];
	_ =	sdelay $0x3  }
0x96: {  	_ =	strace s2  }
0x97: {  	_ =	strace $0x8FFFFFFF  }
0x98: {  	s18 =	sld [smem:$0x3FDB];
	_ =	sdelay $0x1  }
0x99: {  	s19 =	simm.s32 $_scs_section_size  }
0x9a: {  	s4 =	simm.s32 $_size__tile_overlayer_lowered;
	s5 =	simm.s32 $_tile_overlayer_lowered  }
0x9b: {  	s22 =	simm.s32 $0x1BFF;
	s21 =	sshll.u32 s5, $0x1;
	s2 =	sadd.s32 s19, s18  }
0x9c: {  	s6 =	simm.s32 $0x0;
	s20 =	sshll.u32 s4, $0x1;
	s4 =	sadd.s32 s21, s2  }
0x9d: {  	[timem:s6], [sflag:s22] =	dma.local [hbm:s4], s20  }
0x9e: {  	_ =	swait.ge [sflag:s22], s20  }
0x9f: {  	s3 =	ssub.s32 $0x0, s20;
	[sflag:s22] =	ssyncset.done $0x0  }
0xa0: {  	[sflag:s22] =	ssyncadd.s32 s3;
	_ =	sdelay $0x1  }
0xa1: {  	s23 =	simm.s32 $0x1B8B  }
0xa2: {  	_ =	swait.ge [sflag:s23], $0x1  }
0xa3: {  	[sflag:s23] =	ssyncset.done $0x0  }
0xa4: {  	s25 =	simm.s32 $0x1B8E;
	s24 =	sld [smem:$0x3FFE];
	[sflag:s23] =	ssyncadd.s32 $0xFFFFFFFF  }
0xa5: {  	s26 =	simm.s32 $execute0_lowered;
	[smem:$0x3FD2] =	sst s25  }
0xa6: {  	s4 =	sshll.u32 s26, $0x1;
	_ =	strace $0x8000004C;
	[dreg:$0x1] =	wrdreg $0xFFFFFFFF  }
0xa7: {  	s28 =	simm.s32 $_size_execute0_lowered;
	s2 =	sadd.s32 s2, s4;
	[dreg:$0x0] =	wrdreg $0x0  }
0xa8: {  	s4 =	sshll.u32 s28, $0x1;
	[dreg:$0x2] =	wrdreg s2  }
0xa9: {  	[dreg:$0x3] =	wrdreg s4  }
0xaa: {  	[dreg:$0x4] =	wrdreg $0xC0  }
0xab: {  	_ =	task [dreg:s6], $0x5FFFF  }
0xac: {  	[dreg:$0x1] =	wrdreg $0xFFFFFFFF  }
0xad: {  	[dreg:$0x0] =	wrdreg $0x60  }
0xae: {  	[dreg:$0x2] =	wrdreg s24  }
0xaf: {  	[dreg:$0x3] =	wrdreg $0x10D000  }
0xb0: {  	[dreg:$0x4] =	wrdreg $0x9  }
0xb1: {  	_ =	task.clear_ibuf [dreg:s6], $0x5FFFF;
	_ =	strace $0x9000004C  }
0xb2: {  	s29 =	simm.s32 $0x9;
	_ =	strace $0x8000004E  }
0xb3: {  	_ =	swait.ge [sflag:s29], $0x1  }
0xb4: {  	[sflag:s29] =	ssyncadd.s32 $0xFFFFFFFF  }
0xb5: {  	_ =	strace $0x9000004E  }
0xb6: {  	_ =	sfence  }
0xb7: {  	s30 =	sld [smem:$0x0];
	_ =	sdelay $0x2  }
0xb8: {  	s31 =	sshll.u32 s1, $0xD;
	s1 =	sshrl.u32 s1, $0x2  }
0xb9: {  	s3 =	sand.u32 $0x4000, s31;
	s1 =	sadd.s32 s1, s30  }
0xba: {  	s0 =	sor.u32 s3, s0;
	s1 =	sshll.u32 s1, $0x11  }
0xbb: {  	s0 =	sor.u32 s1, s0  }
0xbc: {  	s0 =	sadd.s32 $0x8F2B, s0  }
0xbd: {  	[sflag:s0] =	ssyncadd.remote.s32 $0x1  }
0xbe: {  	_ =	sfence.sel $0xFFFF  }
0xbf: {  	[dreg:$0x0] =	wrdreg $0xFFFFFFFF;
	(pc) =	sbr.abs _section_cstart, $3  }
0xc0: {  	[dreg:$0x1] =	wrdreg $0xFFFFFFFF  }
0xc1: {  	_ =	task.clear_ibuf [dreg:s6], $0x2FFFF;
	_ =	strace $0x9FFFFFFF  }
0xc2: {  	(tm) =	ssettm $0x7FFFFFFF  }
0xc3: {  	_ =	shalt  }
tec
execute0_lowered:
.L_overlay_start_1:
0x0: {  	(tag) =	ssettag $0x1  }
0x1: {  	s0 =	srdreg.scid;
	s1 =	rddreg [dreg:$0x0]  }
0x2: {  	s2 =	rddreg [dreg:$0x1];
	s5 =	stileid.u32;
	s3 =	simm.s32 $0x0  }
0x3: {  	s21 =	simm.s32 $0xCD00;
	s22 =	simm.s32 $0x5;
	s24 =	simm.s32 $0x7D  }
0x4: {  	s25 =	simm.s32 $0x5000;
	s28 =	simm.s32 $0x6F40;
	s30 =	simm.s32 $0x8E80  }
0x5: {  	s23 =	simm.s32 $0x2;
	s26 =	simm.s32 $0xED00;
	s20 =	simm.s32 $0x0  }
0x6: {  	s0 =	sand.u32 $0x1, s0;
	[smem:$0x7FF] =	sst s3;
	s11 =	smul.u32 $0xA000, s5  }
0x7: {  	s4 =	sshll.u32 s0, $0x4;
	_ =	strace $0x8000004D;
	s7 =	smul.u32 $0x14000, s0  }
0x8: {  	s0 =	ssub.s32 $0x2, s0;
	s4 =	sor.u32 s5, s4;
	s5 =	sadd.s32 $0x16C00, s1  }
0x9: {  	s31 =	sshrl.u32 s0, $0x1;
	s15 =	sadd.s32 $0x2000, s11;
	s16 =	sadd.s32 $0x4000, s11  }
0xa: {  	s17 =	sadd.s32 $0x6000, s11;
	s18 =	sadd.s32 $0x8000, s11;
	s6 =	smul.u32 $0x500, s4  }
0xb: {  	s4 =	sadd.s32 $0x2A600, s1;
	s0 =	ssub.s32 s0, s31;
	s8 =	sadd.s32 s16, s2  }
0xc: {  	s9 =	sadd.s32 s17, s2;
	s10 =	sadd.s32 s18, s2;
	s16 =	sshrl.u32 s16, $0x3  }
0xd: {  	s17 =	sshrl.u32 s17, $0x3;
	s18 =	sshrl.u32 s18, $0x3;
	s0 =	smax.u32 s0, $0x1  }
0xe: {  	s12 =	sadd.s32 s6, s1;
	s1 =	sadd.s32 s7, s1;
	s6 =	sadd.s32 s11, s2  }
0xf: {  	s7 =	sadd.s32 s15, s2;
	s11 =	sshrl.u32 s11, $0x3;
	[dreg:$0x6] =	wrdreg s0  }
0x10: {  	s15 =	sshrl.u32 s15, $0x3;
	s13 =	sadd.s32 $0xCC00, s12;
	[dreg:$0x5] =	wrdreg s11  }
0x11: {  	s0 =	simm.s32 $0xADC0;
	s12 =	sadd.s32 $0x2C00, s12;
	[dreg:$0x3] =	wrdreg s13  }
0x12: {  	s19 =	sadd.s32 $0x3E000, s1;
	s11 =	simm.s32 $0x3;
	[dreg:$0x4] =	wrdreg s12  }
0x13: {  	v0 =	vimm.f32 $0.0e+00;
	s13 =	sadd.s32 $0x66000, s1;
	s1 =	simm.s32 $0x1;
	s12 =	simm.s32 $0x4  }
.LBB2_1:
0x14: {  	s31 =	simm.s32 $0x100;
	s29 =	simm.s32 $0x0  }
.LBB2_2:
0x15: {  	p0 =	sne.s32 s31, $0x7F00;
	[tilespmem:s29+$0xCD30] =	vst v0;
	s14 =	smov.u32 s31;
	s31 =	sadd.s32 $0x100, s31  }
.Ltmp0:
0x16: {  	[tilespmem:s29+$0xCD20] =	vst v0;
	(pc) =	sbr.rel @p0 .LBB2_2-.Ltmp0, $3  }
0x17: {  	[tilespmem:s29+$0xCD00] =	vst v0  }
0x18: {  	[tilespmem:s29+$0xCD10] =	vst v0;
	_ =	sdelay $0x1  }
0x19: {  	s29 =	sshra.s32 s14, $0x2  }
0x1a: {  	[tilespmem:s29+$0xCD30] =	vst v0  }
0x1b: {  	[tilespmem:s29+$0xCD20] =	vst v0  }
0x1c: {  	[tilespmem:s29+$0xCD00] =	vst v0  }
0x1d: {  	[tilespmem:s29+$0xCD10] =	vst v0  }
0x1e: {  	[spmem:s6] =	stream.linear.scatter [tilespmem:s21], [sflag:$0x5], $0x2000, $0x38;
	[tilespmem:$0x1AD00] =	vst v63  }
0x1f: {  	_ =	swait.ge [sflag:s22], $0x2000  }
0x20: {  	[sflag:s22] =	ssyncset.done $0x0  }
0x21: {  	[sflag:s22] =	ssyncadd.s32 $0xFFFFE000  }
0x22: {  	[spmem:s7] =	stream.linear.scatter [tilespmem:s21], [sflag:$0x5], $0x2000, $0x38;
	[tilespmem:$0x1AD00] =	vst v63  }
0x23: {  	_ =	swait.ge [sflag:s22], $0x2000  }
0x24: {  	[sflag:s22] =	ssyncset.done $0x0  }
0x25: {  	[sflag:s22] =	ssyncadd.s32 $0xFFFFE000  }
0x26: {  	[spmem:s8] =	stream.linear.scatter [tilespmem:s21], [sflag:$0x5], $0x2000, $0x38;
	[tilespmem:$0x1AD00] =	vst v63  }
0x27: {  	_ =	swait.ge [sflag:s22], $0x2000  }
0x28: {  	[sflag:s22] =	ssyncset.done $0x0  }
0x29: {  	[sflag:s22] =	ssyncadd.s32 $0xFFFFE000  }
0x2a: {  	[spmem:s9] =	stream.linear.scatter [tilespmem:s21], [sflag:$0x5], $0x2000, $0x38;
	[tilespmem:$0x1AD00] =	vst v63  }
0x2b: {  	_ =	swait.ge [sflag:s22], $0x2000  }
0x2c: {  	[sflag:s22] =	ssyncset.done $0x0  }
0x2d: {  	[sflag:s22] =	ssyncadd.s32 $0xFFFFE000  }
0x2e: {  	[spmem:s10] =	stream.linear.scatter [tilespmem:s21], [sflag:$0x5], $0x2000, $0x38;
	[tilespmem:$0x1AD00] =	vst v63  }
0x2f: {  	_ =	swait.ge [sflag:s22], $0x2000  }
0x30: {  	[sflag:s22] =	ssyncset.done $0x0  }
0x31: {  	s14 =	simm.s32 $0x0;
	s29 =	rddreg [dreg:$0x3];
	[sflag:s22] =	ssyncadd.s32 $0xFFFFE000  }
0x32: {  	[tilespmem:s14], [sflag:$0x5] =	stream.linear.gather [hbm4b:s29+s14], $0x2800, $0x38;
	[tilespmem:$0x1AD00] =	vst v63  }
0x33: {  	_ =	swait.ge [sflag:s22], $0x2800  }
0x34: {  	[sflag:s22] =	ssyncset.done $0x0  }
0x35: {  	s31 =	simm.s32 $0x2800;
	s29 =	rddreg [dreg:$0x4];
	[sflag:s22] =	ssyncadd.s32 $0xFFFFD800  }
0x36: {  	[tilespmem:s31], [sflag:$0x5] =	stream.linear.gather [hbm4b:s29+s14], $0x2800, $0x38;
	[tilespmem:$0x1AD00] =	vst v63  }
0x37: {  	_ =	swait.ge [sflag:s22], $0x2800  }
0x38: {  	[sflag:s22] =	ssyncset.done $0x0  }
0x39: {  	[sflag:s22] =	ssyncadd.s32 $0xFFFFD800  }
0x3a: {  	[bflag:$0x0] =	sbarrier.arrive $0xFFFF  }
0x3b: {  	[tilespmem:s25], [sflag:$0x1] =	stream.indirect.gather [hbm4b:s4+s24], $0x40, s14, s24, $0xb8;
	[tilespmem:$0x1AD00] =	vst v63  }
0x3c: {  	s14 =	simm.s32 $0x80  }
0x3d: {  	[tilespmem:s28], [sflag:$0x2] =	stream.indirect.gather [hbm4b:s4+s24], $0x40, s14, s24, $0xb8;
	[tilespmem:$0x1AD00] =	vst v63  }
0x3e: {  	s14 =	simm.s32 $0x100  }
0x3f: {  	[tilespmem:s30], [sflag:$0x3] =	stream.indirect.gather [hbm4b:s4+s24], $0x40, s14, s24, $0xb8;
	[tilespmem:$0x1AD00] =	vst v63  }
0x40: {  	s14 =	simm.s32 $0x180  }
0x41: {  	[tilespmem:s0], [sflag:$0x4] =	stream.indirect.gather [hbm4b:s4+s24], $0x40, s14, s24, $0xb8;
	[tilespmem:$0x1AD00] =	vst v63  }
0x42: {  	_ =	swait.ge [sflag:s1], $0x1F40  }
0x43: {  	[sflag:s1] =	ssyncset.done $0x0  }
0x44: {  	s14 =	simm.s32 $0x2800;
	[sflag:s1] =	ssyncadd.s32 $0xFFFFE0C0  }
0x45: {  	[spmem:s2] =	stream.indirect.scatter.add.f32 [tilespmem:s25], [sflag:$0x5], $0x40, s14, s24, $0xb8;
	[tilespmem:$0x1AD00] =	vst v63  }
0x46: {  	_ =	swait.ge [sflag:s22], $0x1F40  }
0x47: {  	[sflag:s22] =	ssyncset.done $0x0  }
0x48: {  	s14 =	simm.s32 $0x200;
	[sflag:s22] =	ssyncadd.s32 $0xFFFFE0C0  }
0x49: {  	[tilespmem:s25], [sflag:$0x1] =	stream.indirect.gather [hbm4b:s4+s24], $0x40, s14, s24, $0xb8;
	[tilespmem:$0x1AD00] =	vst v63  }
0x4a: {  	_ =	swait.ge [sflag:s23], $0x1F40  }
0x4b: {  	[sflag:s23] =	ssyncset.done $0x0  }
0x4c: {  	s14 =	simm.s32 $0x2880;
	[sflag:s23] =	ssyncadd.s32 $0xFFFFE0C0  }
0x4d: {  	[spmem:s2] =	stream.indirect.scatter.add.f32 [tilespmem:s28], [sflag:$0x5], $0x40, s14, s24, $0xb8;
	[tilespmem:$0x1AD00] =	vst v63  }
0x4e: {  	_ =	swait.ge [sflag:s22], $0x1F40  }
0x4f: {  	[sflag:s22] =	ssyncset.done $0x0  }
0x50: {  	s14 =	simm.s32 $0x280;
	[sflag:s22] =	ssyncadd.s32 $0xFFFFE0C0  }
0x51: {  	[tilespmem:s28], [sflag:$0x2] =	stream.indirect.gather [hbm4b:s4+s24], $0x40, s14, s24, $0xb8;
	[tilespmem:$0x1AD00] =	vst v63  }
0x52: {  	_ =	swait.ge [sflag:s11], $0x1F40  }
0x53: {  	[sflag:s11] =	ssyncset.done $0x0  }
0x54: {  	s14 =	simm.s32 $0x2900;
	[sflag:s11] =	ssyncadd.s32 $0xFFFFE0C0  }
0x55: {  	[spmem:s2] =	stream.indirect.scatter.add.f32 [tilespmem:s30], [sflag:$0x5], $0x40, s14, s24, $0xb8;
	[tilespmem:$0x1AD00] =	vst v63  }
0x56: {  	_ =	swait.ge [sflag:s22], $0x1F40  }
0x57: {  	[sflag:s22] =	ssyncset.done $0x0  }
0x58: {  	s14 =	simm.s32 $0x300;
	[sflag:s22] =	ssyncadd.s32 $0xFFFFE0C0  }
0x59: {  	[tilespmem:s30], [sflag:$0x3] =	stream.indirect.gather [hbm4b:s4+s24], $0x40, s14, s24, $0xb8;
	[tilespmem:$0x1AD00] =	vst v63  }
0x5a: {  	_ =	swait.ge [sflag:s12], $0x1F40  }
0x5b: {  	[sflag:s12] =	ssyncset.done $0x0  }
0x5c: {  	s14 =	simm.s32 $0x2980;
	[sflag:s12] =	ssyncadd.s32 $0xFFFFE0C0  }
0x5d: {  	[spmem:s2] =	stream.indirect.scatter.add.f32 [tilespmem:s0], [sflag:$0x5], $0x40, s14, s24, $0xb8;
	[tilespmem:$0x1AD00] =	vst v63  }
0x5e: {  	_ =	swait.ge [sflag:s22], $0x1F40  }
0x5f: {  	[sflag:s22] =	ssyncset.done $0x0  }
0x60: {  	s29 =	simm.s32 $0x800;
	s31 =	simm.s32 $0x380;
	[sflag:s22] =	ssyncadd.s32 $0xFFFFE0C0  }
.LBB2_4:
0x61: {  	[tilespmem:s0], [sflag:$0x4] =	stream.indirect.gather [hbm4b:s4+s24], $0x40, s31, s24, $0xb8;
	[tilespmem:$0x1AD00] =	vst v63  }
0x62: {  	s14 =	smov.u32 s29  }
0x63: {  	p0 =	sne.s32 s29, $0x9000;
	s29 =	sadd.s32 $0x800, s29;
	_ =	swait.ge [sflag:s1], $0x1F40  }
0x64: {  	s31 =	sshra.s32 s14, $0x2;
	[sflag:s1] =	ssyncset.done $0x0  }
0x65: {  	s14 =	sadd.s32 $0x2800, s31;
	[sflag:s1] =	ssyncadd.s32 $0xFFFFE0C0  }
0x66: {  	[spmem:s2] =	stream.indirect.scatter.add.f32 [tilespmem:s25], [sflag:$0x5], $0x40, s14, s24, $0xb8;
	[tilespmem:$0x1AD00] =	vst v63  }
0x67: {  	_ =	swait.ge [sflag:s22], $0x1F40  }
0x68: {  	[sflag:s22] =	ssyncset.done $0x0  }
0x69: {  	s14 =	sadd.s32 $0x200, s31;
	[sflag:s22] =	ssyncadd.s32 $0xFFFFE0C0  }
0x6a: {  	[tilespmem:s25], [sflag:$0x1] =	stream.indirect.gather [hbm4b:s4+s24], $0x40, s14, s24, $0xb8;
	[tilespmem:$0x1AD00] =	vst v63  }
0x6b: {  	_ =	swait.ge [sflag:s23], $0x1F40  }
0x6c: {  	[sflag:s23] =	ssyncset.done $0x0  }
0x6d: {  	s14 =	sadd.s32 $0x2880, s31;
	[sflag:s23] =	ssyncadd.s32 $0xFFFFE0C0  }
0x6e: {  	[spmem:s2] =	stream.indirect.scatter.add.f32 [tilespmem:s28], [sflag:$0x5], $0x40, s14, s24, $0xb8;
	[tilespmem:$0x1AD00] =	vst v63  }
0x6f: {  	_ =	swait.ge [sflag:s22], $0x1F40  }
0x70: {  	[sflag:s22] =	ssyncset.done $0x0  }
0x71: {  	s14 =	sadd.s32 $0x280, s31;
	[sflag:s22] =	ssyncadd.s32 $0xFFFFE0C0  }
0x72: {  	[tilespmem:s28], [sflag:$0x2] =	stream.indirect.gather [hbm4b:s4+s24], $0x40, s14, s24, $0xb8;
	[tilespmem:$0x1AD00] =	vst v63  }
0x73: {  	_ =	swait.ge [sflag:s11], $0x1F40  }
0x74: {  	[sflag:s11] =	ssyncset.done $0x0  }
0x75: {  	s14 =	sadd.s32 $0x2900, s31;
	[sflag:s11] =	ssyncadd.s32 $0xFFFFE0C0  }
0x76: {  	[spmem:s2] =	stream.indirect.scatter.add.f32 [tilespmem:s30], [sflag:$0x5], $0x40, s14, s24, $0xb8;
	[tilespmem:$0x1AD00] =	vst v63  }
0x77: {  	_ =	swait.ge [sflag:s22], $0x1F40  }
0x78: {  	[sflag:s22] =	ssyncset.done $0x0  }
0x79: {  	s14 =	sadd.s32 $0x300, s31;
	[sflag:s22] =	ssyncadd.s32 $0xFFFFE0C0  }
0x7a: {  	[tilespmem:s30], [sflag:$0x3] =	stream.indirect.gather [hbm4b:s4+s24], $0x40, s14, s24, $0xb8;
	[tilespmem:$0x1AD00] =	vst v63  }
0x7b: {  	_ =	swait.ge [sflag:s12], $0x1F40  }
0x7c: {  	[sflag:s12] =	ssyncset.done $0x0  }
.Ltmp1:
0x7d: {  	s14 =	sadd.s32 $0x2980, s31;
	[sflag:s12] =	ssyncadd.s32 $0xFFFFE0C0;
	(pc) =	sbr.rel @p0 .LBB2_4-.Ltmp1, $4  }
0x7e: {  	[spmem:s2] =	stream.indirect.scatter.add.f32 [tilespmem:s0], [sflag:$0x5], $0x40, s14, s24, $0xb8;
	[tilespmem:$0x1AD00] =	vst v63  }
0x7f: {  	_ =	swait.ge [sflag:s22], $0x1F40  }
0x80: {  	[sflag:s22] =	ssyncset.done $0x0  }
0x81: {  	s31 =	sadd.s32 $0x380, s31;
	[sflag:s22] =	ssyncadd.s32 $0xFFFFE0C0  }
0x82: {  	[tilespmem:s0], [sflag:$0x4] =	stream.indirect.gather [hbm4b:s4+s24], $0x40, s31, s24, $0xb8;
	[tilespmem:$0x1AD00] =	vst v63  }
0x83: {  	_ =	swait.ge [sflag:s1], $0x1F40  }
0x84: {  	[sflag:s1] =	ssyncset.done $0x0  }
0x85: {  	s14 =	simm.s32 $0x4E00;
	[sflag:s1] =	ssyncadd.s32 $0xFFFFE0C0  }
0x86: {  	[spmem:s2] =	stream.indirect.scatter.add.f32 [tilespmem:s25], [sflag:$0x5], $0x40, s14, s24, $0xb8;
	[tilespmem:$0x1AD00] =	vst v63  }
0x87: {  	_ =	swait.ge [sflag:s22], $0x1F40  }
0x88: {  	[sflag:s22] =	ssyncset.done $0x0  }
0x89: {  	[sflag:s22] =	ssyncadd.s32 $0xFFFFE0C0  }
0x8a: {  	_ =	swait.ge [sflag:s23], $0x1F40  }
0x8b: {  	[sflag:s23] =	ssyncset.done $0x0  }
0x8c: {  	s14 =	simm.s32 $0x4E80;
	[sflag:s23] =	ssyncadd.s32 $0xFFFFE0C0  }
0x8d: {  	[spmem:s2] =	stream.indirect.scatter.add.f32 [tilespmem:s28], [sflag:$0x5], $0x40, s14, s24, $0xb8;
	[tilespmem:$0x1AD00] =	vst v63  }
0x8e: {  	_ =	swait.ge [sflag:s22], $0x1F40  }
0x8f: {  	[sflag:s22] =	ssyncset.done $0x0  }
0x90: {  	[sflag:s22] =	ssyncadd.s32 $0xFFFFE0C0  }
0x91: {  	_ =	swait.ge [sflag:s11], $0x1F40  }
0x92: {  	[sflag:s11] =	ssyncset.done $0x0  }
0x93: {  	s14 =	simm.s32 $0x4F00;
	[sflag:s11] =	ssyncadd.s32 $0xFFFFE0C0  }
0x94: {  	[spmem:s2] =	stream.indirect.scatter.add.f32 [tilespmem:s30], [sflag:$0x5], $0x40, s14, s24, $0xb8;
	[tilespmem:$0x1AD00] =	vst v63  }
0x95: {  	_ =	swait.ge [sflag:s22], $0x1F40  }
0x96: {  	[sflag:s22] =	ssyncset.done $0x0  }
0x97: {  	[sflag:s22] =	ssyncadd.s32 $0xFFFFE0C0  }
0x98: {  	_ =	swait.ge [sflag:s12], $0x1F40  }
0x99: {  	[sflag:s12] =	ssyncset.done $0x0  }
0x9a: {  	s14 =	simm.s32 $0x4F80;
	[sflag:s12] =	ssyncadd.s32 $0xFFFFE0C0  }
0x9b: {  	[spmem:s2] =	stream.indirect.scatter.add.f32 [tilespmem:s0], [sflag:$0x5], $0x40, s14, s24, $0xb8;
	[tilespmem:$0x1AD00] =	vst v63  }
0x9c: {  	_ =	swait.ge [sflag:s22], $0x1F40  }
0x9d: {  	[sflag:s22] =	ssyncset.done $0x0  }
0x9e: {  	[sflag:s22] =	ssyncadd.s32 $0xFFFFE0C0  }
0x9f: {  	[bflag:$0x0] =	sbarrier.arrive $0xFFFF  }
0xa0: {  	[tilespmem:s26], [sflag:$0x5] =	stream.linear.gather [spmem:s6], $0x2000, $0x38;
	[tilespmem:$0x1AD00] =	vst v63  }
0xa1: {  	_ =	swait.ge [sflag:s22], $0x2000  }
0xa2: {  	[sflag:s22] =	ssyncset.done $0x0;
	s14 =	rddreg [dreg:$0x5]  }
0xa3: {  	s29 =	simm.s32 $0x0;
	[sflag:s22] =	ssyncadd.s32 $0xFFFFE000;
	s14 =	sadd.s32 s14, s13  }
0xa4: {  	[hbm4b:s14+s29] =	stream.linear.scatter [tilespmem:s26], [sflag:$0x5], $0x2000, $0x38;
	[tilespmem:$0x1AD00] =	vst v63  }
0xa5: {  	_ =	swait.ge [sflag:s22], $0x2000  }
0xa6: {  	[sflag:s22] =	ssyncset.done $0x0  }
0xa7: {  	[sflag:s22] =	ssyncadd.s32 $0xFFFFE000  }
0xa8: {  	[spmem:s6] =	stream.linear.scatter [tilespmem:s21], [sflag:$0x5], $0x2000, $0x38;
	[tilespmem:$0x1AD00] =	vst v63  }
0xa9: {  	_ =	swait.ge [sflag:s22], $0x2000  }
0xaa: {  	[sflag:s22] =	ssyncset.done $0x0  }
0xab: {  	[sflag:s22] =	ssyncadd.s32 $0xFFFFE000  }
0xac: {  	[tilespmem:s26], [sflag:$0x5] =	stream.linear.gather [spmem:s7], $0x2000, $0x38;
	[tilespmem:$0x1AD00] =	vst v63  }
0xad: {  	_ =	swait.ge [sflag:s22], $0x2000  }
0xae: {  	[sflag:s22] =	ssyncset.done $0x0  }
0xaf: {  	s14 =	sadd.s32 s15, s13;
	[sflag:s22] =	ssyncadd.s32 $0xFFFFE000  }
0xb0: {  	[hbm4b:s14+s29] =	stream.linear.scatter [tilespmem:s26], [sflag:$0x5], $0x2000, $0x38;
	[tilespmem:$0x1AD00] =	vst v63  }
0xb1: {  	_ =	swait.ge [sflag:s22], $0x2000  }
0xb2: {  	[sflag:s22] =	ssyncset.done $0x0  }
0xb3: {  	[sflag:s22] =	ssyncadd.s32 $0xFFFFE000  }
0xb4: {  	[spmem:s7] =	stream.linear.scatter [tilespmem:s21], [sflag:$0x5], $0x2000, $0x38;
	[tilespmem:$0x1AD00] =	vst v63  }
0xb5: {  	_ =	swait.ge [sflag:s22], $0x2000  }
0xb6: {  	[sflag:s22] =	ssyncset.done $0x0  }
0xb7: {  	[sflag:s22] =	ssyncadd.s32 $0xFFFFE000  }
0xb8: {  	[tilespmem:s26], [sflag:$0x5] =	stream.linear.gather [spmem:s8], $0x2000, $0x38;
	[tilespmem:$0x1AD00] =	vst v63  }
0xb9: {  	_ =	swait.ge [sflag:s22], $0x2000  }
0xba: {  	[sflag:s22] =	ssyncset.done $0x0  }
0xbb: {  	s14 =	sadd.s32 s16, s13;
	[sflag:s22] =	ssyncadd.s32 $0xFFFFE000  }
0xbc: {  	[hbm4b:s14+s29] =	stream.linear.scatter [tilespmem:s26], [sflag:$0x5], $0x2000, $0x38;
	[tilespmem:$0x1AD00] =	vst v63  }
0xbd: {  	_ =	swait.ge [sflag:s22], $0x2000  }
0xbe: {  	[sflag:s22] =	ssyncset.done $0x0  }
0xbf: {  	[sflag:s22] =	ssyncadd.s32 $0xFFFFE000  }
0xc0: {  	[spmem:s8] =	stream.linear.scatter [tilespmem:s21], [sflag:$0x5], $0x2000, $0x38;
	[tilespmem:$0x1AD00] =	vst v63  }
0xc1: {  	_ =	swait.ge [sflag:s22], $0x2000  }
0xc2: {  	[sflag:s22] =	ssyncset.done $0x0  }
0xc3: {  	[sflag:s22] =	ssyncadd.s32 $0xFFFFE000  }
0xc4: {  	[tilespmem:s26], [sflag:$0x5] =	stream.linear.gather [spmem:s9], $0x2000, $0x38;
	[tilespmem:$0x1AD00] =	vst v63  }
0xc5: {  	_ =	swait.ge [sflag:s22], $0x2000  }
0xc6: {  	[sflag:s22] =	ssyncset.done $0x0  }
0xc7: {  	s14 =	sadd.s32 s17, s13;
	[sflag:s22] =	ssyncadd.s32 $0xFFFFE000  }
0xc8: {  	[hbm4b:s14+s29] =	stream.linear.scatter [tilespmem:s26], [sflag:$0x5], $0x2000, $0x38;
	[tilespmem:$0x1AD00] =	vst v63  }
0xc9: {  	_ =	swait.ge [sflag:s22], $0x2000  }
0xca: {  	[sflag:s22] =	ssyncset.done $0x0  }
0xcb: {  	[sflag:s22] =	ssyncadd.s32 $0xFFFFE000  }
0xcc: {  	[spmem:s9] =	stream.linear.scatter [tilespmem:s21], [sflag:$0x5], $0x2000, $0x38;
	[tilespmem:$0x1AD00] =	vst v63  }
0xcd: {  	_ =	swait.ge [sflag:s22], $0x2000  }
0xce: {  	[sflag:s22] =	ssyncset.done $0x0  }
0xcf: {  	[sflag:s22] =	ssyncadd.s32 $0xFFFFE000  }
0xd0: {  	[tilespmem:s26], [sflag:$0x5] =	stream.linear.gather [spmem:s10], $0x2000, $0x38;
	[tilespmem:$0x1AD00] =	vst v63  }
0xd1: {  	_ =	swait.ge [sflag:s22], $0x2000  }
0xd2: {  	[sflag:s22] =	ssyncset.done $0x0  }
0xd3: {  	s14 =	sadd.s32 s18, s13;
	[sflag:s22] =	ssyncadd.s32 $0xFFFFE000  }
0xd4: {  	[hbm4b:s14+s29] =	stream.linear.scatter [tilespmem:s26], [sflag:$0x5], $0x2000, $0x38;
	[tilespmem:$0x1AD00] =	vst v63  }
0xd5: {  	_ =	swait.ge [sflag:s22], $0x2000  }
0xd6: {  	[sflag:s22] =	ssyncset.done $0x0  }
0xd7: {  	[sflag:s22] =	ssyncadd.s32 $0xFFFFE000  }
0xd8: {  	[spmem:s10] =	stream.linear.scatter [tilespmem:s21], [sflag:$0x5], $0x2000, $0x38;
	[tilespmem:$0x1AD00] =	vst v63  }
0xd9: {  	_ =	swait.ge [sflag:s22], $0x2000  }
0xda: {  	[sflag:s22] =	ssyncset.done $0x0  }
0xdb: {  	[sflag:s22] =	ssyncadd.s32 $0xFFFFE000  }
0xdc: {  	[bflag:$0x0] =	sbarrier.arrive $0xFFFF  }
0xdd: {  	[tilespmem:s25], [sflag:$0x1] =	stream.indirect.gather [hbm4b:s5+s24], $0x40, s29, s24, $0xb8;
	[tilespmem:$0x1AD00] =	vst v63  }
0xde: {  	s14 =	simm.s32 $0x80  }
0xdf: {  	[tilespmem:s28], [sflag:$0x2] =	stream.indirect.gather [hbm4b:s5+s24], $0x40, s14, s24, $0xb8;
	[tilespmem:$0x1AD00] =	vst v63  }
0xe0: {  	s14 =	simm.s32 $0x100  }
0xe1: {  	[tilespmem:s30], [sflag:$0x3] =	stream.indirect.gather [hbm4b:s5+s24], $0x40, s14, s24, $0xb8;
	[tilespmem:$0x1AD00] =	vst v63  }
0xe2: {  	s14 =	simm.s32 $0x180  }
0xe3: {  	[tilespmem:s0], [sflag:$0x4] =	stream.indirect.gather [hbm4b:s5+s24], $0x40, s14, s24, $0xb8;
	[tilespmem:$0x1AD00] =	vst v63  }
0xe4: {  	_ =	swait.ge [sflag:s1], $0x1F40  }
0xe5: {  	[sflag:s1] =	ssyncset.done $0x0  }
0xe6: {  	s14 =	simm.s32 $0x2800;
	[sflag:s1] =	ssyncadd.s32 $0xFFFFE0C0  }
0xe7: {  	[spmem:s2] =	stream.indirect.scatter.add.f32 [tilespmem:s25], [sflag:$0x5], $0x40, s14, s24, $0xb8;
	[tilespmem:$0x1AD00] =	vst v63  }
0xe8: {  	_ =	swait.ge [sflag:s22], $0x1F40  }
0xe9: {  	[sflag:s22] =	ssyncset.done $0x0  }
0xea: {  	s14 =	simm.s32 $0x200;
	[sflag:s22] =	ssyncadd.s32 $0xFFFFE0C0  }
0xeb: {  	[tilespmem:s25], [sflag:$0x1] =	stream.indirect.gather [hbm4b:s5+s24], $0x40, s14, s24, $0xb8;
	[tilespmem:$0x1AD00] =	vst v63  }
0xec: {  	_ =	swait.ge [sflag:s23], $0x1F40  }
0xed: {  	[sflag:s23] =	ssyncset.done $0x0  }
0xee: {  	s14 =	simm.s32 $0x2880;
	[sflag:s23] =	ssyncadd.s32 $0xFFFFE0C0  }
0xef: {  	[spmem:s2] =	stream.indirect.scatter.add.f32 [tilespmem:s28], [sflag:$0x5], $0x40, s14, s24, $0xb8;
	[tilespmem:$0x1AD00] =	vst v63  }
0xf0: {  	_ =	swait.ge [sflag:s22], $0x1F40  }
0xf1: {  	[sflag:s22] =	ssyncset.done $0x0  }
0xf2: {  	s14 =	simm.s32 $0x280;
	[sflag:s22] =	ssyncadd.s32 $0xFFFFE0C0  }
0xf3: {  	[tilespmem:s28], [sflag:$0x2] =	stream.indirect.gather [hbm4b:s5+s24], $0x40, s14, s24, $0xb8;
	[tilespmem:$0x1AD00] =	vst v63  }
0xf4: {  	_ =	swait.ge [sflag:s11], $0x1F40  }
0xf5: {  	[sflag:s11] =	ssyncset.done $0x0  }
0xf6: {  	s14 =	simm.s32 $0x2900;
	[sflag:s11] =	ssyncadd.s32 $0xFFFFE0C0  }
0xf7: {  	[spmem:s2] =	stream.indirect.scatter.add.f32 [tilespmem:s30], [sflag:$0x5], $0x40, s14, s24, $0xb8;
	[tilespmem:$0x1AD00] =	vst v63  }
0xf8: {  	_ =	swait.ge [sflag:s22], $0x1F40  }
0xf9: {  	[sflag:s22] =	ssyncset.done $0x0  }
0xfa: {  	s14 =	simm.s32 $0x300;
	[sflag:s22] =	ssyncadd.s32 $0xFFFFE0C0  }
0xfb: {  	[tilespmem:s30], [sflag:$0x3] =	stream.indirect.gather [hbm4b:s5+s24], $0x40, s14, s24, $0xb8;
	[tilespmem:$0x1AD00] =	vst v63  }
0xfc: {  	_ =	swait.ge [sflag:s12], $0x1F40  }
0xfd: {  	[sflag:s12] =	ssyncset.done $0x0  }
0xfe: {  	s14 =	simm.s32 $0x2980;
	[sflag:s12] =	ssyncadd.s32 $0xFFFFE0C0  }
0xff: {  	[spmem:s2] =	stream.indirect.scatter.add.f32 [tilespmem:s0], [sflag:$0x5], $0x40, s14, s24, $0xb8;
	[tilespmem:$0x1AD00] =	vst v63  }
0x100: {  	_ =	swait.ge [sflag:s22], $0x1F40  }
0x101: {  	[sflag:s22] =	ssyncset.done $0x0  }
0x102: {  	s31 =	simm.s32 $0x380;
	s29 =	simm.s32 $0x800;
	[sflag:s22] =	ssyncadd.s32 $0xFFFFE0C0  }
.LBB2_6:
0x103: {  	[tilespmem:s0], [sflag:$0x4] =	stream.indirect.gather [hbm4b:s5+s24], $0x40, s31, s24, $0xb8;
	[tilespmem:$0x1AD00] =	vst v63  }
0x104: {  	s14 =	smov.u32 s29  }
0x105: {  	p0 =	sne.s32 s29, $0x9000;
	s29 =	sadd.s32 $0x800, s29;
	_ =	swait.ge [sflag:s1], $0x1F40  }
0x106: {  	s31 =	sshra.s32 s14, $0x2;
	[sflag:s1] =	ssyncset.done $0x0  }
0x107: {  	s14 =	sadd.s32 $0x2800, s31;
	[sflag:s1] =	ssyncadd.s32 $0xFFFFE0C0  }
0x108: {  	[spmem:s2] =	stream.indirect.scatter.add.f32 [tilespmem:s25], [sflag:$0x5], $0x40, s14, s24, $0xb8;
	[tilespmem:$0x1AD00] =	vst v63  }
0x109: {  	_ =	swait.ge [sflag:s22], $0x1F40  }
0x10a: {  	[sflag:s22] =	ssyncset.done $0x0  }
0x10b: {  	s14 =	sadd.s32 $0x200, s31;
	[sflag:s22] =	ssyncadd.s32 $0xFFFFE0C0  }
0x10c: {  	[tilespmem:s25], [sflag:$0x1] =	stream.indirect.gather [hbm4b:s5+s24], $0x40, s14, s24, $0xb8;
	[tilespmem:$0x1AD00] =	vst v63  }
0x10d: {  	_ =	swait.ge [sflag:s23], $0x1F40  }
0x10e: {  	[sflag:s23] =	ssyncset.done $0x0  }
0x10f: {  	s14 =	sadd.s32 $0x2880, s31;
	[sflag:s23] =	ssyncadd.s32 $0xFFFFE0C0  }
0x110: {  	[spmem:s2] =	stream.indirect.scatter.add.f32 [tilespmem:s28], [sflag:$0x5], $0x40, s14, s24, $0xb8;
	[tilespmem:$0x1AD00] =	vst v63  }
0x111: {  	_ =	swait.ge [sflag:s22], $0x1F40  }
0x112: {  	[sflag:s22] =	ssyncset.done $0x0  }
0x113: {  	s14 =	sadd.s32 $0x280, s31;
	[sflag:s22] =	ssyncadd.s32 $0xFFFFE0C0  }
0x114: {  	[tilespmem:s28], [sflag:$0x2] =	stream.indirect.gather [hbm4b:s5+s24], $0x40, s14, s24, $0xb8;
	[tilespmem:$0x1AD00] =	vst v63  }
0x115: {  	_ =	swait.ge [sflag:s11], $0x1F40  }
0x116: {  	[sflag:s11] =	ssyncset.done $0x0  }
0x117: {  	s14 =	sadd.s32 $0x2900, s31;
	[sflag:s11] =	ssyncadd.s32 $0xFFFFE0C0  }
0x118: {  	[spmem:s2] =	stream.indirect.scatter.add.f32 [tilespmem:s30], [sflag:$0x5], $0x40, s14, s24, $0xb8;
	[tilespmem:$0x1AD00] =	vst v63  }
0x119: {  	_ =	swait.ge [sflag:s22], $0x1F40  }
0x11a: {  	[sflag:s22] =	ssyncset.done $0x0  }
0x11b: {  	s14 =	sadd.s32 $0x300, s31;
	[sflag:s22] =	ssyncadd.s32 $0xFFFFE0C0  }
0x11c: {  	[tilespmem:s30], [sflag:$0x3] =	stream.indirect.gather [hbm4b:s5+s24], $0x40, s14, s24, $0xb8;
	[tilespmem:$0x1AD00] =	vst v63  }
0x11d: {  	_ =	swait.ge [sflag:s12], $0x1F40  }
0x11e: {  	[sflag:s12] =	ssyncset.done $0x0  }
.Ltmp2:
0x11f: {  	s14 =	sadd.s32 $0x2980, s31;
	[sflag:s12] =	ssyncadd.s32 $0xFFFFE0C0;
	(pc) =	sbr.rel @p0 .LBB2_6-.Ltmp2, $4  }
0x120: {  	[spmem:s2] =	stream.indirect.scatter.add.f32 [tilespmem:s0], [sflag:$0x5], $0x40, s14, s24, $0xb8;
	[tilespmem:$0x1AD00] =	vst v63  }
0x121: {  	_ =	swait.ge [sflag:s22], $0x1F40  }
0x122: {  	[sflag:s22] =	ssyncset.done $0x0  }
0x123: {  	s31 =	sadd.s32 $0x380, s31;
	[sflag:s22] =	ssyncadd.s32 $0xFFFFE0C0  }
0x124: {  	[tilespmem:s0], [sflag:$0x4] =	stream.indirect.gather [hbm4b:s5+s24], $0x40, s31, s24, $0xb8;
	[tilespmem:$0x1AD00] =	vst v63  }
0x125: {  	_ =	swait.ge [sflag:s1], $0x1F40  }
0x126: {  	[sflag:s1] =	ssyncset.done $0x0  }
0x127: {  	s14 =	simm.s32 $0x4E00;
	[sflag:s1] =	ssyncadd.s32 $0xFFFFE0C0  }
0x128: {  	[spmem:s2] =	stream.indirect.scatter.add.f32 [tilespmem:s25], [sflag:$0x5], $0x40, s14, s24, $0xb8;
	[tilespmem:$0x1AD00] =	vst v63  }
0x129: {  	_ =	swait.ge [sflag:s22], $0x1F40  }
0x12a: {  	[sflag:s22] =	ssyncset.done $0x0  }
0x12b: {  	[sflag:s22] =	ssyncadd.s32 $0xFFFFE0C0  }
0x12c: {  	_ =	swait.ge [sflag:s23], $0x1F40  }
0x12d: {  	[sflag:s23] =	ssyncset.done $0x0  }
0x12e: {  	s31 =	simm.s32 $0x4E80;
	[sflag:s23] =	ssyncadd.s32 $0xFFFFE0C0  }
0x12f: {  	[spmem:s2] =	stream.indirect.scatter.add.f32 [tilespmem:s28], [sflag:$0x5], $0x40, s31, s24, $0xb8;
	[tilespmem:$0x1AD00] =	vst v63  }
0x130: {  	_ =	swait.ge [sflag:s22], $0x1F40  }
0x131: {  	[sflag:s22] =	ssyncset.done $0x0  }
0x132: {  	[sflag:s22] =	ssyncadd.s32 $0xFFFFE0C0  }
0x133: {  	_ =	swait.ge [sflag:s11], $0x1F40  }
0x134: {  	[sflag:s11] =	ssyncset.done $0x0  }
0x135: {  	s29 =	simm.s32 $0x4F00;
	[sflag:s11] =	ssyncadd.s32 $0xFFFFE0C0  }
0x136: {  	[spmem:s2] =	stream.indirect.scatter.add.f32 [tilespmem:s30], [sflag:$0x5], $0x40, s29, s24, $0xb8;
	[tilespmem:$0x1AD00] =	vst v63  }
0x137: {  	_ =	swait.ge [sflag:s22], $0x1F40  }
0x138: {  	[sflag:s22] =	ssyncset.done $0x0  }
0x139: {  	[sflag:s22] =	ssyncadd.s32 $0xFFFFE0C0  }
0x13a: {  	_ =	swait.ge [sflag:s12], $0x1F40  }
0x13b: {  	[sflag:s12] =	ssyncset.done $0x0  }
0x13c: {  	s31 =	simm.s32 $0x4F80;
	[sflag:s12] =	ssyncadd.s32 $0xFFFFE0C0  }
0x13d: {  	[spmem:s2] =	stream.indirect.scatter.add.f32 [tilespmem:s0], [sflag:$0x5], $0x40, s31, s24, $0xb8;
	[tilespmem:$0x1AD00] =	vst v63  }
0x13e: {  	_ =	swait.ge [sflag:s22], $0x1F40  }
0x13f: {  	[sflag:s22] =	ssyncset.done $0x0  }
0x140: {  	[sflag:s22] =	ssyncadd.s32 $0xFFFFE0C0  }
0x141: {  	[bflag:$0x0] =	sbarrier.arrive $0xFFFF  }
0x142: {  	[tilespmem:s26], [sflag:$0x5] =	stream.linear.gather [spmem:s6], $0x2000, $0x38;
	[tilespmem:$0x1AD00] =	vst v63  }
0x143: {  	_ =	swait.ge [sflag:s22], $0x2000  }
0x144: {  	[sflag:s22] =	ssyncset.done $0x0;
	s29 =	rddreg [dreg:$0x5]  }
0x145: {  	[sflag:s22] =	ssyncadd.s32 $0xFFFFE000;
	s14 =	sadd.s32 s29, s19  }
0x146: {  	[hbm4b:s14+s3] =	stream.linear.scatter [tilespmem:s26], [sflag:$0x5], $0x2000, $0x38;
	[tilespmem:$0x1AD00] =	vst v63  }
0x147: {  	_ =	swait.ge [sflag:s22], $0x2000  }
0x148: {  	[sflag:s22] =	ssyncset.done $0x0  }
0x149: {  	[sflag:s22] =	ssyncadd.s32 $0xFFFFE000  }
0x14a: {  	[tilespmem:s26], [sflag:$0x5] =	stream.linear.gather [spmem:s7], $0x2000, $0x38;
	[tilespmem:$0x1AD00] =	vst v63  }
0x14b: {  	_ =	swait.ge [sflag:s22], $0x2000  }
0x14c: {  	[sflag:s22] =	ssyncset.done $0x0  }
0x14d: {  	s31 =	sadd.s32 s15, s19;
	[sflag:s22] =	ssyncadd.s32 $0xFFFFE000  }
0x14e: {  	[hbm4b:s31+s3] =	stream.linear.scatter [tilespmem:s26], [sflag:$0x5], $0x2000, $0x38;
	[tilespmem:$0x1AD00] =	vst v63  }
0x14f: {  	_ =	swait.ge [sflag:s22], $0x2000  }
0x150: {  	[sflag:s22] =	ssyncset.done $0x0  }
0x151: {  	[sflag:s22] =	ssyncadd.s32 $0xFFFFE000  }
0x152: {  	[tilespmem:s26], [sflag:$0x5] =	stream.linear.gather [spmem:s8], $0x2000, $0x38;
	[tilespmem:$0x1AD00] =	vst v63  }
0x153: {  	_ =	swait.ge [sflag:s22], $0x2000  }
0x154: {  	[sflag:s22] =	ssyncset.done $0x0  }
0x155: {  	s29 =	sadd.s32 s16, s19;
	[sflag:s22] =	ssyncadd.s32 $0xFFFFE000  }
0x156: {  	[hbm4b:s29+s3] =	stream.linear.scatter [tilespmem:s26], [sflag:$0x5], $0x2000, $0x38;
	[tilespmem:$0x1AD00] =	vst v63  }
0x157: {  	_ =	swait.ge [sflag:s22], $0x2000  }
0x158: {  	[sflag:s22] =	ssyncset.done $0x0  }
0x159: {  	[sflag:s22] =	ssyncadd.s32 $0xFFFFE000  }
0x15a: {  	[tilespmem:s26], [sflag:$0x5] =	stream.linear.gather [spmem:s9], $0x2000, $0x38;
	[tilespmem:$0x1AD00] =	vst v63  }
0x15b: {  	_ =	swait.ge [sflag:s22], $0x2000  }
0x15c: {  	[sflag:s22] =	ssyncset.done $0x0  }
0x15d: {  	s31 =	sadd.s32 s17, s19;
	[sflag:s22] =	ssyncadd.s32 $0xFFFFE000  }
0x15e: {  	[hbm4b:s31+s3] =	stream.linear.scatter [tilespmem:s26], [sflag:$0x5], $0x2000, $0x38;
	[tilespmem:$0x1AD00] =	vst v63  }
0x15f: {  	_ =	swait.ge [sflag:s22], $0x2000  }
0x160: {  	[sflag:s22] =	ssyncset.done $0x0  }
0x161: {  	[sflag:s22] =	ssyncadd.s32 $0xFFFFE000  }
0x162: {  	[tilespmem:s26], [sflag:$0x5] =	stream.linear.gather [spmem:s10], $0x2000, $0x38;
	[tilespmem:$0x1AD00] =	vst v63  }
0x163: {  	_ =	swait.ge [sflag:s22], $0x2000  }
0x164: {  	[sflag:s22] =	ssyncset.done $0x0  }
0x165: {  	s29 =	sadd.s32 s18, s19;
	[sflag:s22] =	ssyncadd.s32 $0xFFFFE000  }
0x166: {  	[hbm4b:s29+s3] =	stream.linear.scatter [tilespmem:s26], [sflag:$0x5], $0x2000, $0x38;
	[tilespmem:$0x1AD00] =	vst v63  }
0x167: {  	_ =	swait.ge [sflag:s22], $0x2000  }
0x168: {  	s20 =	sadd.s32 $0x1, s20;
	s31 =	rddreg [dreg:$0x6]  }
0x169: {  	p0 =	sne.s32 s20, s31  }
.Ltmp3:
0x16a: {  	_ = 	snop;
	(pc) =	sbr.rel @p0 .LBB2_1-.Ltmp3, $3  }
0x16b: {  	_ =	sdelay $0x1  }
0x16c: {  	[sflag:s22] =	ssyncset.done $0x0  }
0x16d: {  	[sflag:s22] =	ssyncadd.s32 $0xFFFFE000  }
0x16e: {  	_ =	sfence.sel $0x180000  }
0x16f: {  	[bflag:$0x0] =	sbarrier.arrive $0xFFFF  }
0x170: {  	_ =	strace $0x9000004D  }
0x171: {  	s0 =	stileid.u32;
	[bflag:$0x2] =	sbarrier.arrive $0xFFFF  }
0x172: {  	p0 =	sne.s32 s0, $0x0;
	s0 =	rddreg [dreg:$0x2]  }
0x173: {  	s0 =	sadd.s32 @!p0 $0x100000, s0  }
0x174: {  	[sflag:s0] =	ssyncadd.tile.s32 @!p0 $0x1;
	_ =	shalt  }
.Lfunc_end2:
_tile_overlayer_lowered:
.L_overlay_start_2:
0x175: {  	(tag) =	ssettag $0x2  }
0x176: {  	s0 =	rddreg [dreg:$0x0];
	s2 =	stileid.u32  }
0x177: {  	s1 =	rddreg [dreg:$0x1];
	p0 =	sne.s32 s2, $0x0  }
0x178: {  	s3 =	rddreg [dreg:$0x2];
	[bflag:$0x3] =	sbarrier.arrive $0xFFFF;
	s2 =	simm.s32 @!p0 $0x1C05  }
0x179: {  	[timem:s3], [sflag:s2] =	dma.local @!p0 [hbm:s0], s1  }
0x17a: {  	s0 =	simm.s32 @!p0 $0x5  }
0x17b: {  	_ =	swait.ge @!p0 [sflag:s0], s1  }
0x17c: {  	s1 =	ssub.s32 @!p0 $0x0, s1;
	[sflag:s0] =	ssyncset.done @!p0 $0x0  }
0x17d: {  	[sflag:s0] =	ssyncadd.s32 @!p0 s1  }
0x17e: {  	[bflag:$0x3] =	sbarrier.arrive $0xFFFF  }
0x17f: {  	_ =	shalt  }

// kernel: kernel.8.cloned.1.call-start
scs
__scs_entry_jumppad:
0x0: {  	(pc) =	sbr.rel $0x88, $3  }
0x1: {  	(tag) =	ssettag $0x0;
	lr =	simm.s32 $0x1  }
0x2: {  	[smem:$0x3F97] =	sst lr;
	_ =	strace $0xD0000000  }
0x3: {  	_ = 	snop  }
0x4: {  	_ = 	snop  }
0x5: {  	_ = 	snop  }
0x6: {  	_ = 	snop  }
0x7: {  	_ = 	snop  }
__scs_overlays_trampoline_lowered:
0x8: {  	[smem:$0x3FA6] =	sst s0  }
0x9: {  	[smem:$0x3FA7] =	sst s1  }
0xa: {  	[smem:$0x3FA8] =	sst s2  }
0xb: {  	[smem:$0x3FA9] =	sst s3  }
0xc: {  	[smem:$0x3FAA] =	sst s4  }
0xd: {  	[smem:$0x3FAB] =	sst s5  }
0xe: {  	[smem:$0x3FAC] =	sst s6  }
0xf: {  	[smem:$0x3FAD] =	sst s7  }
0x10: {  	[smem:$0x3FAE] =	sst s8  }
0x11: {  	[smem:$0x3FAF] =	sst s9;
	s0 =	simm.s32 @!p0 $0x0  }
0x12: {  	s1 =	sld [smem:$0x3F95];
	s0 =	simm.s32 @p0 $0x1  }
0x13: {  	[smem:$0x3FB0] =	sst s0;
	s0 =	simm.s32 @!p1 $0x0  }
0x14: {  	s2 =	sld [smem:$0x3F94];
	s0 =	simm.s32 @p1 $0x1  }
0x15: {  	[smem:$0x3FB1] =	sst s0;
	s0 =	simm.s32 @!p2 $0x0  }
0x16: {  	s3 =	sld [smem:$0x3FDB];
	s0 =	simm.s32 @p2 $0x1  }
0x17: {  	s4 =	simm.s32 $0x1BF5;
	[smem:$0x3FB3] =	sst s0  }
0x18: {  	s0 =	sld [smem:$0x3F96];
	_ =	swait.ge [sflag:s4], $0x0  }
0x19: {  	s7 =	sld [smem:$0x3F97]  }
0x1a: {  	s8 =	sadd.s32 $0xFFFFE003, lr  }
0x1b: {  	s9 =	sadd.s32 $0xFFFFFEF7, lr;
	s5 =	simm.s32 $0xFFFFFFFF;
	p2 =	slt.u32 s8, $0xFFFFF086  }
0x1c: {  	p1 =	slt.u32 s9, $0xF7A;
	s5 =	simm.s32 @!p2 $0x0  }
0x1d: {  	s5 =	simm.s32 @p1 $0x1;
	p0 =	seq.s32 s7, s2  }
0x1e: {  	s7 =	smul.u32 @!p0 $0xF7A, s2;
	p2 =	seq.s32 @!p0 s5, $0x0  }
0x1f: {  	s9 =	smul.u32 $0xF7A, s1;
	s8 =	simm.s32 @!p0 $0x1BF5;
	p2 =	por !p2, p0  }
0x20: {  	[sflag:s8] =	ssyncset.s32 @!p0 $0xFFFFF086;
	s6 =	sadd.s32 @!p0 s3, s7;
	s7 =	simm.s32 @!p0 $0x108  }
0x21: {  	s3 =	sadd.s32 s3, s9;
	s6 =	sadd.s32 @!p0 $0x88, s6;
	s7 =	simm.s32 @p2 $0x1082  }
0x22: {  	[simem:s7], [sflag:s8] =	dma.local @!p0 [hbm:s6], $0xF7A  }
0x23: {  	s9 =	sor.u32 $0xD0000000, s2;
	s6 =	simm.s32 $0x108;
	_ =	swait.ge @!p0 [sflag:s8], $0x0  }
0x24: {  	s3 =	sadd.s32 $0x88, s3;
	s6 =	simm.s32 @!p1 $0x1082;
	[sflag:s4] =	ssyncset.s32 $0xFFFFF086  }
0x25: {  	[simem:s6], [sflag:s4] =	dma.local [hbm:s3], $0xF7A  }
0x26: {  	[smem:$0x3F97] =	sst s1;
	(tag) =	ssettag s2;
	_ =	strace s9  }
0x27: {  	s1 =	sld [smem:$0x3FA7]  }
0x28: {  	s2 =	sld [smem:$0x3FA8]  }
0x29: {  	s4 =	sld [smem:$0x3FAA]  }
0x2a: {  	p0 =	seq.s32 s5, $0x0;
	s5 =	sld [smem:$0x3FAB]  }
0x2b: {  	s6 =	sld [smem:$0x3FAC]  }
0x2c: {  	s7 =	sld [smem:$0x3FAD]  }
0x2d: {  	s3 =	simm.s32 $0x108;
	s8 =	sld [smem:$0x3FAE]  }
0x2e: {  	s3 =	simm.s32 @!p0 $0x1082;
	s9 =	sld [smem:$0x3FAF]  }
0x2f: {  	lr =	sadd.s32 s0, s3;
	s0 =	sld [smem:$0x3FA6]  }
0x30: {  	s3 =	sld [smem:$0x3FA9]  }
0x31: {  	[smem:$0x3FB2] =	sst s10  }
0x32: {  	s10 =	sld [smem:$0x3FB0];
	_ =	sdelay $0x3  }
0x33: {  	p0 =	seq.s32 s10, $0x1;
	s10 =	sld [smem:$0x3FB2];
	_ =	sdelay $0x3  }
0x34: {  	[smem:$0x3FB2] =	sst s10  }
0x35: {  	s10 =	sld [smem:$0x3FB1];
	_ =	sdelay $0x3  }
0x36: {  	p1 =	seq.s32 s10, $0x1;
	s10 =	sld [smem:$0x3FB2];
	_ =	sdelay $0x3  }
0x37: {  	[smem:$0x3FB2] =	sst s10  }
0x38: {  	s10 =	sld [smem:$0x3FB3]  }
0x39: {  	_ = 	snop;
	(pc) =	sbr.ind lr, $3  }
0x3a: {  	_ = 	snop  }
0x3b: {  	_ = 	snop  }
0x3c: {  	p2 =	seq.s32 s10, $0x1;
	s10 =	sld [smem:$0x3FB2]  }
0x3d: {  	_ =	shalt  }
0x3e: {  	_ =	shalt  }
0x3f: {  	_ =	shalt  }
0x40: {  	_ =	shalt  }
0x41: {  	_ =	shalt  }
0x42: {  	_ =	shalt  }
0x43: {  	_ =	shalt  }
0x44: {  	_ =	shalt  }
0x45: {  	_ =	shalt  }
0x46: {  	_ =	shalt  }
0x47: {  	_ =	shalt  }
0x48: {  	_ =	shalt  }
0x49: {  	_ =	shalt  }
0x4a: {  	_ =	shalt  }
0x4b: {  	_ =	shalt  }
0x4c: {  	_ =	shalt  }
0x4d: {  	_ =	shalt  }
0x4e: {  	_ =	shalt  }
0x4f: {  	_ =	shalt  }
0x50: {  	_ =	shalt  }
0x51: {  	_ =	shalt  }
0x52: {  	_ =	shalt  }
0x53: {  	_ =	shalt  }
0x54: {  	_ =	shalt  }
0x55: {  	_ =	shalt  }
0x56: {  	_ =	shalt  }
0x57: {  	_ =	shalt  }
0x58: {  	_ =	shalt  }
0x59: {  	_ =	shalt  }
0x5a: {  	_ =	shalt  }
0x5b: {  	_ =	shalt  }
0x5c: {  	_ =	shalt  }
0x5d: {  	_ =	shalt  }
0x5e: {  	_ =	shalt  }
0x5f: {  	_ =	shalt  }
0x60: {  	_ =	shalt  }
0x61: {  	_ =	shalt  }
0x62: {  	_ =	shalt  }
0x63: {  	_ =	shalt  }
0x64: {  	_ =	shalt  }
0x65: {  	_ =	shalt  }
0x66: {  	_ =	shalt  }
0x67: {  	_ =	shalt  }
0x68: {  	_ =	shalt  }
0x69: {  	_ =	shalt  }
0x6a: {  	_ =	shalt  }
0x6b: {  	_ =	shalt  }
0x6c: {  	_ =	shalt  }
0x6d: {  	_ =	shalt  }
0x6e: {  	_ =	shalt  }
0x6f: {  	_ =	shalt  }
0x70: {  	_ =	shalt  }
0x71: {  	_ =	shalt  }
0x72: {  	_ =	shalt  }
0x73: {  	_ =	shalt  }
0x74: {  	_ =	shalt  }
0x75: {  	_ =	shalt  }
0x76: {  	_ =	shalt  }
0x77: {  	_ =	shalt  }
0x78: {  	_ =	shalt  }
0x79: {  	_ =	shalt  }
0x7a: {  	_ =	shalt  }
0x7b: {  	_ =	shalt  }
0x7c: {  	_ =	shalt  }
0x7d: {  	_ =	shalt  }
0x7e: {  	_ =	shalt  }
0x7f: {  	_ =	shalt  }
0x80: {  	_ =	shalt  }
0x81: {  	_ =	shalt  }
0x82: {  	_ =	shalt  }
0x83: {  	_ =	shalt  }
0x84: {  	_ =	shalt  }
0x85: {  	_ =	shalt  }
0x86: {  	_ =	shalt  }
0x87: {  	_ =	shalt  }
.Lfunc_end0:
.L_simem_size_0:
called_computation_lowered:
.L_overlay_start_0:
0x88: {  	s2 =	sld [smem:$0x3FD9]  }
0x89: {  	s3 =	sld [smem:$0x3FFE];
	_ =	sdelay $0x1  }
0x8a: {  	s1 =	srdreg.scid  }
0x8b: {  	s0 =	sand.u32 $0x1, s1  }
0x8c: {  	s17 =	sshll.u32 s0, $0xA;
	s2 =	sadd.s32 s3, s2  }
0x8d: {  	s2 =	sadd.s32 s2, s17  }
0x8e: {  	[smem:$0x3FBE] =	sst s2  }
0x8f: {  	_ = 	snop  }
0x90: {  	(tm) =	ssettm $0x1  }
0x91: {  	s18 =	sld [smem:$0x3FFB];
	_ =	sdelay $0x3  }
0x92: {  	_ =	strace s18  }
0x93: {  	s2 =	sld [smem:$0x3FFC];
	_ =	sdelay $0x3  }
0x94: {  	_ =	strace s2  }
0x95: {  	s2 =	sld [smem:$0x3FFD];
	_ =	sdelay $0x3  }
0x96: {  	_ =	strace s2  }
0x97: {  	_ =	strace $0x8FFFFFFF  }
0x98: {  	s19 =	sld [smem:$0x3FDB];
	_ =	sdelay $0x1  }
0x99: {  	s20 =	simm.s32 $_scs_section_size  }
0x9a: {  	s4 =	simm.s32 $_size__tile_overlayer_lowered;
	s5 =	simm.s32 $_tile_overlayer_lowered  }
0x9b: {  	s6 =	simm.s32 $0x1BFF;
	s21 =	sshll.u32 s5, $0x1;
	s3 =	sadd.s32 s20, s19  }
0x9c: {  	s22 =	simm.s32 $0x0;
	s4 =	sshll.u32 s4, $0x1;
	s5 =	sadd.s32 s21, s3  }
0x9d: {  	[timem:s22], [sflag:s6] =	dma.local [hbm:s5], s4  }
0x9e: {  	_ =	swait.ge [sflag:s6], s4  }
0x9f: {  	s4 =	ssub.s32 $0x0, s4;
	[sflag:s6] =	ssyncset.done $0x0  }
0xa0: {  	[sflag:s6] =	ssyncadd.s32 s4;
	_ =	sdelay $0x1  }
0xa1: {  	s23 =	simm.s32 $0x1B8B  }
0xa2: {  	_ =	swait.ge [sflag:s23], $0x1  }
0xa3: {  	[sflag:s23] =	ssyncset.done $0x0  }
0xa4: {  	[sflag:s23] =	ssyncadd.s32 $0xFFFFFFFF  }
0xa5: {  	s4 =	sld [smem:$0x0]  }
0xa6: {  	s5 =	sand.u32 $0xFFFFFFFE, s1  }
0xa7: {  	p0 =	sne.s32 s1, s5  }
0xa8: {  	s5 =	sshll.u32 @p0 s5, $0xE  }
0xa9: {  	s5 =	sadd.s32 @p0 $0x11B8D, s5;
	s6 =	sshll.u32 @p0 s4, $0x11  }
0xaa: {  	s5 =	sor.u32 @p0 s6, s5  }
0xab: {  	[sflag:s5] =	ssyncadd.remote.s32 @p0 $0x1;
	_ =	sdelay $0x1  }
0xac: {  	s5 =	simm.s32 @p0 $0x1B8D  }
0xad: {  	_ =	swait.eq @p0 [sflag:s5], $0x1  }
0xae: {  	[sflag:s5] =	ssyncadd.s32 @p0 $0xFFFFFFFF  }
0xaf: {  	s6 =	sshll.u32 @!p0 s1, $0xE  }
0xb0: {  	s6 =	sor.u32 @!p0 $0x4000, s6;
	s5 =	simm.s32 @!p0 $0x1B8D  }
0xb1: {  	s4 =	sshll.u32 @!p0 s4, $0x11;
	s6 =	sadd.s32 @!p0 $0x11B8D, s6;
	_ =	swait.eq @!p0 [sflag:s5], $0x1  }
0xb2: {  	s4 =	sor.u32 @!p0 s4, s6;
	[sflag:s5] =	ssyncadd.s32 @!p0 $0xFFFFFFFF  }
0xb3: {  	s25 =	simm.s32 $0x1B8E;
	s24 =	sld [smem:$0x3FFE];
	[sflag:s4] =	ssyncadd.remote.s32 @!p0 $0x1  }
0xb4: {  	s26 =	simm.s32 $execute0_lowered;
	[smem:$0x3FD2] =	sst s25  }
0xb5: {  	s5 =	sshll.u32 s26, $0x1;
	_ =	strace $0x80000049;
	[dreg:$0x1] =	wrdreg $0xFFFFFFFF  }
0xb6: {  	s28 =	simm.s32 $_size_execute0_lowered;
	s3 =	sadd.s32 s3, s5;
	[dreg:$0x0] =	wrdreg $0x0  }
0xb7: {  	s5 =	sshll.u32 s28, $0x1;
	[dreg:$0x2] =	wrdreg s3  }
0xb8: {  	[dreg:$0x3] =	wrdreg s5  }
0xb9: {  	[dreg:$0x4] =	wrdreg $0xC0  }
0xba: {  	_ =	task [dreg:s22], $0x5FFFF  }
0xbb: {  	[dreg:$0x1] =	wrdreg $0xFFFFFFFF  }
0xbc: {  	[dreg:$0x0] =	wrdreg $0x60  }
0xbd: {  	[dreg:$0x2] =	wrdreg s24  }
0xbe: {  	[dreg:$0x3] =	wrdreg $0x57D00  }
0xbf: {  	[dreg:$0x4] =	wrdreg $0x9  }
0xc0: {  	_ =	task.clear_ibuf [dreg:s22], $0x5FFFF;
	_ =	strace $0x90000049  }
0xc1: {  	s29 =	simm.s32 $0x9;
	_ =	strace $0x8000004B  }
0xc2: {  	_ =	swait.ge [sflag:s29], $0x1  }
0xc3: {  	[sflag:s29] =	ssyncadd.s32 $0xFFFFFFFF  }
0xc4: {  	_ =	strace $0x9000004B  }
0xc5: {  	_ =	sfence  }
0xc6: {  	s30 =	sld [smem:$0x0];
	_ =	sdelay $0x2  }
0xc7: {  	s31 =	sshll.u32 s1, $0xD;
	s1 =	sshrl.u32 s1, $0x2  }
0xc8: {  	s4 =	sand.u32 $0x4000, s31;
	s1 =	sadd.s32 s1, s30  }
0xc9: {  	s0 =	sor.u32 s4, s0;
	s1 =	sshll.u32 s1, $0x11  }
0xca: {  	s0 =	sor.u32 s1, s0  }
0xcb: {  	s0 =	sadd.s32 $0x8F2B, s0  }
0xcc: {  	[sflag:s0] =	ssyncadd.remote.s32 $0x1  }
0xcd: {  	_ =	sfence.sel $0xFFFF  }
0xce: {  	[dreg:$0x0] =	wrdreg $0xFFFFFFFF;
	(pc) =	sbr.abs _section_cstart, $3  }
0xcf: {  	[dreg:$0x1] =	wrdreg $0xFFFFFFFF  }
0xd0: {  	_ =	task.clear_ibuf [dreg:s22], $0x2FFFF;
	_ =	strace $0x9FFFFFFF  }
0xd1: {  	(tm) =	ssettm $0x7FFFFFFF  }
tec
execute0_lowered:
.L_overlay_start_1:
0x0: {  	(tag) =	ssettag $0x1  }
0x1: {  	s5 =	rddreg [dreg:$0x0]  }
0x2: {  	s0 =	srdreg.scid;
	s2 =	rddreg [dreg:$0x1]  }
0x3: {  	s3 =	simm.s32 $0x0;
	s4 =	sand.u32 $0x1, s0;
	s0 =	stileid.u32  }
0x4: {  	s10 =	simm.s32 $0x2800;
	[smem:$0x7FF] =	sst s3;
	s7 =	smul.u32 $0x5000, s4  }
0x5: {  	s1 =	sshll.u32 s4, $0x4;
	s4 =	ssub.s32 $0x2, s4;
	s8 =	smul.u32 $0x2800, s0  }
0x6: {  	s6 =	sor.u32 s0, s1;
	s1 =	rddreg [dreg:$0x2];
	_ =	strace $0x8000004A  }
0x7: {  	s31 =	sshrl.u32 s4, $0x1;
	s6 =	smul.u32 $0x500, s6;
	s7 =	sadd.s32 s7, s5  }
0x8: {  	s9 =	ssub.s32 s4, s31;
	s4 =	sadd.s32 s8, s2;
	s12 =	sshrl.u32 s8, $0x3  }
0x9: {  	s8 =	simm.s32 $0x1;
	s11 =	sadd.s32 $0x8E000, s7;
	s7 =	simm.s32 $0x2FD0  }
0xa: {  	s6 =	sadd.s32 s6, s5;
	s11 =	sadd.s32 s12, s11;
	s12 =	simm.s32 $0x0  }
0xb: {  	v0 =	vimm.f32 $0.0e+00;
	v1 =	vimm.f32 $1.000000000e+00;
	s5 =	sadd.s32 $0x2C00, s6;
	s6 =	smax.u32 s9, $0x1;
	s9 =	simm.s32 $0x7D  }
.LBB2_1:
0xc: {  	s13 =	simm.s32 $0x40;
	s14 =	simm.s32 $0x0  }
.LBB2_2:
0xd: {  	p0 =	sne.s32 s13, $0x9FC0;
	[tilespmem:s14+$0x2FD0] =	vst v0;
	s14 =	smov.u32 s13;
	s13 =	sadd.s32 $0x40, s13  }
.Ltmp0:
0xe: {  	(pc) =	sbr.rel @p0 .LBB2_2-.Ltmp0, $2  }
0xf: {  	_ =	sdelay $0x2  }
0x10: {  	s14 =	sshra.s32 s14, $0x2  }
0x11: {  	[tilespmem:s14+$0x2FD0] =	vst v0  }
0x12: {  	[spmem:s4] =	stream.linear.scatter [tilespmem:s7], [sflag:$0x1], $0x2800, $0x38;
	[tilespmem:$0x7FD0] =	vst v63  }
0x13: {  	_ =	swait.ge [sflag:s8], $0x2800  }
0x14: {  	[sflag:s8] =	ssyncset.done $0x0  }
0x15: {  	s13 =	simm.s32 $0x40;
	s14 =	simm.s32 $0x0;
	[sflag:s8] =	ssyncadd.s32 $0xFFFFD800  }
.LBB2_4:
0x16: {  	p0 =	sne.s32 s13, $0x1F00;
	[tilespmem:s14+$0x2800] =	vst v1;
	s14 =	smov.u32 s13;
	s13 =	sadd.s32 $0x40, s13  }
.Ltmp1:
0x17: {  	(pc) =	sbr.rel @p0 .LBB2_4-.Ltmp1, $2  }
0x18: {  	_ =	sdelay $0x2  }
0x19: {  	s14 =	sshra.s32 s14, $0x2  }
0x1a: {  	[tilespmem:s14+$0x2800] =	vst v1;
	s13 =	simm.s32 $0x0  }
0x1b: {  	[tilespmem:s13], [sflag:$0x1] =	stream.linear.gather [hbm4b:s5+s13], $0x2800, $0x38;
	[tilespmem:$0x7FD0] =	vst v63  }
0x1c: {  	_ =	swait.ge [sflag:s8], $0x2800  }
0x1d: {  	[sflag:s8] =	ssyncset.done $0x0  }
0x1e: {  	[sflag:s8] =	ssyncadd.s32 $0xFFFFD800  }
0x1f: {  	s31 =	simm.s32 $0x0;
	[bflag:$0x0] =	sbarrier.arrive $0xFFFF  }
0x20: {  	[spmem:s2] =	stream.indirect.scatter.add.f32 [tilespmem:s10], [sflag:$0x1], $0x10, s31, s9, $0xb8;
	[tilespmem:$0x7FD0] =	vst v63  }
0x21: {  	_ =	swait.ge [sflag:s8], $0x7D0  }
0x22: {  	s13 =	simm.s32 $0x200;
	[sflag:s8] =	ssyncset.done $0x0  }
.LBB2_6:
0x23: {  	s14 =	sshra.s32 s13, $0x2;
	[sflag:s8] =	ssyncadd.s32 $0xFFFFF830;
	p0 =	sne.s32 s13, $0x9E00  }
0x24: {  	[spmem:s2] =	stream.indirect.scatter.add.f32 [tilespmem:s10], [sflag:$0x1], $0x10, s14, s9, $0xb8;
	[tilespmem:$0x7FD0] =	vst v63  }
.Ltmp2:
0x25: {  	_ = 	snop;
	(pc) =	sbr.rel @p0 .LBB2_6-.Ltmp2, $4  }
0x26: {  	_ = 	snop  }
0x27: {  	s13 =	sadd.s32 $0x200, s13  }
0x28: {  	_ =	swait.ge [sflag:s8], $0x7D0  }
0x29: {  	[sflag:s8] =	ssyncset.done $0x0  }
0x2a: {  	[sflag:s8] =	ssyncadd.s32 $0xFFFFF830  }
0x2b: {  	[bflag:$0x0] =	sbarrier.arrive $0xFFFF  }
0x2c: {  	[tilespmem:s7], [sflag:$0x1] =	stream.linear.gather [spmem:s4], $0x2800, $0x38;
	[tilespmem:$0x7FD0] =	vst v63  }
0x2d: {  	s12 =	sadd.s32 $0x1, s12;
	_ =	swait.ge [sflag:s8], $0x2800  }
0x2e: {  	p0 =	sne.s32 s12, s6;
	[sflag:s8] =	ssyncset.done $0x0  }
.Ltmp3:
0x2f: {  	[sflag:s8] =	ssyncadd.s32 $0xFFFFD800;
	(pc) =	sbr.rel @p0 .LBB2_1-.Ltmp3, $4  }
0x30: {  	[hbm4b:s11+s3] =	stream.linear.scatter [tilespmem:s7], [sflag:$0x1], $0x2800, $0x38;
	[tilespmem:$0x7FD0] =	vst v63  }
0x31: {  	_ =	swait.ge [sflag:s8], $0x2800  }
0x32: {  	[sflag:s8] =	ssyncset.done $0x0  }
0x33: {  	[sflag:s8] =	ssyncadd.s32 $0xFFFFD800  }
0x34: {  	_ =	sfence.sel $0x180000  }
0x35: {  	[bflag:$0x0] =	sbarrier.arrive $0xFFFF  }
0x36: {  	p0 =	sne.s32 s0, $0x0;
	_ =	strace $0x9000004A  }
0x37: {  	s0 =	sadd.s32 @!p0 $0x100000, s1;
	[bflag:$0x2] =	sbarrier.arrive $0xFFFF  }
0x38: {  	[sflag:s0] =	ssyncadd.tile.s32 @!p0 $0x1;
	_ =	shalt  }
.Lfunc_end2:
_tile_overlayer_lowered:
.L_overlay_start_2:
0x39: {  	(tag) =	ssettag $0x2  }
0x3a: {  	s0 =	rddreg [dreg:$0x0];
	s2 =	stileid.u32  }
0x3b: {  	s1 =	rddreg [dreg:$0x1];
	p0 =	sne.s32 s2, $0x0  }
0x3c: {  	s3 =	rddreg [dreg:$0x2];
	[bflag:$0x3] =	sbarrier.arrive $0xFFFF;
	s2 =	simm.s32 @!p0 $0x1C01  }
0x3d: {  	[timem:s3], [sflag:s2] =	dma.local @!p0 [hbm:s0], s1  }
0x3e: {  	s0 =	simm.s32 @!p0 $0x1  }
0x3f: {  	_ =	swait.ge @!p0 [sflag:s0], s1  }
0x40: {  	s1 =	ssub.s32 @!p0 $0x0, s1;
	[sflag:s0] =	ssyncset.done @!p0 $0x0  }
0x41: {  	[sflag:s0] =	ssyncadd.s32 @!p0 s1  }
0x42: {  	[bflag:$0x3] =	sbarrier.arrive $0xFFFF  }
0x43: {  	_ =	shalt  }

</sc_bundles>
